<compile_context>
chip_gen: v7x
topology: tpu7x:2x2x1
jax: 0.10.2.dev20260603
libtpu: 0.0.44.dev20260713+nightly
codegen_flags: <defaults>
</compile_context>

<pallas_src>
import functools

import jax
import jax.numpy as jnp
from jax import lax
from jax.experimental import pallas as pl
from jax.experimental.pallas import tpu as pltpu
from jax.experimental.pallas import tpu_sc as plsc

BATCH = 16384
DIM = 32

_info = plsc.get_sparse_core_info()
_NC, _NS, _L = _info.num_cores, _info.num_subcores, _info.num_lanes
_NW = _NC * _NS
_BPW = BATCH // _NW
_WAVES = _BPW // _L


def _sc_body(uidx_hbm, iidx_hbm, utabT, itabT, out_hbm,
             uidx_v, iidx_v, slabs, uvex, out_v, sem):
    wid = lax.axis_index("s") * _NC + lax.axis_index("c")
    base = wid * _BPW

    pltpu.sync_copy(uidx_hbm.at[pl.ds(base, _BPW)], uidx_v)
    pltpu.sync_copy(iidx_hbm.at[pl.ds(base, _BPW)], iidx_v)

    lane = lax.iota(jnp.int32, _L)

    def wave(w, carry):
        s = w * _L
        vu = uidx_v[pl.ds(s, _L)]
        vi = iidx_v[pl.ds(s, _L)]
        cvu = vu & 127
        cvi = vi & 127

        copies = []
        for m in range(_L):
            cb = (vu[m] >> 7) * 128
            for t in range(4):
                copies.append(pltpu.async_copy(
                    utabT.at[pl.ds(t * 8, 8), pl.ds(cb, 128)],
                    slabs.at[pl.ds(m * DIM + t * 8, 8), :], sem))
        for c in copies:
            c.wait()

        for j in range(DIM):
            rows = lane * DIM + j
            uvex[pl.ds(j * _L, _L)] = plsc.load_gather(slabs, [rows, cvu])

        copies = []
        for m in range(_L):
            cb = (vi[m] >> 7) * 128
            for t in range(4):
                copies.append(pltpu.async_copy(
                    itabT.at[pl.ds(t * 8, 8), pl.ds(cb, 128)],
                    slabs.at[pl.ds(m * DIM + t * 8, 8), :], sem))
        for c in copies:
            c.wait()

        acc = jnp.zeros((_L,), jnp.float32)
        for j in range(DIM):
            rows = lane * DIM + j
            ig = plsc.load_gather(slabs, [rows, cvi])
            acc = acc + uvex[pl.ds(j * _L, _L)] * ig
        out_v[pl.ds(s, _L)] = acc
        return carry

    lax.fori_loop(0, _WAVES, wave, 0)

    pltpu.sync_copy(out_v, out_hbm.at[pl.ds(base, _BPW)])


@jax.jit
def _run(user_indices, item_indices, user_table, item_table):
    mesh = plsc.VectorSubcoreMesh(core_axis_name="c", subcore_axis_name="s")
    f = functools.partial(
        pl.kernel,
        out_type=jax.ShapeDtypeStruct((BATCH,), jnp.float32),
        mesh=mesh,
        compiler_params=pltpu.CompilerParams(needs_layout_passes=False),
        scratch_types=[
            pltpu.VMEM((_BPW,), jnp.int32),
            pltpu.VMEM((_BPW,), jnp.int32),
            pltpu.VMEM((_L * DIM, 128), jnp.float32),
            pltpu.VMEM((DIM * _L,), jnp.float32),
            pltpu.VMEM((_BPW,), jnp.float32),
            pltpu.SemaphoreType.DMA,
        ],
    )(_sc_body)
    return f(user_indices, item_indices, user_table.T, item_table.T)


def kernel(user_indices, item_indices, user_table, item_table):
    return _run(user_indices.astype(jnp.int32), item_indices.astype(jnp.int32),
                user_table, item_table)

# --- scband reference (transcript-rebuilt; emitter-appended) ---
"""Pipeline reference for scband-matrix-factorization-41231686041679 (READ-ONLY COPY).

The authoritative reference and input builder live on the scoring server;
editing this copy changes nothing except your own understanding.
"""

import jax, jax.numpy as jnp
import numpy as np

NUM_USERS = 1000000
NUM_ITEMS = 1000000
EMBED_DIM = 32
BATCH = 16384

def setup_inputs(seed: int = 0) -> dict:
    key = jax.random.key(seed)
    k1, k2, k3, k4 = jax.random.split(key, 4)
    user_indices = jax.random.randint(k1, (BATCH,), 0, NUM_USERS, dtype=jnp.int64 if jax.config.read('jax_enable_x64') else jnp.int32)
    item_indices = jax.random.randint(k2, (BATCH,), 0, NUM_ITEMS, dtype=jnp.int64 if jax.config.read('jax_enable_x64') else jnp.int32)
    user_table = jax.random.normal(k3, (NUM_USERS, EMBED_DIM), dtype=jnp.float32) * 0.01
    item_table = jax.random.normal(k4, (NUM_ITEMS, EMBED_DIM), dtype=jnp.float32) * 0.01
    return {"user_indices": user_indices, "item_indices": item_indices, "user_table": user_table, "item_table": item_table}

def reference(user_indices, item_indices, user_table, item_table):
    user_embeds = jnp.take(user_table, user_indices, axis=0)
    item_embeds = jnp.take(item_table, item_indices, axis=0)
    return (user_embeds * item_embeds).sum(axis=1)

if __name__ == "__main__":
    import jax
    _d = setup_inputs()
    print(jax.jit(kernel)(*tuple(_d.values())))

</pallas_src>

<mosaic_0001>
#map = affine_map<(d0, d1) -> (0)>
#map1 = affine_map<(d0, d1) -> (0, 0)>
module attributes {stable_mosaic.version = 14 : i64} {
  func.func @_sc_body(%arg0: i32, %arg1: i32, %arg2: memref<16384xi32, #tpu.memory_space<hbm>>, %arg3: memref<16384xi32, #tpu.memory_space<hbm>>, %arg4: memref<32x1000000xf32, #tpu.memory_space<hbm>>, %arg5: memref<32x1000000xf32, #tpu.memory_space<hbm>>, %arg6: memref<16384xf32, #tpu.memory_space<hbm>>, %arg7: memref<512xi32, #tpu.memory_space<vmem>>, %arg8: memref<512xi32, #tpu.memory_space<vmem>>, %arg9: memref<512x128xf32, #tpu.memory_space<vmem>>, %arg10: memref<512xf32, #tpu.memory_space<vmem>>, %arg11: memref<512xf32, #tpu.memory_space<vmem>>, %arg12: memref<!tpu.dma_semaphore, #tpu.memory_space<semaphore_mem>>) attributes {dimension_semantics = [#tpu.dimension_semantics<core_parallel>, #tpu.dimension_semantics<subcore_parallel>], iteration_bounds = array<i64: 2, 16>, scalar_prefetch = 0 : i64, scratch_operands = 6 : i64, tpu.core_type = #tpu.core_type<sc_vector_subcore>, window_params = [{transform_indices = #map}, {transform_indices = #map}, {transform_indices = #map1}, {transform_indices = #map1}, {transform_indices = #map}]} {
    %mul3A = arith.constant 2 : i32
    %mul3A_0 = arith.muli %arg1, %mul3A : i32
    %add3A = arith.addi %mul3A_0, %arg0 : i32
    %mul3A_1 = arith.constant 512 : i32
    %mul3A_2 = arith.muli %add3A, %mul3A_1 : i32
    "tpu.region"() ({
      %run_scoped3A = tpu.sem_alloc : memref<!tpu.dma_semaphore, #tpu.memory_space<semaphore_mem>>
      %dma_start3A = tpu.memref_slice %arg2[%mul3A_2] : memref<16384xi32, #tpu.memory_space<hbm>> -> memref<512xi32, #tpu.memory_space<hbm>>
      %dma_start3A_8 = tpu.memref_slice %arg2[%mul3A_2] : memref<16384xi32, #tpu.memory_space<hbm>> -> memref<512xi32, #tpu.memory_space<hbm>>
      tpu.enqueue_dma source(%dma_start3A_8 : memref<512xi32, #tpu.memory_space<hbm>>) target(%arg7 : memref<512xi32, #tpu.memory_space<vmem>>) target_semaphore(%run_scoped3A : memref<!tpu.dma_semaphore, #tpu.memory_space<semaphore_mem>>)
      %dma_wait3A = tpu.memref_slice %arg2[%mul3A_2] : memref<16384xi32, #tpu.memory_space<hbm>> -> memref<512xi32, #tpu.memory_space<hbm>>
      %dma_wait3A_9 = tpu.memref_slice %arg2[%mul3A_2] : memref<16384xi32, #tpu.memory_space<hbm>> -> memref<512xi32, #tpu.memory_space<hbm>>
      tpu.wait_dma2 semaphore(%run_scoped3A : memref<!tpu.dma_semaphore, #tpu.memory_space<semaphore_mem>>) src(%dma_wait3A_9 : memref<512xi32, #tpu.memory_space<hbm>>) dst(%arg7 : memref<512xi32, #tpu.memory_space<vmem>>)
      tpu.yield
    }) : () -> ()
    "tpu.region"() ({
      %run_scoped3A = tpu.sem_alloc : memref<!tpu.dma_semaphore, #tpu.memory_space<semaphore_mem>>
      %dma_start3A = tpu.memref_slice %arg3[%mul3A_2] : memref<16384xi32, #tpu.memory_space<hbm>> -> memref<512xi32, #tpu.memory_space<hbm>>
      %dma_start3A_8 = tpu.memref_slice %arg3[%mul3A_2] : memref<16384xi32, #tpu.memory_space<hbm>> -> memref<512xi32, #tpu.memory_space<hbm>>
      tpu.enqueue_dma source(%dma_start3A_8 : memref<512xi32, #tpu.memory_space<hbm>>) target(%arg8 : memref<512xi32, #tpu.memory_space<vmem>>) target_semaphore(%run_scoped3A : memref<!tpu.dma_semaphore, #tpu.memory_space<semaphore_mem>>)
      %dma_wait3A = tpu.memref_slice %arg3[%mul3A_2] : memref<16384xi32, #tpu.memory_space<hbm>> -> memref<512xi32, #tpu.memory_space<hbm>>
      %dma_wait3A_9 = tpu.memref_slice %arg3[%mul3A_2] : memref<16384xi32, #tpu.memory_space<hbm>> -> memref<512xi32, #tpu.memory_space<hbm>>
      tpu.wait_dma2 semaphore(%run_scoped3A : memref<!tpu.dma_semaphore, #tpu.memory_space<semaphore_mem>>) src(%dma_wait3A_9 : memref<512xi32, #tpu.memory_space<hbm>>) dst(%arg8 : memref<512xi32, #tpu.memory_space<vmem>>)
      tpu.yield
    }) : () -> ()
    %iota3A = tpu.iota {dimensions = array<i32: 0>} : vector<16xi32>
    %scan3A = arith.constant 0 : i32
    %scan3A_3 = arith.constant 0 : i32
    %scan3A_4 = arith.constant 32 : i32
    %scan3A_5 = arith.addi %scan3A_3, %scan3A_4 : i32
    %scan3A_6 = arith.constant 1 : i32
    scf.for %scan3A_8 = %scan3A_3 to %scan3A_5 step %scan3A_6  : i32 {
      %mul3A_9 = arith.constant 16 : i32
      %mul3A_10 = arith.muli %scan3A_8, %mul3A_9 : i32
      %get3A = arith.index_cast %mul3A_10 : i32 to index
      %get3A_11 = tpu.vector_load %arg7[%get3A] {strides = array<i32>} : memref<512xi32, #tpu.memory_space<vmem>>, vector<16xi32>,
      %get3A_12 = arith.index_cast %mul3A_10 : i32 to index
      %get3A_13 = tpu.vector_load %arg8[%get3A_12] {strides = array<i32>} : memref<512xi32, #tpu.memory_space<vmem>>, vector<16xi32>,
      %and3A = arith.constant 127 : i32
      %and3A_14 = vector.broadcast %and3A : i32 to vector<16xi32>
      %and3A_15 = arith.andi %get3A_11, %and3A_14 : vector<16xi32>
      %and3A_16 = arith.constant 127 : i32
      %and3A_17 = vector.broadcast %and3A_16 : i32 to vector<16xi32>
      %and3A_18 = arith.andi %get3A_13, %and3A_17 : vector<16xi32>
      %slice3A = vector.extract_strided_slice %get3A_11 {offsets = [0], sizes = [1], strides = [1]} : vector<16xi32> to vector<1xi32>
      %squeeze3A = vector.extract %slice3A[0] : i32 from vector<1xi32>
      %shift_right_arithmetic3A = arith.constant 7 : i32
      %shift_right_arithmetic3A_19 = arith.shrsi %squeeze3A, %shift_right_arithmetic3A : i32
      %mul3A_20 = arith.constant 128 : i32
      %mul3A_21 = arith.muli %shift_right_arithmetic3A_19, %mul3A_20 : i32
      %dma_start3A = arith.constant 0 : i32
      %dma_start3A_22 = arith.constant 0 : i32
      %dma_start3A_23 = tpu.memref_slice %arg9[%dma_start3A, %dma_start3A_22] : memref<512x128xf32, #tpu.memory_space<vmem>> -> memref<8x128xf32, #tpu.memory_space<vmem>>
      %dma_start3A_24 = arith.constant 0 : i32
      %dma_start3A_25 = tpu.memref_slice %arg4[%dma_start3A_24, %mul3A_21] : memref<32x1000000xf32, #tpu.memory_space<hbm>> -> memref<8x128xf32, #tpu.memory_space<hbm>>
      %dma_start3A_26 = arith.constant 0 : i32
      %dma_start3A_27 = arith.constant 0 : i32
      %dma_start3A_28 = tpu.memref_slice %arg9[%dma_start3A_26, %dma_start3A_27] : memref<512x128xf32, #tpu.memory_space<vmem>> -> memref<8x128xf32, #tpu.memory_space<vmem>>
      %dma_start3A_29 = arith.constant 0 : i32
      %dma_start3A_30 = tpu.memref_slice %arg4[%dma_start3A_29, %mul3A_21] : memref<32x1000000xf32, #tpu.memory_space<hbm>> -> memref<8x128xf32, #tpu.memory_space<hbm>>
      tpu.enqueue_dma source(%dma_start3A_30 : memref<8x128xf32, #tpu.memory_space<hbm>>) target(%dma_start3A_28 : memref<8x128xf32, #tpu.memory_space<vmem>>) target_semaphore(%arg12 : memref<!tpu.dma_semaphore, #tpu.memory_space<semaphore_mem>>)
      %dma_start3A_31 = arith.constant 8 : i32
      %dma_start3A_32 = arith.constant 0 : i32
      %dma_start3A_33 = tpu.memref_slice %arg9[%dma_start3A_31, %dma_start3A_32] : memref<512x128xf32, #tpu.memory_space<vmem>> -> memref<8x128xf32, #tpu.memory_space<vmem>>
      %dma_start3A_34 = arith.constant 8 : i32
      %dma_start3A_35 = tpu.memref_slice %arg4[%dma_start3A_34, %mul3A_21] : memref<32x1000000xf32, #tpu.memory_space<hbm>> -> memref<8x128xf32, #tpu.memory_space<hbm>>
      %dma_start3A_36 = arith.constant 8 : i32
      %dma_start3A_37 = arith.constant 0 : i32
      %dma_start3A_38 = tpu.memref_slice %arg9[%dma_start3A_36, %dma_start3A_37] : memref<512x128xf32, #tpu.memory_space<vmem>> -> memref<8x128xf32, #tpu.memory_space<vmem>>
      %dma_start3A_39 = arith.constant 8 : i32
      %dma_start3A_40 = tpu.memref_slice %arg4[%dma_start3A_39, %mul3A_21] : memref<32x1000000xf32, #tpu.memory_space<hbm>> -> memref<8x128xf32, #tpu.memory_space<hbm>>
      tpu.enqueue_dma source(%dma_start3A_40 : memref<8x128xf32, #tpu.memory_space<hbm>>) target(%dma_start3A_38 : memref<8x128xf32, #tpu.memory_space<vmem>>) target_semaphore(%arg12 : memref<!tpu.dma_semaphore, #tpu.memory_space<semaphore_mem>>)
      %dma_start3A_41 = arith.constant 16 : i32
      %dma_start3A_42 = arith.constant 0 : i32
      %dma_start3A_43 = tpu.memref_slice %arg9[%dma_start3A_41, %dma_start3A_42] : memref<512x128xf32, #tpu.memory_space<vmem>> -> memref<8x128xf32, #tpu.memory_space<vmem>>
      %dma_start3A_44 = arith.constant 16 : i32
      %dma_start3A_45 = tpu.memref_slice %arg4[%dma_start3A_44, %mul3A_21] : memref<32x1000000xf32, #tpu.memory_space<hbm>> -> memref<8x128xf32, #tpu.memory_space<hbm>>
      %dma_start3A_46 = arith.constant 16 : i32
      %dma_start3A_47 = arith.constant 0 : i32
      %dma_start3A_48 = tpu.memref_slice %arg9[%dma_start3A_46, %dma_start3A_47] : memref<512x128xf32, #tpu.memory_space<vmem>> -> memref<8x128xf32, #tpu.memory_space<vmem>>
      %dma_start3A_49 = arith.constant 16 : i32
      %dma_start3A_50 = tpu.memref_slice %arg4[%dma_start3A_49, %mul3A_21] : memref<32x1000000xf32, #tpu.memory_space<hbm>> -> memref<8x128xf32, #tpu.memory_space<hbm>>
      tpu.enqueue_dma source(%dma_start3A_50 : memref<8x128xf32, #tpu.memory_space<hbm>>) target(%dma_start3A_48 : memref<8x128xf32, #tpu.memory_space<vmem>>) target_semaphore(%arg12 : memref<!tpu.dma_semaphore, #tpu.memory_space<semaphore_mem>>)
      %dma_start3A_51 = arith.constant 24 : i32
      %dma_start3A_52 = arith.constant 0 : i32
      %dma_start3A_53 = tpu.memref_slice %arg9[%dma_start3A_51, %dma_start3A_52] : memref<512x128xf32, #tpu.memory_space<vmem>> -> memref<8x128xf32, #tpu.memory_space<vmem>>
      %dma_start3A_54 = arith.constant 24 : i32
      %dma_start3A_55 = tpu.memref_slice %arg4[%dma_start3A_54, %mul3A_21] : memref<32x1000000xf32, #tpu.memory_space<hbm>> -> memref<8x128xf32, #tpu.memory_space<hbm>>
      %dma_start3A_56 = arith.constant 24 : i32
      %dma_start3A_57 = arith.constant 0 : i32
      %dma_start3A_58 = tpu.memref_slice %arg9[%dma_start3A_56, %dma_start3A_57] : memref<512x128xf32, #tpu.memory_space<vmem>> -> memref<8x128xf32, #tpu.memory_space<vmem>>
      %dma_start3A_59 = arith.constant 24 : i32
      %dma_start3A_60 = tpu.memref_slice %arg4[%dma_start3A_59, %mul3A_21] : memref<32x1000000xf32, #tpu.memory_space<hbm>> -> memref<8x128xf32, #tpu.memory_space<hbm>>
      tpu.enqueue_dma source(%dma_start3A_60 : memref<8x128xf32, #tpu.memory_space<hbm>>) target(%dma_start3A_58 : memref<8x128xf32, #tpu.memory_space<vmem>>) target_semaphore(%arg12 : memref<!tpu.dma_semaphore, #tpu.memory_space<semaphore_mem>>)
      %slice3A_61 = vector.extract_strided_slice %get3A_11 {offsets = [1], sizes = [1], strides = [1]} : vector<16xi32> to vector<1xi32>
      %squeeze3A_62 = vector.extract %slice3A_61[0] : i32 from vector<1xi32>
      %shift_right_arithmetic3A_63 = arith.constant 7 : i32
      %shift_right_arithmetic3A_64 = arith.shrsi %squeeze3A_62, %shift_right_arithmetic3A_63 : i32
      %mul3A_65 = arith.constant 128 : i32
      %mul3A_66 = arith.muli %shift_right_arithmetic3A_64, %mul3A_65 : i32
      %dma_start3A_67 = arith.constant 32 : i32
      %dma_start3A_68 = arith.constant 0 : i32
      %dma_start3A_69 = tpu.memref_slice %arg9[%dma_start3A_67, %dma_start3A_68] : memref<512x128xf32, #tpu.memory_space<vmem>> -> memref<8x128xf32, #tpu.memory_space<vmem>>
      %dma_start3A_70 = arith.constant 0 : i32
      %dma_start3A_71 = tpu.memref_slice %arg4[%dma_start3A_70, %mul3A_66] : memref<32x1000000xf32, #tpu.memory_space<hbm>> -> memref<8x128xf32, #tpu.memory_space<hbm>>
      %dma_start3A_72 = arith.constant 32 : i32
      %dma_start3A_73 = arith.constant 0 : i32
      %dma_start3A_74 = tpu.memref_slice %arg9[%dma_start3A_72, %dma_start3A_73] : memref<512x128xf32, #tpu.memory_space<vmem>> -> memref<8x128xf32, #tpu.memory_space<vmem>>
      %dma_start3A_75 = arith.constant 0 : i32
      %dma_start3A_76 = tpu.memref_slice %arg4[%dma_start3A_75, %mul3A_66] : memref<32x1000000xf32, #tpu.memory_space<hbm>> -> memref<8x128xf32, #tpu.memory_space<hbm>>
      tpu.enqueue_dma source(%dma_start3A_76 : memref<8x128xf32, #tpu.memory_space<hbm>>) target(%dma_start3A_74 : memref<8x128xf32, #tpu.memory_space<vmem>>) target_semaphore(%arg12 : memref<!tpu.dma_semaphore, #tpu.memory_space<semaphore_mem>>)
      %dma_start3A_77 = arith.constant 40 : i32
      %dma_start3A_78 = arith.constant 0 : i32
      %dma_start3A_79 = tpu.memref_slice %arg9[%dma_start3A_77, %dma_start3A_78] : memref<512x128xf32, #tpu.memory_space<vmem>> -> memref<8x128xf32, #tpu.memory_space<vmem>>
      %dma_start3A_80 = arith.constant 8 : i32
      %dma_start3A_81 = tpu.memref_slice %arg4[%dma_start3A_80, %mul3A_66] : memref<32x1000000xf32, #tpu.memory_space<hbm>> -> memref<8x128xf32, #tpu.memory_space<hbm>>
      %dma_start3A_82 = arith.constant 40 : i32
      %dma_start3A_83 = arith.constant 0 : i32
      %dma_start3A_84 = tpu.memref_slice %arg9[%dma_start3A_82, %dma_start3A_83] : memref<512x128xf32, #tpu.memory_space<vmem>> -> memref<8x128xf32, #tpu.memory_space<vmem>>
      %dma_start3A_85 = arith.constant 8 : i32
      %dma_start3A_86 = tpu.memref_slice %arg4[%dma_start3A_85, %mul3A_66] : memref<32x1000000xf32, #tpu.memory_space<hbm>> -> memref<8x128xf32, #tpu.memory_space<hbm>>
      tpu.enqueue_dma source(%dma_start3A_86 : memref<8x128xf32, #tpu.memory_space<hbm>>) target(%dma_start3A_84 : memref<8x128xf32, #tpu.memory_space<vmem>>) target_semaphore(%arg12 : memref<!tpu.dma_semaphore, #tpu.memory_space<semaphore_mem>>)
      %dma_start3A_87 = arith.constant 48 : i32
      %dma_start3A_88 = arith.constant 0 : i32
      %dma_start3A_89 = tpu.memref_slice %arg9[%dma_start3A_87, %dma_start3A_88] : memref<512x128xf32, #tpu.memory_space<vmem>> -> memref<8x128xf32, #tpu.memory_space<vmem>>
      %dma_start3A_90 = arith.constant 16 : i32
      %dma_start3A_91 = tpu.memref_slice %arg4[%dma_start3A_90, %mul3A_66] : memref<32x1000000xf32, #tpu.memory_space<hbm>> -> memref<8x128xf32, #tpu.memory_space<hbm>>
      %dma_start3A_92 = arith.constant 48 : i32
      %dma_start3A_93 = arith.constant 0 : i32
      %dma_start3A_94 = tpu.memref_slice %arg9[%dma_start3A_92, %dma_start3A_93] : memref<512x128xf32, #tpu.memory_space<vmem>> -> memref<8x128xf32, #tpu.memory_space<vmem>>
      %dma_start3A_95 = arith.constant 16 : i32
      %dma_start3A_96 = tpu.memref_slice %arg4[%dma_start3A_95, %mul3A_66] : memref<32x1000000xf32, #tpu.memory_space<hbm>> -> memref<8x128xf32, #tpu.memory_space<hbm>>
      tpu.enqueue_dma source(%dma_start3A_96 : memref<8x128xf32, #tpu.memory_space<hbm>>) target(%dma_start3A_94 : memref<8x128xf32, #tpu.memory_space<vmem>>) target_semaphore(%arg12 : memref<!tpu.dma_semaphore, #tpu.memory_space<semaphore_mem>>)
      %dma_start3A_97 = arith.constant 56 : i32
      %dma_start3A_98 = arith.constant 0 : i32
      %dma_start3A_99 = tpu.memref_slice %arg9[%dma_start3A_97, %dma_start3A_98] : memref<512x128xf32, #tpu.memory_space<vmem>> -> memref<8x128xf32, #tpu.memory_space<vmem>>
      %dma_start3A_100 = arith.constant 24 : i32
      %dma_start3A_101 = tpu.memref_slice %arg4[%dma_start3A_100, %mul3A_66] : memref<32x1000000xf32, #tpu.memory_space<hbm>> -> memref<8x128xf32, #tpu.memory_space<hbm>>
      %dma_start3A_102 = arith.constant 56 : i32
      %dma_start3A_103 = arith.constant 0 : i32
      %dma_start3A_104 = tpu.memref_slice %arg9[%dma_start3A_102, %dma_start3A_103] : memref<512x128xf32, #tpu.memory_space<vmem>> -> memref<8x128xf32, #tpu.memory_space<vmem>>
      %dma_start3A_105 = arith.constant 24 : i32
      %dma_start3A_106 = tpu.memref_slice %arg4[%dma_start3A_105, %mul3A_66] : memref<32x1000000xf32, #tpu.memory_space<hbm>> -> memref<8x128xf32, #tpu.memory_space<hbm>>
      tpu.enqueue_dma source(%dma_start3A_106 : memref<8x128xf32, #tpu.memory_space<hbm>>) target(%dma_start3A_104 : memref<8x128xf32, #tpu.memory_space<vmem>>) target_semaphore(%arg12 : memref<!tpu.dma_semaphore, #tpu.memory_space<semaphore_mem>>)
      %slice3A_107 = vector.extract_strided_slice %get3A_11 {offsets = [2], sizes = [1], strides = [1]} : vector<16xi32> to vector<1xi32>
      %squeeze3A_108 = vector.extract %slice3A_107[0] : i32 from vector<1xi32>
      %shift_right_arithmetic3A_109 = arith.constant 7 : i32
      %shift_right_arithmetic3A_110 = arith.shrsi %squeeze3A_108, %shift_right_arithmetic3A_109 : i32
      %mul3A_111 = arith.constant 128 : i32
      %mul3A_112 = arith.muli %shift_right_arithmetic3A_110, %mul3A_111 : i32
      %dma_start3A_113 = arith.constant 64 : i32
      %dma_start3A_114 = arith.constant 0 : i32
      %dma_start3A_115 = tpu.memref_slice %arg9[%dma_start3A_113, %dma_start3A_114] : memref<512x128xf32, #tpu.memory_space<vmem>> -> memref<8x128xf32, #tpu.memory_space<vmem>>
      %dma_start3A_116 = arith.constant 0 : i32
      %dma_start3A_117 = tpu.memref_slice %arg4[%dma_start3A_116, %mul3A_112] : memref<32x1000000xf32, #tpu.memory_space<hbm>> -> memref<8x128xf32, #tpu.memory_space<hbm>>
      %dma_start3A_118 = arith.constant 64 : i32
      %dma_start3A_119 = arith.constant 0 : i32
      %dma_start3A_120 = tpu.memref_slice %arg9[%dma_start3A_118, %dma_start3A_119] : memref<512x128xf32, #tpu.memory_space<vmem>> -> memref<8x128xf32, #tpu.memory_space<vmem>>
      %dma_start3A_121 = arith.constant 0 : i32
      %dma_start3A_122 = tpu.memref_slice %arg4[%dma_start3A_121, %mul3A_112] : memref<32x1000000xf32, #tpu.memory_space<hbm>> -> memref<8x128xf32, #tpu.memory_space<hbm>>
      tpu.enqueue_dma source(%dma_start3A_122 : memref<8x128xf32, #tpu.memory_space<hbm>>) target(%dma_start3A_120 : memref<8x128xf32, #tpu.memory_space<vmem>>) target_semaphore(%arg12 : memref<!tpu.dma_semaphore, #tpu.memory_space<semaphore_mem>>)
      %dma_start3A_123 = arith.constant 72 : i32
      %dma_start3A_124 = arith.constant 0 : i32
      %dma_start3A_125 = tpu.memref_slice %arg9[%dma_start3A_123, %dma_start3A_124] : memref<512x128xf32, #tpu.memory_space<vmem>> -> memref<8x128xf32, #tpu.memory_space<vmem>>
      %dma_start3A_126 = arith.constant 8 : i32
      %dma_start3A_127 = tpu.memref_slice %arg4[%dma_start3A_126, %mul3A_112] : memref<32x1000000xf32, #tpu.memory_space<hbm>> -> memref<8x128xf32, #tpu.memory_space<hbm>>
      %dma_start3A_128 = arith.constant 72 : i32
      %dma_start3A_129 = arith.constant 0 : i32
      %dma_start3A_130 = tpu.memref_slice %arg9[%dma_start3A_128, %dma_start3A_129] : memref<512x128xf32, #tpu.memory_space<vmem>> -> memref<8x128xf32, #tpu.memory_space<vmem>>
      %dma_start3A_131 = arith.constant 8 : i32
      %dma_start3A_132 = tpu.memref_slice %arg4[%dma_start3A_131, %mul3A_112] : memref<32x1000000xf32, #tpu.memory_space<hbm>> -> memref<8x128xf32, #tpu.memory_space<hbm>>
      tpu.enqueue_dma source(%dma_start3A_132 : memref<8x128xf32, #tpu.memory_space<hbm>>) target(%dma_start3A_130 : memref<8x128xf32, #tpu.memory_space<vmem>>) target_semaphore(%arg12 : memref<!tpu.dma_semaphore, #tpu.memory_space<semaphore_mem>>)
      %dma_start3A_133 = arith.constant 80 : i32
      %dma_start3A_134 = arith.constant 0 : i32
      %dma_start3A_135 = tpu.memref_slice %arg9[%dma_start3A_133, %dma_start3A_134] : memref<512x128xf32, #tpu.memory_space<vmem>> -> memref<8x128xf32, #tpu.memory_space<vmem>>
      %dma_start3A_136 = arith.constant 16 : i32
      %dma_start3A_137 = tpu.memref_slice %arg4[%dma_start3A_136, %mul3A_112] : memref<32x1000000xf32, #tpu.memory_space<hbm>> -> memref<8x128xf32, #tpu.memory_space<hbm>>
      %dma_start3A_138 = arith.constant 80 : i32
      %dma_start3A_139 = arith.constant 0 : i32
      %dma_start3A_140 = tpu.memref_slice %arg9[%dma_start3A_138, %dma_start3A_139] : memref<512x128xf32, #tpu.memory_space<vmem>> -> memref<8x128xf32, #tpu.memory_space<vmem>>
      %dma_start3A_141 = arith.constant 16 : i32
      %dma_start3A_142 = tpu.memref_slice %arg4[%dma_start3A_141, %mul3A_112] : memref<32x1000000xf32, #tpu.memory_space<hbm>> -> memref<8x128xf32, #tpu.memory_space<hbm>>
      tpu.enqueue_dma source(%dma_start3A_142 : memref<8x128xf32, #tpu.memory_space<hbm>>) target(%dma_start3A_140 : memref<8x128xf32, #tpu.memory_space<vmem>>) target_semaphore(%arg12 : memref<!tpu.dma_semaphore, #tpu.memory_space<semaphore_mem>>)
      %dma_start3A_143 = arith.constant 88 : i32
      %dma_start3A_144 = arith.constant 0 : i32
      %dma_start3A_145 = tpu.memref_slice %arg9[%dma_start3A_143, %dma_start3A_144] : memref<512x128xf32, #tpu.memory_space<vmem>> -> memref<8x128xf32, #tpu.memory_space<vmem>>
      %dma_start3A_146 = arith.constant 24 : i32
      %dma_start3A_147 = tpu.memref_slice %arg4[%dma_start3A_146, %mul3A_112] : memref<32x1000000xf32, #tpu.memory_space<hbm>> -> memref<8x128xf32, #tpu.memory_space<hbm>>
      %dma_start3A_148 = arith.constant 88 : i32
      %dma_start3A_149 = arith.constant 0 : i32
      %dma_start3A_150 = tpu.memref_slice %arg9[%dma_start3A_148, %dma_start3A_149] : memref<512x128xf32, #tpu.memory_space<vmem>> -> memref<8x128xf32, #tpu.memory_space<vmem>>
      %dma_start3A_151 = arith.constant 24 : i32
      %dma_start3A_152 = tpu.memref_slice %arg4[%dma_start3A_151, %mul3A_112] : memref<32x1000000xf32, #tpu.memory_space<hbm>> -> memref<8x128xf32, #tpu.memory_space<hbm>>
      tpu.enqueue_dma source(%dma_start3A_152 : memref<8x128xf32, #tpu.memory_space<hbm>>) target(%dma_start3A_150 : memref<8x128xf32, #tpu.memory_space<vmem>>) target_semaphore(%arg12 : memref<!tpu.dma_semaphore, #tpu.memory_space<semaphore_mem>>)
      %slice3A_153 = vector.extract_strided_slice %get3A_11 {offsets = [3], sizes = [1], strides = [1]} : vector<16xi32> to vector<1xi32>
      %squeeze3A_154 = vector.extract %slice3A_153[0] : i32 from vector<1xi32>
      %shift_right_arithmetic3A_155 = arith.constant 7 : i32
      %shift_right_arithmetic3A_156 = arith.shrsi %squeeze3A_154, %shift_right_arithmetic3A_155 : i32
      %mul3A_157 = arith.constant 128 : i32
      %mul3A_158 = arith.muli %shift_right_arithmetic3A_156, %mul3A_157 : i32
      %dma_start3A_159 = arith.constant 96 : i32
      %dma_start3A_160 = arith.constant 0 : i32
      %dma_start3A_161 = tpu.memref_slice %arg9[%dma_start3A_159, %dma_start3A_160] : memref<512x128xf32, #tpu.memory_space<vmem>> -> memref<8x128xf32, #tpu.memory_space<vmem>>
      %dma_start3A_162 = arith.constant 0 : i32
      %dma_start3A_163 = tpu.memref_slice %arg4[%dma_start3A_162, %mul3A_158] : memref<32x1000000xf32, #tpu.memory_space<hbm>> -> memref<8x128xf32, #tpu.memory_space<hbm>>
      %dma_start3A_164 = arith.constant 96 : i32
      %dma_start3A_165 = arith.constant 0 : i32
      %dma_start3A_166 = tpu.memref_slice %arg9[%dma_start3A_164, %dma_start3A_165] : memref<512x128xf32, #tpu.memory_space<vmem>> -> memref<8x128xf32, #tpu.memory_space<vmem>>
      %dma_start3A_167 = arith.constant 0 : i32
      %dma_start3A_168 = tpu.memref_slice %arg4[%dma_start3A_167, %mul3A_158] : memref<32x1000000xf32, #tpu.memory_space<hbm>> -> memref<8x128xf32, #tpu.memory_space<hbm>>
      tpu.enqueue_dma source(%dma_start3A_168 : memref<8x128xf32, #tpu.memory_space<hbm>>) target(%dma_start3A_166 : memref<8x128xf32, #tpu.memory_space<vmem>>) target_semaphore(%arg12 : memref<!tpu.dma_semaphore, #tpu.memory_space<semaphore_mem>>)
      %dma_start3A_169 = arith.constant 104 : i32
      %dma_start3A_170 = arith.constant 0 : i32
      %dma_start3A_171 = tpu.memref_slice %arg9[%dma_start3A_169, %dma_start3A_170] : memref<512x128xf32, #tpu.memory_space<vmem>> -> memref<8x128xf32, #tpu.memory_space<vmem>>
      %dma_start3A_172 = arith.constant 8 : i32
      %dma_start3A_173 = tpu.memref_slice %arg4[%dma_start3A_172, %mul3A_158] : memref<32x1000000xf32, #tpu.memory_space<hbm>> -> memref<8x128xf32, #tpu.memory_space<hbm>>
      %dma_start3A_174 = arith.constant 104 : i32
      %dma_start3A_175 = arith.constant 0 : i32
      %dma_start3A_176 = tpu.memref_slice %arg9[%dma_start3A_174, %dma_start3A_175] : memref<512x128xf32, #tpu.memory_space<vmem>> -> memref<8x128xf32, #tpu.memory_space<vmem>>
      %dma_start3A_177 = arith.constant 8 : i32
      %dma_start3A_178 = tpu.memref_slice %arg4[%dma_start3A_177, %mul3A_158] : memref<32x1000000xf32, #tpu.memory_space<hbm>> -> memref<8x128xf32, #tpu.memory_space<hbm>>
      tpu.enqueue_dma source(%dma_start3A_178 : memref<8x128xf32, #tpu.memory_space<hbm>>) target(%dma_start3A_176 : memref<8x128xf32, #tpu.memory_space<vmem>>) target_semaphore(%arg12 : memref<!tpu.dma_semaphore, #tpu.memory_space<semaphore_mem>>)
      %dma_start3A_179 = arith.constant 112 : i32
      %dma_start3A_180 = arith.constant 0 : i32
      %dma_start3A_181 = tpu.memref_slice %arg9[%dma_start3A_179, %dma_start3A_180] : memref<512x128xf32, #tpu.memory_space<vmem>> -> memref<8x128xf32, #tpu.memory_space<vmem>>
      %dma_start3A_182 = arith.constant 16 : i32
      %dma_start3A_183 = tpu.memref_slice %arg4[%dma_start3A_182, %mul3A_158] : memref<32x1000000xf32, #tpu.memory_space<hbm>> -> memref<8x128xf32, #tpu.memory_space<hbm>>
      %dma_start3A_184 = arith.constant 112 : i32
      %dma_start3A_185 = arith.constant 0 : i32
      %dma_start3A_186 = tpu.memref_slice %arg9[%dma_start3A_184, %dma_start3A_185] : memref<512x128xf32, #tpu.memory_space<vmem>> -> memref<8x128xf32, #tpu.memory_space<vmem>>
      %dma_start3A_187 = arith.constant 16 : i32
      %dma_start3A_188 = tpu.memref_slice %arg4[%dma_start3A_187, %mul3A_158] : memref<32x1000000xf32, #tpu.memory_space<hbm>> -> memref<8x128xf32, #tpu.memory_space<hbm>>
      tpu.enqueue_dma source(%dma_start3A_188 : memref<8x128xf32, #tpu.memory_space<hbm>>) target(%dma_start3A_186 : memref<8x128xf32, #tpu.memory_space<vmem>>) target_semaphore(%arg12 : memref<!tpu.dma_semaphore, #tpu.memory_space<semaphore_mem>>)
      %dma_start3A_189 = arith.constant 120 : i32
      %dma_start3A_190 = arith.constant 0 : i32
      %dma_start3A_191 = tpu.memref_slice %arg9[%dma_start3A_189, %dma_start3A_190] : memref<512x128xf32, #tpu.memory_space<vmem>> -> memref<8x128xf32, #tpu.memory_space<vmem>>
      %dma_start3A_192 = arith.constant 24 : i32
      %dma_start3A_193 = tpu.memref_slice %arg4[%dma_start3A_192, %mul3A_158] : memref<32x1000000xf32, #tpu.memory_space<hbm>> -> memref<8x128xf32, #tpu.memory_space<hbm>>
      %dma_start3A_194 = arith.constant 120 : i32
      %dma_start3A_195 = arith.constant 0 : i32
      %dma_start3A_196 = tpu.memref_slice %arg9[%dma_start3A_194, %dma_start3A_195] : memref<512x128xf32, #tpu.memory_space<vmem>> -> memref<8x128xf32, #tpu.memory_space<vmem>>
      %dma_start3A_197 = arith.constant 24 : i32
      %dma_start3A_198 = tpu.memref_slice %arg4[%dma_start3A_197, %mul3A_158] : memref<32x1000000xf32, #tpu.memory_space<hbm>> -> memref<8x128xf32, #tpu.memory_space<hbm>>
      tpu.enqueue_dma source(%dma_start3A_198 : memref<8x128xf32, #tpu.memory_space<hbm>>) target(%dma_start3A_196 : memref<8x128xf32, #tpu.memory_space<vmem>>) target_semaphore(%arg12 : memref<!tpu.dma_semaphore, #tpu.memory_space<semaphore_mem>>)
      %slice3A_199 = vector.extract_strided_slice %get3A_11 {offsets = [4], sizes = [1], strides = [1]} : vector<16xi32> to vector<1xi32>
      %squeeze3A_200 = vector.extract %slice3A_199[0] : i32 from vector<1xi32>
      %shift_right_arithmetic3A_201 = arith.constant 7 : i32
      %shift_right_arithmetic3A_202 = arith.shrsi %squeeze3A_200, %shift_right_arithmetic3A_201 : i32
      %mul3A_203 = arith.constant 128 : i32
      %mul3A_204 = arith.muli %shift_right_arithmetic3A_202, %mul3A_203 : i32
      %dma_start3A_205 = arith.constant 128 : i32
      %dma_start3A_206 = arith.constant 0 : i32
      %dma_start3A_207 = tpu.memref_slice %arg9[%dma_start3A_205, %dma_start3A_206] : memref<512x128xf32, #tpu.memory_space<vmem>> -> memref<8x128xf32, #tpu.memory_space<vmem>>
      %dma_start3A_208 = arith.constant 0 : i32
      %dma_start3A_209 = tpu.memref_slice %arg4[%dma_start3A_208, %mul3A_204] : memref<32x1000000xf32, #tpu.memory_space<hbm>> -> memref<8x128xf32, #tpu.memory_space<hbm>>
      %dma_start3A_210 = arith.constant 128 : i32
      %dma_start3A_211 = arith.constant 0 : i32
      %dma_start3A_212 = tpu.memref_slice %arg9[%dma_start3A_210, %dma_start3A_211] : memref<512x128xf32, #tpu.memory_space<vmem>> -> memref<8x128xf32, #tpu.memory_space<vmem>>
      %dma_start3A_213 = arith.constant 0 : i32
      %dma_start3A_214 = tpu.memref_slice %arg4[%dma_start3A_213, %mul3A_204] : memref<32x1000000xf32, #tpu.memory_space<hbm>> -> memref<8x128xf32, #tpu.memory_space<hbm>>
      tpu.enqueue_dma source(%dma_start3A_214 : memref<8x128xf32, #tpu.memory_space<hbm>>) target(%dma_start3A_212 : memref<8x128xf32, #tpu.memory_space<vmem>>) target_semaphore(%arg12 : memref<!tpu.dma_semaphore, #tpu.memory_space<semaphore_mem>>)
      %dma_start3A_215 = arith.constant 136 : i32
      %dma_start3A_216 = arith.constant 0 : i32
      %dma_start3A_217 = tpu.memref_slice %arg9[%dma_start3A_215, %dma_start3A_216] : memref<512x128xf32, #tpu.memory_space<vmem>> -> memref<8x128xf32, #tpu.memory_space<vmem>>
      %dma_start3A_218 = arith.constant 8 : i32
      %dma_start3A_219 = tpu.memref_slice %arg4[%dma_start3A_218, %mul3A_204] : memref<32x1000000xf32, #tpu.memory_space<hbm>> -> memref<8x128xf32, #tpu.memory_space<hbm>>
      %dma_start3A_220 = arith.constant 136 : i32
      %dma_start3A_221 = arith.constant 0 : i32
      %dma_start3A_222 = tpu.memref_slice %arg9[%dma_start3A_220, %dma_start3A_221] : memref<512x128xf32, #tpu.memory_space<vmem>> -> memref<8x128xf32, #tpu.memory_space<vmem>>
      %dma_start3A_223 = arith.constant 8 : i32
      %dma_start3A_224 = tpu.memref_slice %arg4[%dma_start3A_223, %mul3A_204] : memref<32x1000000xf32, #tpu.memory_space<hbm>> -> memref<8x128xf32, #tpu.memory_space<hbm>>
      tpu.enqueue_dma source(%dma_start3A_224 : memref<8x128xf32, #tpu.memory_space<hbm>>) target(%dma_start3A_222 : memref<8x128xf32, #tpu.memory_space<vmem>>) target_semaphore(%arg12 : memref<!tpu.dma_semaphore, #tpu.memory_space<semaphore_mem>>)
      %dma_start3A_225 = arith.constant 144 : i32
      %dma_start3A_226 = arith.constant 0 : i32
      %dma_start3A_227 = tpu.memref_slice %arg9[%dma_start3A_225, %dma_start3A_226] : memref<512x128xf32, #tpu.memory_space<vmem>> -> memref<8x128xf32, #tpu.memory_space<vmem>>
      %dma_start3A_228 = arith.constant 16 : i32
      %dma_start3A_229 = tpu.memref_slice %arg4[%dma_start3A_228, %mul3A_204] : memref<32x1000000xf32, #tpu.memory_space<hbm>> -> memref<8x128xf32, #tpu.memory_space<hbm>>
      %dma_start3A_230 = arith.constant 144 : i32
      %dma_start3A_231 = arith.constant 0 : i32
      %dma_start3A_232 = tpu.memref_slice %arg9[%dma_start3A_230, %dma_start3A_231] : memref<512x128xf32, #tpu.memory_space<vmem>> -> memref<8x128xf32, #tpu.memory_space<vmem>>
      %dma_start3A_233 = arith.constant 16 : i32
      %dma_start3A_234 = tpu.memref_slice %arg4[%dma_start3A_233, %mul3A_204] : memref<32x1000000xf32, #tpu.memory_space<hbm>> -> memref<8x128xf32, #tpu.memory_space<hbm>>
      tpu.enqueue_dma source(%dma_start3A_234 : memref<8x128xf32, #tpu.memory_space<hbm>>) target(%dma_start3A_232 : memref<8x128xf32, #tpu.memory_space<vmem>>) target_semaphore(%arg12 : memref<!tpu.dma_semaphore, #tpu.memory_space<semaphore_mem>>)
      %dma_start3A_235 = arith.constant 152 : i32
      %dma_start3A_236 = arith.constant 0 : i32
      %dma_start3A_237 = tpu.memref_slice %arg9[%dma_start3A_235, %dma_start3A_236] : memref<512x128xf32, #tpu.memory_space<vmem>> -> memref<8x128xf32, #tpu.memory_space<vmem>>
      %dma_start3A_238 = arith.constant 24 : i32
      %dma_start3A_239 = tpu.memref_slice %arg4[%dma_start3A_238, %mul3A_204] : memref<32x1000000xf32, #tpu.memory_space<hbm>> -> memref<8x128xf32, #tpu.memory_space<hbm>>
      %dma_start3A_240 = arith.constant 152 : i32
      %dma_start3A_241 = arith.constant 0 : i32
      %dma_start3A_242 = tpu.memref_slice %arg9[%dma_start3A_240, %dma_start3A_241] : memref<512x128xf32, #tpu.memory_space<vmem>> -> memref<8x128xf32, #tpu.memory_space<vmem>>
      %dma_start3A_243 = arith.constant 24 : i32
      %dma_start3A_244 = tpu.memref_slice %arg4[%dma_start3A_243, %mul3A_204] : memref<32x1000000xf32, #tpu.memory_space<hbm>> -> memref<8x128xf32, #tpu.memory_space<hbm>>
      tpu.enqueue_dma source(%dma_start3A_244 : memref<8x128xf32, #tpu.memory_space<hbm>>) target(%dma_start3A_242 : memref<8x128xf32, #tpu.memory_space<vmem>>) target_semaphore(%arg12 : memref<!tpu.dma_semaphore, #tpu.memory_space<semaphore_mem>>)
      %slice3A_245 = vector.extract_strided_slice %get3A_11 {offsets = [5], sizes = [1], strides = [1]} : vector<16xi32> to vector<1xi32>
      %squeeze3A_246 = vector.extract %slice3A_245[0] : i32 from vector<1xi32>
      %shift_right_arithmetic3A_247 = arith.constant 7 : i32
      %shift_right_arithmetic3A_248 = arith.shrsi %squeeze3A_246, %shift_right_arithmetic3A_247 : i32
      %mul3A_249 = arith.constant 128 : i32
      %mul3A_250 = arith.muli %shift_right_arithmetic3A_248, %mul3A_249 : i32
      %dma_start3A_251 = arith.constant 160 : i32
      %dma_start3A_252 = arith.constant 0 : i32
      %dma_start3A_253 = tpu.memref_slice %arg9[%dma_start3A_251, %dma_start3A_252] : memref<512x128xf32, #tpu.memory_space<vmem>> -> memref<8x128xf32, #tpu.memory_space<vmem>>
      %dma_start3A_254 = arith.constant 0 : i32
      %dma_start3A_255 = tpu.memref_slice %arg4[%dma_start3A_254, %mul3A_250] : memref<32x1000000xf32, #tpu.memory_space<hbm>> -> memref<8x128xf32, #tpu.memory_space<hbm>>
      %dma_start3A_256 = arith.constant 160 : i32
      %dma_start3A_257 = arith.constant 0 : i32
      %dma_start3A_258 = tpu.memref_slice %arg9[%dma_start3A_256, %dma_start3A_257] : memref<512x128xf32, #tpu.memory_space<vmem>> -> memref<8x128xf32, #tpu.memory_space<vmem>>
      %dma_start3A_259 = arith.constant 0 : i32
      %dma_start3A_260 = tpu.memref_slice %arg4[%dma_start3A_259, %mul3A_250] : memref<32x1000000xf32, #tpu.memory_space<hbm>> -> memref<8x128xf32, #tpu.memory_space<hbm>>
      tpu.enqueue_dma source(%dma_start3A_260 : memref<8x128xf32, #tpu.memory_space<hbm>>) target(%dma_start3A_258 : memref<8x128xf32, #tpu.memory_space<vmem>>) target_semaphore(%arg12 : memref<!tpu.dma_semaphore, #tpu.memory_space<semaphore_mem>>)
      %dma_start3A_261 = arith.constant 168 : i32
      %dma_start3A_262 = arith.constant 0 : i32
      %dma_start3A_263 = tpu.memref_slice %arg9[%dma_start3A_261, %dma_start3A_262] : memref<512x128xf32, #tpu.memory_space<vmem>> -> memref<8x128xf32, #tpu.memory_space<vmem>>
      %dma_start3A_264 = arith.constant 8 : i32
      %dma_start3A_265 = tpu.memref_slice %arg4[%dma_start3A_264, %mul3A_250] : memref<32x1000000xf32, #tpu.memory_space<hbm>> -> memref<8x128xf32, #tpu.memory_space<hbm>>
      %dma_start3A_266 = arith.constant 168 : i32
      %dma_start3A_267 = arith.constant 0 : i32
      %dma_start3A_268 = tpu.memref_slice %arg9[%dma_start3A_266, %dma_start3A_267] : memref<512x128xf32, #tpu.memory_space<vmem>> -> memref<8x128xf32, #tpu.memory_space<vmem>>
      %dma_start3A_269 = arith.constant 8 : i32
      %dma_start3A_270 = tpu.memref_slice %arg4[%dma_start3A_269, %mul3A_250] : memref<32x1000000xf32, #tpu.memory_space<hbm>> -> memref<8x128xf32, #tpu.memory_space<hbm>>
      tpu.enqueue_dma source(%dma_start3A_270 : memref<8x128xf32, #tpu.memory_space<hbm>>) target(%dma_start3A_268 : memref<8x128xf32, #tpu.memory_space<vmem>>) target_semaphore(%arg12 : memref<!tpu.dma_semaphore, #tpu.memory_space<semaphore_mem>>)
      %dma_start3A_271 = arith.constant 176 : i32
      %dma_start3A_272 = arith.constant 0 : i32
      %dma_start3A_273 = tpu.memref_slice %arg9[%dma_start3A_271, %dma_start3A_272] : memref<512x128xf32, #tpu.memory_space<vmem>> -> memref<8x128xf32, #tpu.memory_space<vmem>>
      %dma_start3A_274 = arith.constant 16 : i32
      %dma_start3A_275 = tpu.memref_slice %arg4[%dma_start3A_274, %mul3A_250] : memref<32x1000000xf32, #tpu.memory_space<hbm>> -> memref<8x128xf32, #tpu.memory_space<hbm>>
      %dma_start3A_276 = arith.constant 176 : i32
      %dma_start3A_277 = arith.constant 0 : i32
      %dma_start3A_278 = tpu.memref_slice %arg9[%dma_start3A_276, %dma_start3A_277] : memref<512x128xf32, #tpu.memory_space<vmem>> -> memref<8x128xf32, #tpu.memory_space<vmem>>
      %dma_start3A_279 = arith.constant 16 : i32
      %dma_start3A_280 = tpu.memref_slice %arg4[%dma_start3A_279, %mul3A_250] : memref<32x1000000xf32, #tpu.memory_space<hbm>> -> memref<8x128xf32, #tpu.memory_space<hbm>>
      tpu.enqueue_dma source(%dma_start3A_280 : memref<8x128xf32, #tpu.memory_space<hbm>>) target(%dma_start3A_278 : memref<8x128xf32, #tpu.memory_space<vmem>>) target_semaphore(%arg12 : memref<!tpu.dma_semaphore, #tpu.memory_space<semaphore_mem>>)
      %dma_start3A_281 = arith.constant 184 : i32
      %dma_start3A_282 = arith.constant 0 : i32
      %dma_start3A_283 = tpu.memref_slice %arg9[%dma_start3A_281, %dma_start3A_282] : memref<512x128xf32, #tpu.memory_space<vmem>> -> memref<8x128xf32, #tpu.memory_space<vmem>>
      %dma_start3A_284 = arith.constant 24 : i32
      %dma_start3A_285 = tpu.memref_slice %arg4[%dma_start3A_284, %mul3A_250] : memref<32x1000000xf32, #tpu.memory_space<hbm>> -> memref<8x128xf32, #tpu.memory_space<hbm>>
      %dma_start3A_286 = arith.constant 184 : i32
      %dma_start3A_287 = arith.constant 0 : i32
      %dma_start3A_288 = tpu.memref_slice %arg9[%dma_start3A_286, %dma_start3A_287] : memref<512x128xf32, #tpu.memory_space<vmem>> -> memref<8x128xf32, #tpu.memory_space<vmem>>
      %dma_start3A_289 = arith.constant 24 : i32
      %dma_start3A_290 = tpu.memref_slice %arg4[%dma_start3A_289, %mul3A_250] : memref<32x1000000xf32, #tpu.memory_space<hbm>> -> memref<8x128xf32, #tpu.memory_space<hbm>>
      tpu.enqueue_dma source(%dma_start3A_290 : memref<8x128xf32, #tpu.memory_space<hbm>>) target(%dma_start3A_288 : memref<8x128xf32, #tpu.memory_space<vmem>>) target_semaphore(%arg12 : memref<!tpu.dma_semaphore, #tpu.memory_space<semaphore_mem>>)
      %slice3A_291 = vector.extract_strided_slice %get3A_11 {offsets = [6], sizes = [1], strides = [1]} : vector<16xi32> to vector<1xi32>
      %squeeze3A_292 = vector.extract %slice3A_291[0] : i32 from vector<1xi32>
      %shift_right_arithmetic3A_293 = arith.constant 7 : i32
      %shift_right_arithmetic3A_294 = arith.shrsi %squeeze3A_292, %shift_right_arithmetic3A_293 : i32
      %mul3A_295 = arith.constant 128 : i32
      %mul3A_296 = arith.muli %shift_right_arithmetic3A_294, %mul3A_295 : i32
      %dma_start3A_297 = arith.constant 192 : i32
      %dma_start3A_298 = arith.constant 0 : i32
      %dma_start3A_299 = tpu.memref_slice %arg9[%dma_start3A_297, %dma_start3A_298] : memref<512x128xf32, #tpu.memory_space<vmem>> -> memref<8x128xf32, #tpu.memory_space<vmem>>
      %dma_start3A_300 = arith.constant 0 : i32
      %dma_start3A_301 = tpu.memref_slice %arg4[%dma_start3A_300, %mul3A_296] : memref<32x1000000xf32, #tpu.memory_space<hbm>> -> memref<8x128xf32, #tpu.memory_space<hbm>>
      %dma_start3A_302 = arith.constant 192 : i32
      %dma_start3A_303 = arith.constant 0 : i32
      %dma_start3A_304 = tpu.memref_slice %arg9[%dma_start3A_302, %dma_start3A_303] : memref<512x128xf32, #tpu.memory_space<vmem>> -> memref<8x128xf32, #tpu.memory_space<vmem>>
      %dma_start3A_305 = arith.constant 0 : i32
      %dma_start3A_306 = tpu.memref_slice %arg4[%dma_start3A_305, %mul3A_296] : memref<32x1000000xf32, #tpu.memory_space<hbm>> -> memref<8x128xf32, #tpu.memory_space<hbm>>
      tpu.enqueue_dma source(%dma_start3A_306 : memref<8x128xf32, #tpu.memory_space<hbm>>) target(%dma_start3A_304 : memref<8x128xf32, #tpu.memory_space<vmem>>) target_semaphore(%arg12 : memref<!tpu.dma_semaphore, #tpu.memory_space<semaphore_mem>>)
      %dma_start3A_307 = arith.constant 200 : i32
      %dma_start3A_308 = arith.constant 0 : i32
      %dma_start3A_309 = tpu.memref_slice %arg9[%dma_start3A_307, %dma_start3A_308] : memref<512x128xf32, #tpu.memory_space<vmem>> -> memref<8x128xf32, #tpu.memory_space<vmem>>
      %dma_start3A_310 = arith.constant 8 : i32
      %dma_start3A_311 = tpu.memref_slice %arg4[%dma_start3A_310, %mul3A_296] : memref<32x1000000xf32, #tpu.memory_space<hbm>> -> memref<8x128xf32, #tpu.memory_space<hbm>>
      %dma_start3A_312 = arith.constant 200 : i32
      %dma_start3A_313 = arith.constant 0 : i32
      %dma_start3A_314 = tpu.memref_slice %arg9[%dma_start3A_312, %dma_start3A_313] : memref<512x128xf32, #tpu.memory_space<vmem>> -> memref<8x128xf32, #tpu.memory_space<vmem>>
      %dma_start3A_315 = arith.constant 8 : i32
      %dma_start3A_316 = tpu.memref_slice %arg4[%dma_start3A_315, %mul3A_296] : memref<32x1000000xf32, #tpu.memory_space<hbm>> -> memref<8x128xf32, #tpu.memory_space<hbm>>
      tpu.enqueue_dma source(%dma_start3A_316 : memref<8x128xf32, #tpu.memory_space<hbm>>) target(%dma_start3A_314 : memref<8x128xf32, #tpu.memory_space<vmem>>) target_semaphore(%arg12 : memref<!tpu.dma_semaphore, #tpu.memory_space<semaphore_mem>>)
      %dma_start3A_317 = arith.constant 208 : i32
      %dma_start3A_318 = arith.constant 0 : i32
      %dma_start3A_319 = tpu.memref_slice %arg9[%dma_start3A_317, %dma_start3A_318] : memref<512x128xf32, #tpu.memory_space<vmem>> -> memref<8x128xf32, #tpu.memory_space<vmem>>
      %dma_start3A_320 = arith.constant 16 : i32
      %dma_start3A_321 = tpu.memref_slice %arg4[%dma_start3A_320, %mul3A_296] : memref<32x1000000xf32, #tpu.memory_space<hbm>> -> memref<8x128xf32, #tpu.memory_space<hbm>>
      %dma_start3A_322 = arith.constant 208 : i32
      %dma_start3A_323 = arith.constant 0 : i32
      %dma_start3A_324 = tpu.memref_slice %arg9[%dma_start3A_322, %dma_start3A_323] : memref<512x128xf32, #tpu.memory_space<vmem>> -> memref<8x128xf32, #tpu.memory_space<vmem>>
      %dma_start3A_325 = arith.constant 16 : i32
      %dma_start3A_326 = tpu.memref_slice %arg4[%dma_start3A_325, %mul3A_296] : memref<32x1000000xf32, #tpu.memory_space<hbm>> -> memref<8x128xf32, #tpu.memory_space<hbm>>
      tpu.enqueue_dma source(%dma_start3A_326 : memref<8x128xf32, #tpu.memory_space<hbm>>) target(%dma_start3A_324 : memref<8x128xf32, #tpu.memory_space<vmem>>) target_semaphore(%arg12 : memref<!tpu.dma_semaphore, #tpu.memory_space<semaphore_mem>>)
      %dma_start3A_327 = arith.constant 216 : i32
      %dma_start3A_328 = arith.constant 0 : i32
      %dma_start3A_329 = tpu.memref_slice %arg9[%dma_start3A_327, %dma_start3A_328] : memref<512x128xf32, #tpu.memory_space<vmem>> -> memref<8x128xf32, #tpu.memory_space<vmem>>
      %dma_start3A_330 = arith.constant 24 : i32
      %dma_start3A_331 = tpu.memref_slice %arg4[%dma_start3A_330, %mul3A_296] : memref<32x1000000xf32, #tpu.memory_space<hbm>> -> memref<8x128xf32, #tpu.memory_space<hbm>>
      %dma_start3A_332 = arith.constant 216 : i32
      %dma_start3A_333 = arith.constant 0 : i32
      %dma_start3A_334 = tpu.memref_slice %arg9[%dma_start3A_332, %dma_start3A_333] : memref<512x128xf32, #tpu.memory_space<vmem>> -> memref<8x128xf32, #tpu.memory_space<vmem>>
      %dma_start3A_335 = arith.constant 24 : i32
      %dma_start3A_336 = tpu.memref_slice %arg4[%dma_start3A_335, %mul3A_296] : memref<32x1000000xf32, #tpu.memory_space<hbm>> -> memref<8x128xf32, #tpu.memory_space<hbm>>
      tpu.enqueue_dma source(%dma_start3A_336 : memref<8x128xf32, #tpu.memory_space<hbm>>) target(%dma_start3A_334 : memref<8x128xf32, #tpu.memory_space<vmem>>) target_semaphore(%arg12 : memref<!tpu.dma_semaphore, #tpu.memory_space<semaphore_mem>>)
      %slice3A_337 = vector.extract_strided_slice %get3A_11 {offsets = [7], sizes = [1], strides = [1]} : vector<16xi32> to vector<1xi32>
      %squeeze3A_338 = vector.extract %slice3A_337[0] : i32 from vector<1xi32>
      %shift_right_arithmetic3A_339 = arith.constant 7 : i32
      %shift_right_arithmetic3A_340 = arith.shrsi %squeeze3A_338, %shift_right_arithmetic3A_339 : i32
      %mul3A_341 = arith.constant 128 : i32
      %mul3A_342 = arith.muli %shift_right_arithmetic3A_340, %mul3A_341 : i32
      %dma_start3A_343 = arith.constant 224 : i32
      %dma_start3A_344 = arith.constant 0 : i32
      %dma_start3A_345 = tpu.memref_slice %arg9[%dma_start3A_343, %dma_start3A_344] : memref<512x128xf32, #tpu.memory_space<vmem>> -> memref<8x128xf32, #tpu.memory_space<vmem>>
      %dma_start3A_346 = arith.constant 0 : i32
      %dma_start3A_347 = tpu.memref_slice %arg4[%dma_start3A_346, %mul3A_342] : memref<32x1000000xf32, #tpu.memory_space<hbm>> -> memref<8x128xf32, #tpu.memory_space<hbm>>
      %dma_start3A_348 = arith.constant 224 : i32
      %dma_start3A_349 = arith.constant 0 : i32
      %dma_start3A_350 = tpu.memref_slice %arg9[%dma_start3A_348, %dma_start3A_349] : memref<512x128xf32, #tpu.memory_space<vmem>> -> memref<8x128xf32, #tpu.memory_space<vmem>>
      %dma_start3A_351 = arith.constant 0 : i32
      %dma_start3A_352 = tpu.memref_slice %arg4[%dma_start3A_351, %mul3A_342] : memref<32x1000000xf32, #tpu.memory_space<hbm>> -> memref<8x128xf32, #tpu.memory_space<hbm>>
      tpu.enqueue_dma source(%dma_start3A_352 : memref<8x128xf32, #tpu.memory_space<hbm>>) target(%dma_start3A_350 : memref<8x128xf32, #tpu.memory_space<vmem>>) target_semaphore(%arg12 : memref<!tpu.dma_semaphore, #tpu.memory_space<semaphore_mem>>)
      %dma_start3A_353 = arith.constant 232 : i32
      %dma_start3A_354 = arith.constant 0 : i32
      %dma_start3A_355 = tpu.memref_slice %arg9[%dma_start3A_353, %dma_start3A_354] : memref<512x128xf32, #tpu.memory_space<vmem>> -> memref<8x128xf32, #tpu.memory_space<vmem>>
      %dma_start3A_356 = arith.constant 8 : i32
      %dma_start3A_357 = tpu.memref_slice %arg4[%dma_start3A_356, %mul3A_342] : memref<32x1000000xf32, #tpu.memory_space<hbm>> -> memref<8x128xf32, #tpu.memory_space<hbm>>
      %dma_start3A_358 = arith.constant 232 : i32
      %dma_start3A_359 = arith.constant 0 : i32
      %dma_start3A_360 = tpu.memref_slice %arg9[%dma_start3A_358, %dma_start3A_359] : memref<512x128xf32, #tpu.memory_space<vmem>> -> memref<8x128xf32, #tpu.memory_space<vmem>>
      %dma_start3A_361 = arith.constant 8 : i32
      %dma_start3A_362 = tpu.memref_slice %arg4[%dma_start3A_361, %mul3A_342] : memref<32x1000000xf32, #tpu.memory_space<hbm>> -> memref<8x128xf32, #tpu.memory_space<hbm>>
      tpu.enqueue_dma source(%dma_start3A_362 : memref<8x128xf32, #tpu.memory_space<hbm>>) target(%dma_start3A_360 : memref<8x128xf32, #tpu.memory_space<vmem>>) target_semaphore(%arg12 : memref<!tpu.dma_semaphore, #tpu.memory_space<semaphore_mem>>)
      %dma_start3A_363 = arith.constant 240 : i32
      %dma_start3A_364 = arith.constant 0 : i32
      %dma_start3A_365 = tpu.memref_slice %arg9[%dma_start3A_363, %dma_start3A_364] : memref<512x128xf32, #tpu.memory_space<vmem>> -> memref<8x128xf32, #tpu.memory_space<vmem>>
      %dma_start3A_366 = arith.constant 16 : i32
      %dma_start3A_367 = tpu.memref_slice %arg4[%dma_start3A_366, %mul3A_342] : memref<32x1000000xf32, #tpu.memory_space<hbm>> -> memref<8x128xf32, #tpu.memory_space<hbm>>
      %dma_start3A_368 = arith.constant 240 : i32
      %dma_start3A_369 = arith.constant 0 : i32
      %dma_start3A_370 = tpu.memref_slice %arg9[%dma_start3A_368, %dma_start3A_369] : memref<512x128xf32, #tpu.memory_space<vmem>> -> memref<8x128xf32, #tpu.memory_space<vmem>>
      %dma_start3A_371 = arith.constant 16 : i32
      %dma_start3A_372 = tpu.memref_slice %arg4[%dma_start3A_371, %mul3A_342] : memref<32x1000000xf32, #tpu.memory_space<hbm>> -> memref<8x128xf32, #tpu.memory_space<hbm>>
      tpu.enqueue_dma source(%dma_start3A_372 : memref<8x128xf32, #tpu.memory_space<hbm>>) target(%dma_start3A_370 : memref<8x128xf32, #tpu.memory_space<vmem>>) target_semaphore(%arg12 : memref<!tpu.dma_semaphore, #tpu.memory_space<semaphore_mem>>)
      %dma_start3A_373 = arith.constant 248 : i32
      %dma_start3A_374 = arith.constant 0 : i32
      %dma_start3A_375 = tpu.memref_slice %arg9[%dma_start3A_373, %dma_start3A_374] : memref<512x128xf32, #tpu.memory_space<vmem>> -> memref<8x128xf32, #tpu.memory_space<vmem>>
      %dma_start3A_376 = arith.constant 24 : i32
      %dma_start3A_377 = tpu.memref_slice %arg4[%dma_start3A_376, %mul3A_342] : memref<32x1000000xf32, #tpu.memory_space<hbm>> -> memref<8x128xf32, #tpu.memory_space<hbm>>
      %dma_start3A_378 = arith.constant 248 : i32
      %dma_start3A_379 = arith.constant 0 : i32
      %dma_start3A_380 = tpu.memref_slice %arg9[%dma_start3A_378, %dma_start3A_379] : memref<512x128xf32, #tpu.memory_space<vmem>> -> memref<8x128xf32, #tpu.memory_space<vmem>>
      %dma_start3A_381 = arith.constant 24 : i32
      %dma_start3A_382 = tpu.memref_slice %arg4[%dma_start3A_381, %mul3A_342] : memref<32x1000000xf32, #tpu.memory_space<hbm>> -> memref<8x128xf32, #tpu.memory_space<hbm>>
      tpu.enqueue_dma source(%dma_start3A_382 : memref<8x128xf32, #tpu.memory_space<hbm>>) target(%dma_start3A_380 : memref<8x128xf32, #tpu.memory_space<vmem>>) target_semaphore(%arg12 : memref<!tpu.dma_semaphore, #tpu.memory_space<semaphore_mem>>)
      %slice3A_383 = vector.extract_strided_slice %get3A_11 {offsets = [8], sizes = [1], strides = [1]} : vector<16xi32> to vector<1xi32>
      %squeeze3A_384 = vector.extract %slice3A_383[0] : i32 from vector<1xi32>
      %shift_right_arithmetic3A_385 = arith.constant 7 : i32
      %shift_right_arithmetic3A_386 = arith.shrsi %squeeze3A_384, %shift_right_arithmetic3A_385 : i32
      %mul3A_387 = arith.constant 128 : i32
      %mul3A_388 = arith.muli %shift_right_arithmetic3A_386, %mul3A_387 : i32
      %dma_start3A_389 = arith.constant 256 : i32
      %dma_start3A_390 = arith.constant 0 : i32
      %dma_start3A_391 = tpu.memref_slice %arg9[%dma_start3A_389, %dma_start3A_390] : memref<512x128xf32, #tpu.memory_space<vmem>> -> memref<8x128xf32, #tpu.memory_space<vmem>>
      %dma_start3A_392 = arith.constant 0 : i32
      %dma_start3A_393 = tpu.memref_slice %arg4[%dma_start3A_392, %mul3A_388] : memref<32x1000000xf32, #tpu.memory_space<hbm>> -> memref<8x128xf32, #tpu.memory_space<hbm>>
      %dma_start3A_394 = arith.constant 256 : i32
      %dma_start3A_395 = arith.constant 0 : i32
      %dma_start3A_396 = tpu.memref_slice %arg9[%dma_start3A_394, %dma_start3A_395] : memref<512x128xf32, #tpu.memory_space<vmem>> -> memref<8x128xf32, #tpu.memory_space<vmem>>
      %dma_start3A_397 = arith.constant 0 : i32
      %dma_start3A_398 = tpu.memref_slice %arg4[%dma_start3A_397, %mul3A_388] : memref<32x1000000xf32, #tpu.memory_space<hbm>> -> memref<8x128xf32, #tpu.memory_space<hbm>>
      tpu.enqueue_dma source(%dma_start3A_398 : memref<8x128xf32, #tpu.memory_space<hbm>>) target(%dma_start3A_396 : memref<8x128xf32, #tpu.memory_space<vmem>>) target_semaphore(%arg12 : memref<!tpu.dma_semaphore, #tpu.memory_space<semaphore_mem>>)
      %dma_start3A_399 = arith.constant 264 : i32
      %dma_start3A_400 = arith.constant 0 : i32
      %dma_start3A_401 = tpu.memref_slice %arg9[%dma_start3A_399, %dma_start3A_400] : memref<512x128xf32, #tpu.memory_space<vmem>> -> memref<8x128xf32, #tpu.memory_space<vmem>>
      %dma_start3A_402 = arith.constant 8 : i32
      %dma_start3A_403 = tpu.memref_slice %arg4[%dma_start3A_402, %mul3A_388] : memref<32x1000000xf32, #tpu.memory_space<hbm>> -> memref<8x128xf32, #tpu.memory_space<hbm>>
      %dma_start3A_404 = arith.constant 264 : i32
      %dma_start3A_405 = arith.constant 0 : i32
      %dma_start3A_406 = tpu.memref_slice %arg9[%dma_start3A_404, %dma_start3A_405] : memref<512x128xf32, #tpu.memory_space<vmem>> -> memref<8x128xf32, #tpu.memory_space<vmem>>
      %dma_start3A_407 = arith.constant 8 : i32
      %dma_start3A_408 = tpu.memref_slice %arg4[%dma_start3A_407, %mul3A_388] : memref<32x1000000xf32, #tpu.memory_space<hbm>> -> memref<8x128xf32, #tpu.memory_space<hbm>>
      tpu.enqueue_dma source(%dma_start3A_408 : memref<8x128xf32, #tpu.memory_space<hbm>>) target(%dma_start3A_406 : memref<8x128xf32, #tpu.memory_space<vmem>>) target_semaphore(%arg12 : memref<!tpu.dma_semaphore, #tpu.memory_space<semaphore_mem>>)
      %dma_start3A_409 = arith.constant 272 : i32
      %dma_start3A_410 = arith.constant 0 : i32
      %dma_start3A_411 = tpu.memref_slice %arg9[%dma_start3A_409, %dma_start3A_410] : memref<512x128xf32, #tpu.memory_space<vmem>> -> memref<8x128xf32, #tpu.memory_space<vmem>>
      %dma_start3A_412 = arith.constant 16 : i32
      %dma_start3A_413 = tpu.memref_slice %arg4[%dma_start3A_412, %mul3A_388] : memref<32x1000000xf32, #tpu.memory_space<hbm>> -> memref<8x128xf32, #tpu.memory_space<hbm>>
      %dma_start3A_414 = arith.constant 272 : i32
      %dma_start3A_415 = arith.constant 0 : i32
      %dma_start3A_416 = tpu.memref_slice %arg9[%dma_start3A_414, %dma_start3A_415] : memref<512x128xf32, #tpu.memory_space<vmem>> -> memref<8x128xf32, #tpu.memory_space<vmem>>
      %dma_start3A_417 = arith.constant 16 : i32
      %dma_start3A_418 = tpu.memref_slice %arg4[%dma_start3A_417, %mul3A_388] : memref<32x1000000xf32, #tpu.memory_space<hbm>> -> memref<8x128xf32, #tpu.memory_space<hbm>>
      tpu.enqueue_dma source(%dma_start3A_418 : memref<8x128xf32, #tpu.memory_space<hbm>>) target(%dma_start3A_416 : memref<8x128xf32, #tpu.memory_space<vmem>>) target_semaphore(%arg12 : memref<!tpu.dma_semaphore, #tpu.memory_space<semaphore_mem>>)
      %dma_start3A_419 = arith.constant 280 : i32
      %dma_start3A_420 = arith.constant 0 : i32
      %dma_start3A_421 = tpu.memref_slice %arg9[%dma_start3A_419, %dma_start3A_420] : memref<512x128xf32, #tpu.memory_space<vmem>> -> memref<8x128xf32, #tpu.memory_space<vmem>>
      %dma_start3A_422 = arith.constant 24 : i32
      %dma_start3A_423 = tpu.memref_slice %arg4[%dma_start3A_422, %mul3A_388] : memref<32x1000000xf32, #tpu.memory_space<hbm>> -> memref<8x128xf32, #tpu.memory_space<hbm>>
      %dma_start3A_424 = arith.constant 280 : i32
      %dma_start3A_425 = arith.constant 0 : i32
      %dma_start3A_426 = tpu.memref_slice %arg9[%dma_start3A_424, %dma_start3A_425] : memref<512x128xf32, #tpu.memory_space<vmem>> -> memref<8x128xf32, #tpu.memory_space<vmem>>
      %dma_start3A_427 = arith.constant 24 : i32
      %dma_start3A_428 = tpu.memref_slice %arg4[%dma_start3A_427, %mul3A_388] : memref<32x1000000xf32, #tpu.memory_space<hbm>> -> memref<8x128xf32, #tpu.memory_space<hbm>>
      tpu.enqueue_dma source(%dma_start3A_428 : memref<8x128xf32, #tpu.memory_space<hbm>>) target(%dma_start3A_426 : memref<8x128xf32, #tpu.memory_space<vmem>>) target_semaphore(%arg12 : memref<!tpu.dma_semaphore, #tpu.memory_space<semaphore_mem>>)
      %slice3A_429 = vector.extract_strided_slice %get3A_11 {offsets = [9], sizes = [1], strides = [1]} : vector<16xi32> to vector<1xi32>
      %squeeze3A_430 = vector.extract %slice3A_429[0] : i32 from vector<1xi32>
      %shift_right_arithmetic3A_431 = arith.constant 7 : i32
      %shift_right_arithmetic3A_432 = arith.shrsi %squeeze3A_430, %shift_right_arithmetic3A_431 : i32
      %mul3A_433 = arith.constant 128 : i32
      %mul3A_434 = arith.muli %shift_right_arithmetic3A_432, %mul3A_433 : i32
      %dma_start3A_435 = arith.constant 288 : i32
      %dma_start3A_436 = arith.constant 0 : i32
      %dma_start3A_437 = tpu.memref_slice %arg9[%dma_start3A_435, %dma_start3A_436] : memref<512x128xf32, #tpu.memory_space<vmem>> -> memref<8x128xf32, #tpu.memory_space<vmem>>
      %dma_start3A_438 = arith.constant 0 : i32
      %dma_start3A_439 = tpu.memref_slice %arg4[%dma_start3A_438, %mul3A_434] : memref<32x1000000xf32, #tpu.memory_space<hbm>> -> memref<8x128xf32, #tpu.memory_space<hbm>>
      %dma_start3A_440 = arith.constant 288 : i32
      %dma_start3A_441 = arith.constant 0 : i32
      %dma_start3A_442 = tpu.memref_slice %arg9[%dma_start3A_440, %dma_start3A_441] : memref<512x128xf32, #tpu.memory_space<vmem>> -> memref<8x128xf32, #tpu.memory_space<vmem>>
      %dma_start3A_443 = arith.constant 0 : i32
      %dma_start3A_444 = tpu.memref_slice %arg4[%dma_start3A_443, %mul3A_434] : memref<32x1000000xf32, #tpu.memory_space<hbm>> -> memref<8x128xf32, #tpu.memory_space<hbm>>
      tpu.enqueue_dma source(%dma_start3A_444 : memref<8x128xf32, #tpu.memory_space<hbm>>) target(%dma_start3A_442 : memref<8x128xf32, #tpu.memory_space<vmem>>) target_semaphore(%arg12 : memref<!tpu.dma_semaphore, #tpu.memory_space<semaphore_mem>>)
      %dma_start3A_445 = arith.constant 296 : i32
      %dma_start3A_446 = arith.constant 0 : i32
      %dma_start3A_447 = tpu.memref_slice %arg9[%dma_start3A_445, %dma_start3A_446] : memref<512x128xf32, #tpu.memory_space<vmem>> -> memref<8x128xf32, #tpu.memory_space<vmem>>
      %dma_start3A_448 = arith.constant 8 : i32
      %dma_start3A_449 = tpu.memref_slice %arg4[%dma_start3A_448, %mul3A_434] : memref<32x1000000xf32, #tpu.memory_space<hbm>> -> memref<8x128xf32, #tpu.memory_space<hbm>>
      %dma_start3A_450 = arith.constant 296 : i32
      %dma_start3A_451 = arith.constant 0 : i32
      %dma_start3A_452 = tpu.memref_slice %arg9[%dma_start3A_450, %dma_start3A_451] : memref<512x128xf32, #tpu.memory_space<vmem>> -> memref<8x128xf32, #tpu.memory_space<vmem>>
      %dma_start3A_453 = arith.constant 8 : i32
      %dma_start3A_454 = tpu.memref_slice %arg4[%dma_start3A_453, %mul3A_434] : memref<32x1000000xf32, #tpu.memory_space<hbm>> -> memref<8x128xf32, #tpu.memory_space<hbm>>
      tpu.enqueue_dma source(%dma_start3A_454 : memref<8x128xf32, #tpu.memory_space<hbm>>) target(%dma_start3A_452 : memref<8x128xf32, #tpu.memory_space<vmem>>) target_semaphore(%arg12 : memref<!tpu.dma_semaphore, #tpu.memory_space<semaphore_mem>>)
      %dma_start3A_455 = arith.constant 304 : i32
      %dma_start3A_456 = arith.constant 0 : i32
      %dma_start3A_457 = tpu.memref_slice %arg9[%dma_start3A_455, %dma_start3A_456] : memref<512x128xf32, #tpu.memory_space<vmem>> -> memref<8x128xf32, #tpu.memory_space<vmem>>
      %dma_start3A_458 = arith.constant 16 : i32
      %dma_start3A_459 = tpu.memref_slice %arg4[%dma_start3A_458, %mul3A_434] : memref<32x1000000xf32, #tpu.memory_space<hbm>> -> memref<8x128xf32, #tpu.memory_space<hbm>>
      %dma_start3A_460 = arith.constant 304 : i32
      %dma_start3A_461 = arith.constant 0 : i32
      %dma_start3A_462 = tpu.memref_slice %arg9[%dma_start3A_460, %dma_start3A_461] : memref<512x128xf32, #tpu.memory_space<vmem>> -> memref<8x128xf32, #tpu.memory_space<vmem>>
      %dma_start3A_463 = arith.constant 16 : i32
      %dma_start3A_464 = tpu.memref_slice %arg4[%dma_start3A_463, %mul3A_434] : memref<32x1000000xf32, #tpu.memory_space<hbm>> -> memref<8x128xf32, #tpu.memory_space<hbm>>
      tpu.enqueue_dma source(%dma_start3A_464 : memref<8x128xf32, #tpu.memory_space<hbm>>) target(%dma_start3A_462 : memref<8x128xf32, #tpu.memory_space<vmem>>) target_semaphore(%arg12 : memref<!tpu.dma_semaphore, #tpu.memory_space<semaphore_mem>>)
      %dma_start3A_465 = arith.constant 312 : i32
      %dma_start3A_466 = arith.constant 0 : i32
      %dma_start3A_467 = tpu.memref_slice %arg9[%dma_start3A_465, %dma_start3A_466] : memref<512x128xf32, #tpu.memory_space<vmem>> -> memref<8x128xf32, #tpu.memory_space<vmem>>
      %dma_start3A_468 = arith.constant 24 : i32
      %dma_start3A_469 = tpu.memref_slice %arg4[%dma_start3A_468, %mul3A_434] : memref<32x1000000xf32, #tpu.memory_space<hbm>> -> memref<8x128xf32, #tpu.memory_space<hbm>>
      %dma_start3A_470 = arith.constant 312 : i32
      %dma_start3A_471 = arith.constant 0 : i32
      %dma_start3A_472 = tpu.memref_slice %arg9[%dma_start3A_470, %dma_start3A_471] : memref<512x128xf32, #tpu.memory_space<vmem>> -> memref<8x128xf32, #tpu.memory_space<vmem>>
      %dma_start3A_473 = arith.constant 24 : i32
      %dma_start3A_474 = tpu.memref_slice %arg4[%dma_start3A_473, %mul3A_434] : memref<32x1000000xf32, #tpu.memory_space<hbm>> -> memref<8x128xf32, #tpu.memory_space<hbm>>
      tpu.enqueue_dma source(%dma_start3A_474 : memref<8x128xf32, #tpu.memory_space<hbm>>) target(%dma_start3A_472 : memref<8x128xf32, #tpu.memory_space<vmem>>) target_semaphore(%arg12 : memref<!tpu.dma_semaphore, #tpu.memory_space<semaphore_mem>>)
      %slice3A_475 = vector.extract_strided_slice %get3A_11 {offsets = [10], sizes = [1], strides = [1]} : vector<16xi32> to vector<1xi32>
      %squeeze3A_476 = vector.extract %slice3A_475[0] : i32 from vector<1xi32>
      %shift_right_arithmetic3A_477 = arith.constant 7 : i32
      %shift_right_arithmetic3A_478 = arith.shrsi %squeeze3A_476, %shift_right_arithmetic3A_477 : i32
      %mul3A_479 = arith.constant 128 : i32
      %mul3A_480 = arith.muli %shift_right_arithmetic3A_478, %mul3A_479 : i32
      %dma_start3A_481 = arith.constant 320 : i32
      %dma_start3A_482 = arith.constant 0 : i32
      %dma_start3A_483 = tpu.memref_slice %arg9[%dma_start3A_481, %dma_start3A_482] : memref<512x128xf32, #tpu.memory_space<vmem>> -> memref<8x128xf32, #tpu.memory_space<vmem>>
      %dma_start3A_484 = arith.constant 0 : i32
      %dma_start3A_485 = tpu.memref_slice %arg4[%dma_start3A_484, %mul3A_480] : memref<32x1000000xf32, #tpu.memory_space<hbm>> -> memref<8x128xf32, #tpu.memory_space<hbm>>
      %dma_start3A_486 = arith.constant 320 : i32
      %dma_start3A_487 = arith.constant 0 : i32
      %dma_start3A_488 = tpu.memref_slice %arg9[%dma_start3A_486, %dma_start3A_487] : memref<512x128xf32, #tpu.memory_space<vmem>> -> memref<8x128xf32, #tpu.memory_space<vmem>>
      %dma_start3A_489 = arith.constant 0 : i32
      %dma_start3A_490 = tpu.memref_slice %arg4[%dma_start3A_489, %mul3A_480] : memref<32x1000000xf32, #tpu.memory_space<hbm>> -> memref<8x128xf32, #tpu.memory_space<hbm>>
      tpu.enqueue_dma source(%dma_start3A_490 : memref<8x128xf32, #tpu.memory_space<hbm>>) target(%dma_start3A_488 : memref<8x128xf32, #tpu.memory_space<vmem>>) target_semaphore(%arg12 : memref<!tpu.dma_semaphore, #tpu.memory_space<semaphore_mem>>)
      %dma_start3A_491 = arith.constant 328 : i32
      %dma_start3A_492 = arith.constant 0 : i32
      %dma_start3A_493 = tpu.memref_slice %arg9[%dma_start3A_491, %dma_start3A_492] : memref<512x128xf32, #tpu.memory_space<vmem>> -> memref<8x128xf32, #tpu.memory_space<vmem>>
      %dma_start3A_494 = arith.constant 8 : i32
      %dma_start3A_495 = tpu.memref_slice %arg4[%dma_start3A_494, %mul3A_480] : memref<32x1000000xf32, #tpu.memory_space<hbm>> -> memref<8x128xf32, #tpu.memory_space<hbm>>
      %dma_start3A_496 = arith.constant 328 : i32
      %dma_start3A_497 = arith.constant 0 : i32
      %dma_start3A_498 = tpu.memref_slice %arg9[%dma_start3A_496, %dma_start3A_497] : memref<512x128xf32, #tpu.memory_space<vmem>> -> memref<8x128xf32, #tpu.memory_space<vmem>>
      %dma_start3A_499 = arith.constant 8 : i32
      %dma_start3A_500 = tpu.memref_slice %arg4[%dma_start3A_499, %mul3A_480] : memref<32x1000000xf32, #tpu.memory_space<hbm>> -> memref<8x128xf32, #tpu.memory_space<hbm>>
      tpu.enqueue_dma source(%dma_start3A_500 : memref<8x128xf32, #tpu.memory_space<hbm>>) target(%dma_start3A_498 : memref<8x128xf32, #tpu.memory_space<vmem>>) target_semaphore(%arg12 : memref<!tpu.dma_semaphore, #tpu.memory_space<semaphore_mem>>)
      %dma_start3A_501 = arith.constant 336 : i32
      %dma_start3A_502 = arith.constant 0 : i32
      %dma_start3A_503 = tpu.memref_slice %arg9[%dma_start3A_501, %dma_start3A_502] : memref<512x128xf32, #tpu.memory_space<vmem>> -> memref<8x128xf32, #tpu.memory_space<vmem>>
      %dma_start3A_504 = arith.constant 16 : i32
      %dma_start3A_505 = tpu.memref_slice %arg4[%dma_start3A_504, %mul3A_480] : memref<32x1000000xf32, #tpu.memory_space<hbm>> -> memref<8x128xf32, #tpu.memory_space<hbm>>
      %dma_start3A_506 = arith.constant 336 : i32
      %dma_start3A_507 = arith.constant 0 : i32
      %dma_start3A_508 = tpu.memref_slice %arg9[%dma_start3A_506, %dma_start3A_507] : memref<512x128xf32, #tpu.memory_space<vmem>> -> memref<8x128xf32, #tpu.memory_space<vmem>>
      %dma_start3A_509 = arith.constant 16 : i32
      %dma_start3A_510 = tpu.memref_slice %arg4[%dma_start3A_509, %mul3A_480] : memref<32x1000000xf32, #tpu.memory_space<hbm>> -> memref<8x128xf32, #tpu.memory_space<hbm>>
      tpu.enqueue_dma source(%dma_start3A_510 : memref<8x128xf32, #tpu.memory_space<hbm>>) target(%dma_start3A_508 : memref<8x128xf32, #tpu.memory_space<vmem>>) target_semaphore(%arg12 : memref<!tpu.dma_semaphore, #tpu.memory_space<semaphore_mem>>)
      %dma_start3A_511 = arith.constant 344 : i32
      %dma_start3A_512 = arith.constant 0 : i32
      %dma_start3A_513 = tpu.memref_slice %arg9[%dma_start3A_511, %dma_start3A_512] : memref<512x128xf32, #tpu.memory_space<vmem>> -> memref<8x128xf32, #tpu.memory_space<vmem>>
      %dma_start3A_514 = arith.constant 24 : i32
      %dma_start3A_515 = tpu.memref_slice %arg4[%dma_start3A_514, %mul3A_480] : memref<32x1000000xf32, #tpu.memory_space<hbm>> -> memref<8x128xf32, #tpu.memory_space<hbm>>
      %dma_start3A_516 = arith.constant 344 : i32
      %dma_start3A_517 = arith.constant 0 : i32
      %dma_start3A_518 = tpu.memref_slice %arg9[%dma_start3A_516, %dma_start3A_517] : memref<512x128xf32, #tpu.memory_space<vmem>> -> memref<8x128xf32, #tpu.memory_space<vmem>>
      %dma_start3A_519 = arith.constant 24 : i32
      %dma_start3A_520 = tpu.memref_slice %arg4[%dma_start3A_519, %mul3A_480] : memref<32x1000000xf32, #tpu.memory_space<hbm>> -> memref<8x128xf32, #tpu.memory_space<hbm>>
      tpu.enqueue_dma source(%dma_start3A_520 : memref<8x128xf32, #tpu.memory_space<hbm>>) target(%dma_start3A_518 : memref<8x128xf32, #tpu.memory_space<vmem>>) target_semaphore(%arg12 : memref<!tpu.dma_semaphore, #tpu.memory_space<semaphore_mem>>)
      %slice3A_521 = vector.extract_strided_slice %get3A_11 {offsets = [11], sizes = [1], strides = [1]} : vector<16xi32> to vector<1xi32>
      %squeeze3A_522 = vector.extract %slice3A_521[0] : i32 from vector<1xi32>
      %shift_right_arithmetic3A_523 = arith.constant 7 : i32
      %shift_right_arithmetic3A_524 = arith.shrsi %squeeze3A_522, %shift_right_arithmetic3A_523 : i32
      %mul3A_525 = arith.constant 128 : i32
      %mul3A_526 = arith.muli %shift_right_arithmetic3A_524, %mul3A_525 : i32
      %dma_start3A_527 = arith.constant 352 : i32
      %dma_start3A_528 = arith.constant 0 : i32
      %dma_start3A_529 = tpu.memref_slice %arg9[%dma_start3A_527, %dma_start3A_528] : memref<512x128xf32, #tpu.memory_space<vmem>> -> memref<8x128xf32, #tpu.memory_space<vmem>>
      %dma_start3A_530 = arith.constant 0 : i32
      %dma_start3A_531 = tpu.memref_slice %arg4[%dma_start3A_530, %mul3A_526] : memref<32x1000000xf32, #tpu.memory_space<hbm>> -> memref<8x128xf32, #tpu.memory_space<hbm>>
      %dma_start3A_532 = arith.constant 352 : i32
      %dma_start3A_533 = arith.constant 0 : i32
      %dma_start3A_534 = tpu.memref_slice %arg9[%dma_start3A_532, %dma_start3A_533] : memref<512x128xf32, #tpu.memory_space<vmem>> -> memref<8x128xf32, #tpu.memory_space<vmem>>
      %dma_start3A_535 = arith.constant 0 : i32
      %dma_start3A_536 = tpu.memref_slice %arg4[%dma_start3A_535, %mul3A_526] : memref<32x1000000xf32, #tpu.memory_space<hbm>> -> memref<8x128xf32, #tpu.memory_space<hbm>>
      tpu.enqueue_dma source(%dma_start3A_536 : memref<8x128xf32, #tpu.memory_space<hbm>>) target(%dma_start3A_534 : memref<8x128xf32, #tpu.memory_space<vmem>>) target_semaphore(%arg12 : memref<!tpu.dma_semaphore, #tpu.memory_space<semaphore_mem>>)
      %dma_start3A_537 = arith.constant 360 : i32
      %dma_start3A_538 = arith.constant 0 : i32
      %dma_start3A_539 = tpu.memref_slice %arg9[%dma_start3A_537, %dma_start3A_538] : memref<512x128xf32, #tpu.memory_space<vmem>> -> memref<8x128xf32, #tpu.memory_space<vmem>>
      %dma_start3A_540 = arith.constant 8 : i32
      %dma_start3A_541 = tpu.memref_slice %arg4[%dma_start3A_540, %mul3A_526] : memref<32x1000000xf32, #tpu.memory_space<hbm>> -> memref<8x128xf32, #tpu.memory_space<hbm>>
      %dma_start3A_542 = arith.constant 360 : i32
      %dma_start3A_543 = arith.constant 0 : i32
      %dma_start3A_544 = tpu.memref_slice %arg9[%dma_start3A_542, %dma_start3A_543] : memref<512x128xf32, #tpu.memory_space<vmem>> -> memref<8x128xf32, #tpu.memory_space<vmem>>
      %dma_start3A_545 = arith.constant 8 : i32
      %dma_start3A_546 = tpu.memref_slice %arg4[%dma_start3A_545, %mul3A_526] : memref<32x1000000xf32, #tpu.memory_space<hbm>> -> memref<8x128xf32, #tpu.memory_space<hbm>>
      tpu.enqueue_dma source(%dma_start3A_546 : memref<8x128xf32, #tpu.memory_space<hbm>>) target(%dma_start3A_544 : memref<8x128xf32, #tpu.memory_space<vmem>>) target_semaphore(%arg12 : memref<!tpu.dma_semaphore, #tpu.memory_space<semaphore_mem>>)
      %dma_start3A_547 = arith.constant 368 : i32
      %dma_start3A_548 = arith.constant 0 : i32
      %dma_start3A_549 = tpu.memref_slice %arg9[%dma_start3A_547, %dma_start3A_548] : memref<512x128xf32, #tpu.memory_space<vmem>> -> memref<8x128xf32, #tpu.memory_space<vmem>>
      %dma_start3A_550 = arith.constant 16 : i32
      %dma_start3A_551 = tpu.memref_slice %arg4[%dma_start3A_550, %mul3A_526] : memref<32x1000000xf32, #tpu.memory_space<hbm>> -> memref<8x128xf32, #tpu.memory_space<hbm>>
      %dma_start3A_552 = arith.constant 368 : i32
      %dma_start3A_553 = arith.constant 0 : i32
      %dma_start3A_554 = tpu.memref_slice %arg9[%dma_start3A_552, %dma_start3A_553] : memref<512x128xf32, #tpu.memory_space<vmem>> -> memref<8x128xf32, #tpu.memory_space<vmem>>
      %dma_start3A_555 = arith.constant 16 : i32
      %dma_start3A_556 = tpu.memref_slice %arg4[%dma_start3A_555, %mul3A_526] : memref<32x1000000xf32, #tpu.memory_space<hbm>> -> memref<8x128xf32, #tpu.memory_space<hbm>>
      tpu.enqueue_dma source(%dma_start3A_556 : memref<8x128xf32, #tpu.memory_space<hbm>>) target(%dma_start3A_554 : memref<8x128xf32, #tpu.memory_space<vmem>>) target_semaphore(%arg12 : memref<!tpu.dma_semaphore, #tpu.memory_space<semaphore_mem>>)
      %dma_start3A_557 = arith.constant 376 : i32
      %dma_start3A_558 = arith.constant 0 : i32
      %dma_start3A_559 = tpu.memref_slice %arg9[%dma_start3A_557, %dma_start3A_558] : memref<512x128xf32, #tpu.memory_space<vmem>> -> memref<8x128xf32, #tpu.memory_space<vmem>>
      %dma_start3A_560 = arith.constant 24 : i32
      %dma_start3A_561 = tpu.memref_slice %arg4[%dma_start3A_560, %mul3A_526] : memref<32x1000000xf32, #tpu.memory_space<hbm>> -> memref<8x128xf32, #tpu.memory_space<hbm>>
      %dma_start3A_562 = arith.constant 376 : i32
      %dma_start3A_563 = arith.constant 0 : i32
      %dma_start3A_564 = tpu.memref_slice %arg9[%dma_start3A_562, %dma_start3A_563] : memref<512x128xf32, #tpu.memory_space<vmem>> -> memref<8x128xf32, #tpu.memory_space<vmem>>
      %dma_start3A_565 = arith.constant 24 : i32
      %dma_start3A_566 = tpu.memref_slice %arg4[%dma_start3A_565, %mul3A_526] : memref<32x1000000xf32, #tpu.memory_space<hbm>> -> memref<8x128xf32, #tpu.memory_space<hbm>>
      tpu.enqueue_dma source(%dma_start3A_566 : memref<8x128xf32, #tpu.memory_space<hbm>>) target(%dma_start3A_564 : memref<8x128xf32, #tpu.memory_space<vmem>>) target_semaphore(%arg12 : memref<!tpu.dma_semaphore, #tpu.memory_space<semaphore_mem>>)
      %slice3A_567 = vector.extract_strided_slice %get3A_11 {offsets = [12], sizes = [1], strides = [1]} : vector<16xi32> to vector<1xi32>
      %squeeze3A_568 = vector.extract %slice3A_567[0] : i32 from vector<1xi32>
      %shift_right_arithmetic3A_569 = arith.constant 7 : i32
      %shift_right_arithmetic3A_570 = arith.shrsi %squeeze3A_568, %shift_right_arithmetic3A_569 : i32
      %mul3A_571 = arith.constant 128 : i32
      %mul3A_572 = arith.muli %shift_right_arithmetic3A_570, %mul3A_571 : i32
      %dma_start3A_573 = arith.constant 384 : i32
      %dma_start3A_574 = arith.constant 0 : i32
      %dma_start3A_575 = tpu.memref_slice %arg9[%dma_start3A_573, %dma_start3A_574] : memref<512x128xf32, #tpu.memory_space<vmem>> -> memref<8x128xf32, #tpu.memory_space<vmem>>
      %dma_start3A_576 = arith.constant 0 : i32
      %dma_start3A_577 = tpu.memref_slice %arg4[%dma_start3A_576, %mul3A_572] : memref<32x1000000xf32, #tpu.memory_space<hbm>> -> memref<8x128xf32, #tpu.memory_space<hbm>>
      %dma_start3A_578 = arith.constant 384 : i32
      %dma_start3A_579 = arith.constant 0 : i32
      %dma_start3A_580 = tpu.memref_slice %arg9[%dma_start3A_578, %dma_start3A_579] : memref<512x128xf32, #tpu.memory_space<vmem>> -> memref<8x128xf32, #tpu.memory_space<vmem>>
      %dma_start3A_581 = arith.constant 0 : i32
      %dma_start3A_582 = tpu.memref_slice %arg4[%dma_start3A_581, %mul3A_572] : memref<32x1000000xf32, #tpu.memory_space<hbm>> -> memref<8x128xf32, #tpu.memory_space<hbm>>
      tpu.enqueue_dma source(%dma_start3A_582 : memref<8x128xf32, #tpu.memory_space<hbm>>) target(%dma_start3A_580 : memref<8x128xf32, #tpu.memory_space<vmem>>) target_semaphore(%arg12 : memref<!tpu.dma_semaphore, #tpu.memory_space<semaphore_mem>>)
      %dma_start3A_583 = arith.constant 392 : i32
      %dma_start3A_584 = arith.constant 0 : i32
      %dma_start3A_585 = tpu.memref_slice %arg9[%dma_start3A_583, %dma_start3A_584] : memref<512x128xf32, #tpu.memory_space<vmem>> -> memref<8x128xf32, #tpu.memory_space<vmem>>
      %dma_start3A_586 = arith.constant 8 : i32
      %dma_start3A_587 = tpu.memref_slice %arg4[%dma_start3A_586, %mul3A_572] : memref<32x1000000xf32, #tpu.memory_space<hbm>> -> memref<8x128xf32, #tpu.memory_space<hbm>>
      %dma_start3A_588 = arith.constant 392 : i32
      %dma_start3A_589 = arith.constant 0 : i32
      %dma_start3A_590 = tpu.memref_slice %arg9[%dma_start3A_588, %dma_start3A_589] : memref<512x128xf32, #tpu.memory_space<vmem>> -> memref<8x128xf32, #tpu.memory_space<vmem>>
      %dma_start3A_591 = arith.constant 8 : i32
      %dma_start3A_592 = tpu.memref_slice %arg4[%dma_start3A_591, %mul3A_572] : memref<32x1000000xf32, #tpu.memory_space<hbm>> -> memref<8x128xf32, #tpu.memory_space<hbm>>
      tpu.enqueue_dma source(%dma_start3A_592 : memref<8x128xf32, #tpu.memory_space<hbm>>) target(%dma_start3A_590 : memref<8x128xf32, #tpu.memory_space<vmem>>) target_semaphore(%arg12 : memref<!tpu.dma_semaphore, #tpu.memory_space<semaphore_mem>>)
      %dma_start3A_593 = arith.constant 400 : i32
      %dma_start3A_594 = arith.constant 0 : i32
      %dma_start3A_595 = tpu.memref_slice %arg9[%dma_start3A_593, %dma_start3A_594] : memref<512x128xf32, #tpu.memory_space<vmem>> -> memref<8x128xf32, #tpu.memory_space<vmem>>
      %dma_start3A_596 = arith.constant 16 : i32
      %dma_start3A_597 = tpu.memref_slice %arg4[%dma_start3A_596, %mul3A_572] : memref<32x1000000xf32, #tpu.memory_space<hbm>> -> memref<8x128xf32, #tpu.memory_space<hbm>>
      %dma_start3A_598 = arith.constant 400 : i32
      %dma_start3A_599 = arith.constant 0 : i32
      %dma_start3A_600 = tpu.memref_slice %arg9[%dma_start3A_598, %dma_start3A_599] : memref<512x128xf32, #tpu.memory_space<vmem>> -> memref<8x128xf32, #tpu.memory_space<vmem>>
      %dma_start3A_601 = arith.constant 16 : i32
      %dma_start3A_602 = tpu.memref_slice %arg4[%dma_start3A_601, %mul3A_572] : memref<32x1000000xf32, #tpu.memory_space<hbm>> -> memref<8x128xf32, #tpu.memory_space<hbm>>
      tpu.enqueue_dma source(%dma_start3A_602 : memref<8x128xf32, #tpu.memory_space<hbm>>) target(%dma_start3A_600 : memref<8x128xf32, #tpu.memory_space<vmem>>) target_semaphore(%arg12 : memref<!tpu.dma_semaphore, #tpu.memory_space<semaphore_mem>>)
      %dma_start3A_603 = arith.constant 408 : i32
      %dma_start3A_604 = arith.constant 0 : i32
      %dma_start3A_605 = tpu.memref_slice %arg9[%dma_start3A_603, %dma_start3A_604] : memref<512x128xf32, #tpu.memory_space<vmem>> -> memref<8x128xf32, #tpu.memory_space<vmem>>
      %dma_start3A_606 = arith.constant 24 : i32
      %dma_start3A_607 = tpu.memref_slice %arg4[%dma_start3A_606, %mul3A_572] : memref<32x1000000xf32, #tpu.memory_space<hbm>> -> memref<8x128xf32, #tpu.memory_space<hbm>>
      %dma_start3A_608 = arith.constant 408 : i32
      %dma_start3A_609 = arith.constant 0 : i32
      %dma_start3A_610 = tpu.memref_slice %arg9[%dma_start3A_608, %dma_start3A_609] : memref<512x128xf32, #tpu.memory_space<vmem>> -> memref<8x128xf32, #tpu.memory_space<vmem>>
      %dma_start3A_611 = arith.constant 24 : i32
      %dma_start3A_612 = tpu.memref_slice %arg4[%dma_start3A_611, %mul3A_572] : memref<32x1000000xf32, #tpu.memory_space<hbm>> -> memref<8x128xf32, #tpu.memory_space<hbm>>
      tpu.enqueue_dma source(%dma_start3A_612 : memref<8x128xf32, #tpu.memory_space<hbm>>) target(%dma_start3A_610 : memref<8x128xf32, #tpu.memory_space<vmem>>) target_semaphore(%arg12 : memref<!tpu.dma_semaphore, #tpu.memory_space<semaphore_mem>>)
      %slice3A_613 = vector.extract_strided_slice %get3A_11 {offsets = [13], sizes = [1], strides = [1]} : vector<16xi32> to vector<1xi32>
      %squeeze3A_614 = vector.extract %slice3A_613[0] : i32 from vector<1xi32>
      %shift_right_arithmetic3A_615 = arith.constant 7 : i32
      %shift_right_arithmetic3A_616 = arith.shrsi %squeeze3A_614, %shift_right_arithmetic3A_615 : i32
      %mul3A_617 = arith.constant 128 : i32
      %mul3A_618 = arith.muli %shift_right_arithmetic3A_616, %mul3A_617 : i32
      %dma_start3A_619 = arith.constant 416 : i32
      %dma_start3A_620 = arith.constant 0 : i32
      %dma_start3A_621 = tpu.memref_slice %arg9[%dma_start3A_619, %dma_start3A_620] : memref<512x128xf32, #tpu.memory_space<vmem>> -> memref<8x128xf32, #tpu.memory_space<vmem>>
      %dma_start3A_622 = arith.constant 0 : i32
      %dma_start3A_623 = tpu.memref_slice %arg4[%dma_start3A_622, %mul3A_618] : memref<32x1000000xf32, #tpu.memory_space<hbm>> -> memref<8x128xf32, #tpu.memory_space<hbm>>
      %dma_start3A_624 = arith.constant 416 : i32
      %dma_start3A_625 = arith.constant 0 : i32
      %dma_start3A_626 = tpu.memref_slice %arg9[%dma_start3A_624, %dma_start3A_625] : memref<512x128xf32, #tpu.memory_space<vmem>> -> memref<8x128xf32, #tpu.memory_space<vmem>>
      %dma_start3A_627 = arith.constant 0 : i32
      %dma_start3A_628 = tpu.memref_slice %arg4[%dma_start3A_627, %mul3A_618] : memref<32x1000000xf32, #tpu.memory_space<hbm>> -> memref<8x128xf32, #tpu.memory_space<hbm>>
      tpu.enqueue_dma source(%dma_start3A_628 : memref<8x128xf32, #tpu.memory_space<hbm>>) target(%dma_start3A_626 : memref<8x128xf32, #tpu.memory_space<vmem>>) target_semaphore(%arg12 : memref<!tpu.dma_semaphore, #tpu.memory_space<semaphore_mem>>)
      %dma_start3A_629 = arith.constant 424 : i32
      %dma_start3A_630 = arith.constant 0 : i32
      %dma_start3A_631 = tpu.memref_slice %arg9[%dma_start3A_629, %dma_start3A_630] : memref<512x128xf32, #tpu.memory_space<vmem>> -> memref<8x128xf32, #tpu.memory_space<vmem>>
      %dma_start3A_632 = arith.constant 8 : i32
      %dma_start3A_633 = tpu.memref_slice %arg4[%dma_start3A_632, %mul3A_618] : memref<32x1000000xf32, #tpu.memory_space<hbm>> -> memref<8x128xf32, #tpu.memory_space<hbm>>
      %dma_start3A_634 = arith.constant 424 : i32
      %dma_start3A_635 = arith.constant 0 : i32
      %dma_start3A_636 = tpu.memref_slice %arg9[%dma_start3A_634, %dma_start3A_635] : memref<512x128xf32, #tpu.memory_space<vmem>> -> memref<8x128xf32, #tpu.memory_space<vmem>>
      %dma_start3A_637 = arith.constant 8 : i32
      %dma_start3A_638 = tpu.memref_slice %arg4[%dma_start3A_637, %mul3A_618] : memref<32x1000000xf32, #tpu.memory_space<hbm>> -> memref<8x128xf32, #tpu.memory_space<hbm>>
      tpu.enqueue_dma source(%dma_start3A_638 : memref<8x128xf32, #tpu.memory_space<hbm>>) target(%dma_start3A_636 : memref<8x128xf32, #tpu.memory_space<vmem>>) target_semaphore(%arg12 : memref<!tpu.dma_semaphore, #tpu.memory_space<semaphore_mem>>)
      %dma_start3A_639 = arith.constant 432 : i32
      %dma_start3A_640 = arith.constant 0 : i32
      %dma_start3A_641 = tpu.memref_slice %arg9[%dma_start3A_639, %dma_start3A_640] : memref<512x128xf32, #tpu.memory_space<vmem>> -> memref<8x128xf32, #tpu.memory_space<vmem>>
      %dma_start3A_642 = arith.constant 16 : i32
      %dma_start3A_643 = tpu.memref_slice %arg4[%dma_start3A_642, %mul3A_618] : memref<32x1000000xf32, #tpu.memory_space<hbm>> -> memref<8x128xf32, #tpu.memory_space<hbm>>
      %dma_start3A_644 = arith.constant 432 : i32
      %dma_start3A_645 = arith.constant 0 : i32
      %dma_start3A_646 = tpu.memref_slice %arg9[%dma_start3A_644, %dma_start3A_645] : memref<512x128xf32, #tpu.memory_space<vmem>> -> memref<8x128xf32, #tpu.memory_space<vmem>>
      %dma_start3A_647 = arith.constant 16 : i32
      %dma_start3A_648 = tpu.memref_slice %arg4[%dma_start3A_647, %mul3A_618] : memref<32x1000000xf32, #tpu.memory_space<hbm>> -> memref<8x128xf32, #tpu.memory_space<hbm>>
      tpu.enqueue_dma source(%dma_start3A_648 : memref<8x128xf32, #tpu.memory_space<hbm>>) target(%dma_start3A_646 : memref<8x128xf32, #tpu.memory_space<vmem>>) target_semaphore(%arg12 : memref<!tpu.dma_semaphore, #tpu.memory_space<semaphore_mem>>)
      %dma_start3A_649 = arith.constant 440 : i32
      %dma_start3A_650 = arith.constant 0 : i32
      %dma_start3A_651 = tpu.memref_slice %arg9[%dma_start3A_649, %dma_start3A_650] : memref<512x128xf32, #tpu.memory_space<vmem>> -> memref<8x128xf32, #tpu.memory_space<vmem>>
      %dma_start3A_652 = arith.constant 24 : i32
      %dma_start3A_653 = tpu.memref_slice %arg4[%dma_start3A_652, %mul3A_618] : memref<32x1000000xf32, #tpu.memory_space<hbm>> -> memref<8x128xf32, #tpu.memory_space<hbm>>
      %dma_start3A_654 = arith.constant 440 : i32
      %dma_start3A_655 = arith.constant 0 : i32
      %dma_start3A_656 = tpu.memref_slice %arg9[%dma_start3A_654, %dma_start3A_655] : memref<512x128xf32, #tpu.memory_space<vmem>> -> memref<8x128xf32, #tpu.memory_space<vmem>>
      %dma_start3A_657 = arith.constant 24 : i32
      %dma_start3A_658 = tpu.memref_slice %arg4[%dma_start3A_657, %mul3A_618] : memref<32x1000000xf32, #tpu.memory_space<hbm>> -> memref<8x128xf32, #tpu.memory_space<hbm>>
      tpu.enqueue_dma source(%dma_start3A_658 : memref<8x128xf32, #tpu.memory_space<hbm>>) target(%dma_start3A_656 : memref<8x128xf32, #tpu.memory_space<vmem>>) target_semaphore(%arg12 : memref<!tpu.dma_semaphore, #tpu.memory_space<semaphore_mem>>)
      %slice3A_659 = vector.extract_strided_slice %get3A_11 {offsets = [14], sizes = [1], strides = [1]} : vector<16xi32> to vector<1xi32>
      %squeeze3A_660 = vector.extract %slice3A_659[0] : i32 from vector<1xi32>
      %shift_right_arithmetic3A_661 = arith.constant 7 : i32
      %shift_right_arithmetic3A_662 = arith.shrsi %squeeze3A_660, %shift_right_arithmetic3A_661 : i32
      %mul3A_663 = arith.constant 128 : i32
      %mul3A_664 = arith.muli %shift_right_arithmetic3A_662, %mul3A_663 : i32
      %dma_start3A_665 = arith.constant 448 : i32
      %dma_start3A_666 = arith.constant 0 : i32
      %dma_start3A_667 = tpu.memref_slice %arg9[%dma_start3A_665, %dma_start3A_666] : memref<512x128xf32, #tpu.memory_space<vmem>> -> memref<8x128xf32, #tpu.memory_space<vmem>>
      %dma_start3A_668 = arith.constant 0 : i32
      %dma_start3A_669 = tpu.memref_slice %arg4[%dma_start3A_668, %mul3A_664] : memref<32x1000000xf32, #tpu.memory_space<hbm>> -> memref<8x128xf32, #tpu.memory_space<hbm>>
      %dma_start3A_670 = arith.constant 448 : i32
      %dma_start3A_671 = arith.constant 0 : i32
      %dma_start3A_672 = tpu.memref_slice %arg9[%dma_start3A_670, %dma_start3A_671] : memref<512x128xf32, #tpu.memory_space<vmem>> -> memref<8x128xf32, #tpu.memory_space<vmem>>
      %dma_start3A_673 = arith.constant 0 : i32
      %dma_start3A_674 = tpu.memref_slice %arg4[%dma_start3A_673, %mul3A_664] : memref<32x1000000xf32, #tpu.memory_space<hbm>> -> memref<8x128xf32, #tpu.memory_space<hbm>>
      tpu.enqueue_dma source(%dma_start3A_674 : memref<8x128xf32, #tpu.memory_space<hbm>>) target(%dma_start3A_672 : memref<8x128xf32, #tpu.memory_space<vmem>>) target_semaphore(%arg12 : memref<!tpu.dma_semaphore, #tpu.memory_space<semaphore_mem>>)
      %dma_start3A_675 = arith.constant 456 : i32
      %dma_start3A_676 = arith.constant 0 : i32
      %dma_start3A_677 = tpu.memref_slice %arg9[%dma_start3A_675, %dma_start3A_676] : memref<512x128xf32, #tpu.memory_space<vmem>> -> memref<8x128xf32, #tpu.memory_space<vmem>>
      %dma_start3A_678 = arith.constant 8 : i32
      %dma_start3A_679 = tpu.memref_slice %arg4[%dma_start3A_678, %mul3A_664] : memref<32x1000000xf32, #tpu.memory_space<hbm>> -> memref<8x128xf32, #tpu.memory_space<hbm>>
      %dma_start3A_680 = arith.constant 456 : i32
      %dma_start3A_681 = arith.constant 0 : i32
      %dma_start3A_682 = tpu.memref_slice %arg9[%dma_start3A_680, %dma_start3A_681] : memref<512x128xf32, #tpu.memory_space<vmem>> -> memref<8x128xf32, #tpu.memory_space<vmem>>
      %dma_start3A_683 = arith.constant 8 : i32
      %dma_start3A_684 = tpu.memref_slice %arg4[%dma_start3A_683, %mul3A_664] : memref<32x1000000xf32, #tpu.memory_space<hbm>> -> memref<8x128xf32, #tpu.memory_space<hbm>>
      tpu.enqueue_dma source(%dma_start3A_684 : memref<8x128xf32, #tpu.memory_space<hbm>>) target(%dma_start3A_682 : memref<8x128xf32, #tpu.memory_space<vmem>>) target_semaphore(%arg12 : memref<!tpu.dma_semaphore, #tpu.memory_space<semaphore_mem>>)
      %dma_start3A_685 = arith.constant 464 : i32
      %dma_start3A_686 = arith.constant 0 : i32
      %dma_start3A_687 = tpu.memref_slice %arg9[%dma_start3A_685, %dma_start3A_686] : memref<512x128xf32, #tpu.memory_space<vmem>> -> memref<8x128xf32, #tpu.memory_space<vmem>>
      %dma_start3A_688 = arith.constant 16 : i32
      %dma_start3A_689 = tpu.memref_slice %arg4[%dma_start3A_688, %mul3A_664] : memref<32x1000000xf32, #tpu.memory_space<hbm>> -> memref<8x128xf32, #tpu.memory_space<hbm>>
      %dma_start3A_690 = arith.constant 464 : i32
      %dma_start3A_691 = arith.constant 0 : i32
      %dma_start3A_692 = tpu.memref_slice %arg9[%dma_start3A_690, %dma_start3A_691] : memref<512x128xf32, #tpu.memory_space<vmem>> -> memref<8x128xf32, #tpu.memory_space<vmem>>
      %dma_start3A_693 = arith.constant 16 : i32
      %dma_start3A_694 = tpu.memref_slice %arg4[%dma_start3A_693, %mul3A_664] : memref<32x1000000xf32, #tpu.memory_space<hbm>> -> memref<8x128xf32, #tpu.memory_space<hbm>>
      tpu.enqueue_dma source(%dma_start3A_694 : memref<8x128xf32, #tpu.memory_space<hbm>>) target(%dma_start3A_692 : memref<8x128xf32, #tpu.memory_space<vmem>>) target_semaphore(%arg12 : memref<!tpu.dma_semaphore, #tpu.memory_space<semaphore_mem>>)
      %dma_start3A_695 = arith.constant 472 : i32
      %dma_start3A_696 = arith.constant 0 : i32
      %dma_start3A_697 = tpu.memref_slice %arg9[%dma_start3A_695, %dma_start3A_696] : memref<512x128xf32, #tpu.memory_space<vmem>> -> memref<8x128xf32, #tpu.memory_space<vmem>>
      %dma_start3A_698 = arith.constant 24 : i32
      %dma_start3A_699 = tpu.memref_slice %arg4[%dma_start3A_698, %mul3A_664] : memref<32x1000000xf32, #tpu.memory_space<hbm>> -> memref<8x128xf32, #tpu.memory_space<hbm>>
      %dma_start3A_700 = arith.constant 472 : i32
      %dma_start3A_701 = arith.constant 0 : i32
      %dma_start3A_702 = tpu.memref_slice %arg9[%dma_start3A_700, %dma_start3A_701] : memref<512x128xf32, #tpu.memory_space<vmem>> -> memref<8x128xf32, #tpu.memory_space<vmem>>
      %dma_start3A_703 = arith.constant 24 : i32
      %dma_start3A_704 = tpu.memref_slice %arg4[%dma_start3A_703, %mul3A_664] : memref<32x1000000xf32, #tpu.memory_space<hbm>> -> memref<8x128xf32, #tpu.memory_space<hbm>>
      tpu.enqueue_dma source(%dma_start3A_704 : memref<8x128xf32, #tpu.memory_space<hbm>>) target(%dma_start3A_702 : memref<8x128xf32, #tpu.memory_space<vmem>>) target_semaphore(%arg12 : memref<!tpu.dma_semaphore, #tpu.memory_space<semaphore_mem>>)
      %slice3A_705 = vector.extract_strided_slice %get3A_11 {offsets = [15], sizes = [1], strides = [1]} : vector<16xi32> to vector<1xi32>
      %squeeze3A_706 = vector.extract %slice3A_705[0] : i32 from vector<1xi32>
      %shift_right_arithmetic3A_707 = arith.constant 7 : i32
      %shift_right_arithmetic3A_708 = arith.shrsi %squeeze3A_706, %shift_right_arithmetic3A_707 : i32
      %mul3A_709 = arith.constant 128 : i32
      %mul3A_710 = arith.muli %shift_right_arithmetic3A_708, %mul3A_709 : i32
      %dma_start3A_711 = arith.constant 480 : i32
      %dma_start3A_712 = arith.constant 0 : i32
      %dma_start3A_713 = tpu.memref_slice %arg9[%dma_start3A_711, %dma_start3A_712] : memref<512x128xf32, #tpu.memory_space<vmem>> -> memref<8x128xf32, #tpu.memory_space<vmem>>
      %dma_start3A_714 = arith.constant 0 : i32
      %dma_start3A_715 = tpu.memref_slice %arg4[%dma_start3A_714, %mul3A_710] : memref<32x1000000xf32, #tpu.memory_space<hbm>> -> memref<8x128xf32, #tpu.memory_space<hbm>>
      %dma_start3A_716 = arith.constant 480 : i32
      %dma_start3A_717 = arith.constant 0 : i32
      %dma_start3A_718 = tpu.memref_slice %arg9[%dma_start3A_716, %dma_start3A_717] : memref<512x128xf32, #tpu.memory_space<vmem>> -> memref<8x128xf32, #tpu.memory_space<vmem>>
      %dma_start3A_719 = arith.constant 0 : i32
      %dma_start3A_720 = tpu.memref_slice %arg4[%dma_start3A_719, %mul3A_710] : memref<32x1000000xf32, #tpu.memory_space<hbm>> -> memref<8x128xf32, #tpu.memory_space<hbm>>
      tpu.enqueue_dma source(%dma_start3A_720 : memref<8x128xf32, #tpu.memory_space<hbm>>) target(%dma_start3A_718 : memref<8x128xf32, #tpu.memory_space<vmem>>) target_semaphore(%arg12 : memref<!tpu.dma_semaphore, #tpu.memory_space<semaphore_mem>>)
      %dma_start3A_721 = arith.constant 488 : i32
      %dma_start3A_722 = arith.constant 0 : i32
      %dma_start3A_723 = tpu.memref_slice %arg9[%dma_start3A_721, %dma_start3A_722] : memref<512x128xf32, #tpu.memory_space<vmem>> -> memref<8x128xf32, #tpu.memory_space<vmem>>
      %dma_start3A_724 = arith.constant 8 : i32
      %dma_start3A_725 = tpu.memref_slice %arg4[%dma_start3A_724, %mul3A_710] : memref<32x1000000xf32, #tpu.memory_space<hbm>> -> memref<8x128xf32, #tpu.memory_space<hbm>>
      %dma_start3A_726 = arith.constant 488 : i32
      %dma_start3A_727 = arith.constant 0 : i32
      %dma_start3A_728 = tpu.memref_slice %arg9[%dma_start3A_726, %dma_start3A_727] : memref<512x128xf32, #tpu.memory_space<vmem>> -> memref<8x128xf32, #tpu.memory_space<vmem>>
      %dma_start3A_729 = arith.constant 8 : i32
      %dma_start3A_730 = tpu.memref_slice %arg4[%dma_start3A_729, %mul3A_710] : memref<32x1000000xf32, #tpu.memory_space<hbm>> -> memref<8x128xf32, #tpu.memory_space<hbm>>
      tpu.enqueue_dma source(%dma_start3A_730 : memref<8x128xf32, #tpu.memory_space<hbm>>) target(%dma_start3A_728 : memref<8x128xf32, #tpu.memory_space<vmem>>) target_semaphore(%arg12 : memref<!tpu.dma_semaphore, #tpu.memory_space<semaphore_mem>>)
      %dma_start3A_731 = arith.constant 496 : i32
      %dma_start3A_732 = arith.constant 0 : i32
      %dma_start3A_733 = tpu.memref_slice %arg9[%dma_start3A_731, %dma_start3A_732] : memref<512x128xf32, #tpu.memory_space<vmem>> -> memref<8x128xf32, #tpu.memory_space<vmem>>
      %dma_start3A_734 = arith.constant 16 : i32
      %dma_start3A_735 = tpu.memref_slice %arg4[%dma_start3A_734, %mul3A_710] : memref<32x1000000xf32, #tpu.memory_space<hbm>> -> memref<8x128xf32, #tpu.memory_space<hbm>>
      %dma_start3A_736 = arith.constant 496 : i32
      %dma_start3A_737 = arith.constant 0 : i32
      %dma_start3A_738 = tpu.memref_slice %arg9[%dma_start3A_736, %dma_start3A_737] : memref<512x128xf32, #tpu.memory_space<vmem>> -> memref<8x128xf32, #tpu.memory_space<vmem>>
      %dma_start3A_739 = arith.constant 16 : i32
      %dma_start3A_740 = tpu.memref_slice %arg4[%dma_start3A_739, %mul3A_710] : memref<32x1000000xf32, #tpu.memory_space<hbm>> -> memref<8x128xf32, #tpu.memory_space<hbm>>
      tpu.enqueue_dma source(%dma_start3A_740 : memref<8x128xf32, #tpu.memory_space<hbm>>) target(%dma_start3A_738 : memref<8x128xf32, #tpu.memory_space<vmem>>) target_semaphore(%arg12 : memref<!tpu.dma_semaphore, #tpu.memory_space<semaphore_mem>>)
      %dma_start3A_741 = arith.constant 504 : i32
      %dma_start3A_742 = arith.constant 0 : i32
      %dma_start3A_743 = tpu.memref_slice %arg9[%dma_start3A_741, %dma_start3A_742] : memref<512x128xf32, #tpu.memory_space<vmem>> -> memref<8x128xf32, #tpu.memory_space<vmem>>
      %dma_start3A_744 = arith.constant 24 : i32
      %dma_start3A_745 = tpu.memref_slice %arg4[%dma_start3A_744, %mul3A_710] : memref<32x1000000xf32, #tpu.memory_space<hbm>> -> memref<8x128xf32, #tpu.memory_space<hbm>>
      %dma_start3A_746 = arith.constant 504 : i32
      %dma_start3A_747 = arith.constant 0 : i32
      %dma_start3A_748 = tpu.memref_slice %arg9[%dma_start3A_746, %dma_start3A_747] : memref<512x128xf32, #tpu.memory_space<vmem>> -> memref<8x128xf32, #tpu.memory_space<vmem>>
      %dma_start3A_749 = arith.constant 24 : i32
      %dma_start3A_750 = tpu.memref_slice %arg4[%dma_start3A_749, %mul3A_710] : memref<32x1000000xf32, #tpu.memory_space<hbm>> -> memref<8x128xf32, #tpu.memory_space<hbm>>
      tpu.enqueue_dma source(%dma_start3A_750 : memref<8x128xf32, #tpu.memory_space<hbm>>) target(%dma_start3A_748 : memref<8x128xf32, #tpu.memory_space<vmem>>) target_semaphore(%arg12 : memref<!tpu.dma_semaphore, #tpu.memory_space<semaphore_mem>>)
      %dma_wait3A = arith.constant 0 : i32
      %dma_wait3A_751 = arith.constant 0 : i32
      %dma_wait3A_752 = tpu.memref_slice %arg9[%dma_wait3A, %dma_wait3A_751] : memref<512x128xf32, #tpu.memory_space<vmem>> -> memref<8x128xf32, #tpu.memory_space<vmem>>
      %dma_wait3A_753 = arith.constant 0 : i32
      %dma_wait3A_754 = tpu.memref_slice %arg4[%dma_wait3A_753, %mul3A_21] : memref<32x1000000xf32, #tpu.memory_space<hbm>> -> memref<8x128xf32, #tpu.memory_space<hbm>>
      %dma_wait3A_755 = arith.constant 0 : i32
      %dma_wait3A_756 = arith.constant 0 : i32
      %dma_wait3A_757 = tpu.memref_slice %arg9[%dma_wait3A_755, %dma_wait3A_756] : memref<512x128xf32, #tpu.memory_space<vmem>> -> memref<8x128xf32, #tpu.memory_space<vmem>>
      %dma_wait3A_758 = arith.constant 0 : i32
      %dma_wait3A_759 = tpu.memref_slice %arg4[%dma_wait3A_758, %mul3A_21] : memref<32x1000000xf32, #tpu.memory_space<hbm>> -> memref<8x128xf32, #tpu.memory_space<hbm>>
      tpu.wait_dma2 semaphore(%arg12 : memref<!tpu.dma_semaphore, #tpu.memory_space<semaphore_mem>>) src(%dma_wait3A_759 : memref<8x128xf32, #tpu.memory_space<hbm>>) dst(%dma_wait3A_757 : memref<8x128xf32, #tpu.memory_space<vmem>>)
      %dma_wait3A_760 = arith.constant 8 : i32
      %dma_wait3A_761 = arith.constant 0 : i32
      %dma_wait3A_762 = tpu.memref_slice %arg9[%dma_wait3A_760, %dma_wait3A_761] : memref<512x128xf32, #tpu.memory_space<vmem>> -> memref<8x128xf32, #tpu.memory_space<vmem>>
      %dma_wait3A_763 = arith.constant 8 : i32
      %dma_wait3A_764 = tpu.memref_slice %arg4[%dma_wait3A_763, %mul3A_21] : memref<32x1000000xf32, #tpu.memory_space<hbm>> -> memref<8x128xf32, #tpu.memory_space<hbm>>
      %dma_wait3A_765 = arith.constant 8 : i32
      %dma_wait3A_766 = arith.constant 0 : i32
      %dma_wait3A_767 = tpu.memref_slice %arg9[%dma_wait3A_765, %dma_wait3A_766] : memref<512x128xf32, #tpu.memory_space<vmem>> -> memref<8x128xf32, #tpu.memory_space<vmem>>
      %dma_wait3A_768 = arith.constant 8 : i32
      %dma_wait3A_769 = tpu.memref_slice %arg4[%dma_wait3A_768, %mul3A_21] : memref<32x1000000xf32, #tpu.memory_space<hbm>> -> memref<8x128xf32, #tpu.memory_space<hbm>>
      tpu.wait_dma2 semaphore(%arg12 : memref<!tpu.dma_semaphore, #tpu.memory_space<semaphore_mem>>) src(%dma_wait3A_769 : memref<8x128xf32, #tpu.memory_space<hbm>>) dst(%dma_wait3A_767 : memref<8x128xf32, #tpu.memory_space<vmem>>)
      %dma_wait3A_770 = arith.constant 16 : i32
      %dma_wait3A_771 = arith.constant 0 : i32
      %dma_wait3A_772 = tpu.memref_slice %arg9[%dma_wait3A_770, %dma_wait3A_771] : memref<512x128xf32, #tpu.memory_space<vmem>> -> memref<8x128xf32, #tpu.memory_space<vmem>>
      %dma_wait3A_773 = arith.constant 16 : i32
      %dma_wait3A_774 = tpu.memref_slice %arg4[%dma_wait3A_773, %mul3A_21] : memref<32x1000000xf32, #tpu.memory_space<hbm>> -> memref<8x128xf32, #tpu.memory_space<hbm>>
      %dma_wait3A_775 = arith.constant 16 : i32
      %dma_wait3A_776 = arith.constant 0 : i32
      %dma_wait3A_777 = tpu.memref_slice %arg9[%dma_wait3A_775, %dma_wait3A_776] : memref<512x128xf32, #tpu.memory_space<vmem>> -> memref<8x128xf32, #tpu.memory_space<vmem>>
      %dma_wait3A_778 = arith.constant 16 : i32
      %dma_wait3A_779 = tpu.memref_slice %arg4[%dma_wait3A_778, %mul3A_21] : memref<32x1000000xf32, #tpu.memory_space<hbm>> -> memref<8x128xf32, #tpu.memory_space<hbm>>
      tpu.wait_dma2 semaphore(%arg12 : memref<!tpu.dma_semaphore, #tpu.memory_space<semaphore_mem>>) src(%dma_wait3A_779 : memref<8x128xf32, #tpu.memory_space<hbm>>) dst(%dma_wait3A_777 : memref<8x128xf32, #tpu.memory_space<vmem>>)
      %dma_wait3A_780 = arith.constant 24 : i32
      %dma_wait3A_781 = arith.constant 0 : i32
      %dma_wait3A_782 = tpu.memref_slice %arg9[%dma_wait3A_780, %dma_wait3A_781] : memref<512x128xf32, #tpu.memory_space<vmem>> -> memref<8x128xf32, #tpu.memory_space<vmem>>
      %dma_wait3A_783 = arith.constant 24 : i32
      %dma_wait3A_784 = tpu.memref_slice %arg4[%dma_wait3A_783, %mul3A_21] : memref<32x1000000xf32, #tpu.memory_space<hbm>> -> memref<8x128xf32, #tpu.memory_space<hbm>>
      %dma_wait3A_785 = arith.constant 24 : i32
      %dma_wait3A_786 = arith.constant 0 : i32
      %dma_wait3A_787 = tpu.memref_slice %arg9[%dma_wait3A_785, %dma_wait3A_786] : memref<512x128xf32, #tpu.memory_space<vmem>> -> memref<8x128xf32, #tpu.memory_space<vmem>>
      %dma_wait3A_788 = arith.constant 24 : i32
      %dma_wait3A_789 = tpu.memref_slice %arg4[%dma_wait3A_788, %mul3A_21] : memref<32x1000000xf32, #tpu.memory_space<hbm>> -> memref<8x128xf32, #tpu.memory_space<hbm>>
      tpu.wait_dma2 semaphore(%arg12 : memref<!tpu.dma_semaphore, #tpu.memory_space<semaphore_mem>>) src(%dma_wait3A_789 : memref<8x128xf32, #tpu.memory_space<hbm>>) dst(%dma_wait3A_787 : memref<8x128xf32, #tpu.memory_space<vmem>>)
      %dma_wait3A_790 = arith.constant 32 : i32
      %dma_wait3A_791 = arith.constant 0 : i32
      %dma_wait3A_792 = tpu.memref_slice %arg9[%dma_wait3A_790, %dma_wait3A_791] : memref<512x128xf32, #tpu.memory_space<vmem>> -> memref<8x128xf32, #tpu.memory_space<vmem>>
      %dma_wait3A_793 = arith.constant 0 : i32
      %dma_wait3A_794 = tpu.memref_slice %arg4[%dma_wait3A_793, %mul3A_66] : memref<32x1000000xf32, #tpu.memory_space<hbm>> -> memref<8x128xf32, #tpu.memory_space<hbm>>
      %dma_wait3A_795 = arith.constant 32 : i32
      %dma_wait3A_796 = arith.constant 0 : i32
      %dma_wait3A_797 = tpu.memref_slice %arg9[%dma_wait3A_795, %dma_wait3A_796] : memref<512x128xf32, #tpu.memory_space<vmem>> -> memref<8x128xf32, #tpu.memory_space<vmem>>
      %dma_wait3A_798 = arith.constant 0 : i32
      %dma_wait3A_799 = tpu.memref_slice %arg4[%dma_wait3A_798, %mul3A_66] : memref<32x1000000xf32, #tpu.memory_space<hbm>> -> memref<8x128xf32, #tpu.memory_space<hbm>>
      tpu.wait_dma2 semaphore(%arg12 : memref<!tpu.dma_semaphore, #tpu.memory_space<semaphore_mem>>) src(%dma_wait3A_799 : memref<8x128xf32, #tpu.memory_space<hbm>>) dst(%dma_wait3A_797 : memref<8x128xf32, #tpu.memory_space<vmem>>)
      %dma_wait3A_800 = arith.constant 40 : i32
      %dma_wait3A_801 = arith.constant 0 : i32
      %dma_wait3A_802 = tpu.memref_slice %arg9[%dma_wait3A_800, %dma_wait3A_801] : memref<512x128xf32, #tpu.memory_space<vmem>> -> memref<8x128xf32, #tpu.memory_space<vmem>>
      %dma_wait3A_803 = arith.constant 8 : i32
      %dma_wait3A_804 = tpu.memref_slice %arg4[%dma_wait3A_803, %mul3A_66] : memref<32x1000000xf32, #tpu.memory_space<hbm>> -> memref<8x128xf32, #tpu.memory_space<hbm>>
      %dma_wait3A_805 = arith.constant 40 : i32
      %dma_wait3A_806 = arith.constant 0 : i32
      %dma_wait3A_807 = tpu.memref_slice %arg9[%dma_wait3A_805, %dma_wait3A_806] : memref<512x128xf32, #tpu.memory_space<vmem>> -> memref<8x128xf32, #tpu.memory_space<vmem>>
      %dma_wait3A_808 = arith.constant 8 : i32
      %dma_wait3A_809 = tpu.memref_slice %arg4[%dma_wait3A_808, %mul3A_66] : memref<32x1000000xf32, #tpu.memory_space<hbm>> -> memref<8x128xf32, #tpu.memory_space<hbm>>
      tpu.wait_dma2 semaphore(%arg12 : memref<!tpu.dma_semaphore, #tpu.memory_space<semaphore_mem>>) src(%dma_wait3A_809 : memref<8x128xf32, #tpu.memory_space<hbm>>) dst(%dma_wait3A_807 : memref<8x128xf32, #tpu.memory_space<vmem>>)
      %dma_wait3A_810 = arith.constant 48 : i32
      %dma_wait3A_811 = arith.constant 0 : i32
      %dma_wait3A_812 = tpu.memref_slice %arg9[%dma_wait3A_810, %dma_wait3A_811] : memref<512x128xf32, #tpu.memory_space<vmem>> -> memref<8x128xf32, #tpu.memory_space<vmem>>
      %dma_wait3A_813 = arith.constant 16 : i32
      %dma_wait3A_814 = tpu.memref_slice %arg4[%dma_wait3A_813, %mul3A_66] : memref<32x1000000xf32, #tpu.memory_space<hbm>> -> memref<8x128xf32, #tpu.memory_space<hbm>>
      %dma_wait3A_815 = arith.constant 48 : i32
      %dma_wait3A_816 = arith.constant 0 : i32
      %dma_wait3A_817 = tpu.memref_slice %arg9[%dma_wait3A_815, %dma_wait3A_816] : memref<512x128xf32, #tpu.memory_space<vmem>> -> memref<8x128xf32, #tpu.memory_space<vmem>>
      %dma_wait3A_818 = arith.constant 16 : i32
      %dma_wait3A_819 = tpu.memref_slice %arg4[%dma_wait3A_818, %mul3A_66] : memref<32x1000000xf32, #tpu.memory_space<hbm>> -> memref<8x128xf32, #tpu.memory_space<hbm>>
      tpu.wait_dma2 semaphore(%arg12 : memref<!tpu.dma_semaphore, #tpu.memory_space<semaphore_mem>>) src(%dma_wait3A_819 : memref<8x128xf32, #tpu.memory_space<hbm>>) dst(%dma_wait3A_817 : memref<8x128xf32, #tpu.memory_space<vmem>>)
      %dma_wait3A_820 = arith.constant 56 : i32
      %dma_wait3A_821 = arith.constant 0 : i32
      %dma_wait3A_822 = tpu.memref_slice %arg9[%dma_wait3A_820, %dma_wait3A_821] : memref<512x128xf32, #tpu.memory_space<vmem>> -> memref<8x128xf32, #tpu.memory_space<vmem>>
      %dma_wait3A_823 = arith.constant 24 : i32
      %dma_wait3A_824 = tpu.memref_slice %arg4[%dma_wait3A_823, %mul3A_66] : memref<32x1000000xf32, #tpu.memory_space<hbm>> -> memref<8x128xf32, #tpu.memory_space<hbm>>
      %dma_wait3A_825 = arith.constant 56 : i32
      %dma_wait3A_826 = arith.constant 0 : i32
      %dma_wait3A_827 = tpu.memref_slice %arg9[%dma_wait3A_825, %dma_wait3A_826] : memref<512x128xf32, #tpu.memory_space<vmem>> -> memref<8x128xf32, #tpu.memory_space<vmem>>
      %dma_wait3A_828 = arith.constant 24 : i32
      %dma_wait3A_829 = tpu.memref_slice %arg4[%dma_wait3A_828, %mul3A_66] : memref<32x1000000xf32, #tpu.memory_space<hbm>> -> memref<8x128xf32, #tpu.memory_space<hbm>>
      tpu.wait_dma2 semaphore(%arg12 : memref<!tpu.dma_semaphore, #tpu.memory_space<semaphore_mem>>) src(%dma_wait3A_829 : memref<8x128xf32, #tpu.memory_space<hbm>>) dst(%dma_wait3A_827 : memref<8x128xf32, #tpu.memory_space<vmem>>)
      %dma_wait3A_830 = arith.constant 64 : i32
      %dma_wait3A_831 = arith.constant 0 : i32
      %dma_wait3A_832 = tpu.memref_slice %arg9[%dma_wait3A_830, %dma_wait3A_831] : memref<512x128xf32, #tpu.memory_space<vmem>> -> memref<8x128xf32, #tpu.memory_space<vmem>>
      %dma_wait3A_833 = arith.constant 0 : i32
      %dma_wait3A_834 = tpu.memref_slice %arg4[%dma_wait3A_833, %mul3A_112] : memref<32x1000000xf32, #tpu.memory_space<hbm>> -> memref<8x128xf32, #tpu.memory_space<hbm>>
      %dma_wait3A_835 = arith.constant 64 : i32
      %dma_wait3A_836 = arith.constant 0 : i32
      %dma_wait3A_837 = tpu.memref_slice %arg9[%dma_wait3A_835, %dma_wait3A_836] : memref<512x128xf32, #tpu.memory_space<vmem>> -> memref<8x128xf32, #tpu.memory_space<vmem>>
      %dma_wait3A_838 = arith.constant 0 : i32
      %dma_wait3A_839 = tpu.memref_slice %arg4[%dma_wait3A_838, %mul3A_112] : memref<32x1000000xf32, #tpu.memory_space<hbm>> -> memref<8x128xf32, #tpu.memory_space<hbm>>
      tpu.wait_dma2 semaphore(%arg12 : memref<!tpu.dma_semaphore, #tpu.memory_space<semaphore_mem>>) src(%dma_wait3A_839 : memref<8x128xf32, #tpu.memory_space<hbm>>) dst(%dma_wait3A_837 : memref<8x128xf32, #tpu.memory_space<vmem>>)
      %dma_wait3A_840 = arith.constant 72 : i32
      %dma_wait3A_841 = arith.constant 0 : i32
      %dma_wait3A_842 = tpu.memref_slice %arg9[%dma_wait3A_840, %dma_wait3A_841] : memref<512x128xf32, #tpu.memory_space<vmem>> -> memref<8x128xf32, #tpu.memory_space<vmem>>
      %dma_wait3A_843 = arith.constant 8 : i32
      %dma_wait3A_844 = tpu.memref_slice %arg4[%dma_wait3A_843, %mul3A_112] : memref<32x1000000xf32, #tpu.memory_space<hbm>> -> memref<8x128xf32, #tpu.memory_space<hbm>>
      %dma_wait3A_845 = arith.constant 72 : i32
      %dma_wait3A_846 = arith.constant 0 : i32
      %dma_wait3A_847 = tpu.memref_slice %arg9[%dma_wait3A_845, %dma_wait3A_846] : memref<512x128xf32, #tpu.memory_space<vmem>> -> memref<8x128xf32, #tpu.memory_space<vmem>>
      %dma_wait3A_848 = arith.constant 8 : i32
      %dma_wait3A_849 = tpu.memref_slice %arg4[%dma_wait3A_848, %mul3A_112] : memref<32x1000000xf32, #tpu.memory_space<hbm>> -> memref<8x128xf32, #tpu.memory_space<hbm>>
      tpu.wait_dma2 semaphore(%arg12 : memref<!tpu.dma_semaphore, #tpu.memory_space<semaphore_mem>>) src(%dma_wait3A_849 : memref<8x128xf32, #tpu.memory_space<hbm>>) dst(%dma_wait3A_847 : memref<8x128xf32, #tpu.memory_space<vmem>>)
      %dma_wait3A_850 = arith.constant 80 : i32
      %dma_wait3A_851 = arith.constant 0 : i32
      %dma_wait3A_852 = tpu.memref_slice %arg9[%dma_wait3A_850, %dma_wait3A_851] : memref<512x128xf32, #tpu.memory_space<vmem>> -> memref<8x128xf32, #tpu.memory_space<vmem>>
      %dma_wait3A_853 = arith.constant 16 : i32
      %dma_wait3A_854 = tpu.memref_slice %arg4[%dma_wait3A_853, %mul3A_112] : memref<32x1000000xf32, #tpu.memory_space<hbm>> -> memref<8x128xf32, #tpu.memory_space<hbm>>
      %dma_wait3A_855 = arith.constant 80 : i32
      %dma_wait3A_856 = arith.constant 0 : i32
      %dma_wait3A_857 = tpu.memref_slice %arg9[%dma_wait3A_855, %dma_wait3A_856] : memref<512x128xf32, #tpu.memory_space<vmem>> -> memref<8x128xf32, #tpu.memory_space<vmem>>
      %dma_wait3A_858 = arith.constant 16 : i32
      %dma_wait3A_859 = tpu.memref_slice %arg4[%dma_wait3A_858, %mul3A_112] : memref<32x1000000xf32, #tpu.memory_space<hbm>> -> memref<8x128xf32, #tpu.memory_space<hbm>>
      tpu.wait_dma2 semaphore(%arg12 : memref<!tpu.dma_semaphore, #tpu.memory_space<semaphore_mem>>) src(%dma_wait3A_859 : memref<8x128xf32, #tpu.memory_space<hbm>>) dst(%dma_wait3A_857 : memref<8x128xf32, #tpu.memory_space<vmem>>)
      %dma_wait3A_860 = arith.constant 88 : i32
      %dma_wait3A_861 = arith.constant 0 : i32
      %dma_wait3A_862 = tpu.memref_slice %arg9[%dma_wait3A_860, %dma_wait3A_861] : memref<512x128xf32, #tpu.memory_space<vmem>> -> memref<8x128xf32, #tpu.memory_space<vmem>>
      %dma_wait3A_863 = arith.constant 24 : i32
      %dma_wait3A_864 = tpu.memref_slice %arg4[%dma_wait3A_863, %mul3A_112] : memref<32x1000000xf32, #tpu.memory_space<hbm>> -> memref<8x128xf32, #tpu.memory_space<hbm>>
      %dma_wait3A_865 = arith.constant 88 : i32
      %dma_wait3A_866 = arith.constant 0 : i32
      %dma_wait3A_867 = tpu.memref_slice %arg9[%dma_wait3A_865, %dma_wait3A_866] : memref<512x128xf32, #tpu.memory_space<vmem>> -> memref<8x128xf32, #tpu.memory_space<vmem>>
      %dma_wait3A_868 = arith.constant 24 : i32
      %dma_wait3A_869 = tpu.memref_slice %arg4[%dma_wait3A_868, %mul3A_112] : memref<32x1000000xf32, #tpu.memory_space<hbm>> -> memref<8x128xf32, #tpu.memory_space<hbm>>
      tpu.wait_dma2 semaphore(%arg12 : memref<!tpu.dma_semaphore, #tpu.memory_space<semaphore_mem>>) src(%dma_wait3A_869 : memref<8x128xf32, #tpu.memory_space<hbm>>) dst(%dma_wait3A_867 : memref<8x128xf32, #tpu.memory_space<vmem>>)
      %dma_wait3A_870 = arith.constant 96 : i32
      %dma_wait3A_871 = arith.constant 0 : i32
      %dma_wait3A_872 = tpu.memref_slice %arg9[%dma_wait3A_870, %dma_wait3A_871] : memref<512x128xf32, #tpu.memory_space<vmem>> -> memref<8x128xf32, #tpu.memory_space<vmem>>
      %dma_wait3A_873 = arith.constant 0 : i32
      %dma_wait3A_874 = tpu.memref_slice %arg4[%dma_wait3A_873, %mul3A_158] : memref<32x1000000xf32, #tpu.memory_space<hbm>> -> memref<8x128xf32, #tpu.memory_space<hbm>>
      %dma_wait3A_875 = arith.constant 96 : i32
      %dma_wait3A_876 = arith.constant 0 : i32
      %dma_wait3A_877 = tpu.memref_slice %arg9[%dma_wait3A_875, %dma_wait3A_876] : memref<512x128xf32, #tpu.memory_space<vmem>> -> memref<8x128xf32, #tpu.memory_space<vmem>>
      %dma_wait3A_878 = arith.constant 0 : i32
      %dma_wait3A_879 = tpu.memref_slice %arg4[%dma_wait3A_878, %mul3A_158] : memref<32x1000000xf32, #tpu.memory_space<hbm>> -> memref<8x128xf32, #tpu.memory_space<hbm>>
      tpu.wait_dma2 semaphore(%arg12 : memref<!tpu.dma_semaphore, #tpu.memory_space<semaphore_mem>>) src(%dma_wait3A_879 : memref<8x128xf32, #tpu.memory_space<hbm>>) dst(%dma_wait3A_877 : memref<8x128xf32, #tpu.memory_space<vmem>>)
      %dma_wait3A_880 = arith.constant 104 : i32
      %dma_wait3A_881 = arith.constant 0 : i32
      %dma_wait3A_882 = tpu.memref_slice %arg9[%dma_wait3A_880, %dma_wait3A_881] : memref<512x128xf32, #tpu.memory_space<vmem>> -> memref<8x128xf32, #tpu.memory_space<vmem>>
      %dma_wait3A_883 = arith.constant 8 : i32
      %dma_wait3A_884 = tpu.memref_slice %arg4[%dma_wait3A_883, %mul3A_158] : memref<32x1000000xf32, #tpu.memory_space<hbm>> -> memref<8x128xf32, #tpu.memory_space<hbm>>
      %dma_wait3A_885 = arith.constant 104 : i32
      %dma_wait3A_886 = arith.constant 0 : i32
      %dma_wait3A_887 = tpu.memref_slice %arg9[%dma_wait3A_885, %dma_wait3A_886] : memref<512x128xf32, #tpu.memory_space<vmem>> -> memref<8x128xf32, #tpu.memory_space<vmem>>
      %dma_wait3A_888 = arith.constant 8 : i32
      %dma_wait3A_889 = tpu.memref_slice %arg4[%dma_wait3A_888, %mul3A_158] : memref<32x1000000xf32, #tpu.memory_space<hbm>> -> memref<8x128xf32, #tpu.memory_space<hbm>>
      tpu.wait_dma2 semaphore(%arg12 : memref<!tpu.dma_semaphore, #tpu.memory_space<semaphore_mem>>) src(%dma_wait3A_889 : memref<8x128xf32, #tpu.memory_space<hbm>>) dst(%dma_wait3A_887 : memref<8x128xf32, #tpu.memory_space<vmem>>)
      %dma_wait3A_890 = arith.constant 112 : i32
      %dma_wait3A_891 = arith.constant 0 : i32
      %dma_wait3A_892 = tpu.memref_slice %arg9[%dma_wait3A_890, %dma_wait3A_891] : memref<512x128xf32, #tpu.memory_space<vmem>> -> memref<8x128xf32, #tpu.memory_space<vmem>>
      %dma_wait3A_893 = arith.constant 16 : i32
      %dma_wait3A_894 = tpu.memref_slice %arg4[%dma_wait3A_893, %mul3A_158] : memref<32x1000000xf32, #tpu.memory_space<hbm>> -> memref<8x128xf32, #tpu.memory_space<hbm>>
      %dma_wait3A_895 = arith.constant 112 : i32
      %dma_wait3A_896 = arith.constant 0 : i32
      %dma_wait3A_897 = tpu.memref_slice %arg9[%dma_wait3A_895, %dma_wait3A_896] : memref<512x128xf32, #tpu.memory_space<vmem>> -> memref<8x128xf32, #tpu.memory_space<vmem>>
      %dma_wait3A_898 = arith.constant 16 : i32
      %dma_wait3A_899 = tpu.memref_slice %arg4[%dma_wait3A_898, %mul3A_158] : memref<32x1000000xf32, #tpu.memory_space<hbm>> -> memref<8x128xf32, #tpu.memory_space<hbm>>
      tpu.wait_dma2 semaphore(%arg12 : memref<!tpu.dma_semaphore, #tpu.memory_space<semaphore_mem>>) src(%dma_wait3A_899 : memref<8x128xf32, #tpu.memory_space<hbm>>) dst(%dma_wait3A_897 : memref<8x128xf32, #tpu.memory_space<vmem>>)
      %dma_wait3A_900 = arith.constant 120 : i32
      %dma_wait3A_901 = arith.constant 0 : i32
      %dma_wait3A_902 = tpu.memref_slice %arg9[%dma_wait3A_900, %dma_wait3A_901] : memref<512x128xf32, #tpu.memory_space<vmem>> -> memref<8x128xf32, #tpu.memory_space<vmem>>
      %dma_wait3A_903 = arith.constant 24 : i32
      %dma_wait3A_904 = tpu.memref_slice %arg4[%dma_wait3A_903, %mul3A_158] : memref<32x1000000xf32, #tpu.memory_space<hbm>> -> memref<8x128xf32, #tpu.memory_space<hbm>>
      %dma_wait3A_905 = arith.constant 120 : i32
      %dma_wait3A_906 = arith.constant 0 : i32
      %dma_wait3A_907 = tpu.memref_slice %arg9[%dma_wait3A_905, %dma_wait3A_906] : memref<512x128xf32, #tpu.memory_space<vmem>> -> memref<8x128xf32, #tpu.memory_space<vmem>>
      %dma_wait3A_908 = arith.constant 24 : i32
      %dma_wait3A_909 = tpu.memref_slice %arg4[%dma_wait3A_908, %mul3A_158] : memref<32x1000000xf32, #tpu.memory_space<hbm>> -> memref<8x128xf32, #tpu.memory_space<hbm>>
      tpu.wait_dma2 semaphore(%arg12 : memref<!tpu.dma_semaphore, #tpu.memory_space<semaphore_mem>>) src(%dma_wait3A_909 : memref<8x128xf32, #tpu.memory_space<hbm>>) dst(%dma_wait3A_907 : memref<8x128xf32, #tpu.memory_space<vmem>>)
      %dma_wait3A_910 = arith.constant 128 : i32
      %dma_wait3A_911 = arith.constant 0 : i32
      %dma_wait3A_912 = tpu.memref_slice %arg9[%dma_wait3A_910, %dma_wait3A_911] : memref<512x128xf32, #tpu.memory_space<vmem>> -> memref<8x128xf32, #tpu.memory_space<vmem>>
      %dma_wait3A_913 = arith.constant 0 : i32
      %dma_wait3A_914 = tpu.memref_slice %arg4[%dma_wait3A_913, %mul3A_204] : memref<32x1000000xf32, #tpu.memory_space<hbm>> -> memref<8x128xf32, #tpu.memory_space<hbm>>
      %dma_wait3A_915 = arith.constant 128 : i32
      %dma_wait3A_916 = arith.constant 0 : i32
      %dma_wait3A_917 = tpu.memref_slice %arg9[%dma_wait3A_915, %dma_wait3A_916] : memref<512x128xf32, #tpu.memory_space<vmem>> -> memref<8x128xf32, #tpu.memory_space<vmem>>
      %dma_wait3A_918 = arith.constant 0 : i32
      %dma_wait3A_919 = tpu.memref_slice %arg4[%dma_wait3A_918, %mul3A_204] : memref<32x1000000xf32, #tpu.memory_space<hbm>> -> memref<8x128xf32, #tpu.memory_space<hbm>>
      tpu.wait_dma2 semaphore(%arg12 : memref<!tpu.dma_semaphore, #tpu.memory_space<semaphore_mem>>) src(%dma_wait3A_919 : memref<8x128xf32, #tpu.memory_space<hbm>>) dst(%dma_wait3A_917 : memref<8x128xf32, #tpu.memory_space<vmem>>)
      %dma_wait3A_920 = arith.constant 136 : i32
      %dma_wait3A_921 = arith.constant 0 : i32
      %dma_wait3A_922 = tpu.memref_slice %arg9[%dma_wait3A_920, %dma_wait3A_921] : memref<512x128xf32, #tpu.memory_space<vmem>> -> memref<8x128xf32, #tpu.memory_space<vmem>>
      %dma_wait3A_923 = arith.constant 8 : i32
      %dma_wait3A_924 = tpu.memref_slice %arg4[%dma_wait3A_923, %mul3A_204] : memref<32x1000000xf32, #tpu.memory_space<hbm>> -> memref<8x128xf32, #tpu.memory_space<hbm>>
      %dma_wait3A_925 = arith.constant 136 : i32
      %dma_wait3A_926 = arith.constant 0 : i32
      %dma_wait3A_927 = tpu.memref_slice %arg9[%dma_wait3A_925, %dma_wait3A_926] : memref<512x128xf32, #tpu.memory_space<vmem>> -> memref<8x128xf32, #tpu.memory_space<vmem>>
      %dma_wait3A_928 = arith.constant 8 : i32
      %dma_wait3A_929 = tpu.memref_slice %arg4[%dma_wait3A_928, %mul3A_204] : memref<32x1000000xf32, #tpu.memory_space<hbm>> -> memref<8x128xf32, #tpu.memory_space<hbm>>
      tpu.wait_dma2 semaphore(%arg12 : memref<!tpu.dma_semaphore, #tpu.memory_space<semaphore_mem>>) src(%dma_wait3A_929 : memref<8x128xf32, #tpu.memory_space<hbm>>) dst(%dma_wait3A_927 : memref<8x128xf32, #tpu.memory_space<vmem>>)
      %dma_wait3A_930 = arith.constant 144 : i32
      %dma_wait3A_931 = arith.constant 0 : i32
      %dma_wait3A_932 = tpu.memref_slice %arg9[%dma_wait3A_930, %dma_wait3A_931] : memref<512x128xf32, #tpu.memory_space<vmem>> -> memref<8x128xf32, #tpu.memory_space<vmem>>
      %dma_wait3A_933 = arith.constant 16 : i32
      %dma_wait3A_934 = tpu.memref_slice %arg4[%dma_wait3A_933, %mul3A_204] : memref<32x1000000xf32, #tpu.memory_space<hbm>> -> memref<8x128xf32, #tpu.memory_space<hbm>>
      %dma_wait3A_935 = arith.constant 144 : i32
      %dma_wait3A_936 = arith.constant 0 : i32
      %dma_wait3A_937 = tpu.memref_slice %arg9[%dma_wait3A_935, %dma_wait3A_936] : memref<512x128xf32, #tpu.memory_space<vmem>> -> memref<8x128xf32, #tpu.memory_space<vmem>>
      %dma_wait3A_938 = arith.constant 16 : i32
      %dma_wait3A_939 = tpu.memref_slice %arg4[%dma_wait3A_938, %mul3A_204] : memref<32x1000000xf32, #tpu.memory_space<hbm>> -> memref<8x128xf32, #tpu.memory_space<hbm>>
      tpu.wait_dma2 semaphore(%arg12 : memref<!tpu.dma_semaphore, #tpu.memory_space<semaphore_mem>>) src(%dma_wait3A_939 : memref<8x128xf32, #tpu.memory_space<hbm>>) dst(%dma_wait3A_937 : memref<8x128xf32, #tpu.memory_space<vmem>>)
      %dma_wait3A_940 = arith.constant 152 : i32
      %dma_wait3A_941 = arith.constant 0 : i32
      %dma_wait3A_942 = tpu.memref_slice %arg9[%dma_wait3A_940, %dma_wait3A_941] : memref<512x128xf32, #tpu.memory_space<vmem>> -> memref<8x128xf32, #tpu.memory_space<vmem>>
      %dma_wait3A_943 = arith.constant 24 : i32
      %dma_wait3A_944 = tpu.memref_slice %arg4[%dma_wait3A_943, %mul3A_204] : memref<32x1000000xf32, #tpu.memory_space<hbm>> -> memref<8x128xf32, #tpu.memory_space<hbm>>
      %dma_wait3A_945 = arith.constant 152 : i32
      %dma_wait3A_946 = arith.constant 0 : i32
      %dma_wait3A_947 = tpu.memref_slice %arg9[%dma_wait3A_945, %dma_wait3A_946] : memref<512x128xf32, #tpu.memory_space<vmem>> -> memref<8x128xf32, #tpu.memory_space<vmem>>
      %dma_wait3A_948 = arith.constant 24 : i32
      %dma_wait3A_949 = tpu.memref_slice %arg4[%dma_wait3A_948, %mul3A_204] : memref<32x1000000xf32, #tpu.memory_space<hbm>> -> memref<8x128xf32, #tpu.memory_space<hbm>>
      tpu.wait_dma2 semaphore(%arg12 : memref<!tpu.dma_semaphore, #tpu.memory_space<semaphore_mem>>) src(%dma_wait3A_949 : memref<8x128xf32, #tpu.memory_space<hbm>>) dst(%dma_wait3A_947 : memref<8x128xf32, #tpu.memory_space<vmem>>)
      %dma_wait3A_950 = arith.constant 160 : i32
      %dma_wait3A_951 = arith.constant 0 : i32
      %dma_wait3A_952 = tpu.memref_slice %arg9[%dma_wait3A_950, %dma_wait3A_951] : memref<512x128xf32, #tpu.memory_space<vmem>> -> memref<8x128xf32, #tpu.memory_space<vmem>>
      %dma_wait3A_953 = arith.constant 0 : i32
      %dma_wait3A_954 = tpu.memref_slice %arg4[%dma_wait3A_953, %mul3A_250] : memref<32x1000000xf32, #tpu.memory_space<hbm>> -> memref<8x128xf32, #tpu.memory_space<hbm>>
      %dma_wait3A_955 = arith.constant 160 : i32
      %dma_wait3A_956 = arith.constant 0 : i32
      %dma_wait3A_957 = tpu.memref_slice %arg9[%dma_wait3A_955, %dma_wait3A_956] : memref<512x128xf32, #tpu.memory_space<vmem>> -> memref<8x128xf32, #tpu.memory_space<vmem>>
      %dma_wait3A_958 = arith.constant 0 : i32
      %dma_wait3A_959 = tpu.memref_slice %arg4[%dma_wait3A_958, %mul3A_250] : memref<32x1000000xf32, #tpu.memory_space<hbm>> -> memref<8x128xf32, #tpu.memory_space<hbm>>
      tpu.wait_dma2 semaphore(%arg12 : memref<!tpu.dma_semaphore, #tpu.memory_space<semaphore_mem>>) src(%dma_wait3A_959 : memref<8x128xf32, #tpu.memory_space<hbm>>) dst(%dma_wait3A_957 : memref<8x128xf32, #tpu.memory_space<vmem>>)
      %dma_wait3A_960 = arith.constant 168 : i32
      %dma_wait3A_961 = arith.constant 0 : i32
      %dma_wait3A_962 = tpu.memref_slice %arg9[%dma_wait3A_960, %dma_wait3A_961] : memref<512x128xf32, #tpu.memory_space<vmem>> -> memref<8x128xf32, #tpu.memory_space<vmem>>
      %dma_wait3A_963 = arith.constant 8 : i32
      %dma_wait3A_964 = tpu.memref_slice %arg4[%dma_wait3A_963, %mul3A_250] : memref<32x1000000xf32, #tpu.memory_space<hbm>> -> memref<8x128xf32, #tpu.memory_space<hbm>>
      %dma_wait3A_965 = arith.constant 168 : i32
      %dma_wait3A_966 = arith.constant 0 : i32
      %dma_wait3A_967 = tpu.memref_slice %arg9[%dma_wait3A_965, %dma_wait3A_966] : memref<512x128xf32, #tpu.memory_space<vmem>> -> memref<8x128xf32, #tpu.memory_space<vmem>>
      %dma_wait3A_968 = arith.constant 8 : i32
      %dma_wait3A_969 = tpu.memref_slice %arg4[%dma_wait3A_968, %mul3A_250] : memref<32x1000000xf32, #tpu.memory_space<hbm>> -> memref<8x128xf32, #tpu.memory_space<hbm>>
      tpu.wait_dma2 semaphore(%arg12 : memref<!tpu.dma_semaphore, #tpu.memory_space<semaphore_mem>>) src(%dma_wait3A_969 : memref<8x128xf32, #tpu.memory_space<hbm>>) dst(%dma_wait3A_967 : memref<8x128xf32, #tpu.memory_space<vmem>>)
      %dma_wait3A_970 = arith.constant 176 : i32
      %dma_wait3A_971 = arith.constant 0 : i32
      %dma_wait3A_972 = tpu.memref_slice %arg9[%dma_wait3A_970, %dma_wait3A_971] : memref<512x128xf32, #tpu.memory_space<vmem>> -> memref<8x128xf32, #tpu.memory_space<vmem>>
      %dma_wait3A_973 = arith.constant 16 : i32
      %dma_wait3A_974 = tpu.memref_slice %arg4[%dma_wait3A_973, %mul3A_250] : memref<32x1000000xf32, #tpu.memory_space<hbm>> -> memref<8x128xf32, #tpu.memory_space<hbm>>
      %dma_wait3A_975 = arith.constant 176 : i32
      %dma_wait3A_976 = arith.constant 0 : i32
      %dma_wait3A_977 = tpu.memref_slice %arg9[%dma_wait3A_975, %dma_wait3A_976] : memref<512x128xf32, #tpu.memory_space<vmem>> -> memref<8x128xf32, #tpu.memory_space<vmem>>
      %dma_wait3A_978 = arith.constant 16 : i32
      %dma_wait3A_979 = tpu.memref_slice %arg4[%dma_wait3A_978, %mul3A_250] : memref<32x1000000xf32, #tpu.memory_space<hbm>> -> memref<8x128xf32, #tpu.memory_space<hbm>>
      tpu.wait_dma2 semaphore(%arg12 : memref<!tpu.dma_semaphore, #tpu.memory_space<semaphore_mem>>) src(%dma_wait3A_979 : memref<8x128xf32, #tpu.memory_space<hbm>>) dst(%dma_wait3A_977 : memref<8x128xf32, #tpu.memory_space<vmem>>)
      %dma_wait3A_980 = arith.constant 184 : i32
      %dma_wait3A_981 = arith.constant 0 : i32
      %dma_wait3A_982 = tpu.memref_slice %arg9[%dma_wait3A_980, %dma_wait3A_981] : memref<512x128xf32, #tpu.memory_space<vmem>> -> memref<8x128xf32, #tpu.memory_space<vmem>>
      %dma_wait3A_983 = arith.constant 24 : i32
      %dma_wait3A_984 = tpu.memref_slice %arg4[%dma_wait3A_983, %mul3A_250] : memref<32x1000000xf32, #tpu.memory_space<hbm>> -> memref<8x128xf32, #tpu.memory_space<hbm>>
      %dma_wait3A_985 = arith.constant 184 : i32
      %dma_wait3A_986 = arith.constant 0 : i32
      %dma_wait3A_987 = tpu.memref_slice %arg9[%dma_wait3A_985, %dma_wait3A_986] : memref<512x128xf32, #tpu.memory_space<vmem>> -> memref<8x128xf32, #tpu.memory_space<vmem>>
      %dma_wait3A_988 = arith.constant 24 : i32
      %dma_wait3A_989 = tpu.memref_slice %arg4[%dma_wait3A_988, %mul3A_250] : memref<32x1000000xf32, #tpu.memory_space<hbm>> -> memref<8x128xf32, #tpu.memory_space<hbm>>
      tpu.wait_dma2 semaphore(%arg12 : memref<!tpu.dma_semaphore, #tpu.memory_space<semaphore_mem>>) src(%dma_wait3A_989 : memref<8x128xf32, #tpu.memory_space<hbm>>) dst(%dma_wait3A_987 : memref<8x128xf32, #tpu.memory_space<vmem>>)
      %dma_wait3A_990 = arith.constant 192 : i32
      %dma_wait3A_991 = arith.constant 0 : i32
      %dma_wait3A_992 = tpu.memref_slice %arg9[%dma_wait3A_990, %dma_wait3A_991] : memref<512x128xf32, #tpu.memory_space<vmem>> -> memref<8x128xf32, #tpu.memory_space<vmem>>
      %dma_wait3A_993 = arith.constant 0 : i32
      %dma_wait3A_994 = tpu.memref_slice %arg4[%dma_wait3A_993, %mul3A_296] : memref<32x1000000xf32, #tpu.memory_space<hbm>> -> memref<8x128xf32, #tpu.memory_space<hbm>>
      %dma_wait3A_995 = arith.constant 192 : i32
      %dma_wait3A_996 = arith.constant 0 : i32
      %dma_wait3A_997 = tpu.memref_slice %arg9[%dma_wait3A_995, %dma_wait3A_996] : memref<512x128xf32, #tpu.memory_space<vmem>> -> memref<8x128xf32, #tpu.memory_space<vmem>>
      %dma_wait3A_998 = arith.constant 0 : i32
      %dma_wait3A_999 = tpu.memref_slice %arg4[%dma_wait3A_998, %mul3A_296] : memref<32x1000000xf32, #tpu.memory_space<hbm>> -> memref<8x128xf32, #tpu.memory_space<hbm>>
      tpu.wait_dma2 semaphore(%arg12 : memref<!tpu.dma_semaphore, #tpu.memory_space<semaphore_mem>>) src(%dma_wait3A_999 : memref<8x128xf32, #tpu.memory_space<hbm>>) dst(%dma_wait3A_997 : memref<8x128xf32, #tpu.memory_space<vmem>>)
      %dma_wait3A_1000 = arith.constant 200 : i32
      %dma_wait3A_1001 = arith.constant 0 : i32
      %dma_wait3A_1002 = tpu.memref_slice %arg9[%dma_wait3A_1000, %dma_wait3A_1001] : memref<512x128xf32, #tpu.memory_space<vmem>> -> memref<8x128xf32, #tpu.memory_space<vmem>>
      %dma_wait3A_1003 = arith.constant 8 : i32
      %dma_wait3A_1004 = tpu.memref_slice %arg4[%dma_wait3A_1003, %mul3A_296] : memref<32x1000000xf32, #tpu.memory_space<hbm>> -> memref<8x128xf32, #tpu.memory_space<hbm>>
      %dma_wait3A_1005 = arith.constant 200 : i32
      %dma_wait3A_1006 = arith.constant 0 : i32
      %dma_wait3A_1007 = tpu.memref_slice %arg9[%dma_wait3A_1005, %dma_wait3A_1006] : memref<512x128xf32, #tpu.memory_space<vmem>> -> memref<8x128xf32, #tpu.memory_space<vmem>>
      %dma_wait3A_1008 = arith.constant 8 : i32
      %dma_wait3A_1009 = tpu.memref_slice %arg4[%dma_wait3A_1008, %mul3A_296] : memref<32x1000000xf32, #tpu.memory_space<hbm>> -> memref<8x128xf32, #tpu.memory_space<hbm>>
      tpu.wait_dma2 semaphore(%arg12 : memref<!tpu.dma_semaphore, #tpu.memory_space<semaphore_mem>>) src(%dma_wait3A_1009 : memref<8x128xf32, #tpu.memory_space<hbm>>) dst(%dma_wait3A_1007 : memref<8x128xf32, #tpu.memory_space<vmem>>)
      %dma_wait3A_1010 = arith.constant 208 : i32
      %dma_wait3A_1011 = arith.constant 0 : i32
      %dma_wait3A_1012 = tpu.memref_slice %arg9[%dma_wait3A_1010, %dma_wait3A_1011] : memref<512x128xf32, #tpu.memory_space<vmem>> -> memref<8x128xf32, #tpu.memory_space<vmem>>
      %dma_wait3A_1013 = arith.constant 16 : i32
      %dma_wait3A_1014 = tpu.memref_slice %arg4[%dma_wait3A_1013, %mul3A_296] : memref<32x1000000xf32, #tpu.memory_space<hbm>> -> memref<8x128xf32, #tpu.memory_space<hbm>>
      %dma_wait3A_1015 = arith.constant 208 : i32
      %dma_wait3A_1016 = arith.constant 0 : i32
      %dma_wait3A_1017 = tpu.memref_slice %arg9[%dma_wait3A_1015, %dma_wait3A_1016] : memref<512x128xf32, #tpu.memory_space<vmem>> -> memref<8x128xf32, #tpu.memory_space<vmem>>
      %dma_wait3A_1018 = arith.constant 16 : i32
      %dma_wait3A_1019 = tpu.memref_slice %arg4[%dma_wait3A_1018, %mul3A_296] : memref<32x1000000xf32, #tpu.memory_space<hbm>> -> memref<8x128xf32, #tpu.memory_space<hbm>>
      tpu.wait_dma2 semaphore(%arg12 : memref<!tpu.dma_semaphore, #tpu.memory_space<semaphore_mem>>) src(%dma_wait3A_1019 : memref<8x128xf32, #tpu.memory_space<hbm>>) dst(%dma_wait3A_1017 : memref<8x128xf32, #tpu.memory_space<vmem>>)
      %dma_wait3A_1020 = arith.constant 216 : i32
      %dma_wait3A_1021 = arith.constant 0 : i32
      %dma_wait3A_1022 = tpu.memref_slice %arg9[%dma_wait3A_1020, %dma_wait3A_1021] : memref<512x128xf32, #tpu.memory_space<vmem>> -> memref<8x128xf32, #tpu.memory_space<vmem>>
      %dma_wait3A_1023 = arith.constant 24 : i32
      %dma_wait3A_1024 = tpu.memref_slice %arg4[%dma_wait3A_1023, %mul3A_296] : memref<32x1000000xf32, #tpu.memory_space<hbm>> -> memref<8x128xf32, #tpu.memory_space<hbm>>
      %dma_wait3A_1025 = arith.constant 216 : i32
      %dma_wait3A_1026 = arith.constant 0 : i32
      %dma_wait3A_1027 = tpu.memref_slice %arg9[%dma_wait3A_1025, %dma_wait3A_1026] : memref<512x128xf32, #tpu.memory_space<vmem>> -> memref<8x128xf32, #tpu.memory_space<vmem>>
      %dma_wait3A_1028 = arith.constant 24 : i32
      %dma_wait3A_1029 = tpu.memref_slice %arg4[%dma_wait3A_1028, %mul3A_296] : memref<32x1000000xf32, #tpu.memory_space<hbm>> -> memref<8x128xf32, #tpu.memory_space<hbm>>
      tpu.wait_dma2 semaphore(%arg12 : memref<!tpu.dma_semaphore, #tpu.memory_space<semaphore_mem>>) src(%dma_wait3A_1029 : memref<8x128xf32, #tpu.memory_space<hbm>>) dst(%dma_wait3A_1027 : memref<8x128xf32, #tpu.memory_space<vmem>>)
      %dma_wait3A_1030 = arith.constant 224 : i32
      %dma_wait3A_1031 = arith.constant 0 : i32
      %dma_wait3A_1032 = tpu.memref_slice %arg9[%dma_wait3A_1030, %dma_wait3A_1031] : memref<512x128xf32, #tpu.memory_space<vmem>> -> memref<8x128xf32, #tpu.memory_space<vmem>>
      %dma_wait3A_1033 = arith.constant 0 : i32
      %dma_wait3A_1034 = tpu.memref_slice %arg4[%dma_wait3A_1033, %mul3A_342] : memref<32x1000000xf32, #tpu.memory_space<hbm>> -> memref<8x128xf32, #tpu.memory_space<hbm>>
      %dma_wait3A_1035 = arith.constant 224 : i32
      %dma_wait3A_1036 = arith.constant 0 : i32
      %dma_wait3A_1037 = tpu.memref_slice %arg9[%dma_wait3A_1035, %dma_wait3A_1036] : memref<512x128xf32, #tpu.memory_space<vmem>> -> memref<8x128xf32, #tpu.memory_space<vmem>>
      %dma_wait3A_1038 = arith.constant 0 : i32
      %dma_wait3A_1039 = tpu.memref_slice %arg4[%dma_wait3A_1038, %mul3A_342] : memref<32x1000000xf32, #tpu.memory_space<hbm>> -> memref<8x128xf32, #tpu.memory_space<hbm>>
      tpu.wait_dma2 semaphore(%arg12 : memref<!tpu.dma_semaphore, #tpu.memory_space<semaphore_mem>>) src(%dma_wait3A_1039 : memref<8x128xf32, #tpu.memory_space<hbm>>) dst(%dma_wait3A_1037 : memref<8x128xf32, #tpu.memory_space<vmem>>)
      %dma_wait3A_1040 = arith.constant 232 : i32
      %dma_wait3A_1041 = arith.constant 0 : i32
      %dma_wait3A_1042 = tpu.memref_slice %arg9[%dma_wait3A_1040, %dma_wait3A_1041] : memref<512x128xf32, #tpu.memory_space<vmem>> -> memref<8x128xf32, #tpu.memory_space<vmem>>
      %dma_wait3A_1043 = arith.constant 8 : i32
      %dma_wait3A_1044 = tpu.memref_slice %arg4[%dma_wait3A_1043, %mul3A_342] : memref<32x1000000xf32, #tpu.memory_space<hbm>> -> memref<8x128xf32, #tpu.memory_space<hbm>>
      %dma_wait3A_1045 = arith.constant 232 : i32
      %dma_wait3A_1046 = arith.constant 0 : i32
      %dma_wait3A_1047 = tpu.memref_slice %arg9[%dma_wait3A_1045, %dma_wait3A_1046] : memref<512x128xf32, #tpu.memory_space<vmem>> -> memref<8x128xf32, #tpu.memory_space<vmem>>
      %dma_wait3A_1048 = arith.constant 8 : i32
      %dma_wait3A_1049 = tpu.memref_slice %arg4[%dma_wait3A_1048, %mul3A_342] : memref<32x1000000xf32, #tpu.memory_space<hbm>> -> memref<8x128xf32, #tpu.memory_space<hbm>>
      tpu.wait_dma2 semaphore(%arg12 : memref<!tpu.dma_semaphore, #tpu.memory_space<semaphore_mem>>) src(%dma_wait3A_1049 : memref<8x128xf32, #tpu.memory_space<hbm>>) dst(%dma_wait3A_1047 : memref<8x128xf32, #tpu.memory_space<vmem>>)
      %dma_wait3A_1050 = arith.constant 240 : i32
      %dma_wait3A_1051 = arith.constant 0 : i32
      %dma_wait3A_1052 = tpu.memref_slice %arg9[%dma_wait3A_1050, %dma_wait3A_1051] : memref<512x128xf32, #tpu.memory_space<vmem>> -> memref<8x128xf32, #tpu.memory_space<vmem>>
      %dma_wait3A_1053 = arith.constant 16 : i32
      %dma_wait3A_1054 = tpu.memref_slice %arg4[%dma_wait3A_1053, %mul3A_342] : memref<32x1000000xf32, #tpu.memory_space<hbm>> -> memref<8x128xf32, #tpu.memory_space<hbm>>
      %dma_wait3A_1055 = arith.constant 240 : i32
      %dma_wait3A_1056 = arith.constant 0 : i32
      %dma_wait3A_1057 = tpu.memref_slice %arg9[%dma_wait3A_1055, %dma_wait3A_1056] : memref<512x128xf32, #tpu.memory_space<vmem>> -> memref<8x128xf32, #tpu.memory_space<vmem>>
      %dma_wait3A_1058 = arith.constant 16 : i32
      %dma_wait3A_1059 = tpu.memref_slice %arg4[%dma_wait3A_1058, %mul3A_342] : memref<32x1000000xf32, #tpu.memory_space<hbm>> -> memref<8x128xf32, #tpu.memory_space<hbm>>
      tpu.wait_dma2 semaphore(%arg12 : memref<!tpu.dma_semaphore, #tpu.memory_space<semaphore_mem>>) src(%dma_wait3A_1059 : memref<8x128xf32, #tpu.memory_space<hbm>>) dst(%dma_wait3A_1057 : memref<8x128xf32, #tpu.memory_space<vmem>>)
      %dma_wait3A_1060 = arith.constant 248 : i32
      %dma_wait3A_1061 = arith.constant 0 : i32
      %dma_wait3A_1062 = tpu.memref_slice %arg9[%dma_wait3A_1060, %dma_wait3A_1061] : memref<512x128xf32, #tpu.memory_space<vmem>> -> memref<8x128xf32, #tpu.memory_space<vmem>>
      %dma_wait3A_1063 = arith.constant 24 : i32
      %dma_wait3A_1064 = tpu.memref_slice %arg4[%dma_wait3A_1063, %mul3A_342] : memref<32x1000000xf32, #tpu.memory_space<hbm>> -> memref<8x128xf32, #tpu.memory_space<hbm>>
      %dma_wait3A_1065 = arith.constant 248 : i32
      %dma_wait3A_1066 = arith.constant 0 : i32
      %dma_wait3A_1067 = tpu.memref_slice %arg9[%dma_wait3A_1065, %dma_wait3A_1066] : memref<512x128xf32, #tpu.memory_space<vmem>> -> memref<8x128xf32, #tpu.memory_space<vmem>>
      %dma_wait3A_1068 = arith.constant 24 : i32
      %dma_wait3A_1069 = tpu.memref_slice %arg4[%dma_wait3A_1068, %mul3A_342] : memref<32x1000000xf32, #tpu.memory_space<hbm>> -> memref<8x128xf32, #tpu.memory_space<hbm>>
      tpu.wait_dma2 semaphore(%arg12 : memref<!tpu.dma_semaphore, #tpu.memory_space<semaphore_mem>>) src(%dma_wait3A_1069 : memref<8x128xf32, #tpu.memory_space<hbm>>) dst(%dma_wait3A_1067 : memref<8x128xf32, #tpu.memory_space<vmem>>)
      %dma_wait3A_1070 = arith.constant 256 : i32
      %dma_wait3A_1071 = arith.constant 0 : i32
      %dma_wait3A_1072 = tpu.memref_slice %arg9[%dma_wait3A_1070, %dma_wait3A_1071] : memref<512x128xf32, #tpu.memory_space<vmem>> -> memref<8x128xf32, #tpu.memory_space<vmem>>
      %dma_wait3A_1073 = arith.constant 0 : i32
      %dma_wait3A_1074 = tpu.memref_slice %arg4[%dma_wait3A_1073, %mul3A_388] : memref<32x1000000xf32, #tpu.memory_space<hbm>> -> memref<8x128xf32, #tpu.memory_space<hbm>>
      %dma_wait3A_1075 = arith.constant 256 : i32
      %dma_wait3A_1076 = arith.constant 0 : i32
      %dma_wait3A_1077 = tpu.memref_slice %arg9[%dma_wait3A_1075, %dma_wait3A_1076] : memref<512x128xf32, #tpu.memory_space<vmem>> -> memref<8x128xf32, #tpu.memory_space<vmem>>
      %dma_wait3A_1078 = arith.constant 0 : i32
      %dma_wait3A_1079 = tpu.memref_slice %arg4[%dma_wait3A_1078, %mul3A_388] : memref<32x1000000xf32, #tpu.memory_space<hbm>> -> memref<8x128xf32, #tpu.memory_space<hbm>>
      tpu.wait_dma2 semaphore(%arg12 : memref<!tpu.dma_semaphore, #tpu.memory_space<semaphore_mem>>) src(%dma_wait3A_1079 : memref<8x128xf32, #tpu.memory_space<hbm>>) dst(%dma_wait3A_1077 : memref<8x128xf32, #tpu.memory_space<vmem>>)
      %dma_wait3A_1080 = arith.constant 264 : i32
      %dma_wait3A_1081 = arith.constant 0 : i32
      %dma_wait3A_1082 = tpu.memref_slice %arg9[%dma_wait3A_1080, %dma_wait3A_1081] : memref<512x128xf32, #tpu.memory_space<vmem>> -> memref<8x128xf32, #tpu.memory_space<vmem>>
      %dma_wait3A_1083 = arith.constant 8 : i32
      %dma_wait3A_1084 = tpu.memref_slice %arg4[%dma_wait3A_1083, %mul3A_388] : memref<32x1000000xf32, #tpu.memory_space<hbm>> -> memref<8x128xf32, #tpu.memory_space<hbm>>
      %dma_wait3A_1085 = arith.constant 264 : i32
      %dma_wait3A_1086 = arith.constant 0 : i32
      %dma_wait3A_1087 = tpu.memref_slice %arg9[%dma_wait3A_1085, %dma_wait3A_1086] : memref<512x128xf32, #tpu.memory_space<vmem>> -> memref<8x128xf32, #tpu.memory_space<vmem>>
      %dma_wait3A_1088 = arith.constant 8 : i32
      %dma_wait3A_1089 = tpu.memref_slice %arg4[%dma_wait3A_1088, %mul3A_388] : memref<32x1000000xf32, #tpu.memory_space<hbm>> -> memref<8x128xf32, #tpu.memory_space<hbm>>
      tpu.wait_dma2 semaphore(%arg12 : memref<!tpu.dma_semaphore, #tpu.memory_space<semaphore_mem>>) src(%dma_wait3A_1089 : memref<8x128xf32, #tpu.memory_space<hbm>>) dst(%dma_wait3A_1087 : memref<8x128xf32, #tpu.memory_space<vmem>>)
      %dma_wait3A_1090 = arith.constant 272 : i32
      %dma_wait3A_1091 = arith.constant 0 : i32
      %dma_wait3A_1092 = tpu.memref_slice %arg9[%dma_wait3A_1090, %dma_wait3A_1091] : memref<512x128xf32, #tpu.memory_space<vmem>> -> memref<8x128xf32, #tpu.memory_space<vmem>>
      %dma_wait3A_1093 = arith.constant 16 : i32
      %dma_wait3A_1094 = tpu.memref_slice %arg4[%dma_wait3A_1093, %mul3A_388] : memref<32x1000000xf32, #tpu.memory_space<hbm>> -> memref<8x128xf32, #tpu.memory_space<hbm>>
      %dma_wait3A_1095 = arith.constant 272 : i32
      %dma_wait3A_1096 = arith.constant 0 : i32
      %dma_wait3A_1097 = tpu.memref_slice %arg9[%dma_wait3A_1095, %dma_wait3A_1096] : memref<512x128xf32, #tpu.memory_space<vmem>> -> memref<8x128xf32, #tpu.memory_space<vmem>>
      %dma_wait3A_1098 = arith.constant 16 : i32
      %dma_wait3A_1099 = tpu.memref_slice %arg4[%dma_wait3A_1098, %mul3A_388] : memref<32x1000000xf32, #tpu.memory_space<hbm>> -> memref<8x128xf32, #tpu.memory_space<hbm>>
      tpu.wait_dma2 semaphore(%arg12 : memref<!tpu.dma_semaphore, #tpu.memory_space<semaphore_mem>>) src(%dma_wait3A_1099 : memref<8x128xf32, #tpu.memory_space<hbm>>) dst(%dma_wait3A_1097 : memref<8x128xf32, #tpu.memory_space<vmem>>)
      %dma_wait3A_1100 = arith.constant 280 : i32
      %dma_wait3A_1101 = arith.constant 0 : i32
      %dma_wait3A_1102 = tpu.memref_slice %arg9[%dma_wait3A_1100, %dma_wait3A_1101] : memref<512x128xf32, #tpu.memory_space<vmem>> -> memref<8x128xf32, #tpu.memory_space<vmem>>
      %dma_wait3A_1103 = arith.constant 24 : i32
      %dma_wait3A_1104 = tpu.memref_slice %arg4[%dma_wait3A_1103, %mul3A_388] : memref<32x1000000xf32, #tpu.memory_space<hbm>> -> memref<8x128xf32, #tpu.memory_space<hbm>>
      %dma_wait3A_1105 = arith.constant 280 : i32
      %dma_wait3A_1106 = arith.constant 0 : i32
      %dma_wait3A_1107 = tpu.memref_slice %arg9[%dma_wait3A_1105, %dma_wait3A_1106] : memref<512x128xf32, #tpu.memory_space<vmem>> -> memref<8x128xf32, #tpu.memory_space<vmem>>
      %dma_wait3A_1108 = arith.constant 24 : i32
      %dma_wait3A_1109 = tpu.memref_slice %arg4[%dma_wait3A_1108, %mul3A_388] : memref<32x1000000xf32, #tpu.memory_space<hbm>> -> memref<8x128xf32, #tpu.memory_space<hbm>>
      tpu.wait_dma2 semaphore(%arg12 : memref<!tpu.dma_semaphore, #tpu.memory_space<semaphore_mem>>) src(%dma_wait3A_1109 : memref<8x128xf32, #tpu.memory_space<hbm>>) dst(%dma_wait3A_1107 : memref<8x128xf32, #tpu.memory_space<vmem>>)
      %dma_wait3A_1110 = arith.constant 288 : i32
      %dma_wait3A_1111 = arith.constant 0 : i32
      %dma_wait3A_1112 = tpu.memref_slice %arg9[%dma_wait3A_1110, %dma_wait3A_1111] : memref<512x128xf32, #tpu.memory_space<vmem>> -> memref<8x128xf32, #tpu.memory_space<vmem>>
      %dma_wait3A_1113 = arith.constant 0 : i32
      %dma_wait3A_1114 = tpu.memref_slice %arg4[%dma_wait3A_1113, %mul3A_434] : memref<32x1000000xf32, #tpu.memory_space<hbm>> -> memref<8x128xf32, #tpu.memory_space<hbm>>
      %dma_wait3A_1115 = arith.constant 288 : i32
      %dma_wait3A_1116 = arith.constant 0 : i32
      %dma_wait3A_1117 = tpu.memref_slice %arg9[%dma_wait3A_1115, %dma_wait3A_1116] : memref<512x128xf32, #tpu.memory_space<vmem>> -> memref<8x128xf32, #tpu.memory_space<vmem>>
      %dma_wait3A_1118 = arith.constant 0 : i32
      %dma_wait3A_1119 = tpu.memref_slice %arg4[%dma_wait3A_1118, %mul3A_434] : memref<32x1000000xf32, #tpu.memory_space<hbm>> -> memref<8x128xf32, #tpu.memory_space<hbm>>
      tpu.wait_dma2 semaphore(%arg12 : memref<!tpu.dma_semaphore, #tpu.memory_space<semaphore_mem>>) src(%dma_wait3A_1119 : memref<8x128xf32, #tpu.memory_space<hbm>>) dst(%dma_wait3A_1117 : memref<8x128xf32, #tpu.memory_space<vmem>>)
      %dma_wait3A_1120 = arith.constant 296 : i32
      %dma_wait3A_1121 = arith.constant 0 : i32
      %dma_wait3A_1122 = tpu.memref_slice %arg9[%dma_wait3A_1120, %dma_wait3A_1121] : memref<512x128xf32, #tpu.memory_space<vmem>> -> memref<8x128xf32, #tpu.memory_space<vmem>>
      %dma_wait3A_1123 = arith.constant 8 : i32
      %dma_wait3A_1124 = tpu.memref_slice %arg4[%dma_wait3A_1123, %mul3A_434] : memref<32x1000000xf32, #tpu.memory_space<hbm>> -> memref<8x128xf32, #tpu.memory_space<hbm>>
      %dma_wait3A_1125 = arith.constant 296 : i32
      %dma_wait3A_1126 = arith.constant 0 : i32
      %dma_wait3A_1127 = tpu.memref_slice %arg9[%dma_wait3A_1125, %dma_wait3A_1126] : memref<512x128xf32, #tpu.memory_space<vmem>> -> memref<8x128xf32, #tpu.memory_space<vmem>>
      %dma_wait3A_1128 = arith.constant 8 : i32
      %dma_wait3A_1129 = tpu.memref_slice %arg4[%dma_wait3A_1128, %mul3A_434] : memref<32x1000000xf32, #tpu.memory_space<hbm>> -> memref<8x128xf32, #tpu.memory_space<hbm>>
      tpu.wait_dma2 semaphore(%arg12 : memref<!tpu.dma_semaphore, #tpu.memory_space<semaphore_mem>>) src(%dma_wait3A_1129 : memref<8x128xf32, #tpu.memory_space<hbm>>) dst(%dma_wait3A_1127 : memref<8x128xf32, #tpu.memory_space<vmem>>)
      %dma_wait3A_1130 = arith.constant 304 : i32
      %dma_wait3A_1131 = arith.constant 0 : i32
      %dma_wait3A_1132 = tpu.memref_slice %arg9[%dma_wait3A_1130, %dma_wait3A_1131] : memref<512x128xf32, #tpu.memory_space<vmem>> -> memref<8x128xf32, #tpu.memory_space<vmem>>
      %dma_wait3A_1133 = arith.constant 16 : i32
      %dma_wait3A_1134 = tpu.memref_slice %arg4[%dma_wait3A_1133, %mul3A_434] : memref<32x1000000xf32, #tpu.memory_space<hbm>> -> memref<8x128xf32, #tpu.memory_space<hbm>>
      %dma_wait3A_1135 = arith.constant 304 : i32
      %dma_wait3A_1136 = arith.constant 0 : i32
      %dma_wait3A_1137 = tpu.memref_slice %arg9[%dma_wait3A_1135, %dma_wait3A_1136] : memref<512x128xf32, #tpu.memory_space<vmem>> -> memref<8x128xf32, #tpu.memory_space<vmem>>
      %dma_wait3A_1138 = arith.constant 16 : i32
      %dma_wait3A_1139 = tpu.memref_slice %arg4[%dma_wait3A_1138, %mul3A_434] : memref<32x1000000xf32, #tpu.memory_space<hbm>> -> memref<8x128xf32, #tpu.memory_space<hbm>>
      tpu.wait_dma2 semaphore(%arg12 : memref<!tpu.dma_semaphore, #tpu.memory_space<semaphore_mem>>) src(%dma_wait3A_1139 : memref<8x128xf32, #tpu.memory_space<hbm>>) dst(%dma_wait3A_1137 : memref<8x128xf32, #tpu.memory_space<vmem>>)
      %dma_wait3A_1140 = arith.constant 312 : i32
      %dma_wait3A_1141 = arith.constant 0 : i32
      %dma_wait3A_1142 = tpu.memref_slice %arg9[%dma_wait3A_1140, %dma_wait3A_1141] : memref<512x128xf32, #tpu.memory_space<vmem>> -> memref<8x128xf32, #tpu.memory_space<vmem>>
      %dma_wait3A_1143 = arith.constant 24 : i32
      %dma_wait3A_1144 = tpu.memref_slice %arg4[%dma_wait3A_1143, %mul3A_434] : memref<32x1000000xf32, #tpu.memory_space<hbm>> -> memref<8x128xf32, #tpu.memory_space<hbm>>
      %dma_wait3A_1145 = arith.constant 312 : i32
      %dma_wait3A_1146 = arith.constant 0 : i32
      %dma_wait3A_1147 = tpu.memref_slice %arg9[%dma_wait3A_1145, %dma_wait3A_1146] : memref<512x128xf32, #tpu.memory_space<vmem>> -> memref<8x128xf32, #tpu.memory_space<vmem>>
      %dma_wait3A_1148 = arith.constant 24 : i32
      %dma_wait3A_1149 = tpu.memref_slice %arg4[%dma_wait3A_1148, %mul3A_434] : memref<32x1000000xf32, #tpu.memory_space<hbm>> -> memref<8x128xf32, #tpu.memory_space<hbm>>
      tpu.wait_dma2 semaphore(%arg12 : memref<!tpu.dma_semaphore, #tpu.memory_space<semaphore_mem>>) src(%dma_wait3A_1149 : memref<8x128xf32, #tpu.memory_space<hbm>>) dst(%dma_wait3A_1147 : memref<8x128xf32, #tpu.memory_space<vmem>>)
      %dma_wait3A_1150 = arith.constant 320 : i32
      %dma_wait3A_1151 = arith.constant 0 : i32
      %dma_wait3A_1152 = tpu.memref_slice %arg9[%dma_wait3A_1150, %dma_wait3A_1151] : memref<512x128xf32, #tpu.memory_space<vmem>> -> memref<8x128xf32, #tpu.memory_space<vmem>>
      %dma_wait3A_1153 = arith.constant 0 : i32
      %dma_wait3A_1154 = tpu.memref_slice %arg4[%dma_wait3A_1153, %mul3A_480] : memref<32x1000000xf32, #tpu.memory_space<hbm>> -> memref<8x128xf32, #tpu.memory_space<hbm>>
      %dma_wait3A_1155 = arith.constant 320 : i32
      %dma_wait3A_1156 = arith.constant 0 : i32
      %dma_wait3A_1157 = tpu.memref_slice %arg9[%dma_wait3A_1155, %dma_wait3A_1156] : memref<512x128xf32, #tpu.memory_space<vmem>> -> memref<8x128xf32, #tpu.memory_space<vmem>>
      %dma_wait3A_1158 = arith.constant 0 : i32
      %dma_wait3A_1159 = tpu.memref_slice %arg4[%dma_wait3A_1158, %mul3A_480] : memref<32x1000000xf32, #tpu.memory_space<hbm>> -> memref<8x128xf32, #tpu.memory_space<hbm>>
      tpu.wait_dma2 semaphore(%arg12 : memref<!tpu.dma_semaphore, #tpu.memory_space<semaphore_mem>>) src(%dma_wait3A_1159 : memref<8x128xf32, #tpu.memory_space<hbm>>) dst(%dma_wait3A_1157 : memref<8x128xf32, #tpu.memory_space<vmem>>)
      %dma_wait3A_1160 = arith.constant 328 : i32
      %dma_wait3A_1161 = arith.constant 0 : i32
      %dma_wait3A_1162 = tpu.memref_slice %arg9[%dma_wait3A_1160, %dma_wait3A_1161] : memref<512x128xf32, #tpu.memory_space<vmem>> -> memref<8x128xf32, #tpu.memory_space<vmem>>
      %dma_wait3A_1163 = arith.constant 8 : i32
      %dma_wait3A_1164 = tpu.memref_slice %arg4[%dma_wait3A_1163, %mul3A_480] : memref<32x1000000xf32, #tpu.memory_space<hbm>> -> memref<8x128xf32, #tpu.memory_space<hbm>>
      %dma_wait3A_1165 = arith.constant 328 : i32
      %dma_wait3A_1166 = arith.constant 0 : i32
      %dma_wait3A_1167 = tpu.memref_slice %arg9[%dma_wait3A_1165, %dma_wait3A_1166] : memref<512x128xf32, #tpu.memory_space<vmem>> -> memref<8x128xf32, #tpu.memory_space<vmem>>
      %dma_wait3A_1168 = arith.constant 8 : i32
      %dma_wait3A_1169 = tpu.memref_slice %arg4[%dma_wait3A_1168, %mul3A_480] : memref<32x1000000xf32, #tpu.memory_space<hbm>> -> memref<8x128xf32, #tpu.memory_space<hbm>>
      tpu.wait_dma2 semaphore(%arg12 : memref<!tpu.dma_semaphore, #tpu.memory_space<semaphore_mem>>) src(%dma_wait3A_1169 : memref<8x128xf32, #tpu.memory_space<hbm>>) dst(%dma_wait3A_1167 : memref<8x128xf32, #tpu.memory_space<vmem>>)
      %dma_wait3A_1170 = arith.constant 336 : i32
      %dma_wait3A_1171 = arith.constant 0 : i32
      %dma_wait3A_1172 = tpu.memref_slice %arg9[%dma_wait3A_1170, %dma_wait3A_1171] : memref<512x128xf32, #tpu.memory_space<vmem>> -> memref<8x128xf32, #tpu.memory_space<vmem>>
      %dma_wait3A_1173 = arith.constant 16 : i32
      %dma_wait3A_1174 = tpu.memref_slice %arg4[%dma_wait3A_1173, %mul3A_480] : memref<32x1000000xf32, #tpu.memory_space<hbm>> -> memref<8x128xf32, #tpu.memory_space<hbm>>
      %dma_wait3A_1175 = arith.constant 336 : i32
      %dma_wait3A_1176 = arith.constant 0 : i32
      %dma_wait3A_1177 = tpu.memref_slice %arg9[%dma_wait3A_1175, %dma_wait3A_1176] : memref<512x128xf32, #tpu.memory_space<vmem>> -> memref<8x128xf32, #tpu.memory_space<vmem>>
      %dma_wait3A_1178 = arith.constant 16 : i32
      %dma_wait3A_1179 = tpu.memref_slice %arg4[%dma_wait3A_1178, %mul3A_480] : memref<32x1000000xf32, #tpu.memory_space<hbm>> -> memref<8x128xf32, #tpu.memory_space<hbm>>
      tpu.wait_dma2 semaphore(%arg12 : memref<!tpu.dma_semaphore, #tpu.memory_space<semaphore_mem>>) src(%dma_wait3A_1179 : memref<8x128xf32, #tpu.memory_space<hbm>>) dst(%dma_wait3A_1177 : memref<8x128xf32, #tpu.memory_space<vmem>>)
      %dma_wait3A_1180 = arith.constant 344 : i32
      %dma_wait3A_1181 = arith.constant 0 : i32
      %dma_wait3A_1182 = tpu.memref_slice %arg9[%dma_wait3A_1180, %dma_wait3A_1181] : memref<512x128xf32, #tpu.memory_space<vmem>> -> memref<8x128xf32, #tpu.memory_space<vmem>>
      %dma_wait3A_1183 = arith.constant 24 : i32
      %dma_wait3A_1184 = tpu.memref_slice %arg4[%dma_wait3A_1183, %mul3A_480] : memref<32x1000000xf32, #tpu.memory_space<hbm>> -> memref<8x128xf32, #tpu.memory_space<hbm>>
      %dma_wait3A_1185 = arith.constant 344 : i32
      %dma_wait3A_1186 = arith.constant 0 : i32
      %dma_wait3A_1187 = tpu.memref_slice %arg9[%dma_wait3A_1185, %dma_wait3A_1186] : memref<512x128xf32, #tpu.memory_space<vmem>> -> memref<8x128xf32, #tpu.memory_space<vmem>>
      %dma_wait3A_1188 = arith.constant 24 : i32
      %dma_wait3A_1189 = tpu.memref_slice %arg4[%dma_wait3A_1188, %mul3A_480] : memref<32x1000000xf32, #tpu.memory_space<hbm>> -> memref<8x128xf32, #tpu.memory_space<hbm>>
      tpu.wait_dma2 semaphore(%arg12 : memref<!tpu.dma_semaphore, #tpu.memory_space<semaphore_mem>>) src(%dma_wait3A_1189 : memref<8x128xf32, #tpu.memory_space<hbm>>) dst(%dma_wait3A_1187 : memref<8x128xf32, #tpu.memory_space<vmem>>)
      %dma_wait3A_1190 = arith.constant 352 : i32
      %dma_wait3A_1191 = arith.constant 0 : i32
      %dma_wait3A_1192 = tpu.memref_slice %arg9[%dma_wait3A_1190, %dma_wait3A_1191] : memref<512x128xf32, #tpu.memory_space<vmem>> -> memref<8x128xf32, #tpu.memory_space<vmem>>
      %dma_wait3A_1193 = arith.constant 0 : i32
      %dma_wait3A_1194 = tpu.memref_slice %arg4[%dma_wait3A_1193, %mul3A_526] : memref<32x1000000xf32, #tpu.memory_space<hbm>> -> memref<8x128xf32, #tpu.memory_space<hbm>>
      %dma_wait3A_1195 = arith.constant 352 : i32
      %dma_wait3A_1196 = arith.constant 0 : i32
      %dma_wait3A_1197 = tpu.memref_slice %arg9[%dma_wait3A_1195, %dma_wait3A_1196] : memref<512x128xf32, #tpu.memory_space<vmem>> -> memref<8x128xf32, #tpu.memory_space<vmem>>
      %dma_wait3A_1198 = arith.constant 0 : i32
      %dma_wait3A_1199 = tpu.memref_slice %arg4[%dma_wait3A_1198, %mul3A_526] : memref<32x1000000xf32, #tpu.memory_space<hbm>> -> memref<8x128xf32, #tpu.memory_space<hbm>>
      tpu.wait_dma2 semaphore(%arg12 : memref<!tpu.dma_semaphore, #tpu.memory_space<semaphore_mem>>) src(%dma_wait3A_1199 : memref<8x128xf32, #tpu.memory_space<hbm>>) dst(%dma_wait3A_1197 : memref<8x128xf32, #tpu.memory_space<vmem>>)
      %dma_wait3A_1200 = arith.constant 360 : i32
      %dma_wait3A_1201 = arith.constant 0 : i32
      %dma_wait3A_1202 = tpu.memref_slice %arg9[%dma_wait3A_1200, %dma_wait3A_1201] : memref<512x128xf32, #tpu.memory_space<vmem>> -> memref<8x128xf32, #tpu.memory_space<vmem>>
      %dma_wait3A_1203 = arith.constant 8 : i32
      %dma_wait3A_1204 = tpu.memref_slice %arg4[%dma_wait3A_1203, %mul3A_526] : memref<32x1000000xf32, #tpu.memory_space<hbm>> -> memref<8x128xf32, #tpu.memory_space<hbm>>
      %dma_wait3A_1205 = arith.constant 360 : i32
      %dma_wait3A_1206 = arith.constant 0 : i32
      %dma_wait3A_1207 = tpu.memref_slice %arg9[%dma_wait3A_1205, %dma_wait3A_1206] : memref<512x128xf32, #tpu.memory_space<vmem>> -> memref<8x128xf32, #tpu.memory_space<vmem>>
      %dma_wait3A_1208 = arith.constant 8 : i32
      %dma_wait3A_1209 = tpu.memref_slice %arg4[%dma_wait3A_1208, %mul3A_526] : memref<32x1000000xf32, #tpu.memory_space<hbm>> -> memref<8x128xf32, #tpu.memory_space<hbm>>
      tpu.wait_dma2 semaphore(%arg12 : memref<!tpu.dma_semaphore, #tpu.memory_space<semaphore_mem>>) src(%dma_wait3A_1209 : memref<8x128xf32, #tpu.memory_space<hbm>>) dst(%dma_wait3A_1207 : memref<8x128xf32, #tpu.memory_space<vmem>>)
      %dma_wait3A_1210 = arith.constant 368 : i32
      %dma_wait3A_1211 = arith.constant 0 : i32
      %dma_wait3A_1212 = tpu.memref_slice %arg9[%dma_wait3A_1210, %dma_wait3A_1211] : memref<512x128xf32, #tpu.memory_space<vmem>> -> memref<8x128xf32, #tpu.memory_space<vmem>>
      %dma_wait3A_1213 = arith.constant 16 : i32
      %dma_wait3A_1214 = tpu.memref_slice %arg4[%dma_wait3A_1213, %mul3A_526] : memref<32x1000000xf32, #tpu.memory_space<hbm>> -> memref<8x128xf32, #tpu.memory_space<hbm>>
      %dma_wait3A_1215 = arith.constant 368 : i32
      %dma_wait3A_1216 = arith.constant 0 : i32
      %dma_wait3A_1217 = tpu.memref_slice %arg9[%dma_wait3A_1215, %dma_wait3A_1216] : memref<512x128xf32, #tpu.memory_space<vmem>> -> memref<8x128xf32, #tpu.memory_space<vmem>>
      %dma_wait3A_1218 = arith.constant 16 : i32
      %dma_wait3A_1219 = tpu.memref_slice %arg4[%dma_wait3A_1218, %mul3A_526] : memref<32x1000000xf32, #tpu.memory_space<hbm>> -> memref<8x128xf32, #tpu.memory_space<hbm>>
      tpu.wait_dma2 semaphore(%arg12 : memref<!tpu.dma_semaphore, #tpu.memory_space<semaphore_mem>>) src(%dma_wait3A_1219 : memref<8x128xf32, #tpu.memory_space<hbm>>) dst(%dma_wait3A_1217 : memref<8x128xf32, #tpu.memory_space<vmem>>)
      %dma_wait3A_1220 = arith.constant 376 : i32
      %dma_wait3A_1221 = arith.constant 0 : i32
      %dma_wait3A_1222 = tpu.memref_slice %arg9[%dma_wait3A_1220, %dma_wait3A_1221] : memref<512x128xf32, #tpu.memory_space<vmem>> -> memref<8x128xf32, #tpu.memory_space<vmem>>
      %dma_wait3A_1223 = arith.constant 24 : i32
      %dma_wait3A_1224 = tpu.memref_slice %arg4[%dma_wait3A_1223, %mul3A_526] : memref<32x1000000xf32, #tpu.memory_space<hbm>> -> memref<8x128xf32, #tpu.memory_space<hbm>>
      %dma_wait3A_1225 = arith.constant 376 : i32
      %dma_wait3A_1226 = arith.constant 0 : i32
      %dma_wait3A_1227 = tpu.memref_slice %arg9[%dma_wait3A_1225, %dma_wait3A_1226] : memref<512x128xf32, #tpu.memory_space<vmem>> -> memref<8x128xf32, #tpu.memory_space<vmem>>
      %dma_wait3A_1228 = arith.constant 24 : i32
      %dma_wait3A_1229 = tpu.memref_slice %arg4[%dma_wait3A_1228, %mul3A_526] : memref<32x1000000xf32, #tpu.memory_space<hbm>> -> memref<8x128xf32, #tpu.memory_space<hbm>>
      tpu.wait_dma2 semaphore(%arg12 : memref<!tpu.dma_semaphore, #tpu.memory_space<semaphore_mem>>) src(%dma_wait3A_1229 : memref<8x128xf32, #tpu.memory_space<hbm>>) dst(%dma_wait3A_1227 : memref<8x128xf32, #tpu.memory_space<vmem>>)
      %dma_wait3A_1230 = arith.constant 384 : i32
      %dma_wait3A_1231 = arith.constant 0 : i32
      %dma_wait3A_1232 = tpu.memref_slice %arg9[%dma_wait3A_1230, %dma_wait3A_1231] : memref<512x128xf32, #tpu.memory_space<vmem>> -> memref<8x128xf32, #tpu.memory_space<vmem>>
      %dma_wait3A_1233 = arith.constant 0 : i32
      %dma_wait3A_1234 = tpu.memref_slice %arg4[%dma_wait3A_1233, %mul3A_572] : memref<32x1000000xf32, #tpu.memory_space<hbm>> -> memref<8x128xf32, #tpu.memory_space<hbm>>
      %dma_wait3A_1235 = arith.constant 384 : i32
      %dma_wait3A_1236 = arith.constant 0 : i32
      %dma_wait3A_1237 = tpu.memref_slice %arg9[%dma_wait3A_1235, %dma_wait3A_1236] : memref<512x128xf32, #tpu.memory_space<vmem>> -> memref<8x128xf32, #tpu.memory_space<vmem>>
      %dma_wait3A_1238 = arith.constant 0 : i32
      %dma_wait3A_1239 = tpu.memref_slice %arg4[%dma_wait3A_1238, %mul3A_572] : memref<32x1000000xf32, #tpu.memory_space<hbm>> -> memref<8x128xf32, #tpu.memory_space<hbm>>
      tpu.wait_dma2 semaphore(%arg12 : memref<!tpu.dma_semaphore, #tpu.memory_space<semaphore_mem>>) src(%dma_wait3A_1239 : memref<8x128xf32, #tpu.memory_space<hbm>>) dst(%dma_wait3A_1237 : memref<8x128xf32, #tpu.memory_space<vmem>>)
      %dma_wait3A_1240 = arith.constant 392 : i32
      %dma_wait3A_1241 = arith.constant 0 : i32
      %dma_wait3A_1242 = tpu.memref_slice %arg9[%dma_wait3A_1240, %dma_wait3A_1241] : memref<512x128xf32, #tpu.memory_space<vmem>> -> memref<8x128xf32, #tpu.memory_space<vmem>>
      %dma_wait3A_1243 = arith.constant 8 : i32
      %dma_wait3A_1244 = tpu.memref_slice %arg4[%dma_wait3A_1243, %mul3A_572] : memref<32x1000000xf32, #tpu.memory_space<hbm>> -> memref<8x128xf32, #tpu.memory_space<hbm>>
      %dma_wait3A_1245 = arith.constant 392 : i32
      %dma_wait3A_1246 = arith.constant 0 : i32
      %dma_wait3A_1247 = tpu.memref_slice %arg9[%dma_wait3A_1245, %dma_wait3A_1246] : memref<512x128xf32, #tpu.memory_space<vmem>> -> memref<8x128xf32, #tpu.memory_space<vmem>>
      %dma_wait3A_1248 = arith.constant 8 : i32
      %dma_wait3A_1249 = tpu.memref_slice %arg4[%dma_wait3A_1248, %mul3A_572] : memref<32x1000000xf32, #tpu.memory_space<hbm>> -> memref<8x128xf32, #tpu.memory_space<hbm>>
      tpu.wait_dma2 semaphore(%arg12 : memref<!tpu.dma_semaphore, #tpu.memory_space<semaphore_mem>>) src(%dma_wait3A_1249 : memref<8x128xf32, #tpu.memory_space<hbm>>) dst(%dma_wait3A_1247 : memref<8x128xf32, #tpu.memory_space<vmem>>)
      %dma_wait3A_1250 = arith.constant 400 : i32
      %dma_wait3A_1251 = arith.constant 0 : i32
      %dma_wait3A_1252 = tpu.memref_slice %arg9[%dma_wait3A_1250, %dma_wait3A_1251] : memref<512x128xf32, #tpu.memory_space<vmem>> -> memref<8x128xf32, #tpu.memory_space<vmem>>
      %dma_wait3A_1253 = arith.constant 16 : i32
      %dma_wait3A_1254 = tpu.memref_slice %arg4[%dma_wait3A_1253, %mul3A_572] : memref<32x1000000xf32, #tpu.memory_space<hbm>> -> memref<8x128xf32, #tpu.memory_space<hbm>>
      %dma_wait3A_1255 = arith.constant 400 : i32
      %dma_wait3A_1256 = arith.constant 0 : i32
      %dma_wait3A_1257 = tpu.memref_slice %arg9[%dma_wait3A_1255, %dma_wait3A_1256] : memref<512x128xf32, #tpu.memory_space<vmem>> -> memref<8x128xf32, #tpu.memory_space<vmem>>
      %dma_wait3A_1258 = arith.constant 16 : i32
      %dma_wait3A_1259 = tpu.memref_slice %arg4[%dma_wait3A_1258, %mul3A_572] : memref<32x1000000xf32, #tpu.memory_space<hbm>> -> memref<8x128xf32, #tpu.memory_space<hbm>>
      tpu.wait_dma2 semaphore(%arg12 : memref<!tpu.dma_semaphore, #tpu.memory_space<semaphore_mem>>) src(%dma_wait3A_1259 : memref<8x128xf32, #tpu.memory_space<hbm>>) dst(%dma_wait3A_1257 : memref<8x128xf32, #tpu.memory_space<vmem>>)
      %dma_wait3A_1260 = arith.constant 408 : i32
      %dma_wait3A_1261 = arith.constant 0 : i32
      %dma_wait3A_1262 = tpu.memref_slice %arg9[%dma_wait3A_1260, %dma_wait3A_1261] : memref<512x128xf32, #tpu.memory_space<vmem>> -> memref<8x128xf32, #tpu.memory_space<vmem>>
      %dma_wait3A_1263 = arith.constant 24 : i32
      %dma_wait3A_1264 = tpu.memref_slice %arg4[%dma_wait3A_1263, %mul3A_572] : memref<32x1000000xf32, #tpu.memory_space<hbm>> -> memref<8x128xf32, #tpu.memory_space<hbm>>
      %dma_wait3A_1265 = arith.constant 408 : i32
      %dma_wait3A_1266 = arith.constant 0 : i32
      %dma_wait3A_1267 = tpu.memref_slice %arg9[%dma_wait3A_1265, %dma_wait3A_1266] : memref<512x128xf32, #tpu.memory_space<vmem>> -> memref<8x128xf32, #tpu.memory_space<vmem>>
      %dma_wait3A_1268 = arith.constant 24 : i32
      %dma_wait3A_1269 = tpu.memref_slice %arg4[%dma_wait3A_1268, %mul3A_572] : memref<32x1000000xf32, #tpu.memory_space<hbm>> -> memref<8x128xf32, #tpu.memory_space<hbm>>
      tpu.wait_dma2 semaphore(%arg12 : memref<!tpu.dma_semaphore, #tpu.memory_space<semaphore_mem>>) src(%dma_wait3A_1269 : memref<8x128xf32, #tpu.memory_space<hbm>>) dst(%dma_wait3A_1267 : memref<8x128xf32, #tpu.memory_space<vmem>>)
      %dma_wait3A_1270 = arith.constant 416 : i32
      %dma_wait3A_1271 = arith.constant 0 : i32
      %dma_wait3A_1272 = tpu.memref_slice %arg9[%dma_wait3A_1270, %dma_wait3A_1271] : memref<512x128xf32, #tpu.memory_space<vmem>> -> memref<8x128xf32, #tpu.memory_space<vmem>>
      %dma_wait3A_1273 = arith.constant 0 : i32
      %dma_wait3A_1274 = tpu.memref_slice %arg4[%dma_wait3A_1273, %mul3A_618] : memref<32x1000000xf32, #tpu.memory_space<hbm>> -> memref<8x128xf32, #tpu.memory_space<hbm>>
      %dma_wait3A_1275 = arith.constant 416 : i32
      %dma_wait3A_1276 = arith.constant 0 : i32
      %dma_wait3A_1277 = tpu.memref_slice %arg9[%dma_wait3A_1275, %dma_wait3A_1276] : memref<512x128xf32, #tpu.memory_space<vmem>> -> memref<8x128xf32, #tpu.memory_space<vmem>>
      %dma_wait3A_1278 = arith.constant 0 : i32
      %dma_wait3A_1279 = tpu.memref_slice %arg4[%dma_wait3A_1278, %mul3A_618] : memref<32x1000000xf32, #tpu.memory_space<hbm>> -> memref<8x128xf32, #tpu.memory_space<hbm>>
      tpu.wait_dma2 semaphore(%arg12 : memref<!tpu.dma_semaphore, #tpu.memory_space<semaphore_mem>>) src(%dma_wait3A_1279 : memref<8x128xf32, #tpu.memory_space<hbm>>) dst(%dma_wait3A_1277 : memref<8x128xf32, #tpu.memory_space<vmem>>)
      %dma_wait3A_1280 = arith.constant 424 : i32
      %dma_wait3A_1281 = arith.constant 0 : i32
      %dma_wait3A_1282 = tpu.memref_slice %arg9[%dma_wait3A_1280, %dma_wait3A_1281] : memref<512x128xf32, #tpu.memory_space<vmem>> -> memref<8x128xf32, #tpu.memory_space<vmem>>
      %dma_wait3A_1283 = arith.constant 8 : i32
      %dma_wait3A_1284 = tpu.memref_slice %arg4[%dma_wait3A_1283, %mul3A_618] : memref<32x1000000xf32, #tpu.memory_space<hbm>> -> memref<8x128xf32, #tpu.memory_space<hbm>>
      %dma_wait3A_1285 = arith.constant 424 : i32
      %dma_wait3A_1286 = arith.constant 0 : i32
      %dma_wait3A_1287 = tpu.memref_slice %arg9[%dma_wait3A_1285, %dma_wait3A_1286] : memref<512x128xf32, #tpu.memory_space<vmem>> -> memref<8x128xf32, #tpu.memory_space<vmem>>
      %dma_wait3A_1288 = arith.constant 8 : i32
      %dma_wait3A_1289 = tpu.memref_slice %arg4[%dma_wait3A_1288, %mul3A_618] : memref<32x1000000xf32, #tpu.memory_space<hbm>> -> memref<8x128xf32, #tpu.memory_space<hbm>>
      tpu.wait_dma2 semaphore(%arg12 : memref<!tpu.dma_semaphore, #tpu.memory_space<semaphore_mem>>) src(%dma_wait3A_1289 : memref<8x128xf32, #tpu.memory_space<hbm>>) dst(%dma_wait3A_1287 : memref<8x128xf32, #tpu.memory_space<vmem>>)
      %dma_wait3A_1290 = arith.constant 432 : i32
      %dma_wait3A_1291 = arith.constant 0 : i32
      %dma_wait3A_1292 = tpu.memref_slice %arg9[%dma_wait3A_1290, %dma_wait3A_1291] : memref<512x128xf32, #tpu.memory_space<vmem>> -> memref<8x128xf32, #tpu.memory_space<vmem>>
      %dma_wait3A_1293 = arith.constant 16 : i32
      %dma_wait3A_1294 = tpu.memref_slice %arg4[%dma_wait3A_1293, %mul3A_618] : memref<32x1000000xf32, #tpu.memory_space<hbm>> -> memref<8x128xf32, #tpu.memory_space<hbm>>
      %dma_wait3A_1295 = arith.constant 432 : i32
      %dma_wait3A_1296 = arith.constant 0 : i32
      %dma_wait3A_1297 = tpu.memref_slice %arg9[%dma_wait3A_1295, %dma_wait3A_1296] : memref<512x128xf32, #tpu.memory_space<vmem>> -> memref<8x128xf32, #tpu.memory_space<vmem>>
      %dma_wait3A_1298 = arith.constant 16 : i32
      %dma_wait3A_1299 = tpu.memref_slice %arg4[%dma_wait3A_1298, %mul3A_618] : memref<32x1000000xf32, #tpu.memory_space<hbm>> -> memref<8x128xf32, #tpu.memory_space<hbm>>
      tpu.wait_dma2 semaphore(%arg12 : memref<!tpu.dma_semaphore, #tpu.memory_space<semaphore_mem>>) src(%dma_wait3A_1299 : memref<8x128xf32, #tpu.memory_space<hbm>>) dst(%dma_wait3A_1297 : memref<8x128xf32, #tpu.memory_space<vmem>>)
      %dma_wait3A_1300 = arith.constant 440 : i32
      %dma_wait3A_1301 = arith.constant 0 : i32
      %dma_wait3A_1302 = tpu.memref_slice %arg9[%dma_wait3A_1300, %dma_wait3A_1301] : memref<512x128xf32, #tpu.memory_space<vmem>> -> memref<8x128xf32, #tpu.memory_space<vmem>>
      %dma_wait3A_1303 = arith.constant 24 : i32
      %dma_wait3A_1304 = tpu.memref_slice %arg4[%dma_wait3A_1303, %mul3A_618] : memref<32x1000000xf32, #tpu.memory_space<hbm>> -> memref<8x128xf32, #tpu.memory_space<hbm>>
      %dma_wait3A_1305 = arith.constant 440 : i32
      %dma_wait3A_1306 = arith.constant 0 : i32
      %dma_wait3A_1307 = tpu.memref_slice %arg9[%dma_wait3A_1305, %dma_wait3A_1306] : memref<512x128xf32, #tpu.memory_space<vmem>> -> memref<8x128xf32, #tpu.memory_space<vmem>>
      %dma_wait3A_1308 = arith.constant 24 : i32
      %dma_wait3A_1309 = tpu.memref_slice %arg4[%dma_wait3A_1308, %mul3A_618] : memref<32x1000000xf32, #tpu.memory_space<hbm>> -> memref<8x128xf32, #tpu.memory_space<hbm>>
      tpu.wait_dma2 semaphore(%arg12 : memref<!tpu.dma_semaphore, #tpu.memory_space<semaphore_mem>>) src(%dma_wait3A_1309 : memref<8x128xf32, #tpu.memory_space<hbm>>) dst(%dma_wait3A_1307 : memref<8x128xf32, #tpu.memory_space<vmem>>)
      %dma_wait3A_1310 = arith.constant 448 : i32
      %dma_wait3A_1311 = arith.constant 0 : i32
      %dma_wait3A_1312 = tpu.memref_slice %arg9[%dma_wait3A_1310, %dma_wait3A_1311] : memref<512x128xf32, #tpu.memory_space<vmem>> -> memref<8x128xf32, #tpu.memory_space<vmem>>
      %dma_wait3A_1313 = arith.constant 0 : i32
      %dma_wait3A_1314 = tpu.memref_slice %arg4[%dma_wait3A_1313, %mul3A_664] : memref<32x1000000xf32, #tpu.memory_space<hbm>> -> memref<8x128xf32, #tpu.memory_space<hbm>>
      %dma_wait3A_1315 = arith.constant 448 : i32
      %dma_wait3A_1316 = arith.constant 0 : i32
      %dma_wait3A_1317 = tpu.memref_slice %arg9[%dma_wait3A_1315, %dma_wait3A_1316] : memref<512x128xf32, #tpu.memory_space<vmem>> -> memref<8x128xf32, #tpu.memory_space<vmem>>
      %dma_wait3A_1318 = arith.constant 0 : i32
      %dma_wait3A_1319 = tpu.memref_slice %arg4[%dma_wait3A_1318, %mul3A_664] : memref<32x1000000xf32, #tpu.memory_space<hbm>> -> memref<8x128xf32, #tpu.memory_space<hbm>>
      tpu.wait_dma2 semaphore(%arg12 : memref<!tpu.dma_semaphore, #tpu.memory_space<semaphore_mem>>) src(%dma_wait3A_1319 : memref<8x128xf32, #tpu.memory_space<hbm>>) dst(%dma_wait3A_1317 : memref<8x128xf32, #tpu.memory_space<vmem>>)
      %dma_wait3A_1320 = arith.constant 456 : i32
      %dma_wait3A_1321 = arith.constant 0 : i32
      %dma_wait3A_1322 = tpu.memref_slice %arg9[%dma_wait3A_1320, %dma_wait3A_1321] : memref<512x128xf32, #tpu.memory_space<vmem>> -> memref<8x128xf32, #tpu.memory_space<vmem>>
      %dma_wait3A_1323 = arith.constant 8 : i32
      %dma_wait3A_1324 = tpu.memref_slice %arg4[%dma_wait3A_1323, %mul3A_664] : memref<32x1000000xf32, #tpu.memory_space<hbm>> -> memref<8x128xf32, #tpu.memory_space<hbm>>
      %dma_wait3A_1325 = arith.constant 456 : i32
      %dma_wait3A_1326 = arith.constant 0 : i32
      %dma_wait3A_1327 = tpu.memref_slice %arg9[%dma_wait3A_1325, %dma_wait3A_1326] : memref<512x128xf32, #tpu.memory_space<vmem>> -> memref<8x128xf32, #tpu.memory_space<vmem>>
      %dma_wait3A_1328 = arith.constant 8 : i32
      %dma_wait3A_1329 = tpu.memref_slice %arg4[%dma_wait3A_1328, %mul3A_664] : memref<32x1000000xf32, #tpu.memory_space<hbm>> -> memref<8x128xf32, #tpu.memory_space<hbm>>
      tpu.wait_dma2 semaphore(%arg12 : memref<!tpu.dma_semaphore, #tpu.memory_space<semaphore_mem>>) src(%dma_wait3A_1329 : memref<8x128xf32, #tpu.memory_space<hbm>>) dst(%dma_wait3A_1327 : memref<8x128xf32, #tpu.memory_space<vmem>>)
      %dma_wait3A_1330 = arith.constant 464 : i32
      %dma_wait3A_1331 = arith.constant 0 : i32
      %dma_wait3A_1332 = tpu.memref_slice %arg9[%dma_wait3A_1330, %dma_wait3A_1331] : memref<512x128xf32, #tpu.memory_space<vmem>> -> memref<8x128xf32, #tpu.memory_space<vmem>>
      %dma_wait3A_1333 = arith.constant 16 : i32
      %dma_wait3A_1334 = tpu.memref_slice %arg4[%dma_wait3A_1333, %mul3A_664] : memref<32x1000000xf32, #tpu.memory_space<hbm>> -> memref<8x128xf32, #tpu.memory_space<hbm>>
      %dma_wait3A_1335 = arith.constant 464 : i32
      %dma_wait3A_1336 = arith.constant 0 : i32
      %dma_wait3A_1337 = tpu.memref_slice %arg9[%dma_wait3A_1335, %dma_wait3A_1336] : memref<512x128xf32, #tpu.memory_space<vmem>> -> memref<8x128xf32, #tpu.memory_space<vmem>>
      %dma_wait3A_1338 = arith.constant 16 : i32
      %dma_wait3A_1339 = tpu.memref_slice %arg4[%dma_wait3A_1338, %mul3A_664] : memref<32x1000000xf32, #tpu.memory_space<hbm>> -> memref<8x128xf32, #tpu.memory_space<hbm>>
      tpu.wait_dma2 semaphore(%arg12 : memref<!tpu.dma_semaphore, #tpu.memory_space<semaphore_mem>>) src(%dma_wait3A_1339 : memref<8x128xf32, #tpu.memory_space<hbm>>) dst(%dma_wait3A_1337 : memref<8x128xf32, #tpu.memory_space<vmem>>)
      %dma_wait3A_1340 = arith.constant 472 : i32
      %dma_wait3A_1341 = arith.constant 0 : i32
      %dma_wait3A_1342 = tpu.memref_slice %arg9[%dma_wait3A_1340, %dma_wait3A_1341] : memref<512x128xf32, #tpu.memory_space<vmem>> -> memref<8x128xf32, #tpu.memory_space<vmem>>
      %dma_wait3A_1343 = arith.constant 24 : i32
      %dma_wait3A_1344 = tpu.memref_slice %arg4[%dma_wait3A_1343, %mul3A_664] : memref<32x1000000xf32, #tpu.memory_space<hbm>> -> memref<8x128xf32, #tpu.memory_space<hbm>>
      %dma_wait3A_1345 = arith.constant 472 : i32
      %dma_wait3A_1346 = arith.constant 0 : i32
      %dma_wait3A_1347 = tpu.memref_slice %arg9[%dma_wait3A_1345, %dma_wait3A_1346] : memref<512x128xf32, #tpu.memory_space<vmem>> -> memref<8x128xf32, #tpu.memory_space<vmem>>
      %dma_wait3A_1348 = arith.constant 24 : i32
      %dma_wait3A_1349 = tpu.memref_slice %arg4[%dma_wait3A_1348, %mul3A_664] : memref<32x1000000xf32, #tpu.memory_space<hbm>> -> memref<8x128xf32, #tpu.memory_space<hbm>>
      tpu.wait_dma2 semaphore(%arg12 : memref<!tpu.dma_semaphore, #tpu.memory_space<semaphore_mem>>) src(%dma_wait3A_1349 : memref<8x128xf32, #tpu.memory_space<hbm>>) dst(%dma_wait3A_1347 : memref<8x128xf32, #tpu.memory_space<vmem>>)
      %dma_wait3A_1350 = arith.constant 480 : i32
      %dma_wait3A_1351 = arith.constant 0 : i32
      %dma_wait3A_1352 = tpu.memref_slice %arg9[%dma_wait3A_1350, %dma_wait3A_1351] : memref<512x128xf32, #tpu.memory_space<vmem>> -> memref<8x128xf32, #tpu.memory_space<vmem>>
      %dma_wait3A_1353 = arith.constant 0 : i32
      %dma_wait3A_1354 = tpu.memref_slice %arg4[%dma_wait3A_1353, %mul3A_710] : memref<32x1000000xf32, #tpu.memory_space<hbm>> -> memref<8x128xf32, #tpu.memory_space<hbm>>
      %dma_wait3A_1355 = arith.constant 480 : i32
      %dma_wait3A_1356 = arith.constant 0 : i32
      %dma_wait3A_1357 = tpu.memref_slice %arg9[%dma_wait3A_1355, %dma_wait3A_1356] : memref<512x128xf32, #tpu.memory_space<vmem>> -> memref<8x128xf32, #tpu.memory_space<vmem>>
      %dma_wait3A_1358 = arith.constant 0 : i32
      %dma_wait3A_1359 = tpu.memref_slice %arg4[%dma_wait3A_1358, %mul3A_710] : memref<32x1000000xf32, #tpu.memory_space<hbm>> -> memref<8x128xf32, #tpu.memory_space<hbm>>
      tpu.wait_dma2 semaphore(%arg12 : memref<!tpu.dma_semaphore, #tpu.memory_space<semaphore_mem>>) src(%dma_wait3A_1359 : memref<8x128xf32, #tpu.memory_space<hbm>>) dst(%dma_wait3A_1357 : memref<8x128xf32, #tpu.memory_space<vmem>>)
      %dma_wait3A_1360 = arith.constant 488 : i32
      %dma_wait3A_1361 = arith.constant 0 : i32
      %dma_wait3A_1362 = tpu.memref_slice %arg9[%dma_wait3A_1360, %dma_wait3A_1361] : memref<512x128xf32, #tpu.memory_space<vmem>> -> memref<8x128xf32, #tpu.memory_space<vmem>>
      %dma_wait3A_1363 = arith.constant 8 : i32
      %dma_wait3A_1364 = tpu.memref_slice %arg4[%dma_wait3A_1363, %mul3A_710] : memref<32x1000000xf32, #tpu.memory_space<hbm>> -> memref<8x128xf32, #tpu.memory_space<hbm>>
      %dma_wait3A_1365 = arith.constant 488 : i32
      %dma_wait3A_1366 = arith.constant 0 : i32
      %dma_wait3A_1367 = tpu.memref_slice %arg9[%dma_wait3A_1365, %dma_wait3A_1366] : memref<512x128xf32, #tpu.memory_space<vmem>> -> memref<8x128xf32, #tpu.memory_space<vmem>>
      %dma_wait3A_1368 = arith.constant 8 : i32
      %dma_wait3A_1369 = tpu.memref_slice %arg4[%dma_wait3A_1368, %mul3A_710] : memref<32x1000000xf32, #tpu.memory_space<hbm>> -> memref<8x128xf32, #tpu.memory_space<hbm>>
      tpu.wait_dma2 semaphore(%arg12 : memref<!tpu.dma_semaphore, #tpu.memory_space<semaphore_mem>>) src(%dma_wait3A_1369 : memref<8x128xf32, #tpu.memory_space<hbm>>) dst(%dma_wait3A_1367 : memref<8x128xf32, #tpu.memory_space<vmem>>)
      %dma_wait3A_1370 = arith.constant 496 : i32
      %dma_wait3A_1371 = arith.constant 0 : i32
      %dma_wait3A_1372 = tpu.memref_slice %arg9[%dma_wait3A_1370, %dma_wait3A_1371] : memref<512x128xf32, #tpu.memory_space<vmem>> -> memref<8x128xf32, #tpu.memory_space<vmem>>
      %dma_wait3A_1373 = arith.constant 16 : i32
      %dma_wait3A_1374 = tpu.memref_slice %arg4[%dma_wait3A_1373, %mul3A_710] : memref<32x1000000xf32, #tpu.memory_space<hbm>> -> memref<8x128xf32, #tpu.memory_space<hbm>>
      %dma_wait3A_1375 = arith.constant 496 : i32
      %dma_wait3A_1376 = arith.constant 0 : i32
      %dma_wait3A_1377 = tpu.memref_slice %arg9[%dma_wait3A_1375, %dma_wait3A_1376] : memref<512x128xf32, #tpu.memory_space<vmem>> -> memref<8x128xf32, #tpu.memory_space<vmem>>
      %dma_wait3A_1378 = arith.constant 16 : i32
      %dma_wait3A_1379 = tpu.memref_slice %arg4[%dma_wait3A_1378, %mul3A_710] : memref<32x1000000xf32, #tpu.memory_space<hbm>> -> memref<8x128xf32, #tpu.memory_space<hbm>>
      tpu.wait_dma2 semaphore(%arg12 : memref<!tpu.dma_semaphore, #tpu.memory_space<semaphore_mem>>) src(%dma_wait3A_1379 : memref<8x128xf32, #tpu.memory_space<hbm>>) dst(%dma_wait3A_1377 : memref<8x128xf32, #tpu.memory_space<vmem>>)
      %dma_wait3A_1380 = arith.constant 504 : i32
      %dma_wait3A_1381 = arith.constant 0 : i32
      %dma_wait3A_1382 = tpu.memref_slice %arg9[%dma_wait3A_1380, %dma_wait3A_1381] : memref<512x128xf32, #tpu.memory_space<vmem>> -> memref<8x128xf32, #tpu.memory_space<vmem>>
      %dma_wait3A_1383 = arith.constant 24 : i32
      %dma_wait3A_1384 = tpu.memref_slice %arg4[%dma_wait3A_1383, %mul3A_710] : memref<32x1000000xf32, #tpu.memory_space<hbm>> -> memref<8x128xf32, #tpu.memory_space<hbm>>
      %dma_wait3A_1385 = arith.constant 504 : i32
      %dma_wait3A_1386 = arith.constant 0 : i32
      %dma_wait3A_1387 = tpu.memref_slice %arg9[%dma_wait3A_1385, %dma_wait3A_1386] : memref<512x128xf32, #tpu.memory_space<vmem>> -> memref<8x128xf32, #tpu.memory_space<vmem>>
      %dma_wait3A_1388 = arith.constant 24 : i32
      %dma_wait3A_1389 = tpu.memref_slice %arg4[%dma_wait3A_1388, %mul3A_710] : memref<32x1000000xf32, #tpu.memory_space<hbm>> -> memref<8x128xf32, #tpu.memory_space<hbm>>
      tpu.wait_dma2 semaphore(%arg12 : memref<!tpu.dma_semaphore, #tpu.memory_space<semaphore_mem>>) src(%dma_wait3A_1389 : memref<8x128xf32, #tpu.memory_space<hbm>>) dst(%dma_wait3A_1387 : memref<8x128xf32, #tpu.memory_space<vmem>>)
      %mul3A_1390 = arith.constant 32 : i32
      %mul3A_1391 = vector.broadcast %mul3A_1390 : i32 to vector<16xi32>
      %mul3A_1392 = arith.muli %iota3A, %mul3A_1391 : vector<16xi32>
      %add3A_1393 = arith.constant 0 : i32
      %add3A_1394 = vector.broadcast %add3A_1393 : i32 to vector<16xi32>
      %add3A_1395 = arith.addi %mul3A_1392, %add3A_1394 : vector<16xi32>
      %gather3A = tpu.vector_load_idx %arg9[%add3A_1395, %and3A_15] : memref<512x128xf32, #tpu.memory_space<vmem>>[vector<16xi32>, vector<16xi32>], vector<16xf32>,
      %swap3A = arith.constant 0 : index
      %swap3A_1396 = tpu.vector_load %arg10[%swap3A] {strides = array<i32>} : memref<512xf32, #tpu.memory_space<vmem>>, vector<16xf32>,
      tpu.vector_store %arg10[%swap3A], %gather3A {strides = array<i32>} : memref<512xf32, #tpu.memory_space<vmem>>, vector<16xf32>,
      %mul3A_1397 = arith.constant 32 : i32
      %mul3A_1398 = vector.broadcast %mul3A_1397 : i32 to vector<16xi32>
      %mul3A_1399 = arith.muli %iota3A, %mul3A_1398 : vector<16xi32>
      %add3A_1400 = arith.constant 1 : i32
      %add3A_1401 = vector.broadcast %add3A_1400 : i32 to vector<16xi32>
      %add3A_1402 = arith.addi %mul3A_1399, %add3A_1401 : vector<16xi32>
      %gather3A_1403 = tpu.vector_load_idx %arg9[%add3A_1402, %and3A_15] : memref<512x128xf32, #tpu.memory_space<vmem>>[vector<16xi32>, vector<16xi32>], vector<16xf32>,
      %swap3A_1404 = arith.constant 16 : index
      %swap3A_1405 = tpu.vector_load %arg10[%swap3A_1404] {strides = array<i32>} : memref<512xf32, #tpu.memory_space<vmem>>, vector<16xf32>,
      tpu.vector_store %arg10[%swap3A_1404], %gather3A_1403 {strides = array<i32>} : memref<512xf32, #tpu.memory_space<vmem>>, vector<16xf32>,
      %mul3A_1406 = arith.constant 32 : i32
      %mul3A_1407 = vector.broadcast %mul3A_1406 : i32 to vector<16xi32>
      %mul3A_1408 = arith.muli %iota3A, %mul3A_1407 : vector<16xi32>
      %add3A_1409 = arith.constant 2 : i32
      %add3A_1410 = vector.broadcast %add3A_1409 : i32 to vector<16xi32>
      %add3A_1411 = arith.addi %mul3A_1408, %add3A_1410 : vector<16xi32>
      %gather3A_1412 = tpu.vector_load_idx %arg9[%add3A_1411, %and3A_15] : memref<512x128xf32, #tpu.memory_space<vmem>>[vector<16xi32>, vector<16xi32>], vector<16xf32>,
      %swap3A_1413 = arith.constant 32 : index
      %swap3A_1414 = tpu.vector_load %arg10[%swap3A_1413] {strides = array<i32>} : memref<512xf32, #tpu.memory_space<vmem>>, vector<16xf32>,
      tpu.vector_store %arg10[%swap3A_1413], %gather3A_1412 {strides = array<i32>} : memref<512xf32, #tpu.memory_space<vmem>>, vector<16xf32>,
      %mul3A_1415 = arith.constant 32 : i32
      %mul3A_1416 = vector.broadcast %mul3A_1415 : i32 to vector<16xi32>
      %mul3A_1417 = arith.muli %iota3A, %mul3A_1416 : vector<16xi32>
      %add3A_1418 = arith.constant 3 : i32
      %add3A_1419 = vector.broadcast %add3A_1418 : i32 to vector<16xi32>
      %add3A_1420 = arith.addi %mul3A_1417, %add3A_1419 : vector<16xi32>
      %gather3A_1421 = tpu.vector_load_idx %arg9[%add3A_1420, %and3A_15] : memref<512x128xf32, #tpu.memory_space<vmem>>[vector<16xi32>, vector<16xi32>], vector<16xf32>,
      %swap3A_1422 = arith.constant 48 : index
      %swap3A_1423 = tpu.vector_load %arg10[%swap3A_1422] {strides = array<i32>} : memref<512xf32, #tpu.memory_space<vmem>>, vector<16xf32>,
      tpu.vector_store %arg10[%swap3A_1422], %gather3A_1421 {strides = array<i32>} : memref<512xf32, #tpu.memory_space<vmem>>, vector<16xf32>,
      %mul3A_1424 = arith.constant 32 : i32
      %mul3A_1425 = vector.broadcast %mul3A_1424 : i32 to vector<16xi32>
      %mul3A_1426 = arith.muli %iota3A, %mul3A_1425 : vector<16xi32>
      %add3A_1427 = arith.constant 4 : i32
      %add3A_1428 = vector.broadcast %add3A_1427 : i32 to vector<16xi32>
      %add3A_1429 = arith.addi %mul3A_1426, %add3A_1428 : vector<16xi32>
      %gather3A_1430 = tpu.vector_load_idx %arg9[%add3A_1429, %and3A_15] : memref<512x128xf32, #tpu.memory_space<vmem>>[vector<16xi32>, vector<16xi32>], vector<16xf32>,
      %swap3A_1431 = arith.constant 64 : index
      %swap3A_1432 = tpu.vector_load %arg10[%swap3A_1431] {strides = array<i32>} : memref<512xf32, #tpu.memory_space<vmem>>, vector<16xf32>,
      tpu.vector_store %arg10[%swap3A_1431], %gather3A_1430 {strides = array<i32>} : memref<512xf32, #tpu.memory_space<vmem>>, vector<16xf32>,
      %mul3A_1433 = arith.constant 32 : i32
      %mul3A_1434 = vector.broadcast %mul3A_1433 : i32 to vector<16xi32>
      %mul3A_1435 = arith.muli %iota3A, %mul3A_1434 : vector<16xi32>
      %add3A_1436 = arith.constant 5 : i32
      %add3A_1437 = vector.broadcast %add3A_1436 : i32 to vector<16xi32>
      %add3A_1438 = arith.addi %mul3A_1435, %add3A_1437 : vector<16xi32>
      %gather3A_1439 = tpu.vector_load_idx %arg9[%add3A_1438, %and3A_15] : memref<512x128xf32, #tpu.memory_space<vmem>>[vector<16xi32>, vector<16xi32>], vector<16xf32>,
      %swap3A_1440 = arith.constant 80 : index
      %swap3A_1441 = tpu.vector_load %arg10[%swap3A_1440] {strides = array<i32>} : memref<512xf32, #tpu.memory_space<vmem>>, vector<16xf32>,
      tpu.vector_store %arg10[%swap3A_1440], %gather3A_1439 {strides = array<i32>} : memref<512xf32, #tpu.memory_space<vmem>>, vector<16xf32>,
      %mul3A_1442 = arith.constant 32 : i32
      %mul3A_1443 = vector.broadcast %mul3A_1442 : i32 to vector<16xi32>
      %mul3A_1444 = arith.muli %iota3A, %mul3A_1443 : vector<16xi32>
      %add3A_1445 = arith.constant 6 : i32
      %add3A_1446 = vector.broadcast %add3A_1445 : i32 to vector<16xi32>
      %add3A_1447 = arith.addi %mul3A_1444, %add3A_1446 : vector<16xi32>
      %gather3A_1448 = tpu.vector_load_idx %arg9[%add3A_1447, %and3A_15] : memref<512x128xf32, #tpu.memory_space<vmem>>[vector<16xi32>, vector<16xi32>], vector<16xf32>,
      %swap3A_1449 = arith.constant 96 : index
      %swap3A_1450 = tpu.vector_load %arg10[%swap3A_1449] {strides = array<i32>} : memref<512xf32, #tpu.memory_space<vmem>>, vector<16xf32>,
      tpu.vector_store %arg10[%swap3A_1449], %gather3A_1448 {strides = array<i32>} : memref<512xf32, #tpu.memory_space<vmem>>, vector<16xf32>,
      %mul3A_1451 = arith.constant 32 : i32
      %mul3A_1452 = vector.broadcast %mul3A_1451 : i32 to vector<16xi32>
      %mul3A_1453 = arith.muli %iota3A, %mul3A_1452 : vector<16xi32>
      %add3A_1454 = arith.constant 7 : i32
      %add3A_1455 = vector.broadcast %add3A_1454 : i32 to vector<16xi32>
      %add3A_1456 = arith.addi %mul3A_1453, %add3A_1455 : vector<16xi32>
      %gather3A_1457 = tpu.vector_load_idx %arg9[%add3A_1456, %and3A_15] : memref<512x128xf32, #tpu.memory_space<vmem>>[vector<16xi32>, vector<16xi32>], vector<16xf32>,
      %swap3A_1458 = arith.constant 112 : index
      %swap3A_1459 = tpu.vector_load %arg10[%swap3A_1458] {strides = array<i32>} : memref<512xf32, #tpu.memory_space<vmem>>, vector<16xf32>,
      tpu.vector_store %arg10[%swap3A_1458], %gather3A_1457 {strides = array<i32>} : memref<512xf32, #tpu.memory_space<vmem>>, vector<16xf32>,
      %mul3A_1460 = arith.constant 32 : i32
      %mul3A_1461 = vector.broadcast %mul3A_1460 : i32 to vector<16xi32>
      %mul3A_1462 = arith.muli %iota3A, %mul3A_1461 : vector<16xi32>
      %add3A_1463 = arith.constant 8 : i32
      %add3A_1464 = vector.broadcast %add3A_1463 : i32 to vector<16xi32>
      %add3A_1465 = arith.addi %mul3A_1462, %add3A_1464 : vector<16xi32>
      %gather3A_1466 = tpu.vector_load_idx %arg9[%add3A_1465, %and3A_15] : memref<512x128xf32, #tpu.memory_space<vmem>>[vector<16xi32>, vector<16xi32>], vector<16xf32>,
      %swap3A_1467 = arith.constant 128 : index
      %swap3A_1468 = tpu.vector_load %arg10[%swap3A_1467] {strides = array<i32>} : memref<512xf32, #tpu.memory_space<vmem>>, vector<16xf32>,
      tpu.vector_store %arg10[%swap3A_1467], %gather3A_1466 {strides = array<i32>} : memref<512xf32, #tpu.memory_space<vmem>>, vector<16xf32>,
      %mul3A_1469 = arith.constant 32 : i32
      %mul3A_1470 = vector.broadcast %mul3A_1469 : i32 to vector<16xi32>
      %mul3A_1471 = arith.muli %iota3A, %mul3A_1470 : vector<16xi32>
      %add3A_1472 = arith.constant 9 : i32
      %add3A_1473 = vector.broadcast %add3A_1472 : i32 to vector<16xi32>
      %add3A_1474 = arith.addi %mul3A_1471, %add3A_1473 : vector<16xi32>
      %gather3A_1475 = tpu.vector_load_idx %arg9[%add3A_1474, %and3A_15] : memref<512x128xf32, #tpu.memory_space<vmem>>[vector<16xi32>, vector<16xi32>], vector<16xf32>,
      %swap3A_1476 = arith.constant 144 : index
      %swap3A_1477 = tpu.vector_load %arg10[%swap3A_1476] {strides = array<i32>} : memref<512xf32, #tpu.memory_space<vmem>>, vector<16xf32>,
      tpu.vector_store %arg10[%swap3A_1476], %gather3A_1475 {strides = array<i32>} : memref<512xf32, #tpu.memory_space<vmem>>, vector<16xf32>,
      %mul3A_1478 = arith.constant 32 : i32
      %mul3A_1479 = vector.broadcast %mul3A_1478 : i32 to vector<16xi32>
      %mul3A_1480 = arith.muli %iota3A, %mul3A_1479 : vector<16xi32>
      %add3A_1481 = arith.constant 10 : i32
      %add3A_1482 = vector.broadcast %add3A_1481 : i32 to vector<16xi32>
      %add3A_1483 = arith.addi %mul3A_1480, %add3A_1482 : vector<16xi32>
      %gather3A_1484 = tpu.vector_load_idx %arg9[%add3A_1483, %and3A_15] : memref<512x128xf32, #tpu.memory_space<vmem>>[vector<16xi32>, vector<16xi32>], vector<16xf32>,
      %swap3A_1485 = arith.constant 160 : index
      %swap3A_1486 = tpu.vector_load %arg10[%swap3A_1485] {strides = array<i32>} : memref<512xf32, #tpu.memory_space<vmem>>, vector<16xf32>,
      tpu.vector_store %arg10[%swap3A_1485], %gather3A_1484 {strides = array<i32>} : memref<512xf32, #tpu.memory_space<vmem>>, vector<16xf32>,
      %mul3A_1487 = arith.constant 32 : i32
      %mul3A_1488 = vector.broadcast %mul3A_1487 : i32 to vector<16xi32>
      %mul3A_1489 = arith.muli %iota3A, %mul3A_1488 : vector<16xi32>
      %add3A_1490 = arith.constant 11 : i32
      %add3A_1491 = vector.broadcast %add3A_1490 : i32 to vector<16xi32>
      %add3A_1492 = arith.addi %mul3A_1489, %add3A_1491 : vector<16xi32>
      %gather3A_1493 = tpu.vector_load_idx %arg9[%add3A_1492, %and3A_15] : memref<512x128xf32, #tpu.memory_space<vmem>>[vector<16xi32>, vector<16xi32>], vector<16xf32>,
      %swap3A_1494 = arith.constant 176 : index
      %swap3A_1495 = tpu.vector_load %arg10[%swap3A_1494] {strides = array<i32>} : memref<512xf32, #tpu.memory_space<vmem>>, vector<16xf32>,
      tpu.vector_store %arg10[%swap3A_1494], %gather3A_1493 {strides = array<i32>} : memref<512xf32, #tpu.memory_space<vmem>>, vector<16xf32>,
      %mul3A_1496 = arith.constant 32 : i32
      %mul3A_1497 = vector.broadcast %mul3A_1496 : i32 to vector<16xi32>
      %mul3A_1498 = arith.muli %iota3A, %mul3A_1497 : vector<16xi32>
      %add3A_1499 = arith.constant 12 : i32
      %add3A_1500 = vector.broadcast %add3A_1499 : i32 to vector<16xi32>
      %add3A_1501 = arith.addi %mul3A_1498, %add3A_1500 : vector<16xi32>
      %gather3A_1502 = tpu.vector_load_idx %arg9[%add3A_1501, %and3A_15] : memref<512x128xf32, #tpu.memory_space<vmem>>[vector<16xi32>, vector<16xi32>], vector<16xf32>,
      %swap3A_1503 = arith.constant 192 : index
      %swap3A_1504 = tpu.vector_load %arg10[%swap3A_1503] {strides = array<i32>} : memref<512xf32, #tpu.memory_space<vmem>>, vector<16xf32>,
      tpu.vector_store %arg10[%swap3A_1503], %gather3A_1502 {strides = array<i32>} : memref<512xf32, #tpu.memory_space<vmem>>, vector<16xf32>,
      %mul3A_1505 = arith.constant 32 : i32
      %mul3A_1506 = vector.broadcast %mul3A_1505 : i32 to vector<16xi32>
      %mul3A_1507 = arith.muli %iota3A, %mul3A_1506 : vector<16xi32>
      %add3A_1508 = arith.constant 13 : i32
      %add3A_1509 = vector.broadcast %add3A_1508 : i32 to vector<16xi32>
      %add3A_1510 = arith.addi %mul3A_1507, %add3A_1509 : vector<16xi32>
      %gather3A_1511 = tpu.vector_load_idx %arg9[%add3A_1510, %and3A_15] : memref<512x128xf32, #tpu.memory_space<vmem>>[vector<16xi32>, vector<16xi32>], vector<16xf32>,
      %swap3A_1512 = arith.constant 208 : index
      %swap3A_1513 = tpu.vector_load %arg10[%swap3A_1512] {strides = array<i32>} : memref<512xf32, #tpu.memory_space<vmem>>, vector<16xf32>,
      tpu.vector_store %arg10[%swap3A_1512], %gather3A_1511 {strides = array<i32>} : memref<512xf32, #tpu.memory_space<vmem>>, vector<16xf32>,
      %mul3A_1514 = arith.constant 32 : i32
      %mul3A_1515 = vector.broadcast %mul3A_1514 : i32 to vector<16xi32>
      %mul3A_1516 = arith.muli %iota3A, %mul3A_1515 : vector<16xi32>
      %add3A_1517 = arith.constant 14 : i32
      %add3A_1518 = vector.broadcast %add3A_1517 : i32 to vector<16xi32>
      %add3A_1519 = arith.addi %mul3A_1516, %add3A_1518 : vector<16xi32>
      %gather3A_1520 = tpu.vector_load_idx %arg9[%add3A_1519, %and3A_15] : memref<512x128xf32, #tpu.memory_space<vmem>>[vector<16xi32>, vector<16xi32>], vector<16xf32>,
      %swap3A_1521 = arith.constant 224 : index
      %swap3A_1522 = tpu.vector_load %arg10[%swap3A_1521] {strides = array<i32>} : memref<512xf32, #tpu.memory_space<vmem>>, vector<16xf32>,
      tpu.vector_store %arg10[%swap3A_1521], %gather3A_1520 {strides = array<i32>} : memref<512xf32, #tpu.memory_space<vmem>>, vector<16xf32>,
      %mul3A_1523 = arith.constant 32 : i32
      %mul3A_1524 = vector.broadcast %mul3A_1523 : i32 to vector<16xi32>
      %mul3A_1525 = arith.muli %iota3A, %mul3A_1524 : vector<16xi32>
      %add3A_1526 = arith.constant 15 : i32
      %add3A_1527 = vector.broadcast %add3A_1526 : i32 to vector<16xi32>
      %add3A_1528 = arith.addi %mul3A_1525, %add3A_1527 : vector<16xi32>
      %gather3A_1529 = tpu.vector_load_idx %arg9[%add3A_1528, %and3A_15] : memref<512x128xf32, #tpu.memory_space<vmem>>[vector<16xi32>, vector<16xi32>], vector<16xf32>,
      %swap3A_1530 = arith.constant 240 : index
      %swap3A_1531 = tpu.vector_load %arg10[%swap3A_1530] {strides = array<i32>} : memref<512xf32, #tpu.memory_space<vmem>>, vector<16xf32>,
      tpu.vector_store %arg10[%swap3A_1530], %gather3A_1529 {strides = array<i32>} : memref<512xf32, #tpu.memory_space<vmem>>, vector<16xf32>,
      %mul3A_1532 = arith.constant 32 : i32
      %mul3A_1533 = vector.broadcast %mul3A_1532 : i32 to vector<16xi32>
      %mul3A_1534 = arith.muli %iota3A, %mul3A_1533 : vector<16xi32>
      %add3A_1535 = arith.constant 16 : i32
      %add3A_1536 = vector.broadcast %add3A_1535 : i32 to vector<16xi32>
      %add3A_1537 = arith.addi %mul3A_1534, %add3A_1536 : vector<16xi32>
      %gather3A_1538 = tpu.vector_load_idx %arg9[%add3A_1537, %and3A_15] : memref<512x128xf32, #tpu.memory_space<vmem>>[vector<16xi32>, vector<16xi32>], vector<16xf32>,
      %swap3A_1539 = arith.constant 256 : index
      %swap3A_1540 = tpu.vector_load %arg10[%swap3A_1539] {strides = array<i32>} : memref<512xf32, #tpu.memory_space<vmem>>, vector<16xf32>,
      tpu.vector_store %arg10[%swap3A_1539], %gather3A_1538 {strides = array<i32>} : memref<512xf32, #tpu.memory_space<vmem>>, vector<16xf32>,
      %mul3A_1541 = arith.constant 32 : i32
      %mul3A_1542 = vector.broadcast %mul3A_1541 : i32 to vector<16xi32>
      %mul3A_1543 = arith.muli %iota3A, %mul3A_1542 : vector<16xi32>
      %add3A_1544 = arith.constant 17 : i32
      %add3A_1545 = vector.broadcast %add3A_1544 : i32 to vector<16xi32>
      %add3A_1546 = arith.addi %mul3A_1543, %add3A_1545 : vector<16xi32>
      %gather3A_1547 = tpu.vector_load_idx %arg9[%add3A_1546, %and3A_15] : memref<512x128xf32, #tpu.memory_space<vmem>>[vector<16xi32>, vector<16xi32>], vector<16xf32>,
      %swap3A_1548 = arith.constant 272 : index
      %swap3A_1549 = tpu.vector_load %arg10[%swap3A_1548] {strides = array<i32>} : memref<512xf32, #tpu.memory_space<vmem>>, vector<16xf32>,
      tpu.vector_store %arg10[%swap3A_1548], %gather3A_1547 {strides = array<i32>} : memref<512xf32, #tpu.memory_space<vmem>>, vector<16xf32>,
      %mul3A_1550 = arith.constant 32 : i32
      %mul3A_1551 = vector.broadcast %mul3A_1550 : i32 to vector<16xi32>
      %mul3A_1552 = arith.muli %iota3A, %mul3A_1551 : vector<16xi32>
      %add3A_1553 = arith.constant 18 : i32
      %add3A_1554 = vector.broadcast %add3A_1553 : i32 to vector<16xi32>
      %add3A_1555 = arith.addi %mul3A_1552, %add3A_1554 : vector<16xi32>
      %gather3A_1556 = tpu.vector_load_idx %arg9[%add3A_1555, %and3A_15] : memref<512x128xf32, #tpu.memory_space<vmem>>[vector<16xi32>, vector<16xi32>], vector<16xf32>,
      %swap3A_1557 = arith.constant 288 : index
      %swap3A_1558 = tpu.vector_load %arg10[%swap3A_1557] {strides = array<i32>} : memref<512xf32, #tpu.memory_space<vmem>>, vector<16xf32>,
      tpu.vector_store %arg10[%swap3A_1557], %gather3A_1556 {strides = array<i32>} : memref<512xf32, #tpu.memory_space<vmem>>, vector<16xf32>,
      %mul3A_1559 = arith.constant 32 : i32
      %mul3A_1560 = vector.broadcast %mul3A_1559 : i32 to vector<16xi32>
      %mul3A_1561 = arith.muli %iota3A, %mul3A_1560 : vector<16xi32>
      %add3A_1562 = arith.constant 19 : i32
      %add3A_1563 = vector.broadcast %add3A_1562 : i32 to vector<16xi32>
      %add3A_1564 = arith.addi %mul3A_1561, %add3A_1563 : vector<16xi32>
      %gather3A_1565 = tpu.vector_load_idx %arg9[%add3A_1564, %and3A_15] : memref<512x128xf32, #tpu.memory_space<vmem>>[vector<16xi32>, vector<16xi32>], vector<16xf32>,
      %swap3A_1566 = arith.constant 304 : index
      %swap3A_1567 = tpu.vector_load %arg10[%swap3A_1566] {strides = array<i32>} : memref<512xf32, #tpu.memory_space<vmem>>, vector<16xf32>,
      tpu.vector_store %arg10[%swap3A_1566], %gather3A_1565 {strides = array<i32>} : memref<512xf32, #tpu.memory_space<vmem>>, vector<16xf32>,
      %mul3A_1568 = arith.constant 32 : i32
      %mul3A_1569 = vector.broadcast %mul3A_1568 : i32 to vector<16xi32>
      %mul3A_1570 = arith.muli %iota3A, %mul3A_1569 : vector<16xi32>
      %add3A_1571 = arith.constant 20 : i32
      %add3A_1572 = vector.broadcast %add3A_1571 : i32 to vector<16xi32>
      %add3A_1573 = arith.addi %mul3A_1570, %add3A_1572 : vector<16xi32>
      %gather3A_1574 = tpu.vector_load_idx %arg9[%add3A_1573, %and3A_15] : memref<512x128xf32, #tpu.memory_space<vmem>>[vector<16xi32>, vector<16xi32>], vector<16xf32>,
      %swap3A_1575 = arith.constant 320 : index
      %swap3A_1576 = tpu.vector_load %arg10[%swap3A_1575] {strides = array<i32>} : memref<512xf32, #tpu.memory_space<vmem>>, vector<16xf32>,
      tpu.vector_store %arg10[%swap3A_1575], %gather3A_1574 {strides = array<i32>} : memref<512xf32, #tpu.memory_space<vmem>>, vector<16xf32>,
      %mul3A_1577 = arith.constant 32 : i32
      %mul3A_1578 = vector.broadcast %mul3A_1577 : i32 to vector<16xi32>
      %mul3A_1579 = arith.muli %iota3A, %mul3A_1578 : vector<16xi32>
      %add3A_1580 = arith.constant 21 : i32
      %add3A_1581 = vector.broadcast %add3A_1580 : i32 to vector<16xi32>
      %add3A_1582 = arith.addi %mul3A_1579, %add3A_1581 : vector<16xi32>
      %gather3A_1583 = tpu.vector_load_idx %arg9[%add3A_1582, %and3A_15] : memref<512x128xf32, #tpu.memory_space<vmem>>[vector<16xi32>, vector<16xi32>], vector<16xf32>,
      %swap3A_1584 = arith.constant 336 : index
      %swap3A_1585 = tpu.vector_load %arg10[%swap3A_1584] {strides = array<i32>} : memref<512xf32, #tpu.memory_space<vmem>>, vector<16xf32>,
      tpu.vector_store %arg10[%swap3A_1584], %gather3A_1583 {strides = array<i32>} : memref<512xf32, #tpu.memory_space<vmem>>, vector<16xf32>,
      %mul3A_1586 = arith.constant 32 : i32
      %mul3A_1587 = vector.broadcast %mul3A_1586 : i32 to vector<16xi32>
      %mul3A_1588 = arith.muli %iota3A, %mul3A_1587 : vector<16xi32>
      %add3A_1589 = arith.constant 22 : i32
      %add3A_1590 = vector.broadcast %add3A_1589 : i32 to vector<16xi32>
      %add3A_1591 = arith.addi %mul3A_1588, %add3A_1590 : vector<16xi32>
      %gather3A_1592 = tpu.vector_load_idx %arg9[%add3A_1591, %and3A_15] : memref<512x128xf32, #tpu.memory_space<vmem>>[vector<16xi32>, vector<16xi32>], vector<16xf32>,
      %swap3A_1593 = arith.constant 352 : index
      %swap3A_1594 = tpu.vector_load %arg10[%swap3A_1593] {strides = array<i32>} : memref<512xf32, #tpu.memory_space<vmem>>, vector<16xf32>,
      tpu.vector_store %arg10[%swap3A_1593], %gather3A_1592 {strides = array<i32>} : memref<512xf32, #tpu.memory_space<vmem>>, vector<16xf32>,
      %mul3A_1595 = arith.constant 32 : i32
      %mul3A_1596 = vector.broadcast %mul3A_1595 : i32 to vector<16xi32>
      %mul3A_1597 = arith.muli %iota3A, %mul3A_1596 : vector<16xi32>
      %add3A_1598 = arith.constant 23 : i32
      %add3A_1599 = vector.broadcast %add3A_1598 : i32 to vector<16xi32>
      %add3A_1600 = arith.addi %mul3A_1597, %add3A_1599 : vector<16xi32>
      %gather3A_1601 = tpu.vector_load_idx %arg9[%add3A_1600, %and3A_15] : memref<512x128xf32, #tpu.memory_space<vmem>>[vector<16xi32>, vector<16xi32>], vector<16xf32>,
      %swap3A_1602 = arith.constant 368 : index
      %swap3A_1603 = tpu.vector_load %arg10[%swap3A_1602] {strides = array<i32>} : memref<512xf32, #tpu.memory_space<vmem>>, vector<16xf32>,
      tpu.vector_store %arg10[%swap3A_1602], %gather3A_1601 {strides = array<i32>} : memref<512xf32, #tpu.memory_space<vmem>>, vector<16xf32>,
      %mul3A_1604 = arith.constant 32 : i32
      %mul3A_1605 = vector.broadcast %mul3A_1604 : i32 to vector<16xi32>
      %mul3A_1606 = arith.muli %iota3A, %mul3A_1605 : vector<16xi32>
      %add3A_1607 = arith.constant 24 : i32
      %add3A_1608 = vector.broadcast %add3A_1607 : i32 to vector<16xi32>
      %add3A_1609 = arith.addi %mul3A_1606, %add3A_1608 : vector<16xi32>
      %gather3A_1610 = tpu.vector_load_idx %arg9[%add3A_1609, %and3A_15] : memref<512x128xf32, #tpu.memory_space<vmem>>[vector<16xi32>, vector<16xi32>], vector<16xf32>,
      %swap3A_1611 = arith.constant 384 : index
      %swap3A_1612 = tpu.vector_load %arg10[%swap3A_1611] {strides = array<i32>} : memref<512xf32, #tpu.memory_space<vmem>>, vector<16xf32>,
      tpu.vector_store %arg10[%swap3A_1611], %gather3A_1610 {strides = array<i32>} : memref<512xf32, #tpu.memory_space<vmem>>, vector<16xf32>,
      %mul3A_1613 = arith.constant 32 : i32
      %mul3A_1614 = vector.broadcast %mul3A_1613 : i32 to vector<16xi32>
      %mul3A_1615 = arith.muli %iota3A, %mul3A_1614 : vector<16xi32>
      %add3A_1616 = arith.constant 25 : i32
      %add3A_1617 = vector.broadcast %add3A_1616 : i32 to vector<16xi32>
      %add3A_1618 = arith.addi %mul3A_1615, %add3A_1617 : vector<16xi32>
      %gather3A_1619 = tpu.vector_load_idx %arg9[%add3A_1618, %and3A_15] : memref<512x128xf32, #tpu.memory_space<vmem>>[vector<16xi32>, vector<16xi32>], vector<16xf32>,
      %swap3A_1620 = arith.constant 400 : index
      %swap3A_1621 = tpu.vector_load %arg10[%swap3A_1620] {strides = array<i32>} : memref<512xf32, #tpu.memory_space<vmem>>, vector<16xf32>,
      tpu.vector_store %arg10[%swap3A_1620], %gather3A_1619 {strides = array<i32>} : memref<512xf32, #tpu.memory_space<vmem>>, vector<16xf32>,
      %mul3A_1622 = arith.constant 32 : i32
      %mul3A_1623 = vector.broadcast %mul3A_1622 : i32 to vector<16xi32>
      %mul3A_1624 = arith.muli %iota3A, %mul3A_1623 : vector<16xi32>
      %add3A_1625 = arith.constant 26 : i32
      %add3A_1626 = vector.broadcast %add3A_1625 : i32 to vector<16xi32>
      %add3A_1627 = arith.addi %mul3A_1624, %add3A_1626 : vector<16xi32>
      %gather3A_1628 = tpu.vector_load_idx %arg9[%add3A_1627, %and3A_15] : memref<512x128xf32, #tpu.memory_space<vmem>>[vector<16xi32>, vector<16xi32>], vector<16xf32>,
      %swap3A_1629 = arith.constant 416 : index
      %swap3A_1630 = tpu.vector_load %arg10[%swap3A_1629] {strides = array<i32>} : memref<512xf32, #tpu.memory_space<vmem>>, vector<16xf32>,
      tpu.vector_store %arg10[%swap3A_1629], %gather3A_1628 {strides = array<i32>} : memref<512xf32, #tpu.memory_space<vmem>>, vector<16xf32>,
      %mul3A_1631 = arith.constant 32 : i32
      %mul3A_1632 = vector.broadcast %mul3A_1631 : i32 to vector<16xi32>
      %mul3A_1633 = arith.muli %iota3A, %mul3A_1632 : vector<16xi32>
      %add3A_1634 = arith.constant 27 : i32
      %add3A_1635 = vector.broadcast %add3A_1634 : i32 to vector<16xi32>
      %add3A_1636 = arith.addi %mul3A_1633, %add3A_1635 : vector<16xi32>
      %gather3A_1637 = tpu.vector_load_idx %arg9[%add3A_1636, %and3A_15] : memref<512x128xf32, #tpu.memory_space<vmem>>[vector<16xi32>, vector<16xi32>], vector<16xf32>,
      %swap3A_1638 = arith.constant 432 : index
      %swap3A_1639 = tpu.vector_load %arg10[%swap3A_1638] {strides = array<i32>} : memref<512xf32, #tpu.memory_space<vmem>>, vector<16xf32>,
      tpu.vector_store %arg10[%swap3A_1638], %gather3A_1637 {strides = array<i32>} : memref<512xf32, #tpu.memory_space<vmem>>, vector<16xf32>,
      %mul3A_1640 = arith.constant 32 : i32
      %mul3A_1641 = vector.broadcast %mul3A_1640 : i32 to vector<16xi32>
      %mul3A_1642 = arith.muli %iota3A, %mul3A_1641 : vector<16xi32>
      %add3A_1643 = arith.constant 28 : i32
      %add3A_1644 = vector.broadcast %add3A_1643 : i32 to vector<16xi32>
      %add3A_1645 = arith.addi %mul3A_1642, %add3A_1644 : vector<16xi32>
      %gather3A_1646 = tpu.vector_load_idx %arg9[%add3A_1645, %and3A_15] : memref<512x128xf32, #tpu.memory_space<vmem>>[vector<16xi32>, vector<16xi32>], vector<16xf32>,
      %swap3A_1647 = arith.constant 448 : index
      %swap3A_1648 = tpu.vector_load %arg10[%swap3A_1647] {strides = array<i32>} : memref<512xf32, #tpu.memory_space<vmem>>, vector<16xf32>,
      tpu.vector_store %arg10[%swap3A_1647], %gather3A_1646 {strides = array<i32>} : memref<512xf32, #tpu.memory_space<vmem>>, vector<16xf32>,
      %mul3A_1649 = arith.constant 32 : i32
      %mul3A_1650 = vector.broadcast %mul3A_1649 : i32 to vector<16xi32>
      %mul3A_1651 = arith.muli %iota3A, %mul3A_1650 : vector<16xi32>
      %add3A_1652 = arith.constant 29 : i32
      %add3A_1653 = vector.broadcast %add3A_1652 : i32 to vector<16xi32>
      %add3A_1654 = arith.addi %mul3A_1651, %add3A_1653 : vector<16xi32>
      %gather3A_1655 = tpu.vector_load_idx %arg9[%add3A_1654, %and3A_15] : memref<512x128xf32, #tpu.memory_space<vmem>>[vector<16xi32>, vector<16xi32>], vector<16xf32>,
      %swap3A_1656 = arith.constant 464 : index
      %swap3A_1657 = tpu.vector_load %arg10[%swap3A_1656] {strides = array<i32>} : memref<512xf32, #tpu.memory_space<vmem>>, vector<16xf32>,
      tpu.vector_store %arg10[%swap3A_1656], %gather3A_1655 {strides = array<i32>} : memref<512xf32, #tpu.memory_space<vmem>>, vector<16xf32>,
      %mul3A_1658 = arith.constant 32 : i32
      %mul3A_1659 = vector.broadcast %mul3A_1658 : i32 to vector<16xi32>
      %mul3A_1660 = arith.muli %iota3A, %mul3A_1659 : vector<16xi32>
      %add3A_1661 = arith.constant 30 : i32
      %add3A_1662 = vector.broadcast %add3A_1661 : i32 to vector<16xi32>
      %add3A_1663 = arith.addi %mul3A_1660, %add3A_1662 : vector<16xi32>
      %gather3A_1664 = tpu.vector_load_idx %arg9[%add3A_1663, %and3A_15] : memref<512x128xf32, #tpu.memory_space<vmem>>[vector<16xi32>, vector<16xi32>], vector<16xf32>,
      %swap3A_1665 = arith.constant 480 : index
      %swap3A_1666 = tpu.vector_load %arg10[%swap3A_1665] {strides = array<i32>} : memref<512xf32, #tpu.memory_space<vmem>>, vector<16xf32>,
      tpu.vector_store %arg10[%swap3A_1665], %gather3A_1664 {strides = array<i32>} : memref<512xf32, #tpu.memory_space<vmem>>, vector<16xf32>,
      %mul3A_1667 = arith.constant 32 : i32
      %mul3A_1668 = vector.broadcast %mul3A_1667 : i32 to vector<16xi32>
      %mul3A_1669 = arith.muli %iota3A, %mul3A_1668 : vector<16xi32>
      %add3A_1670 = arith.constant 31 : i32
      %add3A_1671 = vector.broadcast %add3A_1670 : i32 to vector<16xi32>
      %add3A_1672 = arith.addi %mul3A_1669, %add3A_1671 : vector<16xi32>
      %gather3A_1673 = tpu.vector_load_idx %arg9[%add3A_1672, %and3A_15] : memref<512x128xf32, #tpu.memory_space<vmem>>[vector<16xi32>, vector<16xi32>], vector<16xf32>,
      %swap3A_1674 = arith.constant 496 : index
      %swap3A_1675 = tpu.vector_load %arg10[%swap3A_1674] {strides = array<i32>} : memref<512xf32, #tpu.memory_space<vmem>>, vector<16xf32>,
      tpu.vector_store %arg10[%swap3A_1674], %gather3A_1673 {strides = array<i32>} : memref<512xf32, #tpu.memory_space<vmem>>, vector<16xf32>,
      %slice3A_1676 = vector.extract_strided_slice %get3A_13 {offsets = [0], sizes = [1], strides = [1]} : vector<16xi32> to vector<1xi32>
      %squeeze3A_1677 = vector.extract %slice3A_1676[0] : i32 from vector<1xi32>
      %shift_right_arithmetic3A_1678 = arith.constant 7 : i32
      %shift_right_arithmetic3A_1679 = arith.shrsi %squeeze3A_1677, %shift_right_arithmetic3A_1678 : i32
      %mul3A_1680 = arith.constant 128 : i32
      %mul3A_1681 = arith.muli %shift_right_arithmetic3A_1679, %mul3A_1680 : i32
      %dma_start3A_1682 = arith.constant 0 : i32
      %dma_start3A_1683 = arith.constant 0 : i32
      %dma_start3A_1684 = tpu.memref_slice %arg9[%dma_start3A_1682, %dma_start3A_1683] : memref<512x128xf32, #tpu.memory_space<vmem>> -> memref<8x128xf32, #tpu.memory_space<vmem>>
      %dma_start3A_1685 = arith.constant 0 : i32
      %dma_start3A_1686 = tpu.memref_slice %arg5[%dma_start3A_1685, %mul3A_1681] : memref<32x1000000xf32, #tpu.memory_space<hbm>> -> memref<8x128xf32, #tpu.memory_space<hbm>>
      %dma_start3A_1687 = arith.constant 0 : i32
      %dma_start3A_1688 = arith.constant 0 : i32
      %dma_start3A_1689 = tpu.memref_slice %arg9[%dma_start3A_1687, %dma_start3A_1688] : memref<512x128xf32, #tpu.memory_space<vmem>> -> memref<8x128xf32, #tpu.memory_space<vmem>>
      %dma_start3A_1690 = arith.constant 0 : i32
      %dma_start3A_1691 = tpu.memref_slice %arg5[%dma_start3A_1690, %mul3A_1681] : memref<32x1000000xf32, #tpu.memory_space<hbm>> -> memref<8x128xf32, #tpu.memory_space<hbm>>
      tpu.enqueue_dma source(%dma_start3A_1691 : memref<8x128xf32, #tpu.memory_space<hbm>>) target(%dma_start3A_1689 : memref<8x128xf32, #tpu.memory_space<vmem>>) target_semaphore(%arg12 : memref<!tpu.dma_semaphore, #tpu.memory_space<semaphore_mem>>)
      %dma_start3A_1692 = arith.constant 8 : i32
      %dma_start3A_1693 = arith.constant 0 : i32
      %dma_start3A_1694 = tpu.memref_slice %arg9[%dma_start3A_1692, %dma_start3A_1693] : memref<512x128xf32, #tpu.memory_space<vmem>> -> memref<8x128xf32, #tpu.memory_space<vmem>>
      %dma_start3A_1695 = arith.constant 8 : i32
      %dma_start3A_1696 = tpu.memref_slice %arg5[%dma_start3A_1695, %mul3A_1681] : memref<32x1000000xf32, #tpu.memory_space<hbm>> -> memref<8x128xf32, #tpu.memory_space<hbm>>
      %dma_start3A_1697 = arith.constant 8 : i32
      %dma_start3A_1698 = arith.constant 0 : i32
      %dma_start3A_1699 = tpu.memref_slice %arg9[%dma_start3A_1697, %dma_start3A_1698] : memref<512x128xf32, #tpu.memory_space<vmem>> -> memref<8x128xf32, #tpu.memory_space<vmem>>
      %dma_start3A_1700 = arith.constant 8 : i32
      %dma_start3A_1701 = tpu.memref_slice %arg5[%dma_start3A_1700, %mul3A_1681] : memref<32x1000000xf32, #tpu.memory_space<hbm>> -> memref<8x128xf32, #tpu.memory_space<hbm>>
      tpu.enqueue_dma source(%dma_start3A_1701 : memref<8x128xf32, #tpu.memory_space<hbm>>) target(%dma_start3A_1699 : memref<8x128xf32, #tpu.memory_space<vmem>>) target_semaphore(%arg12 : memref<!tpu.dma_semaphore, #tpu.memory_space<semaphore_mem>>)
      %dma_start3A_1702 = arith.constant 16 : i32
      %dma_start3A_1703 = arith.constant 0 : i32
      %dma_start3A_1704 = tpu.memref_slice %arg9[%dma_start3A_1702, %dma_start3A_1703] : memref<512x128xf32, #tpu.memory_space<vmem>> -> memref<8x128xf32, #tpu.memory_space<vmem>>
      %dma_start3A_1705 = arith.constant 16 : i32
      %dma_start3A_1706 = tpu.memref_slice %arg5[%dma_start3A_1705, %mul3A_1681] : memref<32x1000000xf32, #tpu.memory_space<hbm>> -> memref<8x128xf32, #tpu.memory_space<hbm>>
      %dma_start3A_1707 = arith.constant 16 : i32
      %dma_start3A_1708 = arith.constant 0 : i32
      %dma_start3A_1709 = tpu.memref_slice %arg9[%dma_start3A_1707, %dma_start3A_1708] : memref<512x128xf32, #tpu.memory_space<vmem>> -> memref<8x128xf32, #tpu.memory_space<vmem>>
      %dma_start3A_1710 = arith.constant 16 : i32
      %dma_start3A_1711 = tpu.memref_slice %arg5[%dma_start3A_1710, %mul3A_1681] : memref<32x1000000xf32, #tpu.memory_space<hbm>> -> memref<8x128xf32, #tpu.memory_space<hbm>>
      tpu.enqueue_dma source(%dma_start3A_1711 : memref<8x128xf32, #tpu.memory_space<hbm>>) target(%dma_start3A_1709 : memref<8x128xf32, #tpu.memory_space<vmem>>) target_semaphore(%arg12 : memref<!tpu.dma_semaphore, #tpu.memory_space<semaphore_mem>>)
      %dma_start3A_1712 = arith.constant 24 : i32
      %dma_start3A_1713 = arith.constant 0 : i32
      %dma_start3A_1714 = tpu.memref_slice %arg9[%dma_start3A_1712, %dma_start3A_1713] : memref<512x128xf32, #tpu.memory_space<vmem>> -> memref<8x128xf32, #tpu.memory_space<vmem>>
      %dma_start3A_1715 = arith.constant 24 : i32
      %dma_start3A_1716 = tpu.memref_slice %arg5[%dma_start3A_1715, %mul3A_1681] : memref<32x1000000xf32, #tpu.memory_space<hbm>> -> memref<8x128xf32, #tpu.memory_space<hbm>>
      %dma_start3A_1717 = arith.constant 24 : i32
      %dma_start3A_1718 = arith.constant 0 : i32
      %dma_start3A_1719 = tpu.memref_slice %arg9[%dma_start3A_1717, %dma_start3A_1718] : memref<512x128xf32, #tpu.memory_space<vmem>> -> memref<8x128xf32, #tpu.memory_space<vmem>>
      %dma_start3A_1720 = arith.constant 24 : i32
      %dma_start3A_1721 = tpu.memref_slice %arg5[%dma_start3A_1720, %mul3A_1681] : memref<32x1000000xf32, #tpu.memory_space<hbm>> -> memref<8x128xf32, #tpu.memory_space<hbm>>
      tpu.enqueue_dma source(%dma_start3A_1721 : memref<8x128xf32, #tpu.memory_space<hbm>>) target(%dma_start3A_1719 : memref<8x128xf32, #tpu.memory_space<vmem>>) target_semaphore(%arg12 : memref<!tpu.dma_semaphore, #tpu.memory_space<semaphore_mem>>)
      %slice3A_1722 = vector.extract_strided_slice %get3A_13 {offsets = [1], sizes = [1], strides = [1]} : vector<16xi32> to vector<1xi32>
      %squeeze3A_1723 = vector.extract %slice3A_1722[0] : i32 from vector<1xi32>
      %shift_right_arithmetic3A_1724 = arith.constant 7 : i32
      %shift_right_arithmetic3A_1725 = arith.shrsi %squeeze3A_1723, %shift_right_arithmetic3A_1724 : i32
      %mul3A_1726 = arith.constant 128 : i32
      %mul3A_1727 = arith.muli %shift_right_arithmetic3A_1725, %mul3A_1726 : i32
      %dma_start3A_1728 = arith.constant 32 : i32
      %dma_start3A_1729 = arith.constant 0 : i32
      %dma_start3A_1730 = tpu.memref_slice %arg9[%dma_start3A_1728, %dma_start3A_1729] : memref<512x128xf32, #tpu.memory_space<vmem>> -> memref<8x128xf32, #tpu.memory_space<vmem>>
      %dma_start3A_1731 = arith.constant 0 : i32
      %dma_start3A_1732 = tpu.memref_slice %arg5[%dma_start3A_1731, %mul3A_1727] : memref<32x1000000xf32, #tpu.memory_space<hbm>> -> memref<8x128xf32, #tpu.memory_space<hbm>>
      %dma_start3A_1733 = arith.constant 32 : i32
      %dma_start3A_1734 = arith.constant 0 : i32
      %dma_start3A_1735 = tpu.memref_slice %arg9[%dma_start3A_1733, %dma_start3A_1734] : memref<512x128xf32, #tpu.memory_space<vmem>> -> memref<8x128xf32, #tpu.memory_space<vmem>>
      %dma_start3A_1736 = arith.constant 0 : i32
      %dma_start3A_1737 = tpu.memref_slice %arg5[%dma_start3A_1736, %mul3A_1727] : memref<32x1000000xf32, #tpu.memory_space<hbm>> -> memref<8x128xf32, #tpu.memory_space<hbm>>
      tpu.enqueue_dma source(%dma_start3A_1737 : memref<8x128xf32, #tpu.memory_space<hbm>>) target(%dma_start3A_1735 : memref<8x128xf32, #tpu.memory_space<vmem>>) target_semaphore(%arg12 : memref<!tpu.dma_semaphore, #tpu.memory_space<semaphore_mem>>)
      %dma_start3A_1738 = arith.constant 40 : i32
      %dma_start3A_1739 = arith.constant 0 : i32
      %dma_start3A_1740 = tpu.memref_slice %arg9[%dma_start3A_1738, %dma_start3A_1739] : memref<512x128xf32, #tpu.memory_space<vmem>> -> memref<8x128xf32, #tpu.memory_space<vmem>>
      %dma_start3A_1741 = arith.constant 8 : i32
      %dma_start3A_1742 = tpu.memref_slice %arg5[%dma_start3A_1741, %mul3A_1727] : memref<32x1000000xf32, #tpu.memory_space<hbm>> -> memref<8x128xf32, #tpu.memory_space<hbm>>
      %dma_start3A_1743 = arith.constant 40 : i32
      %dma_start3A_1744 = arith.constant 0 : i32
      %dma_start3A_1745 = tpu.memref_slice %arg9[%dma_start3A_1743, %dma_start3A_1744] : memref<512x128xf32, #tpu.memory_space<vmem>> -> memref<8x128xf32, #tpu.memory_space<vmem>>
      %dma_start3A_1746 = arith.constant 8 : i32
      %dma_start3A_1747 = tpu.memref_slice %arg5[%dma_start3A_1746, %mul3A_1727] : memref<32x1000000xf32, #tpu.memory_space<hbm>> -> memref<8x128xf32, #tpu.memory_space<hbm>>
      tpu.enqueue_dma source(%dma_start3A_1747 : memref<8x128xf32, #tpu.memory_space<hbm>>) target(%dma_start3A_1745 : memref<8x128xf32, #tpu.memory_space<vmem>>) target_semaphore(%arg12 : memref<!tpu.dma_semaphore, #tpu.memory_space<semaphore_mem>>)
      %dma_start3A_1748 = arith.constant 48 : i32
      %dma_start3A_1749 = arith.constant 0 : i32
      %dma_start3A_1750 = tpu.memref_slice %arg9[%dma_start3A_1748, %dma_start3A_1749] : memref<512x128xf32, #tpu.memory_space<vmem>> -> memref<8x128xf32, #tpu.memory_space<vmem>>
      %dma_start3A_1751 = arith.constant 16 : i32
      %dma_start3A_1752 = tpu.memref_slice %arg5[%dma_start3A_1751, %mul3A_1727] : memref<32x1000000xf32, #tpu.memory_space<hbm>> -> memref<8x128xf32, #tpu.memory_space<hbm>>
      %dma_start3A_1753 = arith.constant 48 : i32
      %dma_start3A_1754 = arith.constant 0 : i32
      %dma_start3A_1755 = tpu.memref_slice %arg9[%dma_start3A_1753, %dma_start3A_1754] : memref<512x128xf32, #tpu.memory_space<vmem>> -> memref<8x128xf32, #tpu.memory_space<vmem>>
      %dma_start3A_1756 = arith.constant 16 : i32
      %dma_start3A_1757 = tpu.memref_slice %arg5[%dma_start3A_1756, %mul3A_1727] : memref<32x1000000xf32, #tpu.memory_space<hbm>> -> memref<8x128xf32, #tpu.memory_space<hbm>>
      tpu.enqueue_dma source(%dma_start3A_1757 : memref<8x128xf32, #tpu.memory_space<hbm>>) target(%dma_start3A_1755 : memref<8x128xf32, #tpu.memory_space<vmem>>) target_semaphore(%arg12 : memref<!tpu.dma_semaphore, #tpu.memory_space<semaphore_mem>>)
      %dma_start3A_1758 = arith.constant 56 : i32
      %dma_start3A_1759 = arith.constant 0 : i32
      %dma_start3A_1760 = tpu.memref_slice %arg9[%dma_start3A_1758, %dma_start3A_1759] : memref<512x128xf32, #tpu.memory_space<vmem>> -> memref<8x128xf32, #tpu.memory_space<vmem>>
      %dma_start3A_1761 = arith.constant 24 : i32
      %dma_start3A_1762 = tpu.memref_slice %arg5[%dma_start3A_1761, %mul3A_1727] : memref<32x1000000xf32, #tpu.memory_space<hbm>> -> memref<8x128xf32, #tpu.memory_space<hbm>>
      %dma_start3A_1763 = arith.constant 56 : i32
      %dma_start3A_1764 = arith.constant 0 : i32
      %dma_start3A_1765 = tpu.memref_slice %arg9[%dma_start3A_1763, %dma_start3A_1764] : memref<512x128xf32, #tpu.memory_space<vmem>> -> memref<8x128xf32, #tpu.memory_space<vmem>>
      %dma_start3A_1766 = arith.constant 24 : i32
      %dma_start3A_1767 = tpu.memref_slice %arg5[%dma_start3A_1766, %mul3A_1727] : memref<32x1000000xf32, #tpu.memory_space<hbm>> -> memref<8x128xf32, #tpu.memory_space<hbm>>
      tpu.enqueue_dma source(%dma_start3A_1767 : memref<8x128xf32, #tpu.memory_space<hbm>>) target(%dma_start3A_1765 : memref<8x128xf32, #tpu.memory_space<vmem>>) target_semaphore(%arg12 : memref<!tpu.dma_semaphore, #tpu.memory_space<semaphore_mem>>)
      %slice3A_1768 = vector.extract_strided_slice %get3A_13 {offsets = [2], sizes = [1], strides = [1]} : vector<16xi32> to vector<1xi32>
      %squeeze3A_1769 = vector.extract %slice3A_1768[0] : i32 from vector<1xi32>
      %shift_right_arithmetic3A_1770 = arith.constant 7 : i32
      %shift_right_arithmetic3A_1771 = arith.shrsi %squeeze3A_1769, %shift_right_arithmetic3A_1770 : i32
      %mul3A_1772 = arith.constant 128 : i32
      %mul3A_1773 = arith.muli %shift_right_arithmetic3A_1771, %mul3A_1772 : i32
      %dma_start3A_1774 = arith.constant 64 : i32
      %dma_start3A_1775 = arith.constant 0 : i32
      %dma_start3A_1776 = tpu.memref_slice %arg9[%dma_start3A_1774, %dma_start3A_1775] : memref<512x128xf32, #tpu.memory_space<vmem>> -> memref<8x128xf32, #tpu.memory_space<vmem>>
      %dma_start3A_1777 = arith.constant 0 : i32
      %dma_start3A_1778 = tpu.memref_slice %arg5[%dma_start3A_1777, %mul3A_1773] : memref<32x1000000xf32, #tpu.memory_space<hbm>> -> memref<8x128xf32, #tpu.memory_space<hbm>>
      %dma_start3A_1779 = arith.constant 64 : i32
      %dma_start3A_1780 = arith.constant 0 : i32
      %dma_start3A_1781 = tpu.memref_slice %arg9[%dma_start3A_1779, %dma_start3A_1780] : memref<512x128xf32, #tpu.memory_space<vmem>> -> memref<8x128xf32, #tpu.memory_space<vmem>>
      %dma_start3A_1782 = arith.constant 0 : i32
      %dma_start3A_1783 = tpu.memref_slice %arg5[%dma_start3A_1782, %mul3A_1773] : memref<32x1000000xf32, #tpu.memory_space<hbm>> -> memref<8x128xf32, #tpu.memory_space<hbm>>
      tpu.enqueue_dma source(%dma_start3A_1783 : memref<8x128xf32, #tpu.memory_space<hbm>>) target(%dma_start3A_1781 : memref<8x128xf32, #tpu.memory_space<vmem>>) target_semaphore(%arg12 : memref<!tpu.dma_semaphore, #tpu.memory_space<semaphore_mem>>)
      %dma_start3A_1784 = arith.constant 72 : i32
      %dma_start3A_1785 = arith.constant 0 : i32
      %dma_start3A_1786 = tpu.memref_slice %arg9[%dma_start3A_1784, %dma_start3A_1785] : memref<512x128xf32, #tpu.memory_space<vmem>> -> memref<8x128xf32, #tpu.memory_space<vmem>>
      %dma_start3A_1787 = arith.constant 8 : i32
      %dma_start3A_1788 = tpu.memref_slice %arg5[%dma_start3A_1787, %mul3A_1773] : memref<32x1000000xf32, #tpu.memory_space<hbm>> -> memref<8x128xf32, #tpu.memory_space<hbm>>
      %dma_start3A_1789 = arith.constant 72 : i32
      %dma_start3A_1790 = arith.constant 0 : i32
      %dma_start3A_1791 = tpu.memref_slice %arg9[%dma_start3A_1789, %dma_start3A_1790] : memref<512x128xf32, #tpu.memory_space<vmem>> -> memref<8x128xf32, #tpu.memory_space<vmem>>
      %dma_start3A_1792 = arith.constant 8 : i32
      %dma_start3A_1793 = tpu.memref_slice %arg5[%dma_start3A_1792, %mul3A_1773] : memref<32x1000000xf32, #tpu.memory_space<hbm>> -> memref<8x128xf32, #tpu.memory_space<hbm>>
      tpu.enqueue_dma source(%dma_start3A_1793 : memref<8x128xf32, #tpu.memory_space<hbm>>) target(%dma_start3A_1791 : memref<8x128xf32, #tpu.memory_space<vmem>>) target_semaphore(%arg12 : memref<!tpu.dma_semaphore, #tpu.memory_space<semaphore_mem>>)
      %dma_start3A_1794 = arith.constant 80 : i32
      %dma_start3A_1795 = arith.constant 0 : i32
      %dma_start3A_1796 = tpu.memref_slice %arg9[%dma_start3A_1794, %dma_start3A_1795] : memref<512x128xf32, #tpu.memory_space<vmem>> -> memref<8x128xf32, #tpu.memory_space<vmem>>
      %dma_start3A_1797 = arith.constant 16 : i32
      %dma_start3A_1798 = tpu.memref_slice %arg5[%dma_start3A_1797, %mul3A_1773] : memref<32x1000000xf32, #tpu.memory_space<hbm>> -> memref<8x128xf32, #tpu.memory_space<hbm>>
      %dma_start3A_1799 = arith.constant 80 : i32
      %dma_start3A_1800 = arith.constant 0 : i32
      %dma_start3A_1801 = tpu.memref_slice %arg9[%dma_start3A_1799, %dma_start3A_1800] : memref<512x128xf32, #tpu.memory_space<vmem>> -> memref<8x128xf32, #tpu.memory_space<vmem>>
      %dma_start3A_1802 = arith.constant 16 : i32
      %dma_start3A_1803 = tpu.memref_slice %arg5[%dma_start3A_1802, %mul3A_1773] : memref<32x1000000xf32, #tpu.memory_space<hbm>> -> memref<8x128xf32, #tpu.memory_space<hbm>>
      tpu.enqueue_dma source(%dma_start3A_1803 : memref<8x128xf32, #tpu.memory_space<hbm>>) target(%dma_start3A_1801 : memref<8x128xf32, #tpu.memory_space<vmem>>) target_semaphore(%arg12 : memref<!tpu.dma_semaphore, #tpu.memory_space<semaphore_mem>>)
      %dma_start3A_1804 = arith.constant 88 : i32
      %dma_start3A_1805 = arith.constant 0 : i32
      %dma_start3A_1806 = tpu.memref_slice %arg9[%dma_start3A_1804, %dma_start3A_1805] : memref<512x128xf32, #tpu.memory_space<vmem>> -> memref<8x128xf32, #tpu.memory_space<vmem>>
      %dma_start3A_1807 = arith.constant 24 : i32
      %dma_start3A_1808 = tpu.memref_slice %arg5[%dma_start3A_1807, %mul3A_1773] : memref<32x1000000xf32, #tpu.memory_space<hbm>> -> memref<8x128xf32, #tpu.memory_space<hbm>>
      %dma_start3A_1809 = arith.constant 88 : i32
      %dma_start3A_1810 = arith.constant 0 : i32
      %dma_start3A_1811 = tpu.memref_slice %arg9[%dma_start3A_1809, %dma_start3A_1810] : memref<512x128xf32, #tpu.memory_space<vmem>> -> memref<8x128xf32, #tpu.memory_space<vmem>>
      %dma_start3A_1812 = arith.constant 24 : i32
      %dma_start3A_1813 = tpu.memref_slice %arg5[%dma_start3A_1812, %mul3A_1773] : memref<32x1000000xf32, #tpu.memory_space<hbm>> -> memref<8x128xf32, #tpu.memory_space<hbm>>
      tpu.enqueue_dma source(%dma_start3A_1813 : memref<8x128xf32, #tpu.memory_space<hbm>>) target(%dma_start3A_1811 : memref<8x128xf32, #tpu.memory_space<vmem>>) target_semaphore(%arg12 : memref<!tpu.dma_semaphore, #tpu.memory_space<semaphore_mem>>)
      %slice3A_1814 = vector.extract_strided_slice %get3A_13 {offsets = [3], sizes = [1], strides = [1]} : vector<16xi32> to vector<1xi32>
      %squeeze3A_1815 = vector.extract %slice3A_1814[0] : i32 from vector<1xi32>
      %shift_right_arithmetic3A_1816 = arith.constant 7 : i32
      %shift_right_arithmetic3A_1817 = arith.shrsi %squeeze3A_1815, %shift_right_arithmetic3A_1816 : i32
      %mul3A_1818 = arith.constant 128 : i32
      %mul3A_1819 = arith.muli %shift_right_arithmetic3A_1817, %mul3A_1818 : i32
      %dma_start3A_1820 = arith.constant 96 : i32
      %dma_start3A_1821 = arith.constant 0 : i32
      %dma_start3A_1822 = tpu.memref_slice %arg9[%dma_start3A_1820, %dma_start3A_1821] : memref<512x128xf32, #tpu.memory_space<vmem>> -> memref<8x128xf32, #tpu.memory_space<vmem>>
      %dma_start3A_1823 = arith.constant 0 : i32
      %dma_start3A_1824 = tpu.memref_slice %arg5[%dma_start3A_1823, %mul3A_1819] : memref<32x1000000xf32, #tpu.memory_space<hbm>> -> memref<8x128xf32, #tpu.memory_space<hbm>>
      %dma_start3A_1825 = arith.constant 96 : i32
      %dma_start3A_1826 = arith.constant 0 : i32
      %dma_start3A_1827 = tpu.memref_slice %arg9[%dma_start3A_1825, %dma_start3A_1826] : memref<512x128xf32, #tpu.memory_space<vmem>> -> memref<8x128xf32, #tpu.memory_space<vmem>>
      %dma_start3A_1828 = arith.constant 0 : i32
      %dma_start3A_1829 = tpu.memref_slice %arg5[%dma_start3A_1828, %mul3A_1819] : memref<32x1000000xf32, #tpu.memory_space<hbm>> -> memref<8x128xf32, #tpu.memory_space<hbm>>
      tpu.enqueue_dma source(%dma_start3A_1829 : memref<8x128xf32, #tpu.memory_space<hbm>>) target(%dma_start3A_1827 : memref<8x128xf32, #tpu.memory_space<vmem>>) target_semaphore(%arg12 : memref<!tpu.dma_semaphore, #tpu.memory_space<semaphore_mem>>)
      %dma_start3A_1830 = arith.constant 104 : i32
      %dma_start3A_1831 = arith.constant 0 : i32
      %dma_start3A_1832 = tpu.memref_slice %arg9[%dma_start3A_1830, %dma_start3A_1831] : memref<512x128xf32, #tpu.memory_space<vmem>> -> memref<8x128xf32, #tpu.memory_space<vmem>>
      %dma_start3A_1833 = arith.constant 8 : i32
      %dma_start3A_1834 = tpu.memref_slice %arg5[%dma_start3A_1833, %mul3A_1819] : memref<32x1000000xf32, #tpu.memory_space<hbm>> -> memref<8x128xf32, #tpu.memory_space<hbm>>
      %dma_start3A_1835 = arith.constant 104 : i32
      %dma_start3A_1836 = arith.constant 0 : i32
      %dma_start3A_1837 = tpu.memref_slice %arg9[%dma_start3A_1835, %dma_start3A_1836] : memref<512x128xf32, #tpu.memory_space<vmem>> -> memref<8x128xf32, #tpu.memory_space<vmem>>
      %dma_start3A_1838 = arith.constant 8 : i32
      %dma_start3A_1839 = tpu.memref_slice %arg5[%dma_start3A_1838, %mul3A_1819] : memref<32x1000000xf32, #tpu.memory_space<hbm>> -> memref<8x128xf32, #tpu.memory_space<hbm>>
      tpu.enqueue_dma source(%dma_start3A_1839 : memref<8x128xf32, #tpu.memory_space<hbm>>) target(%dma_start3A_1837 : memref<8x128xf32, #tpu.memory_space<vmem>>) target_semaphore(%arg12 : memref<!tpu.dma_semaphore, #tpu.memory_space<semaphore_mem>>)
      %dma_start3A_1840 = arith.constant 112 : i32
      %dma_start3A_1841 = arith.constant 0 : i32
      %dma_start3A_1842 = tpu.memref_slice %arg9[%dma_start3A_1840, %dma_start3A_1841] : memref<512x128xf32, #tpu.memory_space<vmem>> -> memref<8x128xf32, #tpu.memory_space<vmem>>
      %dma_start3A_1843 = arith.constant 16 : i32
      %dma_start3A_1844 = tpu.memref_slice %arg5[%dma_start3A_1843, %mul3A_1819] : memref<32x1000000xf32, #tpu.memory_space<hbm>> -> memref<8x128xf32, #tpu.memory_space<hbm>>
      %dma_start3A_1845 = arith.constant 112 : i32
      %dma_start3A_1846 = arith.constant 0 : i32
      %dma_start3A_1847 = tpu.memref_slice %arg9[%dma_start3A_1845, %dma_start3A_1846] : memref<512x128xf32, #tpu.memory_space<vmem>> -> memref<8x128xf32, #tpu.memory_space<vmem>>
      %dma_start3A_1848 = arith.constant 16 : i32
      %dma_start3A_1849 = tpu.memref_slice %arg5[%dma_start3A_1848, %mul3A_1819] : memref<32x1000000xf32, #tpu.memory_space<hbm>> -> memref<8x128xf32, #tpu.memory_space<hbm>>
      tpu.enqueue_dma source(%dma_start3A_1849 : memref<8x128xf32, #tpu.memory_space<hbm>>) target(%dma_start3A_1847 : memref<8x128xf32, #tpu.memory_space<vmem>>) target_semaphore(%arg12 : memref<!tpu.dma_semaphore, #tpu.memory_space<semaphore_mem>>)
      %dma_start3A_1850 = arith.constant 120 : i32
      %dma_start3A_1851 = arith.constant 0 : i32
      %dma_start3A_1852 = tpu.memref_slice %arg9[%dma_start3A_1850, %dma_start3A_1851] : memref<512x128xf32, #tpu.memory_space<vmem>> -> memref<8x128xf32, #tpu.memory_space<vmem>>
      %dma_start3A_1853 = arith.constant 24 : i32
      %dma_start3A_1854 = tpu.memref_slice %arg5[%dma_start3A_1853, %mul3A_1819] : memref<32x1000000xf32, #tpu.memory_space<hbm>> -> memref<8x128xf32, #tpu.memory_space<hbm>>
      %dma_start3A_1855 = arith.constant 120 : i32
      %dma_start3A_1856 = arith.constant 0 : i32
      %dma_start3A_1857 = tpu.memref_slice %arg9[%dma_start3A_1855, %dma_start3A_1856] : memref<512x128xf32, #tpu.memory_space<vmem>> -> memref<8x128xf32, #tpu.memory_space<vmem>>
      %dma_start3A_1858 = arith.constant 24 : i32
      %dma_start3A_1859 = tpu.memref_slice %arg5[%dma_start3A_1858, %mul3A_1819] : memref<32x1000000xf32, #tpu.memory_space<hbm>> -> memref<8x128xf32, #tpu.memory_space<hbm>>
      tpu.enqueue_dma source(%dma_start3A_1859 : memref<8x128xf32, #tpu.memory_space<hbm>>) target(%dma_start3A_1857 : memref<8x128xf32, #tpu.memory_space<vmem>>) target_semaphore(%arg12 : memref<!tpu.dma_semaphore, #tpu.memory_space<semaphore_mem>>)
      %slice3A_1860 = vector.extract_strided_slice %get3A_13 {offsets = [4], sizes = [1], strides = [1]} : vector<16xi32> to vector<1xi32>
      %squeeze3A_1861 = vector.extract %slice3A_1860[0] : i32 from vector<1xi32>
      %shift_right_arithmetic3A_1862 = arith.constant 7 : i32
      %shift_right_arithmetic3A_1863 = arith.shrsi %squeeze3A_1861, %shift_right_arithmetic3A_1862 : i32
      %mul3A_1864 = arith.constant 128 : i32
      %mul3A_1865 = arith.muli %shift_right_arithmetic3A_1863, %mul3A_1864 : i32
      %dma_start3A_1866 = arith.constant 128 : i32
      %dma_start3A_1867 = arith.constant 0 : i32
      %dma_start3A_1868 = tpu.memref_slice %arg9[%dma_start3A_1866, %dma_start3A_1867] : memref<512x128xf32, #tpu.memory_space<vmem>> -> memref<8x128xf32, #tpu.memory_space<vmem>>
      %dma_start3A_1869 = arith.constant 0 : i32
      %dma_start3A_1870 = tpu.memref_slice %arg5[%dma_start3A_1869, %mul3A_1865] : memref<32x1000000xf32, #tpu.memory_space<hbm>> -> memref<8x128xf32, #tpu.memory_space<hbm>>
      %dma_start3A_1871 = arith.constant 128 : i32
      %dma_start3A_1872 = arith.constant 0 : i32
      %dma_start3A_1873 = tpu.memref_slice %arg9[%dma_start3A_1871, %dma_start3A_1872] : memref<512x128xf32, #tpu.memory_space<vmem>> -> memref<8x128xf32, #tpu.memory_space<vmem>>
      %dma_start3A_1874 = arith.constant 0 : i32
      %dma_start3A_1875 = tpu.memref_slice %arg5[%dma_start3A_1874, %mul3A_1865] : memref<32x1000000xf32, #tpu.memory_space<hbm>> -> memref<8x128xf32, #tpu.memory_space<hbm>>
      tpu.enqueue_dma source(%dma_start3A_1875 : memref<8x128xf32, #tpu.memory_space<hbm>>) target(%dma_start3A_1873 : memref<8x128xf32, #tpu.memory_space<vmem>>) target_semaphore(%arg12 : memref<!tpu.dma_semaphore, #tpu.memory_space<semaphore_mem>>)
      %dma_start3A_1876 = arith.constant 136 : i32
      %dma_start3A_1877 = arith.constant 0 : i32
      %dma_start3A_1878 = tpu.memref_slice %arg9[%dma_start3A_1876, %dma_start3A_1877] : memref<512x128xf32, #tpu.memory_space<vmem>> -> memref<8x128xf32, #tpu.memory_space<vmem>>
      %dma_start3A_1879 = arith.constant 8 : i32
      %dma_start3A_1880 = tpu.memref_slice %arg5[%dma_start3A_1879, %mul3A_1865] : memref<32x1000000xf32, #tpu.memory_space<hbm>> -> memref<8x128xf32, #tpu.memory_space<hbm>>
      %dma_start3A_1881 = arith.constant 136 : i32
      %dma_start3A_1882 = arith.constant 0 : i32
      %dma_start3A_1883 = tpu.memref_slice %arg9[%dma_start3A_1881, %dma_start3A_1882] : memref<512x128xf32, #tpu.memory_space<vmem>> -> memref<8x128xf32, #tpu.memory_space<vmem>>
      %dma_start3A_1884 = arith.constant 8 : i32
      %dma_start3A_1885 = tpu.memref_slice %arg5[%dma_start3A_1884, %mul3A_1865] : memref<32x1000000xf32, #tpu.memory_space<hbm>> -> memref<8x128xf32, #tpu.memory_space<hbm>>
      tpu.enqueue_dma source(%dma_start3A_1885 : memref<8x128xf32, #tpu.memory_space<hbm>>) target(%dma_start3A_1883 : memref<8x128xf32, #tpu.memory_space<vmem>>) target_semaphore(%arg12 : memref<!tpu.dma_semaphore, #tpu.memory_space<semaphore_mem>>)
      %dma_start3A_1886 = arith.constant 144 : i32
      %dma_start3A_1887 = arith.constant 0 : i32
      %dma_start3A_1888 = tpu.memref_slice %arg9[%dma_start3A_1886, %dma_start3A_1887] : memref<512x128xf32, #tpu.memory_space<vmem>> -> memref<8x128xf32, #tpu.memory_space<vmem>>
      %dma_start3A_1889 = arith.constant 16 : i32
      %dma_start3A_1890 = tpu.memref_slice %arg5[%dma_start3A_1889, %mul3A_1865] : memref<32x1000000xf32, #tpu.memory_space<hbm>> -> memref<8x128xf32, #tpu.memory_space<hbm>>
      %dma_start3A_1891 = arith.constant 144 : i32
      %dma_start3A_1892 = arith.constant 0 : i32
      %dma_start3A_1893 = tpu.memref_slice %arg9[%dma_start3A_1891, %dma_start3A_1892] : memref<512x128xf32, #tpu.memory_space<vmem>> -> memref<8x128xf32, #tpu.memory_space<vmem>>
      %dma_start3A_1894 = arith.constant 16 : i32
      %dma_start3A_1895 = tpu.memref_slice %arg5[%dma_start3A_1894, %mul3A_1865] : memref<32x1000000xf32, #tpu.memory_space<hbm>> -> memref<8x128xf32, #tpu.memory_space<hbm>>
      tpu.enqueue_dma source(%dma_start3A_1895 : memref<8x128xf32, #tpu.memory_space<hbm>>) target(%dma_start3A_1893 : memref<8x128xf32, #tpu.memory_space<vmem>>) target_semaphore(%arg12 : memref<!tpu.dma_semaphore, #tpu.memory_space<semaphore_mem>>)
      %dma_start3A_1896 = arith.constant 152 : i32
      %dma_start3A_1897 = arith.constant 0 : i32
      %dma_start3A_1898 = tpu.memref_slice %arg9[%dma_start3A_1896, %dma_start3A_1897] : memref<512x128xf32, #tpu.memory_space<vmem>> -> memref<8x128xf32, #tpu.memory_space<vmem>>
      %dma_start3A_1899 = arith.constant 24 : i32
      %dma_start3A_1900 = tpu.memref_slice %arg5[%dma_start3A_1899, %mul3A_1865] : memref<32x1000000xf32, #tpu.memory_space<hbm>> -> memref<8x128xf32, #tpu.memory_space<hbm>>
      %dma_start3A_1901 = arith.constant 152 : i32
      %dma_start3A_1902 = arith.constant 0 : i32
      %dma_start3A_1903 = tpu.memref_slice %arg9[%dma_start3A_1901, %dma_start3A_1902] : memref<512x128xf32, #tpu.memory_space<vmem>> -> memref<8x128xf32, #tpu.memory_space<vmem>>
      %dma_start3A_1904 = arith.constant 24 : i32
      %dma_start3A_1905 = tpu.memref_slice %arg5[%dma_start3A_1904, %mul3A_1865] : memref<32x1000000xf32, #tpu.memory_space<hbm>> -> memref<8x128xf32, #tpu.memory_space<hbm>>
      tpu.enqueue_dma source(%dma_start3A_1905 : memref<8x128xf32, #tpu.memory_space<hbm>>) target(%dma_start3A_1903 : memref<8x128xf32, #tpu.memory_space<vmem>>) target_semaphore(%arg12 : memref<!tpu.dma_semaphore, #tpu.memory_space<semaphore_mem>>)
      %slice3A_1906 = vector.extract_strided_slice %get3A_13 {offsets = [5], sizes = [1], strides = [1]} : vector<16xi32> to vector<1xi32>
      %squeeze3A_1907 = vector.extract %slice3A_1906[0] : i32 from vector<1xi32>
      %shift_right_arithmetic3A_1908 = arith.constant 7 : i32
      %shift_right_arithmetic3A_1909 = arith.shrsi %squeeze3A_1907, %shift_right_arithmetic3A_1908 : i32
      %mul3A_1910 = arith.constant 128 : i32
      %mul3A_1911 = arith.muli %shift_right_arithmetic3A_1909, %mul3A_1910 : i32
      %dma_start3A_1912 = arith.constant 160 : i32
      %dma_start3A_1913 = arith.constant 0 : i32
      %dma_start3A_1914 = tpu.memref_slice %arg9[%dma_start3A_1912, %dma_start3A_1913] : memref<512x128xf32, #tpu.memory_space<vmem>> -> memref<8x128xf32, #tpu.memory_space<vmem>>
      %dma_start3A_1915 = arith.constant 0 : i32
      %dma_start3A_1916 = tpu.memref_slice %arg5[%dma_start3A_1915, %mul3A_1911] : memref<32x1000000xf32, #tpu.memory_space<hbm>> -> memref<8x128xf32, #tpu.memory_space<hbm>>
      %dma_start3A_1917 = arith.constant 160 : i32
      %dma_start3A_1918 = arith.constant 0 : i32
      %dma_start3A_1919 = tpu.memref_slice %arg9[%dma_start3A_1917, %dma_start3A_1918] : memref<512x128xf32, #tpu.memory_space<vmem>> -> memref<8x128xf32, #tpu.memory_space<vmem>>
      %dma_start3A_1920 = arith.constant 0 : i32
      %dma_start3A_1921 = tpu.memref_slice %arg5[%dma_start3A_1920, %mul3A_1911] : memref<32x1000000xf32, #tpu.memory_space<hbm>> -> memref<8x128xf32, #tpu.memory_space<hbm>>
      tpu.enqueue_dma source(%dma_start3A_1921 : memref<8x128xf32, #tpu.memory_space<hbm>>) target(%dma_start3A_1919 : memref<8x128xf32, #tpu.memory_space<vmem>>) target_semaphore(%arg12 : memref<!tpu.dma_semaphore, #tpu.memory_space<semaphore_mem>>)
      %dma_start3A_1922 = arith.constant 168 : i32
      %dma_start3A_1923 = arith.constant 0 : i32
      %dma_start3A_1924 = tpu.memref_slice %arg9[%dma_start3A_1922, %dma_start3A_1923] : memref<512x128xf32, #tpu.memory_space<vmem>> -> memref<8x128xf32, #tpu.memory_space<vmem>>
      %dma_start3A_1925 = arith.constant 8 : i32
      %dma_start3A_1926 = tpu.memref_slice %arg5[%dma_start3A_1925, %mul3A_1911] : memref<32x1000000xf32, #tpu.memory_space<hbm>> -> memref<8x128xf32, #tpu.memory_space<hbm>>
      %dma_start3A_1927 = arith.constant 168 : i32
      %dma_start3A_1928 = arith.constant 0 : i32
      %dma_start3A_1929 = tpu.memref_slice %arg9[%dma_start3A_1927, %dma_start3A_1928] : memref<512x128xf32, #tpu.memory_space<vmem>> -> memref<8x128xf32, #tpu.memory_space<vmem>>
      %dma_start3A_1930 = arith.constant 8 : i32
      %dma_start3A_1931 = tpu.memref_slice %arg5[%dma_start3A_1930, %mul3A_1911] : memref<32x1000000xf32, #tpu.memory_space<hbm>> -> memref<8x128xf32, #tpu.memory_space<hbm>>
      tpu.enqueue_dma source(%dma_start3A_1931 : memref<8x128xf32, #tpu.memory_space<hbm>>) target(%dma_start3A_1929 : memref<8x128xf32, #tpu.memory_space<vmem>>) target_semaphore(%arg12 : memref<!tpu.dma_semaphore, #tpu.memory_space<semaphore_mem>>)
      %dma_start3A_1932 = arith.constant 176 : i32
      %dma_start3A_1933 = arith.constant 0 : i32
      %dma_start3A_1934 = tpu.memref_slice %arg9[%dma_start3A_1932, %dma_start3A_1933] : memref<512x128xf32, #tpu.memory_space<vmem>> -> memref<8x128xf32, #tpu.memory_space<vmem>>
      %dma_start3A_1935 = arith.constant 16 : i32
      %dma_start3A_1936 = tpu.memref_slice %arg5[%dma_start3A_1935, %mul3A_1911] : memref<32x1000000xf32, #tpu.memory_space<hbm>> -> memref<8x128xf32, #tpu.memory_space<hbm>>
      %dma_start3A_1937 = arith.constant 176 : i32
      %dma_start3A_1938 = arith.constant 0 : i32
      %dma_start3A_1939 = tpu.memref_slice %arg9[%dma_start3A_1937, %dma_start3A_1938] : memref<512x128xf32, #tpu.memory_space<vmem>> -> memref<8x128xf32, #tpu.memory_space<vmem>>
      %dma_start3A_1940 = arith.constant 16 : i32
      %dma_start3A_1941 = tpu.memref_slice %arg5[%dma_start3A_1940, %mul3A_1911] : memref<32x1000000xf32, #tpu.memory_space<hbm>> -> memref<8x128xf32, #tpu.memory_space<hbm>>
      tpu.enqueue_dma source(%dma_start3A_1941 : memref<8x128xf32, #tpu.memory_space<hbm>>) target(%dma_start3A_1939 : memref<8x128xf32, #tpu.memory_space<vmem>>) target_semaphore(%arg12 : memref<!tpu.dma_semaphore, #tpu.memory_space<semaphore_mem>>)
      %dma_start3A_1942 = arith.constant 184 : i32
      %dma_start3A_1943 = arith.constant 0 : i32
      %dma_start3A_1944 = tpu.memref_slice %arg9[%dma_start3A_1942, %dma_start3A_1943] : memref<512x128xf32, #tpu.memory_space<vmem>> -> memref<8x128xf32, #tpu.memory_space<vmem>>
      %dma_start3A_1945 = arith.constant 24 : i32
      %dma_start3A_1946 = tpu.memref_slice %arg5[%dma_start3A_1945, %mul3A_1911] : memref<32x1000000xf32, #tpu.memory_space<hbm>> -> memref<8x128xf32, #tpu.memory_space<hbm>>
      %dma_start3A_1947 = arith.constant 184 : i32
      %dma_start3A_1948 = arith.constant 0 : i32
      %dma_start3A_1949 = tpu.memref_slice %arg9[%dma_start3A_1947, %dma_start3A_1948] : memref<512x128xf32, #tpu.memory_space<vmem>> -> memref<8x128xf32, #tpu.memory_space<vmem>>
      %dma_start3A_1950 = arith.constant 24 : i32
      %dma_start3A_1951 = tpu.memref_slice %arg5[%dma_start3A_1950, %mul3A_1911] : memref<32x1000000xf32, #tpu.memory_space<hbm>> -> memref<8x128xf32, #tpu.memory_space<hbm>>
      tpu.enqueue_dma source(%dma_start3A_1951 : memref<8x128xf32, #tpu.memory_space<hbm>>) target(%dma_start3A_1949 : memref<8x128xf32, #tpu.memory_space<vmem>>) target_semaphore(%arg12 : memref<!tpu.dma_semaphore, #tpu.memory_space<semaphore_mem>>)
      %slice3A_1952 = vector.extract_strided_slice %get3A_13 {offsets = [6], sizes = [1], strides = [1]} : vector<16xi32> to vector<1xi32>
      %squeeze3A_1953 = vector.extract %slice3A_1952[0] : i32 from vector<1xi32>
      %shift_right_arithmetic3A_1954 = arith.constant 7 : i32
      %shift_right_arithmetic3A_1955 = arith.shrsi %squeeze3A_1953, %shift_right_arithmetic3A_1954 : i32
      %mul3A_1956 = arith.constant 128 : i32
      %mul3A_1957 = arith.muli %shift_right_arithmetic3A_1955, %mul3A_1956 : i32
      %dma_start3A_1958 = arith.constant 192 : i32
      %dma_start3A_1959 = arith.constant 0 : i32
      %dma_start3A_1960 = tpu.memref_slice %arg9[%dma_start3A_1958, %dma_start3A_1959] : memref<512x128xf32, #tpu.memory_space<vmem>> -> memref<8x128xf32, #tpu.memory_space<vmem>>
      %dma_start3A_1961 = arith.constant 0 : i32
      %dma_start3A_1962 = tpu.memref_slice %arg5[%dma_start3A_1961, %mul3A_1957] : memref<32x1000000xf32, #tpu.memory_space<hbm>> -> memref<8x128xf32, #tpu.memory_space<hbm>>
      %dma_start3A_1963 = arith.constant 192 : i32
      %dma_start3A_1964 = arith.constant 0 : i32
      %dma_start3A_1965 = tpu.memref_slice %arg9[%dma_start3A_1963, %dma_start3A_1964] : memref<512x128xf32, #tpu.memory_space<vmem>> -> memref<8x128xf32, #tpu.memory_space<vmem>>
      %dma_start3A_1966 = arith.constant 0 : i32
      %dma_start3A_1967 = tpu.memref_slice %arg5[%dma_start3A_1966, %mul3A_1957] : memref<32x1000000xf32, #tpu.memory_space<hbm>> -> memref<8x128xf32, #tpu.memory_space<hbm>>
      tpu.enqueue_dma source(%dma_start3A_1967 : memref<8x128xf32, #tpu.memory_space<hbm>>) target(%dma_start3A_1965 : memref<8x128xf32, #tpu.memory_space<vmem>>) target_semaphore(%arg12 : memref<!tpu.dma_semaphore, #tpu.memory_space<semaphore_mem>>)
      %dma_start3A_1968 = arith.constant 200 : i32
      %dma_start3A_1969 = arith.constant 0 : i32
      %dma_start3A_1970 = tpu.memref_slice %arg9[%dma_start3A_1968, %dma_start3A_1969] : memref<512x128xf32, #tpu.memory_space<vmem>> -> memref<8x128xf32, #tpu.memory_space<vmem>>
      %dma_start3A_1971 = arith.constant 8 : i32
      %dma_start3A_1972 = tpu.memref_slice %arg5[%dma_start3A_1971, %mul3A_1957] : memref<32x1000000xf32, #tpu.memory_space<hbm>> -> memref<8x128xf32, #tpu.memory_space<hbm>>
      %dma_start3A_1973 = arith.constant 200 : i32
      %dma_start3A_1974 = arith.constant 0 : i32
      %dma_start3A_1975 = tpu.memref_slice %arg9[%dma_start3A_1973, %dma_start3A_1974] : memref<512x128xf32, #tpu.memory_space<vmem>> -> memref<8x128xf32, #tpu.memory_space<vmem>>
      %dma_start3A_1976 = arith.constant 8 : i32
      %dma_start3A_1977 = tpu.memref_slice %arg5[%dma_start3A_1976, %mul3A_1957] : memref<32x1000000xf32, #tpu.memory_space<hbm>> -> memref<8x128xf32, #tpu.memory_space<hbm>>
      tpu.enqueue_dma source(%dma_start3A_1977 : memref<8x128xf32, #tpu.memory_space<hbm>>) target(%dma_start3A_1975 : memref<8x128xf32, #tpu.memory_space<vmem>>) target_semaphore(%arg12 : memref<!tpu.dma_semaphore, #tpu.memory_space<semaphore_mem>>)
      %dma_start3A_1978 = arith.constant 208 : i32
      %dma_start3A_1979 = arith.constant 0 : i32
      %dma_start3A_1980 = tpu.memref_slice %arg9[%dma_start3A_1978, %dma_start3A_1979] : memref<512x128xf32, #tpu.memory_space<vmem>> -> memref<8x128xf32, #tpu.memory_space<vmem>>
      %dma_start3A_1981 = arith.constant 16 : i32
      %dma_start3A_1982 = tpu.memref_slice %arg5[%dma_start3A_1981, %mul3A_1957] : memref<32x1000000xf32, #tpu.memory_space<hbm>> -> memref<8x128xf32, #tpu.memory_space<hbm>>
      %dma_start3A_1983 = arith.constant 208 : i32
      %dma_start3A_1984 = arith.constant 0 : i32
      %dma_start3A_1985 = tpu.memref_slice %arg9[%dma_start3A_1983, %dma_start3A_1984] : memref<512x128xf32, #tpu.memory_space<vmem>> -> memref<8x128xf32, #tpu.memory_space<vmem>>
      %dma_start3A_1986 = arith.constant 16 : i32
      %dma_start3A_1987 = tpu.memref_slice %arg5[%dma_start3A_1986, %mul3A_1957] : memref<32x1000000xf32, #tpu.memory_space<hbm>> -> memref<8x128xf32, #tpu.memory_space<hbm>>
      tpu.enqueue_dma source(%dma_start3A_1987 : memref<8x128xf32, #tpu.memory_space<hbm>>) target(%dma_start3A_1985 : memref<8x128xf32, #tpu.memory_space<vmem>>) target_semaphore(%arg12 : memref<!tpu.dma_semaphore, #tpu.memory_space<semaphore_mem>>)
      %dma_start3A_1988 = arith.constant 216 : i32
      %dma_start3A_1989 = arith.constant 0 : i32
      %dma_start3A_1990 = tpu.memref_slice %arg9[%dma_start3A_1988, %dma_start3A_1989] : memref<512x128xf32, #tpu.memory_space<vmem>> -> memref<8x128xf32, #tpu.memory_space<vmem>>
      %dma_start3A_1991 = arith.constant 24 : i32
      %dma_start3A_1992 = tpu.memref_slice %arg5[%dma_start3A_1991, %mul3A_1957] : memref<32x1000000xf32, #tpu.memory_space<hbm>> -> memref<8x128xf32, #tpu.memory_space<hbm>>
      %dma_start3A_1993 = arith.constant 216 : i32
      %dma_start3A_1994 = arith.constant 0 : i32
      %dma_start3A_1995 = tpu.memref_slice %arg9[%dma_start3A_1993, %dma_start3A_1994] : memref<512x128xf32, #tpu.memory_space<vmem>> -> memref<8x128xf32, #tpu.memory_space<vmem>>
      %dma_start3A_1996 = arith.constant 24 : i32
      %dma_start3A_1997 = tpu.memref_slice %arg5[%dma_start3A_1996, %mul3A_1957] : memref<32x1000000xf32, #tpu.memory_space<hbm>> -> memref<8x128xf32, #tpu.memory_space<hbm>>
      tpu.enqueue_dma source(%dma_start3A_1997 : memref<8x128xf32, #tpu.memory_space<hbm>>) target(%dma_start3A_1995 : memref<8x128xf32, #tpu.memory_space<vmem>>) target_semaphore(%arg12 : memref<!tpu.dma_semaphore, #tpu.memory_space<semaphore_mem>>)
      %slice3A_1998 = vector.extract_strided_slice %get3A_13 {offsets = [7], sizes = [1], strides = [1]} : vector<16xi32> to vector<1xi32>
      %squeeze3A_1999 = vector.extract %slice3A_1998[0] : i32 from vector<1xi32>
      %shift_right_arithmetic3A_2000 = arith.constant 7 : i32
      %shift_right_arithmetic3A_2001 = arith.shrsi %squeeze3A_1999, %shift_right_arithmetic3A_2000 : i32
      %mul3A_2002 = arith.constant 128 : i32
      %mul3A_2003 = arith.muli %shift_right_arithmetic3A_2001, %mul3A_2002 : i32
      %dma_start3A_2004 = arith.constant 224 : i32
      %dma_start3A_2005 = arith.constant 0 : i32
      %dma_start3A_2006 = tpu.memref_slice %arg9[%dma_start3A_2004, %dma_start3A_2005] : memref<512x128xf32, #tpu.memory_space<vmem>> -> memref<8x128xf32, #tpu.memory_space<vmem>>
      %dma_start3A_2007 = arith.constant 0 : i32
      %dma_start3A_2008 = tpu.memref_slice %arg5[%dma_start3A_2007, %mul3A_2003] : memref<32x1000000xf32, #tpu.memory_space<hbm>> -> memref<8x128xf32, #tpu.memory_space<hbm>>
      %dma_start3A_2009 = arith.constant 224 : i32
      %dma_start3A_2010 = arith.constant 0 : i32
      %dma_start3A_2011 = tpu.memref_slice %arg9[%dma_start3A_2009, %dma_start3A_2010] : memref<512x128xf32, #tpu.memory_space<vmem>> -> memref<8x128xf32, #tpu.memory_space<vmem>>
      %dma_start3A_2012 = arith.constant 0 : i32
      %dma_start3A_2013 = tpu.memref_slice %arg5[%dma_start3A_2012, %mul3A_2003] : memref<32x1000000xf32, #tpu.memory_space<hbm>> -> memref<8x128xf32, #tpu.memory_space<hbm>>
      tpu.enqueue_dma source(%dma_start3A_2013 : memref<8x128xf32, #tpu.memory_space<hbm>>) target(%dma_start3A_2011 : memref<8x128xf32, #tpu.memory_space<vmem>>) target_semaphore(%arg12 : memref<!tpu.dma_semaphore, #tpu.memory_space<semaphore_mem>>)
      %dma_start3A_2014 = arith.constant 232 : i32
      %dma_start3A_2015 = arith.constant 0 : i32
      %dma_start3A_2016 = tpu.memref_slice %arg9[%dma_start3A_2014, %dma_start3A_2015] : memref<512x128xf32, #tpu.memory_space<vmem>> -> memref<8x128xf32, #tpu.memory_space<vmem>>
      %dma_start3A_2017 = arith.constant 8 : i32
      %dma_start3A_2018 = tpu.memref_slice %arg5[%dma_start3A_2017, %mul3A_2003] : memref<32x1000000xf32, #tpu.memory_space<hbm>> -> memref<8x128xf32, #tpu.memory_space<hbm>>
      %dma_start3A_2019 = arith.constant 232 : i32
      %dma_start3A_2020 = arith.constant 0 : i32
      %dma_start3A_2021 = tpu.memref_slice %arg9[%dma_start3A_2019, %dma_start3A_2020] : memref<512x128xf32, #tpu.memory_space<vmem>> -> memref<8x128xf32, #tpu.memory_space<vmem>>
      %dma_start3A_2022 = arith.constant 8 : i32
      %dma_start3A_2023 = tpu.memref_slice %arg5[%dma_start3A_2022, %mul3A_2003] : memref<32x1000000xf32, #tpu.memory_space<hbm>> -> memref<8x128xf32, #tpu.memory_space<hbm>>
      tpu.enqueue_dma source(%dma_start3A_2023 : memref<8x128xf32, #tpu.memory_space<hbm>>) target(%dma_start3A_2021 : memref<8x128xf32, #tpu.memory_space<vmem>>) target_semaphore(%arg12 : memref<!tpu.dma_semaphore, #tpu.memory_space<semaphore_mem>>)
      %dma_start3A_2024 = arith.constant 240 : i32
      %dma_start3A_2025 = arith.constant 0 : i32
      %dma_start3A_2026 = tpu.memref_slice %arg9[%dma_start3A_2024, %dma_start3A_2025] : memref<512x128xf32, #tpu.memory_space<vmem>> -> memref<8x128xf32, #tpu.memory_space<vmem>>
      %dma_start3A_2027 = arith.constant 16 : i32
      %dma_start3A_2028 = tpu.memref_slice %arg5[%dma_start3A_2027, %mul3A_2003] : memref<32x1000000xf32, #tpu.memory_space<hbm>> -> memref<8x128xf32, #tpu.memory_space<hbm>>
      %dma_start3A_2029 = arith.constant 240 : i32
      %dma_start3A_2030 = arith.constant 0 : i32
      %dma_start3A_2031 = tpu.memref_slice %arg9[%dma_start3A_2029, %dma_start3A_2030] : memref<512x128xf32, #tpu.memory_space<vmem>> -> memref<8x128xf32, #tpu.memory_space<vmem>>
      %dma_start3A_2032 = arith.constant 16 : i32
      %dma_start3A_2033 = tpu.memref_slice %arg5[%dma_start3A_2032, %mul3A_2003] : memref<32x1000000xf32, #tpu.memory_space<hbm>> -> memref<8x128xf32, #tpu.memory_space<hbm>>
      tpu.enqueue_dma source(%dma_start3A_2033 : memref<8x128xf32, #tpu.memory_space<hbm>>) target(%dma_start3A_2031 : memref<8x128xf32, #tpu.memory_space<vmem>>) target_semaphore(%arg12 : memref<!tpu.dma_semaphore, #tpu.memory_space<semaphore_mem>>)
      %dma_start3A_2034 = arith.constant 248 : i32
      %dma_start3A_2035 = arith.constant 0 : i32
      %dma_start3A_2036 = tpu.memref_slice %arg9[%dma_start3A_2034, %dma_start3A_2035] : memref<512x128xf32, #tpu.memory_space<vmem>> -> memref<8x128xf32, #tpu.memory_space<vmem>>
      %dma_start3A_2037 = arith.constant 24 : i32
      %dma_start3A_2038 = tpu.memref_slice %arg5[%dma_start3A_2037, %mul3A_2003] : memref<32x1000000xf32, #tpu.memory_space<hbm>> -> memref<8x128xf32, #tpu.memory_space<hbm>>
      %dma_start3A_2039 = arith.constant 248 : i32
      %dma_start3A_2040 = arith.constant 0 : i32
      %dma_start3A_2041 = tpu.memref_slice %arg9[%dma_start3A_2039, %dma_start3A_2040] : memref<512x128xf32, #tpu.memory_space<vmem>> -> memref<8x128xf32, #tpu.memory_space<vmem>>
      %dma_start3A_2042 = arith.constant 24 : i32
      %dma_start3A_2043 = tpu.memref_slice %arg5[%dma_start3A_2042, %mul3A_2003] : memref<32x1000000xf32, #tpu.memory_space<hbm>> -> memref<8x128xf32, #tpu.memory_space<hbm>>
      tpu.enqueue_dma source(%dma_start3A_2043 : memref<8x128xf32, #tpu.memory_space<hbm>>) target(%dma_start3A_2041 : memref<8x128xf32, #tpu.memory_space<vmem>>) target_semaphore(%arg12 : memref<!tpu.dma_semaphore, #tpu.memory_space<semaphore_mem>>)
      %slice3A_2044 = vector.extract_strided_slice %get3A_13 {offsets = [8], sizes = [1], strides = [1]} : vector<16xi32> to vector<1xi32>
      %squeeze3A_2045 = vector.extract %slice3A_2044[0] : i32 from vector<1xi32>
      %shift_right_arithmetic3A_2046 = arith.constant 7 : i32
      %shift_right_arithmetic3A_2047 = arith.shrsi %squeeze3A_2045, %shift_right_arithmetic3A_2046 : i32
      %mul3A_2048 = arith.constant 128 : i32
      %mul3A_2049 = arith.muli %shift_right_arithmetic3A_2047, %mul3A_2048 : i32
      %dma_start3A_2050 = arith.constant 256 : i32
      %dma_start3A_2051 = arith.constant 0 : i32
      %dma_start3A_2052 = tpu.memref_slice %arg9[%dma_start3A_2050, %dma_start3A_2051] : memref<512x128xf32, #tpu.memory_space<vmem>> -> memref<8x128xf32, #tpu.memory_space<vmem>>
      %dma_start3A_2053 = arith.constant 0 : i32
      %dma_start3A_2054 = tpu.memref_slice %arg5[%dma_start3A_2053, %mul3A_2049] : memref<32x1000000xf32, #tpu.memory_space<hbm>> -> memref<8x128xf32, #tpu.memory_space<hbm>>
      %dma_start3A_2055 = arith.constant 256 : i32
      %dma_start3A_2056 = arith.constant 0 : i32
      %dma_start3A_2057 = tpu.memref_slice %arg9[%dma_start3A_2055, %dma_start3A_2056] : memref<512x128xf32, #tpu.memory_space<vmem>> -> memref<8x128xf32, #tpu.memory_space<vmem>>
      %dma_start3A_2058 = arith.constant 0 : i32
      %dma_start3A_2059 = tpu.memref_slice %arg5[%dma_start3A_2058, %mul3A_2049] : memref<32x1000000xf32, #tpu.memory_space<hbm>> -> memref<8x128xf32, #tpu.memory_space<hbm>>
      tpu.enqueue_dma source(%dma_start3A_2059 : memref<8x128xf32, #tpu.memory_space<hbm>>) target(%dma_start3A_2057 : memref<8x128xf32, #tpu.memory_space<vmem>>) target_semaphore(%arg12 : memref<!tpu.dma_semaphore, #tpu.memory_space<semaphore_mem>>)
      %dma_start3A_2060 = arith.constant 264 : i32
      %dma_start3A_2061 = arith.constant 0 : i32
      %dma_start3A_2062 = tpu.memref_slice %arg9[%dma_start3A_2060, %dma_start3A_2061] : memref<512x128xf32, #tpu.memory_space<vmem>> -> memref<8x128xf32, #tpu.memory_space<vmem>>
      %dma_start3A_2063 = arith.constant 8 : i32
      %dma_start3A_2064 = tpu.memref_slice %arg5[%dma_start3A_2063, %mul3A_2049] : memref<32x1000000xf32, #tpu.memory_space<hbm>> -> memref<8x128xf32, #tpu.memory_space<hbm>>
      %dma_start3A_2065 = arith.constant 264 : i32
      %dma_start3A_2066 = arith.constant 0 : i32
      %dma_start3A_2067 = tpu.memref_slice %arg9[%dma_start3A_2065, %dma_start3A_2066] : memref<512x128xf32, #tpu.memory_space<vmem>> -> memref<8x128xf32, #tpu.memory_space<vmem>>
      %dma_start3A_2068 = arith.constant 8 : i32
      %dma_start3A_2069 = tpu.memref_slice %arg5[%dma_start3A_2068, %mul3A_2049] : memref<32x1000000xf32, #tpu.memory_space<hbm>> -> memref<8x128xf32, #tpu.memory_space<hbm>>
      tpu.enqueue_dma source(%dma_start3A_2069 : memref<8x128xf32, #tpu.memory_space<hbm>>) target(%dma_start3A_2067 : memref<8x128xf32, #tpu.memory_space<vmem>>) target_semaphore(%arg12 : memref<!tpu.dma_semaphore, #tpu.memory_space<semaphore_mem>>)
      %dma_start3A_2070 = arith.constant 272 : i32
      %dma_start3A_2071 = arith.constant 0 : i32
      %dma_start3A_2072 = tpu.memref_slice %arg9[%dma_start3A_2070, %dma_start3A_2071] : memref<512x128xf32, #tpu.memory_space<vmem>> -> memref<8x128xf32, #tpu.memory_space<vmem>>
      %dma_start3A_2073 = arith.constant 16 : i32
      %dma_start3A_2074 = tpu.memref_slice %arg5[%dma_start3A_2073, %mul3A_2049] : memref<32x1000000xf32, #tpu.memory_space<hbm>> -> memref<8x128xf32, #tpu.memory_space<hbm>>
      %dma_start3A_2075 = arith.constant 272 : i32
      %dma_start3A_2076 = arith.constant 0 : i32
      %dma_start3A_2077 = tpu.memref_slice %arg9[%dma_start3A_2075, %dma_start3A_2076] : memref<512x128xf32, #tpu.memory_space<vmem>> -> memref<8x128xf32, #tpu.memory_space<vmem>>
      %dma_start3A_2078 = arith.constant 16 : i32
      %dma_start3A_2079 = tpu.memref_slice %arg5[%dma_start3A_2078, %mul3A_2049] : memref<32x1000000xf32, #tpu.memory_space<hbm>> -> memref<8x128xf32, #tpu.memory_space<hbm>>
      tpu.enqueue_dma source(%dma_start3A_2079 : memref<8x128xf32, #tpu.memory_space<hbm>>) target(%dma_start3A_2077 : memref<8x128xf32, #tpu.memory_space<vmem>>) target_semaphore(%arg12 : memref<!tpu.dma_semaphore, #tpu.memory_space<semaphore_mem>>)
      %dma_start3A_2080 = arith.constant 280 : i32
      %dma_start3A_2081 = arith.constant 0 : i32
      %dma_start3A_2082 = tpu.memref_slice %arg9[%dma_start3A_2080, %dma_start3A_2081] : memref<512x128xf32, #tpu.memory_space<vmem>> -> memref<8x128xf32, #tpu.memory_space<vmem>>
      %dma_start3A_2083 = arith.constant 24 : i32
      %dma_start3A_2084 = tpu.memref_slice %arg5[%dma_start3A_2083, %mul3A_2049] : memref<32x1000000xf32, #tpu.memory_space<hbm>> -> memref<8x128xf32, #tpu.memory_space<hbm>>
      %dma_start3A_2085 = arith.constant 280 : i32
      %dma_start3A_2086 = arith.constant 0 : i32
      %dma_start3A_2087 = tpu.memref_slice %arg9[%dma_start3A_2085, %dma_start3A_2086] : memref<512x128xf32, #tpu.memory_space<vmem>> -> memref<8x128xf32, #tpu.memory_space<vmem>>
      %dma_start3A_2088 = arith.constant 24 : i32
      %dma_start3A_2089 = tpu.memref_slice %arg5[%dma_start3A_2088, %mul3A_2049] : memref<32x1000000xf32, #tpu.memory_space<hbm>> -> memref<8x128xf32, #tpu.memory_space<hbm>>
      tpu.enqueue_dma source(%dma_start3A_2089 : memref<8x128xf32, #tpu.memory_space<hbm>>) target(%dma_start3A_2087 : memref<8x128xf32, #tpu.memory_space<vmem>>) target_semaphore(%arg12 : memref<!tpu.dma_semaphore, #tpu.memory_space<semaphore_mem>>)
      %slice3A_2090 = vector.extract_strided_slice %get3A_13 {offsets = [9], sizes = [1], strides = [1]} : vector<16xi32> to vector<1xi32>
      %squeeze3A_2091 = vector.extract %slice3A_2090[0] : i32 from vector<1xi32>
      %shift_right_arithmetic3A_2092 = arith.constant 7 : i32
      %shift_right_arithmetic3A_2093 = arith.shrsi %squeeze3A_2091, %shift_right_arithmetic3A_2092 : i32
      %mul3A_2094 = arith.constant 128 : i32
      %mul3A_2095 = arith.muli %shift_right_arithmetic3A_2093, %mul3A_2094 : i32
      %dma_start3A_2096 = arith.constant 288 : i32
      %dma_start3A_2097 = arith.constant 0 : i32
      %dma_start3A_2098 = tpu.memref_slice %arg9[%dma_start3A_2096, %dma_start3A_2097] : memref<512x128xf32, #tpu.memory_space<vmem>> -> memref<8x128xf32, #tpu.memory_space<vmem>>
      %dma_start3A_2099 = arith.constant 0 : i32
      %dma_start3A_2100 = tpu.memref_slice %arg5[%dma_start3A_2099, %mul3A_2095] : memref<32x1000000xf32, #tpu.memory_space<hbm>> -> memref<8x128xf32, #tpu.memory_space<hbm>>
      %dma_start3A_2101 = arith.constant 288 : i32
      %dma_start3A_2102 = arith.constant 0 : i32
      %dma_start3A_2103 = tpu.memref_slice %arg9[%dma_start3A_2101, %dma_start3A_2102] : memref<512x128xf32, #tpu.memory_space<vmem>> -> memref<8x128xf32, #tpu.memory_space<vmem>>
      %dma_start3A_2104 = arith.constant 0 : i32
      %dma_start3A_2105 = tpu.memref_slice %arg5[%dma_start3A_2104, %mul3A_2095] : memref<32x1000000xf32, #tpu.memory_space<hbm>> -> memref<8x128xf32, #tpu.memory_space<hbm>>
      tpu.enqueue_dma source(%dma_start3A_2105 : memref<8x128xf32, #tpu.memory_space<hbm>>) target(%dma_start3A_2103 : memref<8x128xf32, #tpu.memory_space<vmem>>) target_semaphore(%arg12 : memref<!tpu.dma_semaphore, #tpu.memory_space<semaphore_mem>>)
      %dma_start3A_2106 = arith.constant 296 : i32
      %dma_start3A_2107 = arith.constant 0 : i32
      %dma_start3A_2108 = tpu.memref_slice %arg9[%dma_start3A_2106, %dma_start3A_2107] : memref<512x128xf32, #tpu.memory_space<vmem>> -> memref<8x128xf32, #tpu.memory_space<vmem>>
      %dma_start3A_2109 = arith.constant 8 : i32
      %dma_start3A_2110 = tpu.memref_slice %arg5[%dma_start3A_2109, %mul3A_2095] : memref<32x1000000xf32, #tpu.memory_space<hbm>> -> memref<8x128xf32, #tpu.memory_space<hbm>>
      %dma_start3A_2111 = arith.constant 296 : i32
      %dma_start3A_2112 = arith.constant 0 : i32
      %dma_start3A_2113 = tpu.memref_slice %arg9[%dma_start3A_2111, %dma_start3A_2112] : memref<512x128xf32, #tpu.memory_space<vmem>> -> memref<8x128xf32, #tpu.memory_space<vmem>>
      %dma_start3A_2114 = arith.constant 8 : i32
      %dma_start3A_2115 = tpu.memref_slice %arg5[%dma_start3A_2114, %mul3A_2095] : memref<32x1000000xf32, #tpu.memory_space<hbm>> -> memref<8x128xf32, #tpu.memory_space<hbm>>
      tpu.enqueue_dma source(%dma_start3A_2115 : memref<8x128xf32, #tpu.memory_space<hbm>>) target(%dma_start3A_2113 : memref<8x128xf32, #tpu.memory_space<vmem>>) target_semaphore(%arg12 : memref<!tpu.dma_semaphore, #tpu.memory_space<semaphore_mem>>)
      %dma_start3A_2116 = arith.constant 304 : i32
      %dma_start3A_2117 = arith.constant 0 : i32
      %dma_start3A_2118 = tpu.memref_slice %arg9[%dma_start3A_2116, %dma_start3A_2117] : memref<512x128xf32, #tpu.memory_space<vmem>> -> memref<8x128xf32, #tpu.memory_space<vmem>>
      %dma_start3A_2119 = arith.constant 16 : i32
      %dma_start3A_2120 = tpu.memref_slice %arg5[%dma_start3A_2119, %mul3A_2095] : memref<32x1000000xf32, #tpu.memory_space<hbm>> -> memref<8x128xf32, #tpu.memory_space<hbm>>
      %dma_start3A_2121 = arith.constant 304 : i32
      %dma_start3A_2122 = arith.constant 0 : i32
      %dma_start3A_2123 = tpu.memref_slice %arg9[%dma_start3A_2121, %dma_start3A_2122] : memref<512x128xf32, #tpu.memory_space<vmem>> -> memref<8x128xf32, #tpu.memory_space<vmem>>
      %dma_start3A_2124 = arith.constant 16 : i32
      %dma_start3A_2125 = tpu.memref_slice %arg5[%dma_start3A_2124, %mul3A_2095] : memref<32x1000000xf32, #tpu.memory_space<hbm>> -> memref<8x128xf32, #tpu.memory_space<hbm>>
      tpu.enqueue_dma source(%dma_start3A_2125 : memref<8x128xf32, #tpu.memory_space<hbm>>) target(%dma_start3A_2123 : memref<8x128xf32, #tpu.memory_space<vmem>>) target_semaphore(%arg12 : memref<!tpu.dma_semaphore, #tpu.memory_space<semaphore_mem>>)
      %dma_start3A_2126 = arith.constant 312 : i32
      %dma_start3A_2127 = arith.constant 0 : i32
      %dma_start3A_2128 = tpu.memref_slice %arg9[%dma_start3A_2126, %dma_start3A_2127] : memref<512x128xf32, #tpu.memory_space<vmem>> -> memref<8x128xf32, #tpu.memory_space<vmem>>
      %dma_start3A_2129 = arith.constant 24 : i32
      %dma_start3A_2130 = tpu.memref_slice %arg5[%dma_start3A_2129, %mul3A_2095] : memref<32x1000000xf32, #tpu.memory_space<hbm>> -> memref<8x128xf32, #tpu.memory_space<hbm>>
      %dma_start3A_2131 = arith.constant 312 : i32
      %dma_start3A_2132 = arith.constant 0 : i32
      %dma_start3A_2133 = tpu.memref_slice %arg9[%dma_start3A_2131, %dma_start3A_2132] : memref<512x128xf32, #tpu.memory_space<vmem>> -> memref<8x128xf32, #tpu.memory_space<vmem>>
      %dma_start3A_2134 = arith.constant 24 : i32
      %dma_start3A_2135 = tpu.memref_slice %arg5[%dma_start3A_2134, %mul3A_2095] : memref<32x1000000xf32, #tpu.memory_space<hbm>> -> memref<8x128xf32, #tpu.memory_space<hbm>>
      tpu.enqueue_dma source(%dma_start3A_2135 : memref<8x128xf32, #tpu.memory_space<hbm>>) target(%dma_start3A_2133 : memref<8x128xf32, #tpu.memory_space<vmem>>) target_semaphore(%arg12 : memref<!tpu.dma_semaphore, #tpu.memory_space<semaphore_mem>>)
      %slice3A_2136 = vector.extract_strided_slice %get3A_13 {offsets = [10], sizes = [1], strides = [1]} : vector<16xi32> to vector<1xi32>
      %squeeze3A_2137 = vector.extract %slice3A_2136[0] : i32 from vector<1xi32>
      %shift_right_arithmetic3A_2138 = arith.constant 7 : i32
      %shift_right_arithmetic3A_2139 = arith.shrsi %squeeze3A_2137, %shift_right_arithmetic3A_2138 : i32
      %mul3A_2140 = arith.constant 128 : i32
      %mul3A_2141 = arith.muli %shift_right_arithmetic3A_2139, %mul3A_2140 : i32
      %dma_start3A_2142 = arith.constant 320 : i32
      %dma_start3A_2143 = arith.constant 0 : i32
      %dma_start3A_2144 = tpu.memref_slice %arg9[%dma_start3A_2142, %dma_start3A_2143] : memref<512x128xf32, #tpu.memory_space<vmem>> -> memref<8x128xf32, #tpu.memory_space<vmem>>
      %dma_start3A_2145 = arith.constant 0 : i32
      %dma_start3A_2146 = tpu.memref_slice %arg5[%dma_start3A_2145, %mul3A_2141] : memref<32x1000000xf32, #tpu.memory_space<hbm>> -> memref<8x128xf32, #tpu.memory_space<hbm>>
      %dma_start3A_2147 = arith.constant 320 : i32
      %dma_start3A_2148 = arith.constant 0 : i32
      %dma_start3A_2149 = tpu.memref_slice %arg9[%dma_start3A_2147, %dma_start3A_2148] : memref<512x128xf32, #tpu.memory_space<vmem>> -> memref<8x128xf32, #tpu.memory_space<vmem>>
      %dma_start3A_2150 = arith.constant 0 : i32
      %dma_start3A_2151 = tpu.memref_slice %arg5[%dma_start3A_2150, %mul3A_2141] : memref<32x1000000xf32, #tpu.memory_space<hbm>> -> memref<8x128xf32, #tpu.memory_space<hbm>>
      tpu.enqueue_dma source(%dma_start3A_2151 : memref<8x128xf32, #tpu.memory_space<hbm>>) target(%dma_start3A_2149 : memref<8x128xf32, #tpu.memory_space<vmem>>) target_semaphore(%arg12 : memref<!tpu.dma_semaphore, #tpu.memory_space<semaphore_mem>>)
      %dma_start3A_2152 = arith.constant 328 : i32
      %dma_start3A_2153 = arith.constant 0 : i32
      %dma_start3A_2154 = tpu.memref_slice %arg9[%dma_start3A_2152, %dma_start3A_2153] : memref<512x128xf32, #tpu.memory_space<vmem>> -> memref<8x128xf32, #tpu.memory_space<vmem>>
      %dma_start3A_2155 = arith.constant 8 : i32
      %dma_start3A_2156 = tpu.memref_slice %arg5[%dma_start3A_2155, %mul3A_2141] : memref<32x1000000xf32, #tpu.memory_space<hbm>> -> memref<8x128xf32, #tpu.memory_space<hbm>>
      %dma_start3A_2157 = arith.constant 328 : i32
      %dma_start3A_2158 = arith.constant 0 : i32
      %dma_start3A_2159 = tpu.memref_slice %arg9[%dma_start3A_2157, %dma_start3A_2158] : memref<512x128xf32, #tpu.memory_space<vmem>> -> memref<8x128xf32, #tpu.memory_space<vmem>>
      %dma_start3A_2160 = arith.constant 8 : i32
      %dma_start3A_2161 = tpu.memref_slice %arg5[%dma_start3A_2160, %mul3A_2141] : memref<32x1000000xf32, #tpu.memory_space<hbm>> -> memref<8x128xf32, #tpu.memory_space<hbm>>
      tpu.enqueue_dma source(%dma_start3A_2161 : memref<8x128xf32, #tpu.memory_space<hbm>>) target(%dma_start3A_2159 : memref<8x128xf32, #tpu.memory_space<vmem>>) target_semaphore(%arg12 : memref<!tpu.dma_semaphore, #tpu.memory_space<semaphore_mem>>)
      %dma_start3A_2162 = arith.constant 336 : i32
      %dma_start3A_2163 = arith.constant 0 : i32
      %dma_start3A_2164 = tpu.memref_slice %arg9[%dma_start3A_2162, %dma_start3A_2163] : memref<512x128xf32, #tpu.memory_space<vmem>> -> memref<8x128xf32, #tpu.memory_space<vmem>>
      %dma_start3A_2165 = arith.constant 16 : i32
      %dma_start3A_2166 = tpu.memref_slice %arg5[%dma_start3A_2165, %mul3A_2141] : memref<32x1000000xf32, #tpu.memory_space<hbm>> -> memref<8x128xf32, #tpu.memory_space<hbm>>
      %dma_start3A_2167 = arith.constant 336 : i32
      %dma_start3A_2168 = arith.constant 0 : i32
      %dma_start3A_2169 = tpu.memref_slice %arg9[%dma_start3A_2167, %dma_start3A_2168] : memref<512x128xf32, #tpu.memory_space<vmem>> -> memref<8x128xf32, #tpu.memory_space<vmem>>
      %dma_start3A_2170 = arith.constant 16 : i32
      %dma_start3A_2171 = tpu.memref_slice %arg5[%dma_start3A_2170, %mul3A_2141] : memref<32x1000000xf32, #tpu.memory_space<hbm>> -> memref<8x128xf32, #tpu.memory_space<hbm>>
      tpu.enqueue_dma source(%dma_start3A_2171 : memref<8x128xf32, #tpu.memory_space<hbm>>) target(%dma_start3A_2169 : memref<8x128xf32, #tpu.memory_space<vmem>>) target_semaphore(%arg12 : memref<!tpu.dma_semaphore, #tpu.memory_space<semaphore_mem>>)
      %dma_start3A_2172 = arith.constant 344 : i32
      %dma_start3A_2173 = arith.constant 0 : i32
      %dma_start3A_2174 = tpu.memref_slice %arg9[%dma_start3A_2172, %dma_start3A_2173] : memref<512x128xf32, #tpu.memory_space<vmem>> -> memref<8x128xf32, #tpu.memory_space<vmem>>
      %dma_start3A_2175 = arith.constant 24 : i32
      %dma_start3A_2176 = tpu.memref_slice %arg5[%dma_start3A_2175, %mul3A_2141] : memref<32x1000000xf32, #tpu.memory_space<hbm>> -> memref<8x128xf32, #tpu.memory_space<hbm>>
      %dma_start3A_2177 = arith.constant 344 : i32
      %dma_start3A_2178 = arith.constant 0 : i32
      %dma_start3A_2179 = tpu.memref_slice %arg9[%dma_start3A_2177, %dma_start3A_2178] : memref<512x128xf32, #tpu.memory_space<vmem>> -> memref<8x128xf32, #tpu.memory_space<vmem>>
      %dma_start3A_2180 = arith.constant 24 : i32
      %dma_start3A_2181 = tpu.memref_slice %arg5[%dma_start3A_2180, %mul3A_2141] : memref<32x1000000xf32, #tpu.memory_space<hbm>> -> memref<8x128xf32, #tpu.memory_space<hbm>>
      tpu.enqueue_dma source(%dma_start3A_2181 : memref<8x128xf32, #tpu.memory_space<hbm>>) target(%dma_start3A_2179 : memref<8x128xf32, #tpu.memory_space<vmem>>) target_semaphore(%arg12 : memref<!tpu.dma_semaphore, #tpu.memory_space<semaphore_mem>>)
      %slice3A_2182 = vector.extract_strided_slice %get3A_13 {offsets = [11], sizes = [1], strides = [1]} : vector<16xi32> to vector<1xi32>
      %squeeze3A_2183 = vector.extract %slice3A_2182[0] : i32 from vector<1xi32>
      %shift_right_arithmetic3A_2184 = arith.constant 7 : i32
      %shift_right_arithmetic3A_2185 = arith.shrsi %squeeze3A_2183, %shift_right_arithmetic3A_2184 : i32
      %mul3A_2186 = arith.constant 128 : i32
      %mul3A_2187 = arith.muli %shift_right_arithmetic3A_2185, %mul3A_2186 : i32
      %dma_start3A_2188 = arith.constant 352 : i32
      %dma_start3A_2189 = arith.constant 0 : i32
      %dma_start3A_2190 = tpu.memref_slice %arg9[%dma_start3A_2188, %dma_start3A_2189] : memref<512x128xf32, #tpu.memory_space<vmem>> -> memref<8x128xf32, #tpu.memory_space<vmem>>
      %dma_start3A_2191 = arith.constant 0 : i32
      %dma_start3A_2192 = tpu.memref_slice %arg5[%dma_start3A_2191, %mul3A_2187] : memref<32x1000000xf32, #tpu.memory_space<hbm>> -> memref<8x128xf32, #tpu.memory_space<hbm>>
      %dma_start3A_2193 = arith.constant 352 : i32
      %dma_start3A_2194 = arith.constant 0 : i32
      %dma_start3A_2195 = tpu.memref_slice %arg9[%dma_start3A_2193, %dma_start3A_2194] : memref<512x128xf32, #tpu.memory_space<vmem>> -> memref<8x128xf32, #tpu.memory_space<vmem>>
      %dma_start3A_2196 = arith.constant 0 : i32
      %dma_start3A_2197 = tpu.memref_slice %arg5[%dma_start3A_2196, %mul3A_2187] : memref<32x1000000xf32, #tpu.memory_space<hbm>> -> memref<8x128xf32, #tpu.memory_space<hbm>>
      tpu.enqueue_dma source(%dma_start3A_2197 : memref<8x128xf32, #tpu.memory_space<hbm>>) target(%dma_start3A_2195 : memref<8x128xf32, #tpu.memory_space<vmem>>) target_semaphore(%arg12 : memref<!tpu.dma_semaphore, #tpu.memory_space<semaphore_mem>>)
      %dma_start3A_2198 = arith.constant 360 : i32
      %dma_start3A_2199 = arith.constant 0 : i32
      %dma_start3A_2200 = tpu.memref_slice %arg9[%dma_start3A_2198, %dma_start3A_2199] : memref<512x128xf32, #tpu.memory_space<vmem>> -> memref<8x128xf32, #tpu.memory_space<vmem>>
      %dma_start3A_2201 = arith.constant 8 : i32
      %dma_start3A_2202 = tpu.memref_slice %arg5[%dma_start3A_2201, %mul3A_2187] : memref<32x1000000xf32, #tpu.memory_space<hbm>> -> memref<8x128xf32, #tpu.memory_space<hbm>>
      %dma_start3A_2203 = arith.constant 360 : i32
      %dma_start3A_2204 = arith.constant 0 : i32
      %dma_start3A_2205 = tpu.memref_slice %arg9[%dma_start3A_2203, %dma_start3A_2204] : memref<512x128xf32, #tpu.memory_space<vmem>> -> memref<8x128xf32, #tpu.memory_space<vmem>>
      %dma_start3A_2206 = arith.constant 8 : i32
      %dma_start3A_2207 = tpu.memref_slice %arg5[%dma_start3A_2206, %mul3A_2187] : memref<32x1000000xf32, #tpu.memory_space<hbm>> -> memref<8x128xf32, #tpu.memory_space<hbm>>
      tpu.enqueue_dma source(%dma_start3A_2207 : memref<8x128xf32, #tpu.memory_space<hbm>>) target(%dma_start3A_2205 : memref<8x128xf32, #tpu.memory_space<vmem>>) target_semaphore(%arg12 : memref<!tpu.dma_semaphore, #tpu.memory_space<semaphore_mem>>)
      %dma_start3A_2208 = arith.constant 368 : i32
      %dma_start3A_2209 = arith.constant 0 : i32
      %dma_start3A_2210 = tpu.memref_slice %arg9[%dma_start3A_2208, %dma_start3A_2209] : memref<512x128xf32, #tpu.memory_space<vmem>> -> memref<8x128xf32, #tpu.memory_space<vmem>>
      %dma_start3A_2211 = arith.constant 16 : i32
      %dma_start3A_2212 = tpu.memref_slice %arg5[%dma_start3A_2211, %mul3A_2187] : memref<32x1000000xf32, #tpu.memory_space<hbm>> -> memref<8x128xf32, #tpu.memory_space<hbm>>
      %dma_start3A_2213 = arith.constant 368 : i32
      %dma_start3A_2214 = arith.constant 0 : i32
      %dma_start3A_2215 = tpu.memref_slice %arg9[%dma_start3A_2213, %dma_start3A_2214] : memref<512x128xf32, #tpu.memory_space<vmem>> -> memref<8x128xf32, #tpu.memory_space<vmem>>
      %dma_start3A_2216 = arith.constant 16 : i32
      %dma_start3A_2217 = tpu.memref_slice %arg5[%dma_start3A_2216, %mul3A_2187] : memref<32x1000000xf32, #tpu.memory_space<hbm>> -> memref<8x128xf32, #tpu.memory_space<hbm>>
      tpu.enqueue_dma source(%dma_start3A_2217 : memref<8x128xf32, #tpu.memory_space<hbm>>) target(%dma_start3A_2215 : memref<8x128xf32, #tpu.memory_space<vmem>>) target_semaphore(%arg12 : memref<!tpu.dma_semaphore, #tpu.memory_space<semaphore_mem>>)
      %dma_start3A_2218 = arith.constant 376 : i32
      %dma_start3A_2219 = arith.constant 0 : i32
      %dma_start3A_2220 = tpu.memref_slice %arg9[%dma_start3A_2218, %dma_start3A_2219] : memref<512x128xf32, #tpu.memory_space<vmem>> -> memref<8x128xf32, #tpu.memory_space<vmem>>
      %dma_start3A_2221 = arith.constant 24 : i32
      %dma_start3A_2222 = tpu.memref_slice %arg5[%dma_start3A_2221, %mul3A_2187] : memref<32x1000000xf32, #tpu.memory_space<hbm>> -> memref<8x128xf32, #tpu.memory_space<hbm>>
      %dma_start3A_2223 = arith.constant 376 : i32
      %dma_start3A_2224 = arith.constant 0 : i32
      %dma_start3A_2225 = tpu.memref_slice %arg9[%dma_start3A_2223, %dma_start3A_2224] : memref<512x128xf32, #tpu.memory_space<vmem>> -> memref<8x128xf32, #tpu.memory_space<vmem>>
      %dma_start3A_2226 = arith.constant 24 : i32
      %dma_start3A_2227 = tpu.memref_slice %arg5[%dma_start3A_2226, %mul3A_2187] : memref<32x1000000xf32, #tpu.memory_space<hbm>> -> memref<8x128xf32, #tpu.memory_space<hbm>>
      tpu.enqueue_dma source(%dma_start3A_2227 : memref<8x128xf32, #tpu.memory_space<hbm>>) target(%dma_start3A_2225 : memref<8x128xf32, #tpu.memory_space<vmem>>) target_semaphore(%arg12 : memref<!tpu.dma_semaphore, #tpu.memory_space<semaphore_mem>>)
      %slice3A_2228 = vector.extract_strided_slice %get3A_13 {offsets = [12], sizes = [1], strides = [1]} : vector<16xi32> to vector<1xi32>
      %squeeze3A_2229 = vector.extract %slice3A_2228[0] : i32 from vector<1xi32>
      %shift_right_arithmetic3A_2230 = arith.constant 7 : i32
      %shift_right_arithmetic3A_2231 = arith.shrsi %squeeze3A_2229, %shift_right_arithmetic3A_2230 : i32
      %mul3A_2232 = arith.constant 128 : i32
      %mul3A_2233 = arith.muli %shift_right_arithmetic3A_2231, %mul3A_2232 : i32
      %dma_start3A_2234 = arith.constant 384 : i32
      %dma_start3A_2235 = arith.constant 0 : i32
      %dma_start3A_2236 = tpu.memref_slice %arg9[%dma_start3A_2234, %dma_start3A_2235] : memref<512x128xf32, #tpu.memory_space<vmem>> -> memref<8x128xf32, #tpu.memory_space<vmem>>
      %dma_start3A_2237 = arith.constant 0 : i32
      %dma_start3A_2238 = tpu.memref_slice %arg5[%dma_start3A_2237, %mul3A_2233] : memref<32x1000000xf32, #tpu.memory_space<hbm>> -> memref<8x128xf32, #tpu.memory_space<hbm>>
      %dma_start3A_2239 = arith.constant 384 : i32
      %dma_start3A_2240 = arith.constant 0 : i32
      %dma_start3A_2241 = tpu.memref_slice %arg9[%dma_start3A_2239, %dma_start3A_2240] : memref<512x128xf32, #tpu.memory_space<vmem>> -> memref<8x128xf32, #tpu.memory_space<vmem>>
      %dma_start3A_2242 = arith.constant 0 : i32
      %dma_start3A_2243 = tpu.memref_slice %arg5[%dma_start3A_2242, %mul3A_2233] : memref<32x1000000xf32, #tpu.memory_space<hbm>> -> memref<8x128xf32, #tpu.memory_space<hbm>>
      tpu.enqueue_dma source(%dma_start3A_2243 : memref<8x128xf32, #tpu.memory_space<hbm>>) target(%dma_start3A_2241 : memref<8x128xf32, #tpu.memory_space<vmem>>) target_semaphore(%arg12 : memref<!tpu.dma_semaphore, #tpu.memory_space<semaphore_mem>>)
      %dma_start3A_2244 = arith.constant 392 : i32
      %dma_start3A_2245 = arith.constant 0 : i32
      %dma_start3A_2246 = tpu.memref_slice %arg9[%dma_start3A_2244, %dma_start3A_2245] : memref<512x128xf32, #tpu.memory_space<vmem>> -> memref<8x128xf32, #tpu.memory_space<vmem>>
      %dma_start3A_2247 = arith.constant 8 : i32
      %dma_start3A_2248 = tpu.memref_slice %arg5[%dma_start3A_2247, %mul3A_2233] : memref<32x1000000xf32, #tpu.memory_space<hbm>> -> memref<8x128xf32, #tpu.memory_space<hbm>>
      %dma_start3A_2249 = arith.constant 392 : i32
      %dma_start3A_2250 = arith.constant 0 : i32
      %dma_start3A_2251 = tpu.memref_slice %arg9[%dma_start3A_2249, %dma_start3A_2250] : memref<512x128xf32, #tpu.memory_space<vmem>> -> memref<8x128xf32, #tpu.memory_space<vmem>>
      %dma_start3A_2252 = arith.constant 8 : i32
      %dma_start3A_2253 = tpu.memref_slice %arg5[%dma_start3A_2252, %mul3A_2233] : memref<32x1000000xf32, #tpu.memory_space<hbm>> -> memref<8x128xf32, #tpu.memory_space<hbm>>
      tpu.enqueue_dma source(%dma_start3A_2253 : memref<8x128xf32, #tpu.memory_space<hbm>>) target(%dma_start3A_2251 : memref<8x128xf32, #tpu.memory_space<vmem>>) target_semaphore(%arg12 : memref<!tpu.dma_semaphore, #tpu.memory_space<semaphore_mem>>)
      %dma_start3A_2254 = arith.constant 400 : i32
      %dma_start3A_2255 = arith.constant 0 : i32
      %dma_start3A_2256 = tpu.memref_slice %arg9[%dma_start3A_2254, %dma_start3A_2255] : memref<512x128xf32, #tpu.memory_space<vmem>> -> memref<8x128xf32, #tpu.memory_space<vmem>>
      %dma_start3A_2257 = arith.constant 16 : i32
      %dma_start3A_2258 = tpu.memref_slice %arg5[%dma_start3A_2257, %mul3A_2233] : memref<32x1000000xf32, #tpu.memory_space<hbm>> -> memref<8x128xf32, #tpu.memory_space<hbm>>
      %dma_start3A_2259 = arith.constant 400 : i32
      %dma_start3A_2260 = arith.constant 0 : i32
      %dma_start3A_2261 = tpu.memref_slice %arg9[%dma_start3A_2259, %dma_start3A_2260] : memref<512x128xf32, #tpu.memory_space<vmem>> -> memref<8x128xf32, #tpu.memory_space<vmem>>
      %dma_start3A_2262 = arith.constant 16 : i32
      %dma_start3A_2263 = tpu.memref_slice %arg5[%dma_start3A_2262, %mul3A_2233] : memref<32x1000000xf32, #tpu.memory_space<hbm>> -> memref<8x128xf32, #tpu.memory_space<hbm>>
      tpu.enqueue_dma source(%dma_start3A_2263 : memref<8x128xf32, #tpu.memory_space<hbm>>) target(%dma_start3A_2261 : memref<8x128xf32, #tpu.memory_space<vmem>>) target_semaphore(%arg12 : memref<!tpu.dma_semaphore, #tpu.memory_space<semaphore_mem>>)
      %dma_start3A_2264 = arith.constant 408 : i32
      %dma_start3A_2265 = arith.constant 0 : i32
      %dma_start3A_2266 = tpu.memref_slice %arg9[%dma_start3A_2264, %dma_start3A_2265] : memref<512x128xf32, #tpu.memory_space<vmem>> -> memref<8x128xf32, #tpu.memory_space<vmem>>
      %dma_start3A_2267 = arith.constant 24 : i32
      %dma_start3A_2268 = tpu.memref_slice %arg5[%dma_start3A_2267, %mul3A_2233] : memref<32x1000000xf32, #tpu.memory_space<hbm>> -> memref<8x128xf32, #tpu.memory_space<hbm>>
      %dma_start3A_2269 = arith.constant 408 : i32
      %dma_start3A_2270 = arith.constant 0 : i32
      %dma_start3A_2271 = tpu.memref_slice %arg9[%dma_start3A_2269, %dma_start3A_2270] : memref<512x128xf32, #tpu.memory_space<vmem>> -> memref<8x128xf32, #tpu.memory_space<vmem>>
      %dma_start3A_2272 = arith.constant 24 : i32
      %dma_start3A_2273 = tpu.memref_slice %arg5[%dma_start3A_2272, %mul3A_2233] : memref<32x1000000xf32, #tpu.memory_space<hbm>> -> memref<8x128xf32, #tpu.memory_space<hbm>>
      tpu.enqueue_dma source(%dma_start3A_2273 : memref<8x128xf32, #tpu.memory_space<hbm>>) target(%dma_start3A_2271 : memref<8x128xf32, #tpu.memory_space<vmem>>) target_semaphore(%arg12 : memref<!tpu.dma_semaphore, #tpu.memory_space<semaphore_mem>>)
      %slice3A_2274 = vector.extract_strided_slice %get3A_13 {offsets = [13], sizes = [1], strides = [1]} : vector<16xi32> to vector<1xi32>
      %squeeze3A_2275 = vector.extract %slice3A_2274[0] : i32 from vector<1xi32>
      %shift_right_arithmetic3A_2276 = arith.constant 7 : i32
      %shift_right_arithmetic3A_2277 = arith.shrsi %squeeze3A_2275, %shift_right_arithmetic3A_2276 : i32
      %mul3A_2278 = arith.constant 128 : i32
      %mul3A_2279 = arith.muli %shift_right_arithmetic3A_2277, %mul3A_2278 : i32
      %dma_start3A_2280 = arith.constant 416 : i32
      %dma_start3A_2281 = arith.constant 0 : i32
      %dma_start3A_2282 = tpu.memref_slice %arg9[%dma_start3A_2280, %dma_start3A_2281] : memref<512x128xf32, #tpu.memory_space<vmem>> -> memref<8x128xf32, #tpu.memory_space<vmem>>
      %dma_start3A_2283 = arith.constant 0 : i32
      %dma_start3A_2284 = tpu.memref_slice %arg5[%dma_start3A_2283, %mul3A_2279] : memref<32x1000000xf32, #tpu.memory_space<hbm>> -> memref<8x128xf32, #tpu.memory_space<hbm>>
      %dma_start3A_2285 = arith.constant 416 : i32
      %dma_start3A_2286 = arith.constant 0 : i32
      %dma_start3A_2287 = tpu.memref_slice %arg9[%dma_start3A_2285, %dma_start3A_2286] : memref<512x128xf32, #tpu.memory_space<vmem>> -> memref<8x128xf32, #tpu.memory_space<vmem>>
      %dma_start3A_2288 = arith.constant 0 : i32
      %dma_start3A_2289 = tpu.memref_slice %arg5[%dma_start3A_2288, %mul3A_2279] : memref<32x1000000xf32, #tpu.memory_space<hbm>> -> memref<8x128xf32, #tpu.memory_space<hbm>>
      tpu.enqueue_dma source(%dma_start3A_2289 : memref<8x128xf32, #tpu.memory_space<hbm>>) target(%dma_start3A_2287 : memref<8x128xf32, #tpu.memory_space<vmem>>) target_semaphore(%arg12 : memref<!tpu.dma_semaphore, #tpu.memory_space<semaphore_mem>>)
      %dma_start3A_2290 = arith.constant 424 : i32
      %dma_start3A_2291 = arith.constant 0 : i32
      %dma_start3A_2292 = tpu.memref_slice %arg9[%dma_start3A_2290, %dma_start3A_2291] : memref<512x128xf32, #tpu.memory_space<vmem>> -> memref<8x128xf32, #tpu.memory_space<vmem>>
      %dma_start3A_2293 = arith.constant 8 : i32
      %dma_start3A_2294 = tpu.memref_slice %arg5[%dma_start3A_2293, %mul3A_2279] : memref<32x1000000xf32, #tpu.memory_space<hbm>> -> memref<8x128xf32, #tpu.memory_space<hbm>>
      %dma_start3A_2295 = arith.constant 424 : i32
      %dma_start3A_2296 = arith.constant 0 : i32
      %dma_start3A_2297 = tpu.memref_slice %arg9[%dma_start3A_2295, %dma_start3A_2296] : memref<512x128xf32, #tpu.memory_space<vmem>> -> memref<8x128xf32, #tpu.memory_space<vmem>>
      %dma_start3A_2298 = arith.constant 8 : i32
      %dma_start3A_2299 = tpu.memref_slice %arg5[%dma_start3A_2298, %mul3A_2279] : memref<32x1000000xf32, #tpu.memory_space<hbm>> -> memref<8x128xf32, #tpu.memory_space<hbm>>
      tpu.enqueue_dma source(%dma_start3A_2299 : memref<8x128xf32, #tpu.memory_space<hbm>>) target(%dma_start3A_2297 : memref<8x128xf32, #tpu.memory_space<vmem>>) target_semaphore(%arg12 : memref<!tpu.dma_semaphore, #tpu.memory_space<semaphore_mem>>)
      %dma_start3A_2300 = arith.constant 432 : i32
      %dma_start3A_2301 = arith.constant 0 : i32
      %dma_start3A_2302 = tpu.memref_slice %arg9[%dma_start3A_2300, %dma_start3A_2301] : memref<512x128xf32, #tpu.memory_space<vmem>> -> memref<8x128xf32, #tpu.memory_space<vmem>>
      %dma_start3A_2303 = arith.constant 16 : i32
      %dma_start3A_2304 = tpu.memref_slice %arg5[%dma_start3A_2303, %mul3A_2279] : memref<32x1000000xf32, #tpu.memory_space<hbm>> -> memref<8x128xf32, #tpu.memory_space<hbm>>
      %dma_start3A_2305 = arith.constant 432 : i32
      %dma_start3A_2306 = arith.constant 0 : i32
      %dma_start3A_2307 = tpu.memref_slice %arg9[%dma_start3A_2305, %dma_start3A_2306] : memref<512x128xf32, #tpu.memory_space<vmem>> -> memref<8x128xf32, #tpu.memory_space<vmem>>
      %dma_start3A_2308 = arith.constant 16 : i32
      %dma_start3A_2309 = tpu.memref_slice %arg5[%dma_start3A_2308, %mul3A_2279] : memref<32x1000000xf32, #tpu.memory_space<hbm>> -> memref<8x128xf32, #tpu.memory_space<hbm>>
      tpu.enqueue_dma source(%dma_start3A_2309 : memref<8x128xf32, #tpu.memory_space<hbm>>) target(%dma_start3A_2307 : memref<8x128xf32, #tpu.memory_space<vmem>>) target_semaphore(%arg12 : memref<!tpu.dma_semaphore, #tpu.memory_space<semaphore_mem>>)
      %dma_start3A_2310 = arith.constant 440 : i32
      %dma_start3A_2311 = arith.constant 0 : i32
      %dma_start3A_2312 = tpu.memref_slice %arg9[%dma_start3A_2310, %dma_start3A_2311] : memref<512x128xf32, #tpu.memory_space<vmem>> -> memref<8x128xf32, #tpu.memory_space<vmem>>
      %dma_start3A_2313 = arith.constant 24 : i32
      %dma_start3A_2314 = tpu.memref_slice %arg5[%dma_start3A_2313, %mul3A_2279] : memref<32x1000000xf32, #tpu.memory_space<hbm>> -> memref<8x128xf32, #tpu.memory_space<hbm>>
      %dma_start3A_2315 = arith.constant 440 : i32
      %dma_start3A_2316 = arith.constant 0 : i32
      %dma_start3A_2317 = tpu.memref_slice %arg9[%dma_start3A_2315, %dma_start3A_2316] : memref<512x128xf32, #tpu.memory_space<vmem>> -> memref<8x128xf32, #tpu.memory_space<vmem>>
      %dma_start3A_2318 = arith.constant 24 : i32
      %dma_start3A_2319 = tpu.memref_slice %arg5[%dma_start3A_2318, %mul3A_2279] : memref<32x1000000xf32, #tpu.memory_space<hbm>> -> memref<8x128xf32, #tpu.memory_space<hbm>>
      tpu.enqueue_dma source(%dma_start3A_2319 : memref<8x128xf32, #tpu.memory_space<hbm>>) target(%dma_start3A_2317 : memref<8x128xf32, #tpu.memory_space<vmem>>) target_semaphore(%arg12 : memref<!tpu.dma_semaphore, #tpu.memory_space<semaphore_mem>>)
      %slice3A_2320 = vector.extract_strided_slice %get3A_13 {offsets = [14], sizes = [1], strides = [1]} : vector<16xi32> to vector<1xi32>
      %squeeze3A_2321 = vector.extract %slice3A_2320[0] : i32 from vector<1xi32>
      %shift_right_arithmetic3A_2322 = arith.constant 7 : i32
      %shift_right_arithmetic3A_2323 = arith.shrsi %squeeze3A_2321, %shift_right_arithmetic3A_2322 : i32
      %mul3A_2324 = arith.constant 128 : i32
      %mul3A_2325 = arith.muli %shift_right_arithmetic3A_2323, %mul3A_2324 : i32
      %dma_start3A_2326 = arith.constant 448 : i32
      %dma_start3A_2327 = arith.constant 0 : i32
      %dma_start3A_2328 = tpu.memref_slice %arg9[%dma_start3A_2326, %dma_start3A_2327] : memref<512x128xf32, #tpu.memory_space<vmem>> -> memref<8x128xf32, #tpu.memory_space<vmem>>
      %dma_start3A_2329 = arith.constant 0 : i32
      %dma_start3A_2330 = tpu.memref_slice %arg5[%dma_start3A_2329, %mul3A_2325] : memref<32x1000000xf32, #tpu.memory_space<hbm>> -> memref<8x128xf32, #tpu.memory_space<hbm>>
      %dma_start3A_2331 = arith.constant 448 : i32
      %dma_start3A_2332 = arith.constant 0 : i32
      %dma_start3A_2333 = tpu.memref_slice %arg9[%dma_start3A_2331, %dma_start3A_2332] : memref<512x128xf32, #tpu.memory_space<vmem>> -> memref<8x128xf32, #tpu.memory_space<vmem>>
      %dma_start3A_2334 = arith.constant 0 : i32
      %dma_start3A_2335 = tpu.memref_slice %arg5[%dma_start3A_2334, %mul3A_2325] : memref<32x1000000xf32, #tpu.memory_space<hbm>> -> memref<8x128xf32, #tpu.memory_space<hbm>>
      tpu.enqueue_dma source(%dma_start3A_2335 : memref<8x128xf32, #tpu.memory_space<hbm>>) target(%dma_start3A_2333 : memref<8x128xf32, #tpu.memory_space<vmem>>) target_semaphore(%arg12 : memref<!tpu.dma_semaphore, #tpu.memory_space<semaphore_mem>>)
      %dma_start3A_2336 = arith.constant 456 : i32
      %dma_start3A_2337 = arith.constant 0 : i32
      %dma_start3A_2338 = tpu.memref_slice %arg9[%dma_start3A_2336, %dma_start3A_2337] : memref<512x128xf32, #tpu.memory_space<vmem>> -> memref<8x128xf32, #tpu.memory_space<vmem>>
      %dma_start3A_2339 = arith.constant 8 : i32
      %dma_start3A_2340 = tpu.memref_slice %arg5[%dma_start3A_2339, %mul3A_2325] : memref<32x1000000xf32, #tpu.memory_space<hbm>> -> memref<8x128xf32, #tpu.memory_space<hbm>>
      %dma_start3A_2341 = arith.constant 456 : i32
      %dma_start3A_2342 = arith.constant 0 : i32
      %dma_start3A_2343 = tpu.memref_slice %arg9[%dma_start3A_2341, %dma_start3A_2342] : memref<512x128xf32, #tpu.memory_space<vmem>> -> memref<8x128xf32, #tpu.memory_space<vmem>>
      %dma_start3A_2344 = arith.constant 8 : i32
      %dma_start3A_2345 = tpu.memref_slice %arg5[%dma_start3A_2344, %mul3A_2325] : memref<32x1000000xf32, #tpu.memory_space<hbm>> -> memref<8x128xf32, #tpu.memory_space<hbm>>
      tpu.enqueue_dma source(%dma_start3A_2345 : memref<8x128xf32, #tpu.memory_space<hbm>>) target(%dma_start3A_2343 : memref<8x128xf32, #tpu.memory_space<vmem>>) target_semaphore(%arg12 : memref<!tpu.dma_semaphore, #tpu.memory_space<semaphore_mem>>)
      %dma_start3A_2346 = arith.constant 464 : i32
      %dma_start3A_2347 = arith.constant 0 : i32
      %dma_start3A_2348 = tpu.memref_slice %arg9[%dma_start3A_2346, %dma_start3A_2347] : memref<512x128xf32, #tpu.memory_space<vmem>> -> memref<8x128xf32, #tpu.memory_space<vmem>>
      %dma_start3A_2349 = arith.constant 16 : i32
      %dma_start3A_2350 = tpu.memref_slice %arg5[%dma_start3A_2349, %mul3A_2325] : memref<32x1000000xf32, #tpu.memory_space<hbm>> -> memref<8x128xf32, #tpu.memory_space<hbm>>
      %dma_start3A_2351 = arith.constant 464 : i32
      %dma_start3A_2352 = arith.constant 0 : i32
      %dma_start3A_2353 = tpu.memref_slice %arg9[%dma_start3A_2351, %dma_start3A_2352] : memref<512x128xf32, #tpu.memory_space<vmem>> -> memref<8x128xf32, #tpu.memory_space<vmem>>
      %dma_start3A_2354 = arith.constant 16 : i32
      %dma_start3A_2355 = tpu.memref_slice %arg5[%dma_start3A_2354, %mul3A_2325] : memref<32x1000000xf32, #tpu.memory_space<hbm>> -> memref<8x128xf32, #tpu.memory_space<hbm>>
      tpu.enqueue_dma source(%dma_start3A_2355 : memref<8x128xf32, #tpu.memory_space<hbm>>) target(%dma_start3A_2353 : memref<8x128xf32, #tpu.memory_space<vmem>>) target_semaphore(%arg12 : memref<!tpu.dma_semaphore, #tpu.memory_space<semaphore_mem>>)
      %dma_start3A_2356 = arith.constant 472 : i32
      %dma_start3A_2357 = arith.constant 0 : i32
      %dma_start3A_2358 = tpu.memref_slice %arg9[%dma_start3A_2356, %dma_start3A_2357] : memref<512x128xf32, #tpu.memory_space<vmem>> -> memref<8x128xf32, #tpu.memory_space<vmem>>
      %dma_start3A_2359 = arith.constant 24 : i32
      %dma_start3A_2360 = tpu.memref_slice %arg5[%dma_start3A_2359, %mul3A_2325] : memref<32x1000000xf32, #tpu.memory_space<hbm>> -> memref<8x128xf32, #tpu.memory_space<hbm>>
      %dma_start3A_2361 = arith.constant 472 : i32
      %dma_start3A_2362 = arith.constant 0 : i32
      %dma_start3A_2363 = tpu.memref_slice %arg9[%dma_start3A_2361, %dma_start3A_2362] : memref<512x128xf32, #tpu.memory_space<vmem>> -> memref<8x128xf32, #tpu.memory_space<vmem>>
      %dma_start3A_2364 = arith.constant 24 : i32
      %dma_start3A_2365 = tpu.memref_slice %arg5[%dma_start3A_2364, %mul3A_2325] : memref<32x1000000xf32, #tpu.memory_space<hbm>> -> memref<8x128xf32, #tpu.memory_space<hbm>>
      tpu.enqueue_dma source(%dma_start3A_2365 : memref<8x128xf32, #tpu.memory_space<hbm>>) target(%dma_start3A_2363 : memref<8x128xf32, #tpu.memory_space<vmem>>) target_semaphore(%arg12 : memref<!tpu.dma_semaphore, #tpu.memory_space<semaphore_mem>>)
      %slice3A_2366 = vector.extract_strided_slice %get3A_13 {offsets = [15], sizes = [1], strides = [1]} : vector<16xi32> to vector<1xi32>
      %squeeze3A_2367 = vector.extract %slice3A_2366[0] : i32 from vector<1xi32>
      %shift_right_arithmetic3A_2368 = arith.constant 7 : i32
      %shift_right_arithmetic3A_2369 = arith.shrsi %squeeze3A_2367, %shift_right_arithmetic3A_2368 : i32
      %mul3A_2370 = arith.constant 128 : i32
      %mul3A_2371 = arith.muli %shift_right_arithmetic3A_2369, %mul3A_2370 : i32
      %dma_start3A_2372 = arith.constant 480 : i32
      %dma_start3A_2373 = arith.constant 0 : i32
      %dma_start3A_2374 = tpu.memref_slice %arg9[%dma_start3A_2372, %dma_start3A_2373] : memref<512x128xf32, #tpu.memory_space<vmem>> -> memref<8x128xf32, #tpu.memory_space<vmem>>
      %dma_start3A_2375 = arith.constant 0 : i32
      %dma_start3A_2376 = tpu.memref_slice %arg5[%dma_start3A_2375, %mul3A_2371] : memref<32x1000000xf32, #tpu.memory_space<hbm>> -> memref<8x128xf32, #tpu.memory_space<hbm>>
      %dma_start3A_2377 = arith.constant 480 : i32
      %dma_start3A_2378 = arith.constant 0 : i32
      %dma_start3A_2379 = tpu.memref_slice %arg9[%dma_start3A_2377, %dma_start3A_2378] : memref<512x128xf32, #tpu.memory_space<vmem>> -> memref<8x128xf32, #tpu.memory_space<vmem>>
      %dma_start3A_2380 = arith.constant 0 : i32
      %dma_start3A_2381 = tpu.memref_slice %arg5[%dma_start3A_2380, %mul3A_2371] : memref<32x1000000xf32, #tpu.memory_space<hbm>> -> memref<8x128xf32, #tpu.memory_space<hbm>>
      tpu.enqueue_dma source(%dma_start3A_2381 : memref<8x128xf32, #tpu.memory_space<hbm>>) target(%dma_start3A_2379 : memref<8x128xf32, #tpu.memory_space<vmem>>) target_semaphore(%arg12 : memref<!tpu.dma_semaphore, #tpu.memory_space<semaphore_mem>>)
      %dma_start3A_2382 = arith.constant 488 : i32
      %dma_start3A_2383 = arith.constant 0 : i32
      %dma_start3A_2384 = tpu.memref_slice %arg9[%dma_start3A_2382, %dma_start3A_2383] : memref<512x128xf32, #tpu.memory_space<vmem>> -> memref<8x128xf32, #tpu.memory_space<vmem>>
      %dma_start3A_2385 = arith.constant 8 : i32
      %dma_start3A_2386 = tpu.memref_slice %arg5[%dma_start3A_2385, %mul3A_2371] : memref<32x1000000xf32, #tpu.memory_space<hbm>> -> memref<8x128xf32, #tpu.memory_space<hbm>>
      %dma_start3A_2387 = arith.constant 488 : i32
      %dma_start3A_2388 = arith.constant 0 : i32
      %dma_start3A_2389 = tpu.memref_slice %arg9[%dma_start3A_2387, %dma_start3A_2388] : memref<512x128xf32, #tpu.memory_space<vmem>> -> memref<8x128xf32, #tpu.memory_space<vmem>>
      %dma_start3A_2390 = arith.constant 8 : i32
      %dma_start3A_2391 = tpu.memref_slice %arg5[%dma_start3A_2390, %mul3A_2371] : memref<32x1000000xf32, #tpu.memory_space<hbm>> -> memref<8x128xf32, #tpu.memory_space<hbm>>
      tpu.enqueue_dma source(%dma_start3A_2391 : memref<8x128xf32, #tpu.memory_space<hbm>>) target(%dma_start3A_2389 : memref<8x128xf32, #tpu.memory_space<vmem>>) target_semaphore(%arg12 : memref<!tpu.dma_semaphore, #tpu.memory_space<semaphore_mem>>)
      %dma_start3A_2392 = arith.constant 496 : i32
      %dma_start3A_2393 = arith.constant 0 : i32
      %dma_start3A_2394 = tpu.memref_slice %arg9[%dma_start3A_2392, %dma_start3A_2393] : memref<512x128xf32, #tpu.memory_space<vmem>> -> memref<8x128xf32, #tpu.memory_space<vmem>>
      %dma_start3A_2395 = arith.constant 16 : i32
      %dma_start3A_2396 = tpu.memref_slice %arg5[%dma_start3A_2395, %mul3A_2371] : memref<32x1000000xf32, #tpu.memory_space<hbm>> -> memref<8x128xf32, #tpu.memory_space<hbm>>
      %dma_start3A_2397 = arith.constant 496 : i32
      %dma_start3A_2398 = arith.constant 0 : i32
      %dma_start3A_2399 = tpu.memref_slice %arg9[%dma_start3A_2397, %dma_start3A_2398] : memref<512x128xf32, #tpu.memory_space<vmem>> -> memref<8x128xf32, #tpu.memory_space<vmem>>
      %dma_start3A_2400 = arith.constant 16 : i32
      %dma_start3A_2401 = tpu.memref_slice %arg5[%dma_start3A_2400, %mul3A_2371] : memref<32x1000000xf32, #tpu.memory_space<hbm>> -> memref<8x128xf32, #tpu.memory_space<hbm>>
      tpu.enqueue_dma source(%dma_start3A_2401 : memref<8x128xf32, #tpu.memory_space<hbm>>) target(%dma_start3A_2399 : memref<8x128xf32, #tpu.memory_space<vmem>>) target_semaphore(%arg12 : memref<!tpu.dma_semaphore, #tpu.memory_space<semaphore_mem>>)
      %dma_start3A_2402 = arith.constant 504 : i32
      %dma_start3A_2403 = arith.constant 0 : i32
      %dma_start3A_2404 = tpu.memref_slice %arg9[%dma_start3A_2402, %dma_start3A_2403] : memref<512x128xf32, #tpu.memory_space<vmem>> -> memref<8x128xf32, #tpu.memory_space<vmem>>
      %dma_start3A_2405 = arith.constant 24 : i32
      %dma_start3A_2406 = tpu.memref_slice %arg5[%dma_start3A_2405, %mul3A_2371] : memref<32x1000000xf32, #tpu.memory_space<hbm>> -> memref<8x128xf32, #tpu.memory_space<hbm>>
      %dma_start3A_2407 = arith.constant 504 : i32
      %dma_start3A_2408 = arith.constant 0 : i32
      %dma_start3A_2409 = tpu.memref_slice %arg9[%dma_start3A_2407, %dma_start3A_2408] : memref<512x128xf32, #tpu.memory_space<vmem>> -> memref<8x128xf32, #tpu.memory_space<vmem>>
      %dma_start3A_2410 = arith.constant 24 : i32
      %dma_start3A_2411 = tpu.memref_slice %arg5[%dma_start3A_2410, %mul3A_2371] : memref<32x1000000xf32, #tpu.memory_space<hbm>> -> memref<8x128xf32, #tpu.memory_space<hbm>>
      tpu.enqueue_dma source(%dma_start3A_2411 : memref<8x128xf32, #tpu.memory_space<hbm>>) target(%dma_start3A_2409 : memref<8x128xf32, #tpu.memory_space<vmem>>) target_semaphore(%arg12 : memref<!tpu.dma_semaphore, #tpu.memory_space<semaphore_mem>>)
      %dma_wait3A_2412 = arith.constant 0 : i32
      %dma_wait3A_2413 = arith.constant 0 : i32
      %dma_wait3A_2414 = tpu.memref_slice %arg9[%dma_wait3A_2412, %dma_wait3A_2413] : memref<512x128xf32, #tpu.memory_space<vmem>> -> memref<8x128xf32, #tpu.memory_space<vmem>>
      %dma_wait3A_2415 = arith.constant 0 : i32
      %dma_wait3A_2416 = tpu.memref_slice %arg5[%dma_wait3A_2415, %mul3A_1681] : memref<32x1000000xf32, #tpu.memory_space<hbm>> -> memref<8x128xf32, #tpu.memory_space<hbm>>
      %dma_wait3A_2417 = arith.constant 0 : i32
      %dma_wait3A_2418 = arith.constant 0 : i32
      %dma_wait3A_2419 = tpu.memref_slice %arg9[%dma_wait3A_2417, %dma_wait3A_2418] : memref<512x128xf32, #tpu.memory_space<vmem>> -> memref<8x128xf32, #tpu.memory_space<vmem>>
      %dma_wait3A_2420 = arith.constant 0 : i32
      %dma_wait3A_2421 = tpu.memref_slice %arg5[%dma_wait3A_2420, %mul3A_1681] : memref<32x1000000xf32, #tpu.memory_space<hbm>> -> memref<8x128xf32, #tpu.memory_space<hbm>>
      tpu.wait_dma2 semaphore(%arg12 : memref<!tpu.dma_semaphore, #tpu.memory_space<semaphore_mem>>) src(%dma_wait3A_2421 : memref<8x128xf32, #tpu.memory_space<hbm>>) dst(%dma_wait3A_2419 : memref<8x128xf32, #tpu.memory_space<vmem>>)
      %dma_wait3A_2422 = arith.constant 8 : i32
      %dma_wait3A_2423 = arith.constant 0 : i32
      %dma_wait3A_2424 = tpu.memref_slice %arg9[%dma_wait3A_2422, %dma_wait3A_2423] : memref<512x128xf32, #tpu.memory_space<vmem>> -> memref<8x128xf32, #tpu.memory_space<vmem>>
      %dma_wait3A_2425 = arith.constant 8 : i32
      %dma_wait3A_2426 = tpu.memref_slice %arg5[%dma_wait3A_2425, %mul3A_1681] : memref<32x1000000xf32, #tpu.memory_space<hbm>> -> memref<8x128xf32, #tpu.memory_space<hbm>>
      %dma_wait3A_2427 = arith.constant 8 : i32
      %dma_wait3A_2428 = arith.constant 0 : i32
      %dma_wait3A_2429 = tpu.memref_slice %arg9[%dma_wait3A_2427, %dma_wait3A_2428] : memref<512x128xf32, #tpu.memory_space<vmem>> -> memref<8x128xf32, #tpu.memory_space<vmem>>
      %dma_wait3A_2430 = arith.constant 8 : i32
      %dma_wait3A_2431 = tpu.memref_slice %arg5[%dma_wait3A_2430, %mul3A_1681] : memref<32x1000000xf32, #tpu.memory_space<hbm>> -> memref<8x128xf32, #tpu.memory_space<hbm>>
      tpu.wait_dma2 semaphore(%arg12 : memref<!tpu.dma_semaphore, #tpu.memory_space<semaphore_mem>>) src(%dma_wait3A_2431 : memref<8x128xf32, #tpu.memory_space<hbm>>) dst(%dma_wait3A_2429 : memref<8x128xf32, #tpu.memory_space<vmem>>)
      %dma_wait3A_2432 = arith.constant 16 : i32
      %dma_wait3A_2433 = arith.constant 0 : i32
      %dma_wait3A_2434 = tpu.memref_slice %arg9[%dma_wait3A_2432, %dma_wait3A_2433] : memref<512x128xf32, #tpu.memory_space<vmem>> -> memref<8x128xf32, #tpu.memory_space<vmem>>
      %dma_wait3A_2435 = arith.constant 16 : i32
      %dma_wait3A_2436 = tpu.memref_slice %arg5[%dma_wait3A_2435, %mul3A_1681] : memref<32x1000000xf32, #tpu.memory_space<hbm>> -> memref<8x128xf32, #tpu.memory_space<hbm>>
      %dma_wait3A_2437 = arith.constant 16 : i32
      %dma_wait3A_2438 = arith.constant 0 : i32
      %dma_wait3A_2439 = tpu.memref_slice %arg9[%dma_wait3A_2437, %dma_wait3A_2438] : memref<512x128xf32, #tpu.memory_space<vmem>> -> memref<8x128xf32, #tpu.memory_space<vmem>>
      %dma_wait3A_2440 = arith.constant 16 : i32
      %dma_wait3A_2441 = tpu.memref_slice %arg5[%dma_wait3A_2440, %mul3A_1681] : memref<32x1000000xf32, #tpu.memory_space<hbm>> -> memref<8x128xf32, #tpu.memory_space<hbm>>
      tpu.wait_dma2 semaphore(%arg12 : memref<!tpu.dma_semaphore, #tpu.memory_space<semaphore_mem>>) src(%dma_wait3A_2441 : memref<8x128xf32, #tpu.memory_space<hbm>>) dst(%dma_wait3A_2439 : memref<8x128xf32, #tpu.memory_space<vmem>>)
      %dma_wait3A_2442 = arith.constant 24 : i32
      %dma_wait3A_2443 = arith.constant 0 : i32
      %dma_wait3A_2444 = tpu.memref_slice %arg9[%dma_wait3A_2442, %dma_wait3A_2443] : memref<512x128xf32, #tpu.memory_space<vmem>> -> memref<8x128xf32, #tpu.memory_space<vmem>>
      %dma_wait3A_2445 = arith.constant 24 : i32
      %dma_wait3A_2446 = tpu.memref_slice %arg5[%dma_wait3A_2445, %mul3A_1681] : memref<32x1000000xf32, #tpu.memory_space<hbm>> -> memref<8x128xf32, #tpu.memory_space<hbm>>
      %dma_wait3A_2447 = arith.constant 24 : i32
      %dma_wait3A_2448 = arith.constant 0 : i32
      %dma_wait3A_2449 = tpu.memref_slice %arg9[%dma_wait3A_2447, %dma_wait3A_2448] : memref<512x128xf32, #tpu.memory_space<vmem>> -> memref<8x128xf32, #tpu.memory_space<vmem>>
      %dma_wait3A_2450 = arith.constant 24 : i32
      %dma_wait3A_2451 = tpu.memref_slice %arg5[%dma_wait3A_2450, %mul3A_1681] : memref<32x1000000xf32, #tpu.memory_space<hbm>> -> memref<8x128xf32, #tpu.memory_space<hbm>>
      tpu.wait_dma2 semaphore(%arg12 : memref<!tpu.dma_semaphore, #tpu.memory_space<semaphore_mem>>) src(%dma_wait3A_2451 : memref<8x128xf32, #tpu.memory_space<hbm>>) dst(%dma_wait3A_2449 : memref<8x128xf32, #tpu.memory_space<vmem>>)
      %dma_wait3A_2452 = arith.constant 32 : i32
      %dma_wait3A_2453 = arith.constant 0 : i32
      %dma_wait3A_2454 = tpu.memref_slice %arg9[%dma_wait3A_2452, %dma_wait3A_2453] : memref<512x128xf32, #tpu.memory_space<vmem>> -> memref<8x128xf32, #tpu.memory_space<vmem>>
      %dma_wait3A_2455 = arith.constant 0 : i32
      %dma_wait3A_2456 = tpu.memref_slice %arg5[%dma_wait3A_2455, %mul3A_1727] : memref<32x1000000xf32, #tpu.memory_space<hbm>> -> memref<8x128xf32, #tpu.memory_space<hbm>>
      %dma_wait3A_2457 = arith.constant 32 : i32
      %dma_wait3A_2458 = arith.constant 0 : i32
      %dma_wait3A_2459 = tpu.memref_slice %arg9[%dma_wait3A_2457, %dma_wait3A_2458] : memref<512x128xf32, #tpu.memory_space<vmem>> -> memref<8x128xf32, #tpu.memory_space<vmem>>
      %dma_wait3A_2460 = arith.constant 0 : i32
      %dma_wait3A_2461 = tpu.memref_slice %arg5[%dma_wait3A_2460, %mul3A_1727] : memref<32x1000000xf32, #tpu.memory_space<hbm>> -> memref<8x128xf32, #tpu.memory_space<hbm>>
      tpu.wait_dma2 semaphore(%arg12 : memref<!tpu.dma_semaphore, #tpu.memory_space<semaphore_mem>>) src(%dma_wait3A_2461 : memref<8x128xf32, #tpu.memory_space<hbm>>) dst(%dma_wait3A_2459 : memref<8x128xf32, #tpu.memory_space<vmem>>)
      %dma_wait3A_2462 = arith.constant 40 : i32
      %dma_wait3A_2463 = arith.constant 0 : i32
      %dma_wait3A_2464 = tpu.memref_slice %arg9[%dma_wait3A_2462, %dma_wait3A_2463] : memref<512x128xf32, #tpu.memory_space<vmem>> -> memref<8x128xf32, #tpu.memory_space<vmem>>
      %dma_wait3A_2465 = arith.constant 8 : i32
      %dma_wait3A_2466 = tpu.memref_slice %arg5[%dma_wait3A_2465, %mul3A_1727] : memref<32x1000000xf32, #tpu.memory_space<hbm>> -> memref<8x128xf32, #tpu.memory_space<hbm>>
      %dma_wait3A_2467 = arith.constant 40 : i32
      %dma_wait3A_2468 = arith.constant 0 : i32
      %dma_wait3A_2469 = tpu.memref_slice %arg9[%dma_wait3A_2467, %dma_wait3A_2468] : memref<512x128xf32, #tpu.memory_space<vmem>> -> memref<8x128xf32, #tpu.memory_space<vmem>>
      %dma_wait3A_2470 = arith.constant 8 : i32
      %dma_wait3A_2471 = tpu.memref_slice %arg5[%dma_wait3A_2470, %mul3A_1727] : memref<32x1000000xf32, #tpu.memory_space<hbm>> -> memref<8x128xf32, #tpu.memory_space<hbm>>
      tpu.wait_dma2 semaphore(%arg12 : memref<!tpu.dma_semaphore, #tpu.memory_space<semaphore_mem>>) src(%dma_wait3A_2471 : memref<8x128xf32, #tpu.memory_space<hbm>>) dst(%dma_wait3A_2469 : memref<8x128xf32, #tpu.memory_space<vmem>>)
      %dma_wait3A_2472 = arith.constant 48 : i32
      %dma_wait3A_2473 = arith.constant 0 : i32
      %dma_wait3A_2474 = tpu.memref_slice %arg9[%dma_wait3A_2472, %dma_wait3A_2473] : memref<512x128xf32, #tpu.memory_space<vmem>> -> memref<8x128xf32, #tpu.memory_space<vmem>>
      %dma_wait3A_2475 = arith.constant 16 : i32
      %dma_wait3A_2476 = tpu.memref_slice %arg5[%dma_wait3A_2475, %mul3A_1727] : memref<32x1000000xf32, #tpu.memory_space<hbm>> -> memref<8x128xf32, #tpu.memory_space<hbm>>
      %dma_wait3A_2477 = arith.constant 48 : i32
      %dma_wait3A_2478 = arith.constant 0 : i32
      %dma_wait3A_2479 = tpu.memref_slice %arg9[%dma_wait3A_2477, %dma_wait3A_2478] : memref<512x128xf32, #tpu.memory_space<vmem>> -> memref<8x128xf32, #tpu.memory_space<vmem>>
      %dma_wait3A_2480 = arith.constant 16 : i32
      %dma_wait3A_2481 = tpu.memref_slice %arg5[%dma_wait3A_2480, %mul3A_1727] : memref<32x1000000xf32, #tpu.memory_space<hbm>> -> memref<8x128xf32, #tpu.memory_space<hbm>>
      tpu.wait_dma2 semaphore(%arg12 : memref<!tpu.dma_semaphore, #tpu.memory_space<semaphore_mem>>) src(%dma_wait3A_2481 : memref<8x128xf32, #tpu.memory_space<hbm>>) dst(%dma_wait3A_2479 : memref<8x128xf32, #tpu.memory_space<vmem>>)
      %dma_wait3A_2482 = arith.constant 56 : i32
      %dma_wait3A_2483 = arith.constant 0 : i32
      %dma_wait3A_2484 = tpu.memref_slice %arg9[%dma_wait3A_2482, %dma_wait3A_2483] : memref<512x128xf32, #tpu.memory_space<vmem>> -> memref<8x128xf32, #tpu.memory_space<vmem>>
      %dma_wait3A_2485 = arith.constant 24 : i32
      %dma_wait3A_2486 = tpu.memref_slice %arg5[%dma_wait3A_2485, %mul3A_1727] : memref<32x1000000xf32, #tpu.memory_space<hbm>> -> memref<8x128xf32, #tpu.memory_space<hbm>>
      %dma_wait3A_2487 = arith.constant 56 : i32
      %dma_wait3A_2488 = arith.constant 0 : i32
      %dma_wait3A_2489 = tpu.memref_slice %arg9[%dma_wait3A_2487, %dma_wait3A_2488] : memref<512x128xf32, #tpu.memory_space<vmem>> -> memref<8x128xf32, #tpu.memory_space<vmem>>
      %dma_wait3A_2490 = arith.constant 24 : i32
      %dma_wait3A_2491 = tpu.memref_slice %arg5[%dma_wait3A_2490, %mul3A_1727] : memref<32x1000000xf32, #tpu.memory_space<hbm>> -> memref<8x128xf32, #tpu.memory_space<hbm>>
      tpu.wait_dma2 semaphore(%arg12 : memref<!tpu.dma_semaphore, #tpu.memory_space<semaphore_mem>>) src(%dma_wait3A_2491 : memref<8x128xf32, #tpu.memory_space<hbm>>) dst(%dma_wait3A_2489 : memref<8x128xf32, #tpu.memory_space<vmem>>)
      %dma_wait3A_2492 = arith.constant 64 : i32
      %dma_wait3A_2493 = arith.constant 0 : i32
      %dma_wait3A_2494 = tpu.memref_slice %arg9[%dma_wait3A_2492, %dma_wait3A_2493] : memref<512x128xf32, #tpu.memory_space<vmem>> -> memref<8x128xf32, #tpu.memory_space<vmem>>
      %dma_wait3A_2495 = arith.constant 0 : i32
      %dma_wait3A_2496 = tpu.memref_slice %arg5[%dma_wait3A_2495, %mul3A_1773] : memref<32x1000000xf32, #tpu.memory_space<hbm>> -> memref<8x128xf32, #tpu.memory_space<hbm>>
      %dma_wait3A_2497 = arith.constant 64 : i32
      %dma_wait3A_2498 = arith.constant 0 : i32
      %dma_wait3A_2499 = tpu.memref_slice %arg9[%dma_wait3A_2497, %dma_wait3A_2498] : memref<512x128xf32, #tpu.memory_space<vmem>> -> memref<8x128xf32, #tpu.memory_space<vmem>>
      %dma_wait3A_2500 = arith.constant 0 : i32
      %dma_wait3A_2501 = tpu.memref_slice %arg5[%dma_wait3A_2500, %mul3A_1773] : memref<32x1000000xf32, #tpu.memory_space<hbm>> -> memref<8x128xf32, #tpu.memory_space<hbm>>
      tpu.wait_dma2 semaphore(%arg12 : memref<!tpu.dma_semaphore, #tpu.memory_space<semaphore_mem>>) src(%dma_wait3A_2501 : memref<8x128xf32, #tpu.memory_space<hbm>>) dst(%dma_wait3A_2499 : memref<8x128xf32, #tpu.memory_space<vmem>>)
      %dma_wait3A_2502 = arith.constant 72 : i32
      %dma_wait3A_2503 = arith.constant 0 : i32
      %dma_wait3A_2504 = tpu.memref_slice %arg9[%dma_wait3A_2502, %dma_wait3A_2503] : memref<512x128xf32, #tpu.memory_space<vmem>> -> memref<8x128xf32, #tpu.memory_space<vmem>>
      %dma_wait3A_2505 = arith.constant 8 : i32
      %dma_wait3A_2506 = tpu.memref_slice %arg5[%dma_wait3A_2505, %mul3A_1773] : memref<32x1000000xf32, #tpu.memory_space<hbm>> -> memref<8x128xf32, #tpu.memory_space<hbm>>
      %dma_wait3A_2507 = arith.constant 72 : i32
      %dma_wait3A_2508 = arith.constant 0 : i32
      %dma_wait3A_2509 = tpu.memref_slice %arg9[%dma_wait3A_2507, %dma_wait3A_2508] : memref<512x128xf32, #tpu.memory_space<vmem>> -> memref<8x128xf32, #tpu.memory_space<vmem>>
      %dma_wait3A_2510 = arith.constant 8 : i32
      %dma_wait3A_2511 = tpu.memref_slice %arg5[%dma_wait3A_2510, %mul3A_1773] : memref<32x1000000xf32, #tpu.memory_space<hbm>> -> memref<8x128xf32, #tpu.memory_space<hbm>>
      tpu.wait_dma2 semaphore(%arg12 : memref<!tpu.dma_semaphore, #tpu.memory_space<semaphore_mem>>) src(%dma_wait3A_2511 : memref<8x128xf32, #tpu.memory_space<hbm>>) dst(%dma_wait3A_2509 : memref<8x128xf32, #tpu.memory_space<vmem>>)
      %dma_wait3A_2512 = arith.constant 80 : i32
      %dma_wait3A_2513 = arith.constant 0 : i32
      %dma_wait3A_2514 = tpu.memref_slice %arg9[%dma_wait3A_2512, %dma_wait3A_2513] : memref<512x128xf32, #tpu.memory_space<vmem>> -> memref<8x128xf32, #tpu.memory_space<vmem>>
      %dma_wait3A_2515 = arith.constant 16 : i32
      %dma_wait3A_2516 = tpu.memref_slice %arg5[%dma_wait3A_2515, %mul3A_1773] : memref<32x1000000xf32, #tpu.memory_space<hbm>> -> memref<8x128xf32, #tpu.memory_space<hbm>>
      %dma_wait3A_2517 = arith.constant 80 : i32
      %dma_wait3A_2518 = arith.constant 0 : i32
      %dma_wait3A_2519 = tpu.memref_slice %arg9[%dma_wait3A_2517, %dma_wait3A_2518] : memref<512x128xf32, #tpu.memory_space<vmem>> -> memref<8x128xf32, #tpu.memory_space<vmem>>
      %dma_wait3A_2520 = arith.constant 16 : i32
      %dma_wait3A_2521 = tpu.memref_slice %arg5[%dma_wait3A_2520, %mul3A_1773] : memref<32x1000000xf32, #tpu.memory_space<hbm>> -> memref<8x128xf32, #tpu.memory_space<hbm>>
      tpu.wait_dma2 semaphore(%arg12 : memref<!tpu.dma_semaphore, #tpu.memory_space<semaphore_mem>>) src(%dma_wait3A_2521 : memref<8x128xf32, #tpu.memory_space<hbm>>) dst(%dma_wait3A_2519 : memref<8x128xf32, #tpu.memory_space<vmem>>)
      %dma_wait3A_2522 = arith.constant 88 : i32
      %dma_wait3A_2523 = arith.constant 0 : i32
      %dma_wait3A_2524 = tpu.memref_slice %arg9[%dma_wait3A_2522, %dma_wait3A_2523] : memref<512x128xf32, #tpu.memory_space<vmem>> -> memref<8x128xf32, #tpu.memory_space<vmem>>
      %dma_wait3A_2525 = arith.constant 24 : i32
      %dma_wait3A_2526 = tpu.memref_slice %arg5[%dma_wait3A_2525, %mul3A_1773] : memref<32x1000000xf32, #tpu.memory_space<hbm>> -> memref<8x128xf32, #tpu.memory_space<hbm>>
      %dma_wait3A_2527 = arith.constant 88 : i32
      %dma_wait3A_2528 = arith.constant 0 : i32
      %dma_wait3A_2529 = tpu.memref_slice %arg9[%dma_wait3A_2527, %dma_wait3A_2528] : memref<512x128xf32, #tpu.memory_space<vmem>> -> memref<8x128xf32, #tpu.memory_space<vmem>>
      %dma_wait3A_2530 = arith.constant 24 : i32
      %dma_wait3A_2531 = tpu.memref_slice %arg5[%dma_wait3A_2530, %mul3A_1773] : memref<32x1000000xf32, #tpu.memory_space<hbm>> -> memref<8x128xf32, #tpu.memory_space<hbm>>
      tpu.wait_dma2 semaphore(%arg12 : memref<!tpu.dma_semaphore, #tpu.memory_space<semaphore_mem>>) src(%dma_wait3A_2531 : memref<8x128xf32, #tpu.memory_space<hbm>>) dst(%dma_wait3A_2529 : memref<8x128xf32, #tpu.memory_space<vmem>>)
      %dma_wait3A_2532 = arith.constant 96 : i32
      %dma_wait3A_2533 = arith.constant 0 : i32
      %dma_wait3A_2534 = tpu.memref_slice %arg9[%dma_wait3A_2532, %dma_wait3A_2533] : memref<512x128xf32, #tpu.memory_space<vmem>> -> memref<8x128xf32, #tpu.memory_space<vmem>>
      %dma_wait3A_2535 = arith.constant 0 : i32
      %dma_wait3A_2536 = tpu.memref_slice %arg5[%dma_wait3A_2535, %mul3A_1819] : memref<32x1000000xf32, #tpu.memory_space<hbm>> -> memref<8x128xf32, #tpu.memory_space<hbm>>
      %dma_wait3A_2537 = arith.constant 96 : i32
      %dma_wait3A_2538 = arith.constant 0 : i32
      %dma_wait3A_2539 = tpu.memref_slice %arg9[%dma_wait3A_2537, %dma_wait3A_2538] : memref<512x128xf32, #tpu.memory_space<vmem>> -> memref<8x128xf32, #tpu.memory_space<vmem>>
      %dma_wait3A_2540 = arith.constant 0 : i32
      %dma_wait3A_2541 = tpu.memref_slice %arg5[%dma_wait3A_2540, %mul3A_1819] : memref<32x1000000xf32, #tpu.memory_space<hbm>> -> memref<8x128xf32, #tpu.memory_space<hbm>>
      tpu.wait_dma2 semaphore(%arg12 : memref<!tpu.dma_semaphore, #tpu.memory_space<semaphore_mem>>) src(%dma_wait3A_2541 : memref<8x128xf32, #tpu.memory_space<hbm>>) dst(%dma_wait3A_2539 : memref<8x128xf32, #tpu.memory_space<vmem>>)
      %dma_wait3A_2542 = arith.constant 104 : i32
      %dma_wait3A_2543 = arith.constant 0 : i32
      %dma_wait3A_2544 = tpu.memref_slice %arg9[%dma_wait3A_2542, %dma_wait3A_2543] : memref<512x128xf32, #tpu.memory_space<vmem>> -> memref<8x128xf32, #tpu.memory_space<vmem>>
      %dma_wait3A_2545 = arith.constant 8 : i32
      %dma_wait3A_2546 = tpu.memref_slice %arg5[%dma_wait3A_2545, %mul3A_1819] : memref<32x1000000xf32, #tpu.memory_space<hbm>> -> memref<8x128xf32, #tpu.memory_space<hbm>>
      %dma_wait3A_2547 = arith.constant 104 : i32
      %dma_wait3A_2548 = arith.constant 0 : i32
      %dma_wait3A_2549 = tpu.memref_slice %arg9[%dma_wait3A_2547, %dma_wait3A_2548] : memref<512x128xf32, #tpu.memory_space<vmem>> -> memref<8x128xf32, #tpu.memory_space<vmem>>
      %dma_wait3A_2550 = arith.constant 8 : i32
      %dma_wait3A_2551 = tpu.memref_slice %arg5[%dma_wait3A_2550, %mul3A_1819] : memref<32x1000000xf32, #tpu.memory_space<hbm>> -> memref<8x128xf32, #tpu.memory_space<hbm>>
      tpu.wait_dma2 semaphore(%arg12 : memref<!tpu.dma_semaphore, #tpu.memory_space<semaphore_mem>>) src(%dma_wait3A_2551 : memref<8x128xf32, #tpu.memory_space<hbm>>) dst(%dma_wait3A_2549 : memref<8x128xf32, #tpu.memory_space<vmem>>)
      %dma_wait3A_2552 = arith.constant 112 : i32
      %dma_wait3A_2553 = arith.constant 0 : i32
      %dma_wait3A_2554 = tpu.memref_slice %arg9[%dma_wait3A_2552, %dma_wait3A_2553] : memref<512x128xf32, #tpu.memory_space<vmem>> -> memref<8x128xf32, #tpu.memory_space<vmem>>
      %dma_wait3A_2555 = arith.constant 16 : i32
      %dma_wait3A_2556 = tpu.memref_slice %arg5[%dma_wait3A_2555, %mul3A_1819] : memref<32x1000000xf32, #tpu.memory_space<hbm>> -> memref<8x128xf32, #tpu.memory_space<hbm>>
      %dma_wait3A_2557 = arith.constant 112 : i32
      %dma_wait3A_2558 = arith.constant 0 : i32
      %dma_wait3A_2559 = tpu.memref_slice %arg9[%dma_wait3A_2557, %dma_wait3A_2558] : memref<512x128xf32, #tpu.memory_space<vmem>> -> memref<8x128xf32, #tpu.memory_space<vmem>>
      %dma_wait3A_2560 = arith.constant 16 : i32
      %dma_wait3A_2561 = tpu.memref_slice %arg5[%dma_wait3A_2560, %mul3A_1819] : memref<32x1000000xf32, #tpu.memory_space<hbm>> -> memref<8x128xf32, #tpu.memory_space<hbm>>
      tpu.wait_dma2 semaphore(%arg12 : memref<!tpu.dma_semaphore, #tpu.memory_space<semaphore_mem>>) src(%dma_wait3A_2561 : memref<8x128xf32, #tpu.memory_space<hbm>>) dst(%dma_wait3A_2559 : memref<8x128xf32, #tpu.memory_space<vmem>>)
      %dma_wait3A_2562 = arith.constant 120 : i32
      %dma_wait3A_2563 = arith.constant 0 : i32
      %dma_wait3A_2564 = tpu.memref_slice %arg9[%dma_wait3A_2562, %dma_wait3A_2563] : memref<512x128xf32, #tpu.memory_space<vmem>> -> memref<8x128xf32, #tpu.memory_space<vmem>>
      %dma_wait3A_2565 = arith.constant 24 : i32
      %dma_wait3A_2566 = tpu.memref_slice %arg5[%dma_wait3A_2565, %mul3A_1819] : memref<32x1000000xf32, #tpu.memory_space<hbm>> -> memref<8x128xf32, #tpu.memory_space<hbm>>
      %dma_wait3A_2567 = arith.constant 120 : i32
      %dma_wait3A_2568 = arith.constant 0 : i32
      %dma_wait3A_2569 = tpu.memref_slice %arg9[%dma_wait3A_2567, %dma_wait3A_2568] : memref<512x128xf32, #tpu.memory_space<vmem>> -> memref<8x128xf32, #tpu.memory_space<vmem>>
      %dma_wait3A_2570 = arith.constant 24 : i32
      %dma_wait3A_2571 = tpu.memref_slice %arg5[%dma_wait3A_2570, %mul3A_1819] : memref<32x1000000xf32, #tpu.memory_space<hbm>> -> memref<8x128xf32, #tpu.memory_space<hbm>>
      tpu.wait_dma2 semaphore(%arg12 : memref<!tpu.dma_semaphore, #tpu.memory_space<semaphore_mem>>) src(%dma_wait3A_2571 : memref<8x128xf32, #tpu.memory_space<hbm>>) dst(%dma_wait3A_2569 : memref<8x128xf32, #tpu.memory_space<vmem>>)
      %dma_wait3A_2572 = arith.constant 128 : i32
      %dma_wait3A_2573 = arith.constant 0 : i32
      %dma_wait3A_2574 = tpu.memref_slice %arg9[%dma_wait3A_2572, %dma_wait3A_2573] : memref<512x128xf32, #tpu.memory_space<vmem>> -> memref<8x128xf32, #tpu.memory_space<vmem>>
      %dma_wait3A_2575 = arith.constant 0 : i32
      %dma_wait3A_2576 = tpu.memref_slice %arg5[%dma_wait3A_2575, %mul3A_1865] : memref<32x1000000xf32, #tpu.memory_space<hbm>> -> memref<8x128xf32, #tpu.memory_space<hbm>>
      %dma_wait3A_2577 = arith.constant 128 : i32
      %dma_wait3A_2578 = arith.constant 0 : i32
      %dma_wait3A_2579 = tpu.memref_slice %arg9[%dma_wait3A_2577, %dma_wait3A_2578] : memref<512x128xf32, #tpu.memory_space<vmem>> -> memref<8x128xf32, #tpu.memory_space<vmem>>
      %dma_wait3A_2580 = arith.constant 0 : i32
      %dma_wait3A_2581 = tpu.memref_slice %arg5[%dma_wait3A_2580, %mul3A_1865] : memref<32x1000000xf32, #tpu.memory_space<hbm>> -> memref<8x128xf32, #tpu.memory_space<hbm>>
      tpu.wait_dma2 semaphore(%arg12 : memref<!tpu.dma_semaphore, #tpu.memory_space<semaphore_mem>>) src(%dma_wait3A_2581 : memref<8x128xf32, #tpu.memory_space<hbm>>) dst(%dma_wait3A_2579 : memref<8x128xf32, #tpu.memory_space<vmem>>)
      %dma_wait3A_2582 = arith.constant 136 : i32
      %dma_wait3A_2583 = arith.constant 0 : i32
      %dma_wait3A_2584 = tpu.memref_slice %arg9[%dma_wait3A_2582, %dma_wait3A_2583] : memref<512x128xf32, #tpu.memory_space<vmem>> -> memref<8x128xf32, #tpu.memory_space<vmem>>
      %dma_wait3A_2585 = arith.constant 8 : i32
      %dma_wait3A_2586 = tpu.memref_slice %arg5[%dma_wait3A_2585, %mul3A_1865] : memref<32x1000000xf32, #tpu.memory_space<hbm>> -> memref<8x128xf32, #tpu.memory_space<hbm>>
      %dma_wait3A_2587 = arith.constant 136 : i32
      %dma_wait3A_2588 = arith.constant 0 : i32
      %dma_wait3A_2589 = tpu.memref_slice %arg9[%dma_wait3A_2587, %dma_wait3A_2588] : memref<512x128xf32, #tpu.memory_space<vmem>> -> memref<8x128xf32, #tpu.memory_space<vmem>>
      %dma_wait3A_2590 = arith.constant 8 : i32
      %dma_wait3A_2591 = tpu.memref_slice %arg5[%dma_wait3A_2590, %mul3A_1865] : memref<32x1000000xf32, #tpu.memory_space<hbm>> -> memref<8x128xf32, #tpu.memory_space<hbm>>
      tpu.wait_dma2 semaphore(%arg12 : memref<!tpu.dma_semaphore, #tpu.memory_space<semaphore_mem>>) src(%dma_wait3A_2591 : memref<8x128xf32, #tpu.memory_space<hbm>>) dst(%dma_wait3A_2589 : memref<8x128xf32, #tpu.memory_space<vmem>>)
      %dma_wait3A_2592 = arith.constant 144 : i32
      %dma_wait3A_2593 = arith.constant 0 : i32
      %dma_wait3A_2594 = tpu.memref_slice %arg9[%dma_wait3A_2592, %dma_wait3A_2593] : memref<512x128xf32, #tpu.memory_space<vmem>> -> memref<8x128xf32, #tpu.memory_space<vmem>>
      %dma_wait3A_2595 = arith.constant 16 : i32
      %dma_wait3A_2596 = tpu.memref_slice %arg5[%dma_wait3A_2595, %mul3A_1865] : memref<32x1000000xf32, #tpu.memory_space<hbm>> -> memref<8x128xf32, #tpu.memory_space<hbm>>
      %dma_wait3A_2597 = arith.constant 144 : i32
      %dma_wait3A_2598 = arith.constant 0 : i32
      %dma_wait3A_2599 = tpu.memref_slice %arg9[%dma_wait3A_2597, %dma_wait3A_2598] : memref<512x128xf32, #tpu.memory_space<vmem>> -> memref<8x128xf32, #tpu.memory_space<vmem>>
      %dma_wait3A_2600 = arith.constant 16 : i32
      %dma_wait3A_2601 = tpu.memref_slice %arg5[%dma_wait3A_2600, %mul3A_1865] : memref<32x1000000xf32, #tpu.memory_space<hbm>> -> memref<8x128xf32, #tpu.memory_space<hbm>>
      tpu.wait_dma2 semaphore(%arg12 : memref<!tpu.dma_semaphore, #tpu.memory_space<semaphore_mem>>) src(%dma_wait3A_2601 : memref<8x128xf32, #tpu.memory_space<hbm>>) dst(%dma_wait3A_2599 : memref<8x128xf32, #tpu.memory_space<vmem>>)
      %dma_wait3A_2602 = arith.constant 152 : i32
      %dma_wait3A_2603 = arith.constant 0 : i32
      %dma_wait3A_2604 = tpu.memref_slice %arg9[%dma_wait3A_2602, %dma_wait3A_2603] : memref<512x128xf32, #tpu.memory_space<vmem>> -> memref<8x128xf32, #tpu.memory_space<vmem>>
      %dma_wait3A_2605 = arith.constant 24 : i32
      %dma_wait3A_2606 = tpu.memref_slice %arg5[%dma_wait3A_2605, %mul3A_1865] : memref<32x1000000xf32, #tpu.memory_space<hbm>> -> memref<8x128xf32, #tpu.memory_space<hbm>>
      %dma_wait3A_2607 = arith.constant 152 : i32
      %dma_wait3A_2608 = arith.constant 0 : i32
      %dma_wait3A_2609 = tpu.memref_slice %arg9[%dma_wait3A_2607, %dma_wait3A_2608] : memref<512x128xf32, #tpu.memory_space<vmem>> -> memref<8x128xf32, #tpu.memory_space<vmem>>
      %dma_wait3A_2610 = arith.constant 24 : i32
      %dma_wait3A_2611 = tpu.memref_slice %arg5[%dma_wait3A_2610, %mul3A_1865] : memref<32x1000000xf32, #tpu.memory_space<hbm>> -> memref<8x128xf32, #tpu.memory_space<hbm>>
      tpu.wait_dma2 semaphore(%arg12 : memref<!tpu.dma_semaphore, #tpu.memory_space<semaphore_mem>>) src(%dma_wait3A_2611 : memref<8x128xf32, #tpu.memory_space<hbm>>) dst(%dma_wait3A_2609 : memref<8x128xf32, #tpu.memory_space<vmem>>)
      %dma_wait3A_2612 = arith.constant 160 : i32
      %dma_wait3A_2613 = arith.constant 0 : i32
      %dma_wait3A_2614 = tpu.memref_slice %arg9[%dma_wait3A_2612, %dma_wait3A_2613] : memref<512x128xf32, #tpu.memory_space<vmem>> -> memref<8x128xf32, #tpu.memory_space<vmem>>
      %dma_wait3A_2615 = arith.constant 0 : i32
      %dma_wait3A_2616 = tpu.memref_slice %arg5[%dma_wait3A_2615, %mul3A_1911] : memref<32x1000000xf32, #tpu.memory_space<hbm>> -> memref<8x128xf32, #tpu.memory_space<hbm>>
      %dma_wait3A_2617 = arith.constant 160 : i32
      %dma_wait3A_2618 = arith.constant 0 : i32
      %dma_wait3A_2619 = tpu.memref_slice %arg9[%dma_wait3A_2617, %dma_wait3A_2618] : memref<512x128xf32, #tpu.memory_space<vmem>> -> memref<8x128xf32, #tpu.memory_space<vmem>>
      %dma_wait3A_2620 = arith.constant 0 : i32
      %dma_wait3A_2621 = tpu.memref_slice %arg5[%dma_wait3A_2620, %mul3A_1911] : memref<32x1000000xf32, #tpu.memory_space<hbm>> -> memref<8x128xf32, #tpu.memory_space<hbm>>
      tpu.wait_dma2 semaphore(%arg12 : memref<!tpu.dma_semaphore, #tpu.memory_space<semaphore_mem>>) src(%dma_wait3A_2621 : memref<8x128xf32, #tpu.memory_space<hbm>>) dst(%dma_wait3A_2619 : memref<8x128xf32, #tpu.memory_space<vmem>>)
      %dma_wait3A_2622 = arith.constant 168 : i32
      %dma_wait3A_2623 = arith.constant 0 : i32
      %dma_wait3A_2624 = tpu.memref_slice %arg9[%dma_wait3A_2622, %dma_wait3A_2623] : memref<512x128xf32, #tpu.memory_space<vmem>> -> memref<8x128xf32, #tpu.memory_space<vmem>>
      %dma_wait3A_2625 = arith.constant 8 : i32
      %dma_wait3A_2626 = tpu.memref_slice %arg5[%dma_wait3A_2625, %mul3A_1911] : memref<32x1000000xf32, #tpu.memory_space<hbm>> -> memref<8x128xf32, #tpu.memory_space<hbm>>
      %dma_wait3A_2627 = arith.constant 168 : i32
      %dma_wait3A_2628 = arith.constant 0 : i32
      %dma_wait3A_2629 = tpu.memref_slice %arg9[%dma_wait3A_2627, %dma_wait3A_2628] : memref<512x128xf32, #tpu.memory_space<vmem>> -> memref<8x128xf32, #tpu.memory_space<vmem>>
      %dma_wait3A_2630 = arith.constant 8 : i32
      %dma_wait3A_2631 = tpu.memref_slice %arg5[%dma_wait3A_2630, %mul3A_1911] : memref<32x1000000xf32, #tpu.memory_space<hbm>> -> memref<8x128xf32, #tpu.memory_space<hbm>>
      tpu.wait_dma2 semaphore(%arg12 : memref<!tpu.dma_semaphore, #tpu.memory_space<semaphore_mem>>) src(%dma_wait3A_2631 : memref<8x128xf32, #tpu.memory_space<hbm>>) dst(%dma_wait3A_2629 : memref<8x128xf32, #tpu.memory_space<vmem>>)
      %dma_wait3A_2632 = arith.constant 176 : i32
      %dma_wait3A_2633 = arith.constant 0 : i32
      %dma_wait3A_2634 = tpu.memref_slice %arg9[%dma_wait3A_2632, %dma_wait3A_2633] : memref<512x128xf32, #tpu.memory_space<vmem>> -> memref<8x128xf32, #tpu.memory_space<vmem>>
      %dma_wait3A_2635 = arith.constant 16 : i32
      %dma_wait3A_2636 = tpu.memref_slice %arg5[%dma_wait3A_2635, %mul3A_1911] : memref<32x1000000xf32, #tpu.memory_space<hbm>> -> memref<8x128xf32, #tpu.memory_space<hbm>>
      %dma_wait3A_2637 = arith.constant 176 : i32
      %dma_wait3A_2638 = arith.constant 0 : i32
      %dma_wait3A_2639 = tpu.memref_slice %arg9[%dma_wait3A_2637, %dma_wait3A_2638] : memref<512x128xf32, #tpu.memory_space<vmem>> -> memref<8x128xf32, #tpu.memory_space<vmem>>
      %dma_wait3A_2640 = arith.constant 16 : i32
      %dma_wait3A_2641 = tpu.memref_slice %arg5[%dma_wait3A_2640, %mul3A_1911] : memref<32x1000000xf32, #tpu.memory_space<hbm>> -> memref<8x128xf32, #tpu.memory_space<hbm>>
      tpu.wait_dma2 semaphore(%arg12 : memref<!tpu.dma_semaphore, #tpu.memory_space<semaphore_mem>>) src(%dma_wait3A_2641 : memref<8x128xf32, #tpu.memory_space<hbm>>) dst(%dma_wait3A_2639 : memref<8x128xf32, #tpu.memory_space<vmem>>)
      %dma_wait3A_2642 = arith.constant 184 : i32
      %dma_wait3A_2643 = arith.constant 0 : i32
      %dma_wait3A_2644 = tpu.memref_slice %arg9[%dma_wait3A_2642, %dma_wait3A_2643] : memref<512x128xf32, #tpu.memory_space<vmem>> -> memref<8x128xf32, #tpu.memory_space<vmem>>
      %dma_wait3A_2645 = arith.constant 24 : i32
      %dma_wait3A_2646 = tpu.memref_slice %arg5[%dma_wait3A_2645, %mul3A_1911] : memref<32x1000000xf32, #tpu.memory_space<hbm>> -> memref<8x128xf32, #tpu.memory_space<hbm>>
      %dma_wait3A_2647 = arith.constant 184 : i32
      %dma_wait3A_2648 = arith.constant 0 : i32
      %dma_wait3A_2649 = tpu.memref_slice %arg9[%dma_wait3A_2647, %dma_wait3A_2648] : memref<512x128xf32, #tpu.memory_space<vmem>> -> memref<8x128xf32, #tpu.memory_space<vmem>>
      %dma_wait3A_2650 = arith.constant 24 : i32
      %dma_wait3A_2651 = tpu.memref_slice %arg5[%dma_wait3A_2650, %mul3A_1911] : memref<32x1000000xf32, #tpu.memory_space<hbm>> -> memref<8x128xf32, #tpu.memory_space<hbm>>
      tpu.wait_dma2 semaphore(%arg12 : memref<!tpu.dma_semaphore, #tpu.memory_space<semaphore_mem>>) src(%dma_wait3A_2651 : memref<8x128xf32, #tpu.memory_space<hbm>>) dst(%dma_wait3A_2649 : memref<8x128xf32, #tpu.memory_space<vmem>>)
      %dma_wait3A_2652 = arith.constant 192 : i32
      %dma_wait3A_2653 = arith.constant 0 : i32
      %dma_wait3A_2654 = tpu.memref_slice %arg9[%dma_wait3A_2652, %dma_wait3A_2653] : memref<512x128xf32, #tpu.memory_space<vmem>> -> memref<8x128xf32, #tpu.memory_space<vmem>>
      %dma_wait3A_2655 = arith.constant 0 : i32
      %dma_wait3A_2656 = tpu.memref_slice %arg5[%dma_wait3A_2655, %mul3A_1957] : memref<32x1000000xf32, #tpu.memory_space<hbm>> -> memref<8x128xf32, #tpu.memory_space<hbm>>
      %dma_wait3A_2657 = arith.constant 192 : i32
      %dma_wait3A_2658 = arith.constant 0 : i32
      %dma_wait3A_2659 = tpu.memref_slice %arg9[%dma_wait3A_2657, %dma_wait3A_2658] : memref<512x128xf32, #tpu.memory_space<vmem>> -> memref<8x128xf32, #tpu.memory_space<vmem>>
      %dma_wait3A_2660 = arith.constant 0 : i32
      %dma_wait3A_2661 = tpu.memref_slice %arg5[%dma_wait3A_2660, %mul3A_1957] : memref<32x1000000xf32, #tpu.memory_space<hbm>> -> memref<8x128xf32, #tpu.memory_space<hbm>>
      tpu.wait_dma2 semaphore(%arg12 : memref<!tpu.dma_semaphore, #tpu.memory_space<semaphore_mem>>) src(%dma_wait3A_2661 : memref<8x128xf32, #tpu.memory_space<hbm>>) dst(%dma_wait3A_2659 : memref<8x128xf32, #tpu.memory_space<vmem>>)
      %dma_wait3A_2662 = arith.constant 200 : i32
      %dma_wait3A_2663 = arith.constant 0 : i32
      %dma_wait3A_2664 = tpu.memref_slice %arg9[%dma_wait3A_2662, %dma_wait3A_2663] : memref<512x128xf32, #tpu.memory_space<vmem>> -> memref<8x128xf32, #tpu.memory_space<vmem>>
      %dma_wait3A_2665 = arith.constant 8 : i32
      %dma_wait3A_2666 = tpu.memref_slice %arg5[%dma_wait3A_2665, %mul3A_1957] : memref<32x1000000xf32, #tpu.memory_space<hbm>> -> memref<8x128xf32, #tpu.memory_space<hbm>>
      %dma_wait3A_2667 = arith.constant 200 : i32
      %dma_wait3A_2668 = arith.constant 0 : i32
      %dma_wait3A_2669 = tpu.memref_slice %arg9[%dma_wait3A_2667, %dma_wait3A_2668] : memref<512x128xf32, #tpu.memory_space<vmem>> -> memref<8x128xf32, #tpu.memory_space<vmem>>
      %dma_wait3A_2670 = arith.constant 8 : i32
      %dma_wait3A_2671 = tpu.memref_slice %arg5[%dma_wait3A_2670, %mul3A_1957] : memref<32x1000000xf32, #tpu.memory_space<hbm>> -> memref<8x128xf32, #tpu.memory_space<hbm>>
      tpu.wait_dma2 semaphore(%arg12 : memref<!tpu.dma_semaphore, #tpu.memory_space<semaphore_mem>>) src(%dma_wait3A_2671 : memref<8x128xf32, #tpu.memory_space<hbm>>) dst(%dma_wait3A_2669 : memref<8x128xf32, #tpu.memory_space<vmem>>)
      %dma_wait3A_2672 = arith.constant 208 : i32
      %dma_wait3A_2673 = arith.constant 0 : i32
      %dma_wait3A_2674 = tpu.memref_slice %arg9[%dma_wait3A_2672, %dma_wait3A_2673] : memref<512x128xf32, #tpu.memory_space<vmem>> -> memref<8x128xf32, #tpu.memory_space<vmem>>
      %dma_wait3A_2675 = arith.constant 16 : i32
      %dma_wait3A_2676 = tpu.memref_slice %arg5[%dma_wait3A_2675, %mul3A_1957] : memref<32x1000000xf32, #tpu.memory_space<hbm>> -> memref<8x128xf32, #tpu.memory_space<hbm>>
      %dma_wait3A_2677 = arith.constant 208 : i32
      %dma_wait3A_2678 = arith.constant 0 : i32
      %dma_wait3A_2679 = tpu.memref_slice %arg9[%dma_wait3A_2677, %dma_wait3A_2678] : memref<512x128xf32, #tpu.memory_space<vmem>> -> memref<8x128xf32, #tpu.memory_space<vmem>>
      %dma_wait3A_2680 = arith.constant 16 : i32
      %dma_wait3A_2681 = tpu.memref_slice %arg5[%dma_wait3A_2680, %mul3A_1957] : memref<32x1000000xf32, #tpu.memory_space<hbm>> -> memref<8x128xf32, #tpu.memory_space<hbm>>
      tpu.wait_dma2 semaphore(%arg12 : memref<!tpu.dma_semaphore, #tpu.memory_space<semaphore_mem>>) src(%dma_wait3A_2681 : memref<8x128xf32, #tpu.memory_space<hbm>>) dst(%dma_wait3A_2679 : memref<8x128xf32, #tpu.memory_space<vmem>>)
      %dma_wait3A_2682 = arith.constant 216 : i32
      %dma_wait3A_2683 = arith.constant 0 : i32
      %dma_wait3A_2684 = tpu.memref_slice %arg9[%dma_wait3A_2682, %dma_wait3A_2683] : memref<512x128xf32, #tpu.memory_space<vmem>> -> memref<8x128xf32, #tpu.memory_space<vmem>>
      %dma_wait3A_2685 = arith.constant 24 : i32
      %dma_wait3A_2686 = tpu.memref_slice %arg5[%dma_wait3A_2685, %mul3A_1957] : memref<32x1000000xf32, #tpu.memory_space<hbm>> -> memref<8x128xf32, #tpu.memory_space<hbm>>
      %dma_wait3A_2687 = arith.constant 216 : i32
      %dma_wait3A_2688 = arith.constant 0 : i32
      %dma_wait3A_2689 = tpu.memref_slice %arg9[%dma_wait3A_2687, %dma_wait3A_2688] : memref<512x128xf32, #tpu.memory_space<vmem>> -> memref<8x128xf32, #tpu.memory_space<vmem>>
      %dma_wait3A_2690 = arith.constant 24 : i32
      %dma_wait3A_2691 = tpu.memref_slice %arg5[%dma_wait3A_2690, %mul3A_1957] : memref<32x1000000xf32, #tpu.memory_space<hbm>> -> memref<8x128xf32, #tpu.memory_space<hbm>>
      tpu.wait_dma2 semaphore(%arg12 : memref<!tpu.dma_semaphore, #tpu.memory_space<semaphore_mem>>) src(%dma_wait3A_2691 : memref<8x128xf32, #tpu.memory_space<hbm>>) dst(%dma_wait3A_2689 : memref<8x128xf32, #tpu.memory_space<vmem>>)
      %dma_wait3A_2692 = arith.constant 224 : i32
      %dma_wait3A_2693 = arith.constant 0 : i32
      %dma_wait3A_2694 = tpu.memref_slice %arg9[%dma_wait3A_2692, %dma_wait3A_2693] : memref<512x128xf32, #tpu.memory_space<vmem>> -> memref<8x128xf32, #tpu.memory_space<vmem>>
      %dma_wait3A_2695 = arith.constant 0 : i32
      %dma_wait3A_2696 = tpu.memref_slice %arg5[%dma_wait3A_2695, %mul3A_2003] : memref<32x1000000xf32, #tpu.memory_space<hbm>> -> memref<8x128xf32, #tpu.memory_space<hbm>>
      %dma_wait3A_2697 = arith.constant 224 : i32
      %dma_wait3A_2698 = arith.constant 0 : i32
      %dma_wait3A_2699 = tpu.memref_slice %arg9[%dma_wait3A_2697, %dma_wait3A_2698] : memref<512x128xf32, #tpu.memory_space<vmem>> -> memref<8x128xf32, #tpu.memory_space<vmem>>
      %dma_wait3A_2700 = arith.constant 0 : i32
      %dma_wait3A_2701 = tpu.memref_slice %arg5[%dma_wait3A_2700, %mul3A_2003] : memref<32x1000000xf32, #tpu.memory_space<hbm>> -> memref<8x128xf32, #tpu.memory_space<hbm>>
      tpu.wait_dma2 semaphore(%arg12 : memref<!tpu.dma_semaphore, #tpu.memory_space<semaphore_mem>>) src(%dma_wait3A_2701 : memref<8x128xf32, #tpu.memory_space<hbm>>) dst(%dma_wait3A_2699 : memref<8x128xf32, #tpu.memory_space<vmem>>)
      %dma_wait3A_2702 = arith.constant 232 : i32
      %dma_wait3A_2703 = arith.constant 0 : i32
      %dma_wait3A_2704 = tpu.memref_slice %arg9[%dma_wait3A_2702, %dma_wait3A_2703] : memref<512x128xf32, #tpu.memory_space<vmem>> -> memref<8x128xf32, #tpu.memory_space<vmem>>
      %dma_wait3A_2705 = arith.constant 8 : i32
      %dma_wait3A_2706 = tpu.memref_slice %arg5[%dma_wait3A_2705, %mul3A_2003] : memref<32x1000000xf32, #tpu.memory_space<hbm>> -> memref<8x128xf32, #tpu.memory_space<hbm>>
      %dma_wait3A_2707 = arith.constant 232 : i32
      %dma_wait3A_2708 = arith.constant 0 : i32
      %dma_wait3A_2709 = tpu.memref_slice %arg9[%dma_wait3A_2707, %dma_wait3A_2708] : memref<512x128xf32, #tpu.memory_space<vmem>> -> memref<8x128xf32, #tpu.memory_space<vmem>>
      %dma_wait3A_2710 = arith.constant 8 : i32
      %dma_wait3A_2711 = tpu.memref_slice %arg5[%dma_wait3A_2710, %mul3A_2003] : memref<32x1000000xf32, #tpu.memory_space<hbm>> -> memref<8x128xf32, #tpu.memory_space<hbm>>
      tpu.wait_dma2 semaphore(%arg12 : memref<!tpu.dma_semaphore, #tpu.memory_space<semaphore_mem>>) src(%dma_wait3A_2711 : memref<8x128xf32, #tpu.memory_space<hbm>>) dst(%dma_wait3A_2709 : memref<8x128xf32, #tpu.memory_space<vmem>>)
      %dma_wait3A_2712 = arith.constant 240 : i32
      %dma_wait3A_2713 = arith.constant 0 : i32
      %dma_wait3A_2714 = tpu.memref_slice %arg9[%dma_wait3A_2712, %dma_wait3A_2713] : memref<512x128xf32, #tpu.memory_space<vmem>> -> memref<8x128xf32, #tpu.memory_space<vmem>>
      %dma_wait3A_2715 = arith.constant 16 : i32
      %dma_wait3A_2716 = tpu.memref_slice %arg5[%dma_wait3A_2715, %mul3A_2003] : memref<32x1000000xf32, #tpu.memory_space<hbm>> -> memref<8x128xf32, #tpu.memory_space<hbm>>
      %dma_wait3A_2717 = arith.constant 240 : i32
      %dma_wait3A_2718 = arith.constant 0 : i32
      %dma_wait3A_2719 = tpu.memref_slice %arg9[%dma_wait3A_2717, %dma_wait3A_2718] : memref<512x128xf32, #tpu.memory_space<vmem>> -> memref<8x128xf32, #tpu.memory_space<vmem>>
      %dma_wait3A_2720 = arith.constant 16 : i32
      %dma_wait3A_2721 = tpu.memref_slice %arg5[%dma_wait3A_2720, %mul3A_2003] : memref<32x1000000xf32, #tpu.memory_space<hbm>> -> memref<8x128xf32, #tpu.memory_space<hbm>>
      tpu.wait_dma2 semaphore(%arg12 : memref<!tpu.dma_semaphore, #tpu.memory_space<semaphore_mem>>) src(%dma_wait3A_2721 : memref<8x128xf32, #tpu.memory_space<hbm>>) dst(%dma_wait3A_2719 : memref<8x128xf32, #tpu.memory_space<vmem>>)
      %dma_wait3A_2722 = arith.constant 248 : i32
      %dma_wait3A_2723 = arith.constant 0 : i32
      %dma_wait3A_2724 = tpu.memref_slice %arg9[%dma_wait3A_2722, %dma_wait3A_2723] : memref<512x128xf32, #tpu.memory_space<vmem>> -> memref<8x128xf32, #tpu.memory_space<vmem>>
      %dma_wait3A_2725 = arith.constant 24 : i32
      %dma_wait3A_2726 = tpu.memref_slice %arg5[%dma_wait3A_2725, %mul3A_2003] : memref<32x1000000xf32, #tpu.memory_space<hbm>> -> memref<8x128xf32, #tpu.memory_space<hbm>>
      %dma_wait3A_2727 = arith.constant 248 : i32
      %dma_wait3A_2728 = arith.constant 0 : i32
      %dma_wait3A_2729 = tpu.memref_slice %arg9[%dma_wait3A_2727, %dma_wait3A_2728] : memref<512x128xf32, #tpu.memory_space<vmem>> -> memref<8x128xf32, #tpu.memory_space<vmem>>
      %dma_wait3A_2730 = arith.constant 24 : i32
      %dma_wait3A_2731 = tpu.memref_slice %arg5[%dma_wait3A_2730, %mul3A_2003] : memref<32x1000000xf32, #tpu.memory_space<hbm>> -> memref<8x128xf32, #tpu.memory_space<hbm>>
      tpu.wait_dma2 semaphore(%arg12 : memref<!tpu.dma_semaphore, #tpu.memory_space<semaphore_mem>>) src(%dma_wait3A_2731 : memref<8x128xf32, #tpu.memory_space<hbm>>) dst(%dma_wait3A_2729 : memref<8x128xf32, #tpu.memory_space<vmem>>)
      %dma_wait3A_2732 = arith.constant 256 : i32
      %dma_wait3A_2733 = arith.constant 0 : i32
      %dma_wait3A_2734 = tpu.memref_slice %arg9[%dma_wait3A_2732, %dma_wait3A_2733] : memref<512x128xf32, #tpu.memory_space<vmem>> -> memref<8x128xf32, #tpu.memory_space<vmem>>
      %dma_wait3A_2735 = arith.constant 0 : i32
      %dma_wait3A_2736 = tpu.memref_slice %arg5[%dma_wait3A_2735, %mul3A_2049] : memref<32x1000000xf32, #tpu.memory_space<hbm>> -> memref<8x128xf32, #tpu.memory_space<hbm>>
      %dma_wait3A_2737 = arith.constant 256 : i32
      %dma_wait3A_2738 = arith.constant 0 : i32
      %dma_wait3A_2739 = tpu.memref_slice %arg9[%dma_wait3A_2737, %dma_wait3A_2738] : memref<512x128xf32, #tpu.memory_space<vmem>> -> memref<8x128xf32, #tpu.memory_space<vmem>>
      %dma_wait3A_2740 = arith.constant 0 : i32
      %dma_wait3A_2741 = tpu.memref_slice %arg5[%dma_wait3A_2740, %mul3A_2049] : memref<32x1000000xf32, #tpu.memory_space<hbm>> -> memref<8x128xf32, #tpu.memory_space<hbm>>
      tpu.wait_dma2 semaphore(%arg12 : memref<!tpu.dma_semaphore, #tpu.memory_space<semaphore_mem>>) src(%dma_wait3A_2741 : memref<8x128xf32, #tpu.memory_space<hbm>>) dst(%dma_wait3A_2739 : memref<8x128xf32, #tpu.memory_space<vmem>>)
      %dma_wait3A_2742 = arith.constant 264 : i32
      %dma_wait3A_2743 = arith.constant 0 : i32
      %dma_wait3A_2744 = tpu.memref_slice %arg9[%dma_wait3A_2742, %dma_wait3A_2743] : memref<512x128xf32, #tpu.memory_space<vmem>> -> memref<8x128xf32, #tpu.memory_space<vmem>>
      %dma_wait3A_2745 = arith.constant 8 : i32
      %dma_wait3A_2746 = tpu.memref_slice %arg5[%dma_wait3A_2745, %mul3A_2049] : memref<32x1000000xf32, #tpu.memory_space<hbm>> -> memref<8x128xf32, #tpu.memory_space<hbm>>
      %dma_wait3A_2747 = arith.constant 264 : i32
      %dma_wait3A_2748 = arith.constant 0 : i32
      %dma_wait3A_2749 = tpu.memref_slice %arg9[%dma_wait3A_2747, %dma_wait3A_2748] : memref<512x128xf32, #tpu.memory_space<vmem>> -> memref<8x128xf32, #tpu.memory_space<vmem>>
      %dma_wait3A_2750 = arith.constant 8 : i32
      %dma_wait3A_2751 = tpu.memref_slice %arg5[%dma_wait3A_2750, %mul3A_2049] : memref<32x1000000xf32, #tpu.memory_space<hbm>> -> memref<8x128xf32, #tpu.memory_space<hbm>>
      tpu.wait_dma2 semaphore(%arg12 : memref<!tpu.dma_semaphore, #tpu.memory_space<semaphore_mem>>) src(%dma_wait3A_2751 : memref<8x128xf32, #tpu.memory_space<hbm>>) dst(%dma_wait3A_2749 : memref<8x128xf32, #tpu.memory_space<vmem>>)
      %dma_wait3A_2752 = arith.constant 272 : i32
      %dma_wait3A_2753 = arith.constant 0 : i32
      %dma_wait3A_2754 = tpu.memref_slice %arg9[%dma_wait3A_2752, %dma_wait3A_2753] : memref<512x128xf32, #tpu.memory_space<vmem>> -> memref<8x128xf32, #tpu.memory_space<vmem>>
      %dma_wait3A_2755 = arith.constant 16 : i32
      %dma_wait3A_2756 = tpu.memref_slice %arg5[%dma_wait3A_2755, %mul3A_2049] : memref<32x1000000xf32, #tpu.memory_space<hbm>> -> memref<8x128xf32, #tpu.memory_space<hbm>>
      %dma_wait3A_2757 = arith.constant 272 : i32
      %dma_wait3A_2758 = arith.constant 0 : i32
      %dma_wait3A_2759 = tpu.memref_slice %arg9[%dma_wait3A_2757, %dma_wait3A_2758] : memref<512x128xf32, #tpu.memory_space<vmem>> -> memref<8x128xf32, #tpu.memory_space<vmem>>
      %dma_wait3A_2760 = arith.constant 16 : i32
      %dma_wait3A_2761 = tpu.memref_slice %arg5[%dma_wait3A_2760, %mul3A_2049] : memref<32x1000000xf32, #tpu.memory_space<hbm>> -> memref<8x128xf32, #tpu.memory_space<hbm>>
      tpu.wait_dma2 semaphore(%arg12 : memref<!tpu.dma_semaphore, #tpu.memory_space<semaphore_mem>>) src(%dma_wait3A_2761 : memref<8x128xf32, #tpu.memory_space<hbm>>) dst(%dma_wait3A_2759 : memref<8x128xf32, #tpu.memory_space<vmem>>)
      %dma_wait3A_2762 = arith.constant 280 : i32
      %dma_wait3A_2763 = arith.constant 0 : i32
      %dma_wait3A_2764 = tpu.memref_slice %arg9[%dma_wait3A_2762, %dma_wait3A_2763] : memref<512x128xf32, #tpu.memory_space<vmem>> -> memref<8x128xf32, #tpu.memory_space<vmem>>
      %dma_wait3A_2765 = arith.constant 24 : i32
      %dma_wait3A_2766 = tpu.memref_slice %arg5[%dma_wait3A_2765, %mul3A_2049] : memref<32x1000000xf32, #tpu.memory_space<hbm>> -> memref<8x128xf32, #tpu.memory_space<hbm>>
      %dma_wait3A_2767 = arith.constant 280 : i32
      %dma_wait3A_2768 = arith.constant 0 : i32
      %dma_wait3A_2769 = tpu.memref_slice %arg9[%dma_wait3A_2767, %dma_wait3A_2768] : memref<512x128xf32, #tpu.memory_space<vmem>> -> memref<8x128xf32, #tpu.memory_space<vmem>>
      %dma_wait3A_2770 = arith.constant 24 : i32
      %dma_wait3A_2771 = tpu.memref_slice %arg5[%dma_wait3A_2770, %mul3A_2049] : memref<32x1000000xf32, #tpu.memory_space<hbm>> -> memref<8x128xf32, #tpu.memory_space<hbm>>
      tpu.wait_dma2 semaphore(%arg12 : memref<!tpu.dma_semaphore, #tpu.memory_space<semaphore_mem>>) src(%dma_wait3A_2771 : memref<8x128xf32, #tpu.memory_space<hbm>>) dst(%dma_wait3A_2769 : memref<8x128xf32, #tpu.memory_space<vmem>>)
      %dma_wait3A_2772 = arith.constant 288 : i32
      %dma_wait3A_2773 = arith.constant 0 : i32
      %dma_wait3A_2774 = tpu.memref_slice %arg9[%dma_wait3A_2772, %dma_wait3A_2773] : memref<512x128xf32, #tpu.memory_space<vmem>> -> memref<8x128xf32, #tpu.memory_space<vmem>>
      %dma_wait3A_2775 = arith.constant 0 : i32
      %dma_wait3A_2776 = tpu.memref_slice %arg5[%dma_wait3A_2775, %mul3A_2095] : memref<32x1000000xf32, #tpu.memory_space<hbm>> -> memref<8x128xf32, #tpu.memory_space<hbm>>
      %dma_wait3A_2777 = arith.constant 288 : i32
      %dma_wait3A_2778 = arith.constant 0 : i32
      %dma_wait3A_2779 = tpu.memref_slice %arg9[%dma_wait3A_2777, %dma_wait3A_2778] : memref<512x128xf32, #tpu.memory_space<vmem>> -> memref<8x128xf32, #tpu.memory_space<vmem>>
      %dma_wait3A_2780 = arith.constant 0 : i32
      %dma_wait3A_2781 = tpu.memref_slice %arg5[%dma_wait3A_2780, %mul3A_2095] : memref<32x1000000xf32, #tpu.memory_space<hbm>> -> memref<8x128xf32, #tpu.memory_space<hbm>>
      tpu.wait_dma2 semaphore(%arg12 : memref<!tpu.dma_semaphore, #tpu.memory_space<semaphore_mem>>) src(%dma_wait3A_2781 : memref<8x128xf32, #tpu.memory_space<hbm>>) dst(%dma_wait3A_2779 : memref<8x128xf32, #tpu.memory_space<vmem>>)
      %dma_wait3A_2782 = arith.constant 296 : i32
      %dma_wait3A_2783 = arith.constant 0 : i32
      %dma_wait3A_2784 = tpu.memref_slice %arg9[%dma_wait3A_2782, %dma_wait3A_2783] : memref<512x128xf32, #tpu.memory_space<vmem>> -> memref<8x128xf32, #tpu.memory_space<vmem>>
      %dma_wait3A_2785 = arith.constant 8 : i32
      %dma_wait3A_2786 = tpu.memref_slice %arg5[%dma_wait3A_2785, %mul3A_2095] : memref<32x1000000xf32, #tpu.memory_space<hbm>> -> memref<8x128xf32, #tpu.memory_space<hbm>>
      %dma_wait3A_2787 = arith.constant 296 : i32
      %dma_wait3A_2788 = arith.constant 0 : i32
      %dma_wait3A_2789 = tpu.memref_slice %arg9[%dma_wait3A_2787, %dma_wait3A_2788] : memref<512x128xf32, #tpu.memory_space<vmem>> -> memref<8x128xf32, #tpu.memory_space<vmem>>
      %dma_wait3A_2790 = arith.constant 8 : i32
      %dma_wait3A_2791 = tpu.memref_slice %arg5[%dma_wait3A_2790, %mul3A_2095] : memref<32x1000000xf32, #tpu.memory_space<hbm>> -> memref<8x128xf32, #tpu.memory_space<hbm>>
      tpu.wait_dma2 semaphore(%arg12 : memref<!tpu.dma_semaphore, #tpu.memory_space<semaphore_mem>>) src(%dma_wait3A_2791 : memref<8x128xf32, #tpu.memory_space<hbm>>) dst(%dma_wait3A_2789 : memref<8x128xf32, #tpu.memory_space<vmem>>)
      %dma_wait3A_2792 = arith.constant 304 : i32
      %dma_wait3A_2793 = arith.constant 0 : i32
      %dma_wait3A_2794 = tpu.memref_slice %arg9[%dma_wait3A_2792, %dma_wait3A_2793] : memref<512x128xf32, #tpu.memory_space<vmem>> -> memref<8x128xf32, #tpu.memory_space<vmem>>
      %dma_wait3A_2795 = arith.constant 16 : i32
      %dma_wait3A_2796 = tpu.memref_slice %arg5[%dma_wait3A_2795, %mul3A_2095] : memref<32x1000000xf32, #tpu.memory_space<hbm>> -> memref<8x128xf32, #tpu.memory_space<hbm>>
      %dma_wait3A_2797 = arith.constant 304 : i32
      %dma_wait3A_2798 = arith.constant 0 : i32
      %dma_wait3A_2799 = tpu.memref_slice %arg9[%dma_wait3A_2797, %dma_wait3A_2798] : memref<512x128xf32, #tpu.memory_space<vmem>> -> memref<8x128xf32, #tpu.memory_space<vmem>>
      %dma_wait3A_2800 = arith.constant 16 : i32
      %dma_wait3A_2801 = tpu.memref_slice %arg5[%dma_wait3A_2800, %mul3A_2095] : memref<32x1000000xf32, #tpu.memory_space<hbm>> -> memref<8x128xf32, #tpu.memory_space<hbm>>
      tpu.wait_dma2 semaphore(%arg12 : memref<!tpu.dma_semaphore, #tpu.memory_space<semaphore_mem>>) src(%dma_wait3A_2801 : memref<8x128xf32, #tpu.memory_space<hbm>>) dst(%dma_wait3A_2799 : memref<8x128xf32, #tpu.memory_space<vmem>>)
      %dma_wait3A_2802 = arith.constant 312 : i32
      %dma_wait3A_2803 = arith.constant 0 : i32
      %dma_wait3A_2804 = tpu.memref_slice %arg9[%dma_wait3A_2802, %dma_wait3A_2803] : memref<512x128xf32, #tpu.memory_space<vmem>> -> memref<8x128xf32, #tpu.memory_space<vmem>>
      %dma_wait3A_2805 = arith.constant 24 : i32
      %dma_wait3A_2806 = tpu.memref_slice %arg5[%dma_wait3A_2805, %mul3A_2095] : memref<32x1000000xf32, #tpu.memory_space<hbm>> -> memref<8x128xf32, #tpu.memory_space<hbm>>
      %dma_wait3A_2807 = arith.constant 312 : i32
      %dma_wait3A_2808 = arith.constant 0 : i32
      %dma_wait3A_2809 = tpu.memref_slice %arg9[%dma_wait3A_2807, %dma_wait3A_2808] : memref<512x128xf32, #tpu.memory_space<vmem>> -> memref<8x128xf32, #tpu.memory_space<vmem>>
      %dma_wait3A_2810 = arith.constant 24 : i32
      %dma_wait3A_2811 = tpu.memref_slice %arg5[%dma_wait3A_2810, %mul3A_2095] : memref<32x1000000xf32, #tpu.memory_space<hbm>> -> memref<8x128xf32, #tpu.memory_space<hbm>>
      tpu.wait_dma2 semaphore(%arg12 : memref<!tpu.dma_semaphore, #tpu.memory_space<semaphore_mem>>) src(%dma_wait3A_2811 : memref<8x128xf32, #tpu.memory_space<hbm>>) dst(%dma_wait3A_2809 : memref<8x128xf32, #tpu.memory_space<vmem>>)
      %dma_wait3A_2812 = arith.constant 320 : i32
      %dma_wait3A_2813 = arith.constant 0 : i32
      %dma_wait3A_2814 = tpu.memref_slice %arg9[%dma_wait3A_2812, %dma_wait3A_2813] : memref<512x128xf32, #tpu.memory_space<vmem>> -> memref<8x128xf32, #tpu.memory_space<vmem>>
      %dma_wait3A_2815 = arith.constant 0 : i32
      %dma_wait3A_2816 = tpu.memref_slice %arg5[%dma_wait3A_2815, %mul3A_2141] : memref<32x1000000xf32, #tpu.memory_space<hbm>> -> memref<8x128xf32, #tpu.memory_space<hbm>>
      %dma_wait3A_2817 = arith.constant 320 : i32
      %dma_wait3A_2818 = arith.constant 0 : i32
      %dma_wait3A_2819 = tpu.memref_slice %arg9[%dma_wait3A_2817, %dma_wait3A_2818] : memref<512x128xf32, #tpu.memory_space<vmem>> -> memref<8x128xf32, #tpu.memory_space<vmem>>
      %dma_wait3A_2820 = arith.constant 0 : i32
      %dma_wait3A_2821 = tpu.memref_slice %arg5[%dma_wait3A_2820, %mul3A_2141] : memref<32x1000000xf32, #tpu.memory_space<hbm>> -> memref<8x128xf32, #tpu.memory_space<hbm>>
      tpu.wait_dma2 semaphore(%arg12 : memref<!tpu.dma_semaphore, #tpu.memory_space<semaphore_mem>>) src(%dma_wait3A_2821 : memref<8x128xf32, #tpu.memory_space<hbm>>) dst(%dma_wait3A_2819 : memref<8x128xf32, #tpu.memory_space<vmem>>)
      %dma_wait3A_2822 = arith.constant 328 : i32
      %dma_wait3A_2823 = arith.constant 0 : i32
      %dma_wait3A_2824 = tpu.memref_slice %arg9[%dma_wait3A_2822, %dma_wait3A_2823] : memref<512x128xf32, #tpu.memory_space<vmem>> -> memref<8x128xf32, #tpu.memory_space<vmem>>
      %dma_wait3A_2825 = arith.constant 8 : i32
      %dma_wait3A_2826 = tpu.memref_slice %arg5[%dma_wait3A_2825, %mul3A_2141] : memref<32x1000000xf32, #tpu.memory_space<hbm>> -> memref<8x128xf32, #tpu.memory_space<hbm>>
      %dma_wait3A_2827 = arith.constant 328 : i32
      %dma_wait3A_2828 = arith.constant 0 : i32
      %dma_wait3A_2829 = tpu.memref_slice %arg9[%dma_wait3A_2827, %dma_wait3A_2828] : memref<512x128xf32, #tpu.memory_space<vmem>> -> memref<8x128xf32, #tpu.memory_space<vmem>>
      %dma_wait3A_2830 = arith.constant 8 : i32
      %dma_wait3A_2831 = tpu.memref_slice %arg5[%dma_wait3A_2830, %mul3A_2141] : memref<32x1000000xf32, #tpu.memory_space<hbm>> -> memref<8x128xf32, #tpu.memory_space<hbm>>
      tpu.wait_dma2 semaphore(%arg12 : memref<!tpu.dma_semaphore, #tpu.memory_space<semaphore_mem>>) src(%dma_wait3A_2831 : memref<8x128xf32, #tpu.memory_space<hbm>>) dst(%dma_wait3A_2829 : memref<8x128xf32, #tpu.memory_space<vmem>>)
      %dma_wait3A_2832 = arith.constant 336 : i32
      %dma_wait3A_2833 = arith.constant 0 : i32
      %dma_wait3A_2834 = tpu.memref_slice %arg9[%dma_wait3A_2832, %dma_wait3A_2833] : memref<512x128xf32, #tpu.memory_space<vmem>> -> memref<8x128xf32, #tpu.memory_space<vmem>>
      %dma_wait3A_2835 = arith.constant 16 : i32
      %dma_wait3A_2836 = tpu.memref_slice %arg5[%dma_wait3A_2835, %mul3A_2141] : memref<32x1000000xf32, #tpu.memory_space<hbm>> -> memref<8x128xf32, #tpu.memory_space<hbm>>
      %dma_wait3A_2837 = arith.constant 336 : i32
      %dma_wait3A_2838 = arith.constant 0 : i32
      %dma_wait3A_2839 = tpu.memref_slice %arg9[%dma_wait3A_2837, %dma_wait3A_2838] : memref<512x128xf32, #tpu.memory_space<vmem>> -> memref<8x128xf32, #tpu.memory_space<vmem>>
      %dma_wait3A_2840 = arith.constant 16 : i32
      %dma_wait3A_2841 = tpu.memref_slice %arg5[%dma_wait3A_2840, %mul3A_2141] : memref<32x1000000xf32, #tpu.memory_space<hbm>> -> memref<8x128xf32, #tpu.memory_space<hbm>>
      tpu.wait_dma2 semaphore(%arg12 : memref<!tpu.dma_semaphore, #tpu.memory_space<semaphore_mem>>) src(%dma_wait3A_2841 : memref<8x128xf32, #tpu.memory_space<hbm>>) dst(%dma_wait3A_2839 : memref<8x128xf32, #tpu.memory_space<vmem>>)
      %dma_wait3A_2842 = arith.constant 344 : i32
      %dma_wait3A_2843 = arith.constant 0 : i32
      %dma_wait3A_2844 = tpu.memref_slice %arg9[%dma_wait3A_2842, %dma_wait3A_2843] : memref<512x128xf32, #tpu.memory_space<vmem>> -> memref<8x128xf32, #tpu.memory_space<vmem>>
      %dma_wait3A_2845 = arith.constant 24 : i32
      %dma_wait3A_2846 = tpu.memref_slice %arg5[%dma_wait3A_2845, %mul3A_2141] : memref<32x1000000xf32, #tpu.memory_space<hbm>> -> memref<8x128xf32, #tpu.memory_space<hbm>>
      %dma_wait3A_2847 = arith.constant 344 : i32
      %dma_wait3A_2848 = arith.constant 0 : i32
      %dma_wait3A_2849 = tpu.memref_slice %arg9[%dma_wait3A_2847, %dma_wait3A_2848] : memref<512x128xf32, #tpu.memory_space<vmem>> -> memref<8x128xf32, #tpu.memory_space<vmem>>
      %dma_wait3A_2850 = arith.constant 24 : i32
      %dma_wait3A_2851 = tpu.memref_slice %arg5[%dma_wait3A_2850, %mul3A_2141] : memref<32x1000000xf32, #tpu.memory_space<hbm>> -> memref<8x128xf32, #tpu.memory_space<hbm>>
      tpu.wait_dma2 semaphore(%arg12 : memref<!tpu.dma_semaphore, #tpu.memory_space<semaphore_mem>>) src(%dma_wait3A_2851 : memref<8x128xf32, #tpu.memory_space<hbm>>) dst(%dma_wait3A_2849 : memref<8x128xf32, #tpu.memory_space<vmem>>)
      %dma_wait3A_2852 = arith.constant 352 : i32
      %dma_wait3A_2853 = arith.constant 0 : i32
      %dma_wait3A_2854 = tpu.memref_slice %arg9[%dma_wait3A_2852, %dma_wait3A_2853] : memref<512x128xf32, #tpu.memory_space<vmem>> -> memref<8x128xf32, #tpu.memory_space<vmem>>
      %dma_wait3A_2855 = arith.constant 0 : i32
      %dma_wait3A_2856 = tpu.memref_slice %arg5[%dma_wait3A_2855, %mul3A_2187] : memref<32x1000000xf32, #tpu.memory_space<hbm>> -> memref<8x128xf32, #tpu.memory_space<hbm>>
      %dma_wait3A_2857 = arith.constant 352 : i32
      %dma_wait3A_2858 = arith.constant 0 : i32
      %dma_wait3A_2859 = tpu.memref_slice %arg9[%dma_wait3A_2857, %dma_wait3A_2858] : memref<512x128xf32, #tpu.memory_space<vmem>> -> memref<8x128xf32, #tpu.memory_space<vmem>>
      %dma_wait3A_2860 = arith.constant 0 : i32
      %dma_wait3A_2861 = tpu.memref_slice %arg5[%dma_wait3A_2860, %mul3A_2187] : memref<32x1000000xf32, #tpu.memory_space<hbm>> -> memref<8x128xf32, #tpu.memory_space<hbm>>
      tpu.wait_dma2 semaphore(%arg12 : memref<!tpu.dma_semaphore, #tpu.memory_space<semaphore_mem>>) src(%dma_wait3A_2861 : memref<8x128xf32, #tpu.memory_space<hbm>>) dst(%dma_wait3A_2859 : memref<8x128xf32, #tpu.memory_space<vmem>>)
      %dma_wait3A_2862 = arith.constant 360 : i32
      %dma_wait3A_2863 = arith.constant 0 : i32
      %dma_wait3A_2864 = tpu.memref_slice %arg9[%dma_wait3A_2862, %dma_wait3A_2863] : memref<512x128xf32, #tpu.memory_space<vmem>> -> memref<8x128xf32, #tpu.memory_space<vmem>>
      %dma_wait3A_2865 = arith.constant 8 : i32
      %dma_wait3A_2866 = tpu.memref_slice %arg5[%dma_wait3A_2865, %mul3A_2187] : memref<32x1000000xf32, #tpu.memory_space<hbm>> -> memref<8x128xf32, #tpu.memory_space<hbm>>
      %dma_wait3A_2867 = arith.constant 360 : i32
      %dma_wait3A_2868 = arith.constant 0 : i32
      %dma_wait3A_2869 = tpu.memref_slice %arg9[%dma_wait3A_2867, %dma_wait3A_2868] : memref<512x128xf32, #tpu.memory_space<vmem>> -> memref<8x128xf32, #tpu.memory_space<vmem>>
      %dma_wait3A_2870 = arith.constant 8 : i32
      %dma_wait3A_2871 = tpu.memref_slice %arg5[%dma_wait3A_2870, %mul3A_2187] : memref<32x1000000xf32, #tpu.memory_space<hbm>> -> memref<8x128xf32, #tpu.memory_space<hbm>>
      tpu.wait_dma2 semaphore(%arg12 : memref<!tpu.dma_semaphore, #tpu.memory_space<semaphore_mem>>) src(%dma_wait3A_2871 : memref<8x128xf32, #tpu.memory_space<hbm>>) dst(%dma_wait3A_2869 : memref<8x128xf32, #tpu.memory_space<vmem>>)
      %dma_wait3A_2872 = arith.constant 368 : i32
      %dma_wait3A_2873 = arith.constant 0 : i32
      %dma_wait3A_2874 = tpu.memref_slice %arg9[%dma_wait3A_2872, %dma_wait3A_2873] : memref<512x128xf32, #tpu.memory_space<vmem>> -> memref<8x128xf32, #tpu.memory_space<vmem>>
      %dma_wait3A_2875 = arith.constant 16 : i32
      %dma_wait3A_2876 = tpu.memref_slice %arg5[%dma_wait3A_2875, %mul3A_2187] : memref<32x1000000xf32, #tpu.memory_space<hbm>> -> memref<8x128xf32, #tpu.memory_space<hbm>>
      %dma_wait3A_2877 = arith.constant 368 : i32
      %dma_wait3A_2878 = arith.constant 0 : i32
      %dma_wait3A_2879 = tpu.memref_slice %arg9[%dma_wait3A_2877, %dma_wait3A_2878] : memref<512x128xf32, #tpu.memory_space<vmem>> -> memref<8x128xf32, #tpu.memory_space<vmem>>
      %dma_wait3A_2880 = arith.constant 16 : i32
      %dma_wait3A_2881 = tpu.memref_slice %arg5[%dma_wait3A_2880, %mul3A_2187] : memref<32x1000000xf32, #tpu.memory_space<hbm>> -> memref<8x128xf32, #tpu.memory_space<hbm>>
      tpu.wait_dma2 semaphore(%arg12 : memref<!tpu.dma_semaphore, #tpu.memory_space<semaphore_mem>>) src(%dma_wait3A_2881 : memref<8x128xf32, #tpu.memory_space<hbm>>) dst(%dma_wait3A_2879 : memref<8x128xf32, #tpu.memory_space<vmem>>)
      %dma_wait3A_2882 = arith.constant 376 : i32
      %dma_wait3A_2883 = arith.constant 0 : i32
      %dma_wait3A_2884 = tpu.memref_slice %arg9[%dma_wait3A_2882, %dma_wait3A_2883] : memref<512x128xf32, #tpu.memory_space<vmem>> -> memref<8x128xf32, #tpu.memory_space<vmem>>
      %dma_wait3A_2885 = arith.constant 24 : i32
      %dma_wait3A_2886 = tpu.memref_slice %arg5[%dma_wait3A_2885, %mul3A_2187] : memref<32x1000000xf32, #tpu.memory_space<hbm>> -> memref<8x128xf32, #tpu.memory_space<hbm>>
      %dma_wait3A_2887 = arith.constant 376 : i32
      %dma_wait3A_2888 = arith.constant 0 : i32
      %dma_wait3A_2889 = tpu.memref_slice %arg9[%dma_wait3A_2887, %dma_wait3A_2888] : memref<512x128xf32, #tpu.memory_space<vmem>> -> memref<8x128xf32, #tpu.memory_space<vmem>>
      %dma_wait3A_2890 = arith.constant 24 : i32
      %dma_wait3A_2891 = tpu.memref_slice %arg5[%dma_wait3A_2890, %mul3A_2187] : memref<32x1000000xf32, #tpu.memory_space<hbm>> -> memref<8x128xf32, #tpu.memory_space<hbm>>
      tpu.wait_dma2 semaphore(%arg12 : memref<!tpu.dma_semaphore, #tpu.memory_space<semaphore_mem>>) src(%dma_wait3A_2891 : memref<8x128xf32, #tpu.memory_space<hbm>>) dst(%dma_wait3A_2889 : memref<8x128xf32, #tpu.memory_space<vmem>>)
      %dma_wait3A_2892 = arith.constant 384 : i32
      %dma_wait3A_2893 = arith.constant 0 : i32
      %dma_wait3A_2894 = tpu.memref_slice %arg9[%dma_wait3A_2892, %dma_wait3A_2893] : memref<512x128xf32, #tpu.memory_space<vmem>> -> memref<8x128xf32, #tpu.memory_space<vmem>>
      %dma_wait3A_2895 = arith.constant 0 : i32
      %dma_wait3A_2896 = tpu.memref_slice %arg5[%dma_wait3A_2895, %mul3A_2233] : memref<32x1000000xf32, #tpu.memory_space<hbm>> -> memref<8x128xf32, #tpu.memory_space<hbm>>
      %dma_wait3A_2897 = arith.constant 384 : i32
      %dma_wait3A_2898 = arith.constant 0 : i32
      %dma_wait3A_2899 = tpu.memref_slice %arg9[%dma_wait3A_2897, %dma_wait3A_2898] : memref<512x128xf32, #tpu.memory_space<vmem>> -> memref<8x128xf32, #tpu.memory_space<vmem>>
      %dma_wait3A_2900 = arith.constant 0 : i32
      %dma_wait3A_2901 = tpu.memref_slice %arg5[%dma_wait3A_2900, %mul3A_2233] : memref<32x1000000xf32, #tpu.memory_space<hbm>> -> memref<8x128xf32, #tpu.memory_space<hbm>>
      tpu.wait_dma2 semaphore(%arg12 : memref<!tpu.dma_semaphore, #tpu.memory_space<semaphore_mem>>) src(%dma_wait3A_2901 : memref<8x128xf32, #tpu.memory_space<hbm>>) dst(%dma_wait3A_2899 : memref<8x128xf32, #tpu.memory_space<vmem>>)
      %dma_wait3A_2902 = arith.constant 392 : i32
      %dma_wait3A_2903 = arith.constant 0 : i32
      %dma_wait3A_2904 = tpu.memref_slice %arg9[%dma_wait3A_2902, %dma_wait3A_2903] : memref<512x128xf32, #tpu.memory_space<vmem>> -> memref<8x128xf32, #tpu.memory_space<vmem>>
      %dma_wait3A_2905 = arith.constant 8 : i32
      %dma_wait3A_2906 = tpu.memref_slice %arg5[%dma_wait3A_2905, %mul3A_2233] : memref<32x1000000xf32, #tpu.memory_space<hbm>> -> memref<8x128xf32, #tpu.memory_space<hbm>>
      %dma_wait3A_2907 = arith.constant 392 : i32
      %dma_wait3A_2908 = arith.constant 0 : i32
      %dma_wait3A_2909 = tpu.memref_slice %arg9[%dma_wait3A_2907, %dma_wait3A_2908] : memref<512x128xf32, #tpu.memory_space<vmem>> -> memref<8x128xf32, #tpu.memory_space<vmem>>
      %dma_wait3A_2910 = arith.constant 8 : i32
      %dma_wait3A_2911 = tpu.memref_slice %arg5[%dma_wait3A_2910, %mul3A_2233] : memref<32x1000000xf32, #tpu.memory_space<hbm>> -> memref<8x128xf32, #tpu.memory_space<hbm>>
      tpu.wait_dma2 semaphore(%arg12 : memref<!tpu.dma_semaphore, #tpu.memory_space<semaphore_mem>>) src(%dma_wait3A_2911 : memref<8x128xf32, #tpu.memory_space<hbm>>) dst(%dma_wait3A_2909 : memref<8x128xf32, #tpu.memory_space<vmem>>)
      %dma_wait3A_2912 = arith.constant 400 : i32
      %dma_wait3A_2913 = arith.constant 0 : i32
      %dma_wait3A_2914 = tpu.memref_slice %arg9[%dma_wait3A_2912, %dma_wait3A_2913] : memref<512x128xf32, #tpu.memory_space<vmem>> -> memref<8x128xf32, #tpu.memory_space<vmem>>
      %dma_wait3A_2915 = arith.constant 16 : i32
      %dma_wait3A_2916 = tpu.memref_slice %arg5[%dma_wait3A_2915, %mul3A_2233] : memref<32x1000000xf32, #tpu.memory_space<hbm>> -> memref<8x128xf32, #tpu.memory_space<hbm>>
      %dma_wait3A_2917 = arith.constant 400 : i32
      %dma_wait3A_2918 = arith.constant 0 : i32
      %dma_wait3A_2919 = tpu.memref_slice %arg9[%dma_wait3A_2917, %dma_wait3A_2918] : memref<512x128xf32, #tpu.memory_space<vmem>> -> memref<8x128xf32, #tpu.memory_space<vmem>>
      %dma_wait3A_2920 = arith.constant 16 : i32
      %dma_wait3A_2921 = tpu.memref_slice %arg5[%dma_wait3A_2920, %mul3A_2233] : memref<32x1000000xf32, #tpu.memory_space<hbm>> -> memref<8x128xf32, #tpu.memory_space<hbm>>
      tpu.wait_dma2 semaphore(%arg12 : memref<!tpu.dma_semaphore, #tpu.memory_space<semaphore_mem>>) src(%dma_wait3A_2921 : memref<8x128xf32, #tpu.memory_space<hbm>>) dst(%dma_wait3A_2919 : memref<8x128xf32, #tpu.memory_space<vmem>>)
      %dma_wait3A_2922 = arith.constant 408 : i32
      %dma_wait3A_2923 = arith.constant 0 : i32
      %dma_wait3A_2924 = tpu.memref_slice %arg9[%dma_wait3A_2922, %dma_wait3A_2923] : memref<512x128xf32, #tpu.memory_space<vmem>> -> memref<8x128xf32, #tpu.memory_space<vmem>>
      %dma_wait3A_2925 = arith.constant 24 : i32
      %dma_wait3A_2926 = tpu.memref_slice %arg5[%dma_wait3A_2925, %mul3A_2233] : memref<32x1000000xf32, #tpu.memory_space<hbm>> -> memref<8x128xf32, #tpu.memory_space<hbm>>
      %dma_wait3A_2927 = arith.constant 408 : i32
      %dma_wait3A_2928 = arith.constant 0 : i32
      %dma_wait3A_2929 = tpu.memref_slice %arg9[%dma_wait3A_2927, %dma_wait3A_2928] : memref<512x128xf32, #tpu.memory_space<vmem>> -> memref<8x128xf32, #tpu.memory_space<vmem>>
      %dma_wait3A_2930 = arith.constant 24 : i32
      %dma_wait3A_2931 = tpu.memref_slice %arg5[%dma_wait3A_2930, %mul3A_2233] : memref<32x1000000xf32, #tpu.memory_space<hbm>> -> memref<8x128xf32, #tpu.memory_space<hbm>>
      tpu.wait_dma2 semaphore(%arg12 : memref<!tpu.dma_semaphore, #tpu.memory_space<semaphore_mem>>) src(%dma_wait3A_2931 : memref<8x128xf32, #tpu.memory_space<hbm>>) dst(%dma_wait3A_2929 : memref<8x128xf32, #tpu.memory_space<vmem>>)
      %dma_wait3A_2932 = arith.constant 416 : i32
      %dma_wait3A_2933 = arith.constant 0 : i32
      %dma_wait3A_2934 = tpu.memref_slice %arg9[%dma_wait3A_2932, %dma_wait3A_2933] : memref<512x128xf32, #tpu.memory_space<vmem>> -> memref<8x128xf32, #tpu.memory_space<vmem>>
      %dma_wait3A_2935 = arith.constant 0 : i32
      %dma_wait3A_2936 = tpu.memref_slice %arg5[%dma_wait3A_2935, %mul3A_2279] : memref<32x1000000xf32, #tpu.memory_space<hbm>> -> memref<8x128xf32, #tpu.memory_space<hbm>>
      %dma_wait3A_2937 = arith.constant 416 : i32
      %dma_wait3A_2938 = arith.constant 0 : i32
      %dma_wait3A_2939 = tpu.memref_slice %arg9[%dma_wait3A_2937, %dma_wait3A_2938] : memref<512x128xf32, #tpu.memory_space<vmem>> -> memref<8x128xf32, #tpu.memory_space<vmem>>
      %dma_wait3A_2940 = arith.constant 0 : i32
      %dma_wait3A_2941 = tpu.memref_slice %arg5[%dma_wait3A_2940, %mul3A_2279] : memref<32x1000000xf32, #tpu.memory_space<hbm>> -> memref<8x128xf32, #tpu.memory_space<hbm>>
      tpu.wait_dma2 semaphore(%arg12 : memref<!tpu.dma_semaphore, #tpu.memory_space<semaphore_mem>>) src(%dma_wait3A_2941 : memref<8x128xf32, #tpu.memory_space<hbm>>) dst(%dma_wait3A_2939 : memref<8x128xf32, #tpu.memory_space<vmem>>)
      %dma_wait3A_2942 = arith.constant 424 : i32
      %dma_wait3A_2943 = arith.constant 0 : i32
      %dma_wait3A_2944 = tpu.memref_slice %arg9[%dma_wait3A_2942, %dma_wait3A_2943] : memref<512x128xf32, #tpu.memory_space<vmem>> -> memref<8x128xf32, #tpu.memory_space<vmem>>
      %dma_wait3A_2945 = arith.constant 8 : i32
      %dma_wait3A_2946 = tpu.memref_slice %arg5[%dma_wait3A_2945, %mul3A_2279] : memref<32x1000000xf32, #tpu.memory_space<hbm>> -> memref<8x128xf32, #tpu.memory_space<hbm>>
      %dma_wait3A_2947 = arith.constant 424 : i32
      %dma_wait3A_2948 = arith.constant 0 : i32
      %dma_wait3A_2949 = tpu.memref_slice %arg9[%dma_wait3A_2947, %dma_wait3A_2948] : memref<512x128xf32, #tpu.memory_space<vmem>> -> memref<8x128xf32, #tpu.memory_space<vmem>>
      %dma_wait3A_2950 = arith.constant 8 : i32
      %dma_wait3A_2951 = tpu.memref_slice %arg5[%dma_wait3A_2950, %mul3A_2279] : memref<32x1000000xf32, #tpu.memory_space<hbm>> -> memref<8x128xf32, #tpu.memory_space<hbm>>
      tpu.wait_dma2 semaphore(%arg12 : memref<!tpu.dma_semaphore, #tpu.memory_space<semaphore_mem>>) src(%dma_wait3A_2951 : memref<8x128xf32, #tpu.memory_space<hbm>>) dst(%dma_wait3A_2949 : memref<8x128xf32, #tpu.memory_space<vmem>>)
      %dma_wait3A_2952 = arith.constant 432 : i32
      %dma_wait3A_2953 = arith.constant 0 : i32
      %dma_wait3A_2954 = tpu.memref_slice %arg9[%dma_wait3A_2952, %dma_wait3A_2953] : memref<512x128xf32, #tpu.memory_space<vmem>> -> memref<8x128xf32, #tpu.memory_space<vmem>>
      %dma_wait3A_2955 = arith.constant 16 : i32
      %dma_wait3A_2956 = tpu.memref_slice %arg5[%dma_wait3A_2955, %mul3A_2279] : memref<32x1000000xf32, #tpu.memory_space<hbm>> -> memref<8x128xf32, #tpu.memory_space<hbm>>
      %dma_wait3A_2957 = arith.constant 432 : i32
      %dma_wait3A_2958 = arith.constant 0 : i32
      %dma_wait3A_2959 = tpu.memref_slice %arg9[%dma_wait3A_2957, %dma_wait3A_2958] : memref<512x128xf32, #tpu.memory_space<vmem>> -> memref<8x128xf32, #tpu.memory_space<vmem>>
      %dma_wait3A_2960 = arith.constant 16 : i32
      %dma_wait3A_2961 = tpu.memref_slice %arg5[%dma_wait3A_2960, %mul3A_2279] : memref<32x1000000xf32, #tpu.memory_space<hbm>> -> memref<8x128xf32, #tpu.memory_space<hbm>>
      tpu.wait_dma2 semaphore(%arg12 : memref<!tpu.dma_semaphore, #tpu.memory_space<semaphore_mem>>) src(%dma_wait3A_2961 : memref<8x128xf32, #tpu.memory_space<hbm>>) dst(%dma_wait3A_2959 : memref<8x128xf32, #tpu.memory_space<vmem>>)
      %dma_wait3A_2962 = arith.constant 440 : i32
      %dma_wait3A_2963 = arith.constant 0 : i32
      %dma_wait3A_2964 = tpu.memref_slice %arg9[%dma_wait3A_2962, %dma_wait3A_2963] : memref<512x128xf32, #tpu.memory_space<vmem>> -> memref<8x128xf32, #tpu.memory_space<vmem>>
      %dma_wait3A_2965 = arith.constant 24 : i32
      %dma_wait3A_2966 = tpu.memref_slice %arg5[%dma_wait3A_2965, %mul3A_2279] : memref<32x1000000xf32, #tpu.memory_space<hbm>> -> memref<8x128xf32, #tpu.memory_space<hbm>>
      %dma_wait3A_2967 = arith.constant 440 : i32
      %dma_wait3A_2968 = arith.constant 0 : i32
      %dma_wait3A_2969 = tpu.memref_slice %arg9[%dma_wait3A_2967, %dma_wait3A_2968] : memref<512x128xf32, #tpu.memory_space<vmem>> -> memref<8x128xf32, #tpu.memory_space<vmem>>
      %dma_wait3A_2970 = arith.constant 24 : i32
      %dma_wait3A_2971 = tpu.memref_slice %arg5[%dma_wait3A_2970, %mul3A_2279] : memref<32x1000000xf32, #tpu.memory_space<hbm>> -> memref<8x128xf32, #tpu.memory_space<hbm>>
      tpu.wait_dma2 semaphore(%arg12 : memref<!tpu.dma_semaphore, #tpu.memory_space<semaphore_mem>>) src(%dma_wait3A_2971 : memref<8x128xf32, #tpu.memory_space<hbm>>) dst(%dma_wait3A_2969 : memref<8x128xf32, #tpu.memory_space<vmem>>)
      %dma_wait3A_2972 = arith.constant 448 : i32
      %dma_wait3A_2973 = arith.constant 0 : i32
      %dma_wait3A_2974 = tpu.memref_slice %arg9[%dma_wait3A_2972, %dma_wait3A_2973] : memref<512x128xf32, #tpu.memory_space<vmem>> -> memref<8x128xf32, #tpu.memory_space<vmem>>
      %dma_wait3A_2975 = arith.constant 0 : i32
      %dma_wait3A_2976 = tpu.memref_slice %arg5[%dma_wait3A_2975, %mul3A_2325] : memref<32x1000000xf32, #tpu.memory_space<hbm>> -> memref<8x128xf32, #tpu.memory_space<hbm>>
      %dma_wait3A_2977 = arith.constant 448 : i32
      %dma_wait3A_2978 = arith.constant 0 : i32
      %dma_wait3A_2979 = tpu.memref_slice %arg9[%dma_wait3A_2977, %dma_wait3A_2978] : memref<512x128xf32, #tpu.memory_space<vmem>> -> memref<8x128xf32, #tpu.memory_space<vmem>>
      %dma_wait3A_2980 = arith.constant 0 : i32
      %dma_wait3A_2981 = tpu.memref_slice %arg5[%dma_wait3A_2980, %mul3A_2325] : memref<32x1000000xf32, #tpu.memory_space<hbm>> -> memref<8x128xf32, #tpu.memory_space<hbm>>
      tpu.wait_dma2 semaphore(%arg12 : memref<!tpu.dma_semaphore, #tpu.memory_space<semaphore_mem>>) src(%dma_wait3A_2981 : memref<8x128xf32, #tpu.memory_space<hbm>>) dst(%dma_wait3A_2979 : memref<8x128xf32, #tpu.memory_space<vmem>>)
      %dma_wait3A_2982 = arith.constant 456 : i32
      %dma_wait3A_2983 = arith.constant 0 : i32
      %dma_wait3A_2984 = tpu.memref_slice %arg9[%dma_wait3A_2982, %dma_wait3A_2983] : memref<512x128xf32, #tpu.memory_space<vmem>> -> memref<8x128xf32, #tpu.memory_space<vmem>>
      %dma_wait3A_2985 = arith.constant 8 : i32
      %dma_wait3A_2986 = tpu.memref_slice %arg5[%dma_wait3A_2985, %mul3A_2325] : memref<32x1000000xf32, #tpu.memory_space<hbm>> -> memref<8x128xf32, #tpu.memory_space<hbm>>
      %dma_wait3A_2987 = arith.constant 456 : i32
      %dma_wait3A_2988 = arith.constant 0 : i32
      %dma_wait3A_2989 = tpu.memref_slice %arg9[%dma_wait3A_2987, %dma_wait3A_2988] : memref<512x128xf32, #tpu.memory_space<vmem>> -> memref<8x128xf32, #tpu.memory_space<vmem>>
      %dma_wait3A_2990 = arith.constant 8 : i32
      %dma_wait3A_2991 = tpu.memref_slice %arg5[%dma_wait3A_2990, %mul3A_2325] : memref<32x1000000xf32, #tpu.memory_space<hbm>> -> memref<8x128xf32, #tpu.memory_space<hbm>>
      tpu.wait_dma2 semaphore(%arg12 : memref<!tpu.dma_semaphore, #tpu.memory_space<semaphore_mem>>) src(%dma_wait3A_2991 : memref<8x128xf32, #tpu.memory_space<hbm>>) dst(%dma_wait3A_2989 : memref<8x128xf32, #tpu.memory_space<vmem>>)
      %dma_wait3A_2992 = arith.constant 464 : i32
      %dma_wait3A_2993 = arith.constant 0 : i32
      %dma_wait3A_2994 = tpu.memref_slice %arg9[%dma_wait3A_2992, %dma_wait3A_2993] : memref<512x128xf32, #tpu.memory_space<vmem>> -> memref<8x128xf32, #tpu.memory_space<vmem>>
      %dma_wait3A_2995 = arith.constant 16 : i32
      %dma_wait3A_2996 = tpu.memref_slice %arg5[%dma_wait3A_2995, %mul3A_2325] : memref<32x1000000xf32, #tpu.memory_space<hbm>> -> memref<8x128xf32, #tpu.memory_space<hbm>>
      %dma_wait3A_2997 = arith.constant 464 : i32
      %dma_wait3A_2998 = arith.constant 0 : i32
      %dma_wait3A_2999 = tpu.memref_slice %arg9[%dma_wait3A_2997, %dma_wait3A_2998] : memref<512x128xf32, #tpu.memory_space<vmem>> -> memref<8x128xf32, #tpu.memory_space<vmem>>
      %dma_wait3A_3000 = arith.constant 16 : i32
      %dma_wait3A_3001 = tpu.memref_slice %arg5[%dma_wait3A_3000, %mul3A_2325] : memref<32x1000000xf32, #tpu.memory_space<hbm>> -> memref<8x128xf32, #tpu.memory_space<hbm>>
      tpu.wait_dma2 semaphore(%arg12 : memref<!tpu.dma_semaphore, #tpu.memory_space<semaphore_mem>>) src(%dma_wait3A_3001 : memref<8x128xf32, #tpu.memory_space<hbm>>) dst(%dma_wait3A_2999 : memref<8x128xf32, #tpu.memory_space<vmem>>)
      %dma_wait3A_3002 = arith.constant 472 : i32
      %dma_wait3A_3003 = arith.constant 0 : i32
      %dma_wait3A_3004 = tpu.memref_slice %arg9[%dma_wait3A_3002, %dma_wait3A_3003] : memref<512x128xf32, #tpu.memory_space<vmem>> -> memref<8x128xf32, #tpu.memory_space<vmem>>
      %dma_wait3A_3005 = arith.constant 24 : i32
      %dma_wait3A_3006 = tpu.memref_slice %arg5[%dma_wait3A_3005, %mul3A_2325] : memref<32x1000000xf32, #tpu.memory_space<hbm>> -> memref<8x128xf32, #tpu.memory_space<hbm>>
      %dma_wait3A_3007 = arith.constant 472 : i32
      %dma_wait3A_3008 = arith.constant 0 : i32
      %dma_wait3A_3009 = tpu.memref_slice %arg9[%dma_wait3A_3007, %dma_wait3A_3008] : memref<512x128xf32, #tpu.memory_space<vmem>> -> memref<8x128xf32, #tpu.memory_space<vmem>>
      %dma_wait3A_3010 = arith.constant 24 : i32
      %dma_wait3A_3011 = tpu.memref_slice %arg5[%dma_wait3A_3010, %mul3A_2325] : memref<32x1000000xf32, #tpu.memory_space<hbm>> -> memref<8x128xf32, #tpu.memory_space<hbm>>
      tpu.wait_dma2 semaphore(%arg12 : memref<!tpu.dma_semaphore, #tpu.memory_space<semaphore_mem>>) src(%dma_wait3A_3011 : memref<8x128xf32, #tpu.memory_space<hbm>>) dst(%dma_wait3A_3009 : memref<8x128xf32, #tpu.memory_space<vmem>>)
      %dma_wait3A_3012 = arith.constant 480 : i32
      %dma_wait3A_3013 = arith.constant 0 : i32
      %dma_wait3A_3014 = tpu.memref_slice %arg9[%dma_wait3A_3012, %dma_wait3A_3013] : memref<512x128xf32, #tpu.memory_space<vmem>> -> memref<8x128xf32, #tpu.memory_space<vmem>>
      %dma_wait3A_3015 = arith.constant 0 : i32
      %dma_wait3A_3016 = tpu.memref_slice %arg5[%dma_wait3A_3015, %mul3A_2371] : memref<32x1000000xf32, #tpu.memory_space<hbm>> -> memref<8x128xf32, #tpu.memory_space<hbm>>
      %dma_wait3A_3017 = arith.constant 480 : i32
      %dma_wait3A_3018 = arith.constant 0 : i32
      %dma_wait3A_3019 = tpu.memref_slice %arg9[%dma_wait3A_3017, %dma_wait3A_3018] : memref<512x128xf32, #tpu.memory_space<vmem>> -> memref<8x128xf32, #tpu.memory_space<vmem>>
      %dma_wait3A_3020 = arith.constant 0 : i32
      %dma_wait3A_3021 = tpu.memref_slice %arg5[%dma_wait3A_3020, %mul3A_2371] : memref<32x1000000xf32, #tpu.memory_space<hbm>> -> memref<8x128xf32, #tpu.memory_space<hbm>>
      tpu.wait_dma2 semaphore(%arg12 : memref<!tpu.dma_semaphore, #tpu.memory_space<semaphore_mem>>) src(%dma_wait3A_3021 : memref<8x128xf32, #tpu.memory_space<hbm>>) dst(%dma_wait3A_3019 : memref<8x128xf32, #tpu.memory_space<vmem>>)
      %dma_wait3A_3022 = arith.constant 488 : i32
      %dma_wait3A_3023 = arith.constant 0 : i32
      %dma_wait3A_3024 = tpu.memref_slice %arg9[%dma_wait3A_3022, %dma_wait3A_3023] : memref<512x128xf32, #tpu.memory_space<vmem>> -> memref<8x128xf32, #tpu.memory_space<vmem>>
      %dma_wait3A_3025 = arith.constant 8 : i32
      %dma_wait3A_3026 = tpu.memref_slice %arg5[%dma_wait3A_3025, %mul3A_2371] : memref<32x1000000xf32, #tpu.memory_space<hbm>> -> memref<8x128xf32, #tpu.memory_space<hbm>>
      %dma_wait3A_3027 = arith.constant 488 : i32
      %dma_wait3A_3028 = arith.constant 0 : i32
      %dma_wait3A_3029 = tpu.memref_slice %arg9[%dma_wait3A_3027, %dma_wait3A_3028] : memref<512x128xf32, #tpu.memory_space<vmem>> -> memref<8x128xf32, #tpu.memory_space<vmem>>
      %dma_wait3A_3030 = arith.constant 8 : i32
      %dma_wait3A_3031 = tpu.memref_slice %arg5[%dma_wait3A_3030, %mul3A_2371] : memref<32x1000000xf32, #tpu.memory_space<hbm>> -> memref<8x128xf32, #tpu.memory_space<hbm>>
      tpu.wait_dma2 semaphore(%arg12 : memref<!tpu.dma_semaphore, #tpu.memory_space<semaphore_mem>>) src(%dma_wait3A_3031 : memref<8x128xf32, #tpu.memory_space<hbm>>) dst(%dma_wait3A_3029 : memref<8x128xf32, #tpu.memory_space<vmem>>)
      %dma_wait3A_3032 = arith.constant 496 : i32
      %dma_wait3A_3033 = arith.constant 0 : i32
      %dma_wait3A_3034 = tpu.memref_slice %arg9[%dma_wait3A_3032, %dma_wait3A_3033] : memref<512x128xf32, #tpu.memory_space<vmem>> -> memref<8x128xf32, #tpu.memory_space<vmem>>
      %dma_wait3A_3035 = arith.constant 16 : i32
      %dma_wait3A_3036 = tpu.memref_slice %arg5[%dma_wait3A_3035, %mul3A_2371] : memref<32x1000000xf32, #tpu.memory_space<hbm>> -> memref<8x128xf32, #tpu.memory_space<hbm>>
      %dma_wait3A_3037 = arith.constant 496 : i32
      %dma_wait3A_3038 = arith.constant 0 : i32
      %dma_wait3A_3039 = tpu.memref_slice %arg9[%dma_wait3A_3037, %dma_wait3A_3038] : memref<512x128xf32, #tpu.memory_space<vmem>> -> memref<8x128xf32, #tpu.memory_space<vmem>>
      %dma_wait3A_3040 = arith.constant 16 : i32
      %dma_wait3A_3041 = tpu.memref_slice %arg5[%dma_wait3A_3040, %mul3A_2371] : memref<32x1000000xf32, #tpu.memory_space<hbm>> -> memref<8x128xf32, #tpu.memory_space<hbm>>
      tpu.wait_dma2 semaphore(%arg12 : memref<!tpu.dma_semaphore, #tpu.memory_space<semaphore_mem>>) src(%dma_wait3A_3041 : memref<8x128xf32, #tpu.memory_space<hbm>>) dst(%dma_wait3A_3039 : memref<8x128xf32, #tpu.memory_space<vmem>>)
      %dma_wait3A_3042 = arith.constant 504 : i32
      %dma_wait3A_3043 = arith.constant 0 : i32
      %dma_wait3A_3044 = tpu.memref_slice %arg9[%dma_wait3A_3042, %dma_wait3A_3043] : memref<512x128xf32, #tpu.memory_space<vmem>> -> memref<8x128xf32, #tpu.memory_space<vmem>>
      %dma_wait3A_3045 = arith.constant 24 : i32
      %dma_wait3A_3046 = tpu.memref_slice %arg5[%dma_wait3A_3045, %mul3A_2371] : memref<32x1000000xf32, #tpu.memory_space<hbm>> -> memref<8x128xf32, #tpu.memory_space<hbm>>
      %dma_wait3A_3047 = arith.constant 504 : i32
      %dma_wait3A_3048 = arith.constant 0 : i32
      %dma_wait3A_3049 = tpu.memref_slice %arg9[%dma_wait3A_3047, %dma_wait3A_3048] : memref<512x128xf32, #tpu.memory_space<vmem>> -> memref<8x128xf32, #tpu.memory_space<vmem>>
      %dma_wait3A_3050 = arith.constant 24 : i32
      %dma_wait3A_3051 = tpu.memref_slice %arg5[%dma_wait3A_3050, %mul3A_2371] : memref<32x1000000xf32, #tpu.memory_space<hbm>> -> memref<8x128xf32, #tpu.memory_space<hbm>>
      tpu.wait_dma2 semaphore(%arg12 : memref<!tpu.dma_semaphore, #tpu.memory_space<semaphore_mem>>) src(%dma_wait3A_3051 : memref<8x128xf32, #tpu.memory_space<hbm>>) dst(%dma_wait3A_3049 : memref<8x128xf32, #tpu.memory_space<vmem>>)
      %broadcast_in_dim3A = arith.constant 0.000000e+00 : f32
      %broadcast_in_dim3A_3052 = vector.broadcast %broadcast_in_dim3A : f32 to vector<16xf32>
      %mul3A_3053 = arith.constant 32 : i32
      %mul3A_3054 = vector.broadcast %mul3A_3053 : i32 to vector<16xi32>
      %mul3A_3055 = arith.muli %iota3A, %mul3A_3054 : vector<16xi32>
      %add3A_3056 = arith.constant 0 : i32
      %add3A_3057 = vector.broadcast %add3A_3056 : i32 to vector<16xi32>
      %add3A_3058 = arith.addi %mul3A_3055, %add3A_3057 : vector<16xi32>
      %gather3A_3059 = tpu.vector_load_idx %arg9[%add3A_3058, %and3A_18] : memref<512x128xf32, #tpu.memory_space<vmem>>[vector<16xi32>, vector<16xi32>], vector<16xf32>,
      %get3A_3060 = arith.constant 0 : index
      %get3A_3061 = tpu.vector_load %arg10[%get3A_3060] {strides = array<i32>} : memref<512xf32, #tpu.memory_space<vmem>>, vector<16xf32>,
      %mul3A_3062 = arith.mulf %get3A_3061, %gather3A_3059 : vector<16xf32>
      %add3A_3063 = arith.addf %broadcast_in_dim3A_3052, %mul3A_3062 : vector<16xf32>
      %mul3A_3064 = arith.constant 32 : i32
      %mul3A_3065 = vector.broadcast %mul3A_3064 : i32 to vector<16xi32>
      %mul3A_3066 = arith.muli %iota3A, %mul3A_3065 : vector<16xi32>
      %add3A_3067 = arith.constant 1 : i32
      %add3A_3068 = vector.broadcast %add3A_3067 : i32 to vector<16xi32>
      %add3A_3069 = arith.addi %mul3A_3066, %add3A_3068 : vector<16xi32>
      %gather3A_3070 = tpu.vector_load_idx %arg9[%add3A_3069, %and3A_18] : memref<512x128xf32, #tpu.memory_space<vmem>>[vector<16xi32>, vector<16xi32>], vector<16xf32>,
      %get3A_3071 = arith.constant 16 : index
      %get3A_3072 = tpu.vector_load %arg10[%get3A_3071] {strides = array<i32>} : memref<512xf32, #tpu.memory_space<vmem>>, vector<16xf32>,
      %mul3A_3073 = arith.mulf %get3A_3072, %gather3A_3070 : vector<16xf32>
      %add3A_3074 = arith.addf %add3A_3063, %mul3A_3073 : vector<16xf32>
      %mul3A_3075 = arith.constant 32 : i32
      %mul3A_3076 = vector.broadcast %mul3A_3075 : i32 to vector<16xi32>
      %mul3A_3077 = arith.muli %iota3A, %mul3A_3076 : vector<16xi32>
      %add3A_3078 = arith.constant 2 : i32
      %add3A_3079 = vector.broadcast %add3A_3078 : i32 to vector<16xi32>
      %add3A_3080 = arith.addi %mul3A_3077, %add3A_3079 : vector<16xi32>
      %gather3A_3081 = tpu.vector_load_idx %arg9[%add3A_3080, %and3A_18] : memref<512x128xf32, #tpu.memory_space<vmem>>[vector<16xi32>, vector<16xi32>], vector<16xf32>,
      %get3A_3082 = arith.constant 32 : index
      %get3A_3083 = tpu.vector_load %arg10[%get3A_3082] {strides = array<i32>} : memref<512xf32, #tpu.memory_space<vmem>>, vector<16xf32>,
      %mul3A_3084 = arith.mulf %get3A_3083, %gather3A_3081 : vector<16xf32>
      %add3A_3085 = arith.addf %add3A_3074, %mul3A_3084 : vector<16xf32>
      %mul3A_3086 = arith.constant 32 : i32
      %mul3A_3087 = vector.broadcast %mul3A_3086 : i32 to vector<16xi32>
      %mul3A_3088 = arith.muli %iota3A, %mul3A_3087 : vector<16xi32>
      %add3A_3089 = arith.constant 3 : i32
      %add3A_3090 = vector.broadcast %add3A_3089 : i32 to vector<16xi32>
      %add3A_3091 = arith.addi %mul3A_3088, %add3A_3090 : vector<16xi32>
      %gather3A_3092 = tpu.vector_load_idx %arg9[%add3A_3091, %and3A_18] : memref<512x128xf32, #tpu.memory_space<vmem>>[vector<16xi32>, vector<16xi32>], vector<16xf32>,
      %get3A_3093 = arith.constant 48 : index
      %get3A_3094 = tpu.vector_load %arg10[%get3A_3093] {strides = array<i32>} : memref<512xf32, #tpu.memory_space<vmem>>, vector<16xf32>,
      %mul3A_3095 = arith.mulf %get3A_3094, %gather3A_3092 : vector<16xf32>
      %add3A_3096 = arith.addf %add3A_3085, %mul3A_3095 : vector<16xf32>
      %mul3A_3097 = arith.constant 32 : i32
      %mul3A_3098 = vector.broadcast %mul3A_3097 : i32 to vector<16xi32>
      %mul3A_3099 = arith.muli %iota3A, %mul3A_3098 : vector<16xi32>
      %add3A_3100 = arith.constant 4 : i32
      %add3A_3101 = vector.broadcast %add3A_3100 : i32 to vector<16xi32>
      %add3A_3102 = arith.addi %mul3A_3099, %add3A_3101 : vector<16xi32>
      %gather3A_3103 = tpu.vector_load_idx %arg9[%add3A_3102, %and3A_18] : memref<512x128xf32, #tpu.memory_space<vmem>>[vector<16xi32>, vector<16xi32>], vector<16xf32>,
      %get3A_3104 = arith.constant 64 : index
      %get3A_3105 = tpu.vector_load %arg10[%get3A_3104] {strides = array<i32>} : memref<512xf32, #tpu.memory_space<vmem>>, vector<16xf32>,
      %mul3A_3106 = arith.mulf %get3A_3105, %gather3A_3103 : vector<16xf32>
      %add3A_3107 = arith.addf %add3A_3096, %mul3A_3106 : vector<16xf32>
      %mul3A_3108 = arith.constant 32 : i32
      %mul3A_3109 = vector.broadcast %mul3A_3108 : i32 to vector<16xi32>
      %mul3A_3110 = arith.muli %iota3A, %mul3A_3109 : vector<16xi32>
      %add3A_3111 = arith.constant 5 : i32
      %add3A_3112 = vector.broadcast %add3A_3111 : i32 to vector<16xi32>
      %add3A_3113 = arith.addi %mul3A_3110, %add3A_3112 : vector<16xi32>
      %gather3A_3114 = tpu.vector_load_idx %arg9[%add3A_3113, %and3A_18] : memref<512x128xf32, #tpu.memory_space<vmem>>[vector<16xi32>, vector<16xi32>], vector<16xf32>,
      %get3A_3115 = arith.constant 80 : index
      %get3A_3116 = tpu.vector_load %arg10[%get3A_3115] {strides = array<i32>} : memref<512xf32, #tpu.memory_space<vmem>>, vector<16xf32>,
      %mul3A_3117 = arith.mulf %get3A_3116, %gather3A_3114 : vector<16xf32>
      %add3A_3118 = arith.addf %add3A_3107, %mul3A_3117 : vector<16xf32>
      %mul3A_3119 = arith.constant 32 : i32
      %mul3A_3120 = vector.broadcast %mul3A_3119 : i32 to vector<16xi32>
      %mul3A_3121 = arith.muli %iota3A, %mul3A_3120 : vector<16xi32>
      %add3A_3122 = arith.constant 6 : i32
      %add3A_3123 = vector.broadcast %add3A_3122 : i32 to vector<16xi32>
      %add3A_3124 = arith.addi %mul3A_3121, %add3A_3123 : vector<16xi32>
      %gather3A_3125 = tpu.vector_load_idx %arg9[%add3A_3124, %and3A_18] : memref<512x128xf32, #tpu.memory_space<vmem>>[vector<16xi32>, vector<16xi32>], vector<16xf32>,
      %get3A_3126 = arith.constant 96 : index
      %get3A_3127 = tpu.vector_load %arg10[%get3A_3126] {strides = array<i32>} : memref<512xf32, #tpu.memory_space<vmem>>, vector<16xf32>,
      %mul3A_3128 = arith.mulf %get3A_3127, %gather3A_3125 : vector<16xf32>
      %add3A_3129 = arith.addf %add3A_3118, %mul3A_3128 : vector<16xf32>
      %mul3A_3130 = arith.constant 32 : i32
      %mul3A_3131 = vector.broadcast %mul3A_3130 : i32 to vector<16xi32>
      %mul3A_3132 = arith.muli %iota3A, %mul3A_3131 : vector<16xi32>
      %add3A_3133 = arith.constant 7 : i32
      %add3A_3134 = vector.broadcast %add3A_3133 : i32 to vector<16xi32>
      %add3A_3135 = arith.addi %mul3A_3132, %add3A_3134 : vector<16xi32>
      %gather3A_3136 = tpu.vector_load_idx %arg9[%add3A_3135, %and3A_18] : memref<512x128xf32, #tpu.memory_space<vmem>>[vector<16xi32>, vector<16xi32>], vector<16xf32>,
      %get3A_3137 = arith.constant 112 : index
      %get3A_3138 = tpu.vector_load %arg10[%get3A_3137] {strides = array<i32>} : memref<512xf32, #tpu.memory_space<vmem>>, vector<16xf32>,
      %mul3A_3139 = arith.mulf %get3A_3138, %gather3A_3136 : vector<16xf32>
      %add3A_3140 = arith.addf %add3A_3129, %mul3A_3139 : vector<16xf32>
      %mul3A_3141 = arith.constant 32 : i32
      %mul3A_3142 = vector.broadcast %mul3A_3141 : i32 to vector<16xi32>
      %mul3A_3143 = arith.muli %iota3A, %mul3A_3142 : vector<16xi32>
      %add3A_3144 = arith.constant 8 : i32
      %add3A_3145 = vector.broadcast %add3A_3144 : i32 to vector<16xi32>
      %add3A_3146 = arith.addi %mul3A_3143, %add3A_3145 : vector<16xi32>
      %gather3A_3147 = tpu.vector_load_idx %arg9[%add3A_3146, %and3A_18] : memref<512x128xf32, #tpu.memory_space<vmem>>[vector<16xi32>, vector<16xi32>], vector<16xf32>,
      %get3A_3148 = arith.constant 128 : index
      %get3A_3149 = tpu.vector_load %arg10[%get3A_3148] {strides = array<i32>} : memref<512xf32, #tpu.memory_space<vmem>>, vector<16xf32>,
      %mul3A_3150 = arith.mulf %get3A_3149, %gather3A_3147 : vector<16xf32>
      %add3A_3151 = arith.addf %add3A_3140, %mul3A_3150 : vector<16xf32>
      %mul3A_3152 = arith.constant 32 : i32
      %mul3A_3153 = vector.broadcast %mul3A_3152 : i32 to vector<16xi32>
      %mul3A_3154 = arith.muli %iota3A, %mul3A_3153 : vector<16xi32>
      %add3A_3155 = arith.constant 9 : i32
      %add3A_3156 = vector.broadcast %add3A_3155 : i32 to vector<16xi32>
      %add3A_3157 = arith.addi %mul3A_3154, %add3A_3156 : vector<16xi32>
      %gather3A_3158 = tpu.vector_load_idx %arg9[%add3A_3157, %and3A_18] : memref<512x128xf32, #tpu.memory_space<vmem>>[vector<16xi32>, vector<16xi32>], vector<16xf32>,
      %get3A_3159 = arith.constant 144 : index
      %get3A_3160 = tpu.vector_load %arg10[%get3A_3159] {strides = array<i32>} : memref<512xf32, #tpu.memory_space<vmem>>, vector<16xf32>,
      %mul3A_3161 = arith.mulf %get3A_3160, %gather3A_3158 : vector<16xf32>
      %add3A_3162 = arith.addf %add3A_3151, %mul3A_3161 : vector<16xf32>
      %mul3A_3163 = arith.constant 32 : i32
      %mul3A_3164 = vector.broadcast %mul3A_3163 : i32 to vector<16xi32>
      %mul3A_3165 = arith.muli %iota3A, %mul3A_3164 : vector<16xi32>
      %add3A_3166 = arith.constant 10 : i32
      %add3A_3167 = vector.broadcast %add3A_3166 : i32 to vector<16xi32>
      %add3A_3168 = arith.addi %mul3A_3165, %add3A_3167 : vector<16xi32>
      %gather3A_3169 = tpu.vector_load_idx %arg9[%add3A_3168, %and3A_18] : memref<512x128xf32, #tpu.memory_space<vmem>>[vector<16xi32>, vector<16xi32>], vector<16xf32>,
      %get3A_3170 = arith.constant 160 : index
      %get3A_3171 = tpu.vector_load %arg10[%get3A_3170] {strides = array<i32>} : memref<512xf32, #tpu.memory_space<vmem>>, vector<16xf32>,
      %mul3A_3172 = arith.mulf %get3A_3171, %gather3A_3169 : vector<16xf32>
      %add3A_3173 = arith.addf %add3A_3162, %mul3A_3172 : vector<16xf32>
      %mul3A_3174 = arith.constant 32 : i32
      %mul3A_3175 = vector.broadcast %mul3A_3174 : i32 to vector<16xi32>
      %mul3A_3176 = arith.muli %iota3A, %mul3A_3175 : vector<16xi32>
      %add3A_3177 = arith.constant 11 : i32
      %add3A_3178 = vector.broadcast %add3A_3177 : i32 to vector<16xi32>
      %add3A_3179 = arith.addi %mul3A_3176, %add3A_3178 : vector<16xi32>
      %gather3A_3180 = tpu.vector_load_idx %arg9[%add3A_3179, %and3A_18] : memref<512x128xf32, #tpu.memory_space<vmem>>[vector<16xi32>, vector<16xi32>], vector<16xf32>,
      %get3A_3181 = arith.constant 176 : index
      %get3A_3182 = tpu.vector_load %arg10[%get3A_3181] {strides = array<i32>} : memref<512xf32, #tpu.memory_space<vmem>>, vector<16xf32>,
      %mul3A_3183 = arith.mulf %get3A_3182, %gather3A_3180 : vector<16xf32>
      %add3A_3184 = arith.addf %add3A_3173, %mul3A_3183 : vector<16xf32>
      %mul3A_3185 = arith.constant 32 : i32
      %mul3A_3186 = vector.broadcast %mul3A_3185 : i32 to vector<16xi32>
      %mul3A_3187 = arith.muli %iota3A, %mul3A_3186 : vector<16xi32>
      %add3A_3188 = arith.constant 12 : i32
      %add3A_3189 = vector.broadcast %add3A_3188 : i32 to vector<16xi32>
      %add3A_3190 = arith.addi %mul3A_3187, %add3A_3189 : vector<16xi32>
      %gather3A_3191 = tpu.vector_load_idx %arg9[%add3A_3190, %and3A_18] : memref<512x128xf32, #tpu.memory_space<vmem>>[vector<16xi32>, vector<16xi32>], vector<16xf32>,
      %get3A_3192 = arith.constant 192 : index
      %get3A_3193 = tpu.vector_load %arg10[%get3A_3192] {strides = array<i32>} : memref<512xf32, #tpu.memory_space<vmem>>, vector<16xf32>,
      %mul3A_3194 = arith.mulf %get3A_3193, %gather3A_3191 : vector<16xf32>
      %add3A_3195 = arith.addf %add3A_3184, %mul3A_3194 : vector<16xf32>
      %mul3A_3196 = arith.constant 32 : i32
      %mul3A_3197 = vector.broadcast %mul3A_3196 : i32 to vector<16xi32>
      %mul3A_3198 = arith.muli %iota3A, %mul3A_3197 : vector<16xi32>
      %add3A_3199 = arith.constant 13 : i32
      %add3A_3200 = vector.broadcast %add3A_3199 : i32 to vector<16xi32>
      %add3A_3201 = arith.addi %mul3A_3198, %add3A_3200 : vector<16xi32>
      %gather3A_3202 = tpu.vector_load_idx %arg9[%add3A_3201, %and3A_18] : memref<512x128xf32, #tpu.memory_space<vmem>>[vector<16xi32>, vector<16xi32>], vector<16xf32>,
      %get3A_3203 = arith.constant 208 : index
      %get3A_3204 = tpu.vector_load %arg10[%get3A_3203] {strides = array<i32>} : memref<512xf32, #tpu.memory_space<vmem>>, vector<16xf32>,
      %mul3A_3205 = arith.mulf %get3A_3204, %gather3A_3202 : vector<16xf32>
      %add3A_3206 = arith.addf %add3A_3195, %mul3A_3205 : vector<16xf32>
      %mul3A_3207 = arith.constant 32 : i32
      %mul3A_3208 = vector.broadcast %mul3A_3207 : i32 to vector<16xi32>
      %mul3A_3209 = arith.muli %iota3A, %mul3A_3208 : vector<16xi32>
      %add3A_3210 = arith.constant 14 : i32
      %add3A_3211 = vector.broadcast %add3A_3210 : i32 to vector<16xi32>
      %add3A_3212 = arith.addi %mul3A_3209, %add3A_3211 : vector<16xi32>
      %gather3A_3213 = tpu.vector_load_idx %arg9[%add3A_3212, %and3A_18] : memref<512x128xf32, #tpu.memory_space<vmem>>[vector<16xi32>, vector<16xi32>], vector<16xf32>,
      %get3A_3214 = arith.constant 224 : index
      %get3A_3215 = tpu.vector_load %arg10[%get3A_3214] {strides = array<i32>} : memref<512xf32, #tpu.memory_space<vmem>>, vector<16xf32>,
      %mul3A_3216 = arith.mulf %get3A_3215, %gather3A_3213 : vector<16xf32>
      %add3A_3217 = arith.addf %add3A_3206, %mul3A_3216 : vector<16xf32>
      %mul3A_3218 = arith.constant 32 : i32
      %mul3A_3219 = vector.broadcast %mul3A_3218 : i32 to vector<16xi32>
      %mul3A_3220 = arith.muli %iota3A, %mul3A_3219 : vector<16xi32>
      %add3A_3221 = arith.constant 15 : i32
      %add3A_3222 = vector.broadcast %add3A_3221 : i32 to vector<16xi32>
      %add3A_3223 = arith.addi %mul3A_3220, %add3A_3222 : vector<16xi32>
      %gather3A_3224 = tpu.vector_load_idx %arg9[%add3A_3223, %and3A_18] : memref<512x128xf32, #tpu.memory_space<vmem>>[vector<16xi32>, vector<16xi32>], vector<16xf32>,
      %get3A_3225 = arith.constant 240 : index
      %get3A_3226 = tpu.vector_load %arg10[%get3A_3225] {strides = array<i32>} : memref<512xf32, #tpu.memory_space<vmem>>, vector<16xf32>,
      %mul3A_3227 = arith.mulf %get3A_3226, %gather3A_3224 : vector<16xf32>
      %add3A_3228 = arith.addf %add3A_3217, %mul3A_3227 : vector<16xf32>
      %mul3A_3229 = arith.constant 32 : i32
      %mul3A_3230 = vector.broadcast %mul3A_3229 : i32 to vector<16xi32>
      %mul3A_3231 = arith.muli %iota3A, %mul3A_3230 : vector<16xi32>
      %add3A_3232 = arith.constant 16 : i32
      %add3A_3233 = vector.broadcast %add3A_3232 : i32 to vector<16xi32>
      %add3A_3234 = arith.addi %mul3A_3231, %add3A_3233 : vector<16xi32>
      %gather3A_3235 = tpu.vector_load_idx %arg9[%add3A_3234, %and3A_18] : memref<512x128xf32, #tpu.memory_space<vmem>>[vector<16xi32>, vector<16xi32>], vector<16xf32>,
      %get3A_3236 = arith.constant 256 : index
      %get3A_3237 = tpu.vector_load %arg10[%get3A_3236] {strides = array<i32>} : memref<512xf32, #tpu.memory_space<vmem>>, vector<16xf32>,
      %mul3A_3238 = arith.mulf %get3A_3237, %gather3A_3235 : vector<16xf32>
      %add3A_3239 = arith.addf %add3A_3228, %mul3A_3238 : vector<16xf32>
      %mul3A_3240 = arith.constant 32 : i32
      %mul3A_3241 = vector.broadcast %mul3A_3240 : i32 to vector<16xi32>
      %mul3A_3242 = arith.muli %iota3A, %mul3A_3241 : vector<16xi32>
      %add3A_3243 = arith.constant 17 : i32
      %add3A_3244 = vector.broadcast %add3A_3243 : i32 to vector<16xi32>
      %add3A_3245 = arith.addi %mul3A_3242, %add3A_3244 : vector<16xi32>
      %gather3A_3246 = tpu.vector_load_idx %arg9[%add3A_3245, %and3A_18] : memref<512x128xf32, #tpu.memory_space<vmem>>[vector<16xi32>, vector<16xi32>], vector<16xf32>,
      %get3A_3247 = arith.constant 272 : index
      %get3A_3248 = tpu.vector_load %arg10[%get3A_3247] {strides = array<i32>} : memref<512xf32, #tpu.memory_space<vmem>>, vector<16xf32>,
      %mul3A_3249 = arith.mulf %get3A_3248, %gather3A_3246 : vector<16xf32>
      %add3A_3250 = arith.addf %add3A_3239, %mul3A_3249 : vector<16xf32>
      %mul3A_3251 = arith.constant 32 : i32
      %mul3A_3252 = vector.broadcast %mul3A_3251 : i32 to vector<16xi32>
      %mul3A_3253 = arith.muli %iota3A, %mul3A_3252 : vector<16xi32>
      %add3A_3254 = arith.constant 18 : i32
      %add3A_3255 = vector.broadcast %add3A_3254 : i32 to vector<16xi32>
      %add3A_3256 = arith.addi %mul3A_3253, %add3A_3255 : vector<16xi32>
      %gather3A_3257 = tpu.vector_load_idx %arg9[%add3A_3256, %and3A_18] : memref<512x128xf32, #tpu.memory_space<vmem>>[vector<16xi32>, vector<16xi32>], vector<16xf32>,
      %get3A_3258 = arith.constant 288 : index
      %get3A_3259 = tpu.vector_load %arg10[%get3A_3258] {strides = array<i32>} : memref<512xf32, #tpu.memory_space<vmem>>, vector<16xf32>,
      %mul3A_3260 = arith.mulf %get3A_3259, %gather3A_3257 : vector<16xf32>
      %add3A_3261 = arith.addf %add3A_3250, %mul3A_3260 : vector<16xf32>
      %mul3A_3262 = arith.constant 32 : i32
      %mul3A_3263 = vector.broadcast %mul3A_3262 : i32 to vector<16xi32>
      %mul3A_3264 = arith.muli %iota3A, %mul3A_3263 : vector<16xi32>
      %add3A_3265 = arith.constant 19 : i32
      %add3A_3266 = vector.broadcast %add3A_3265 : i32 to vector<16xi32>
      %add3A_3267 = arith.addi %mul3A_3264, %add3A_3266 : vector<16xi32>
      %gather3A_3268 = tpu.vector_load_idx %arg9[%add3A_3267, %and3A_18] : memref<512x128xf32, #tpu.memory_space<vmem>>[vector<16xi32>, vector<16xi32>], vector<16xf32>,
      %get3A_3269 = arith.constant 304 : index
      %get3A_3270 = tpu.vector_load %arg10[%get3A_3269] {strides = array<i32>} : memref<512xf32, #tpu.memory_space<vmem>>, vector<16xf32>,
      %mul3A_3271 = arith.mulf %get3A_3270, %gather3A_3268 : vector<16xf32>
      %add3A_3272 = arith.addf %add3A_3261, %mul3A_3271 : vector<16xf32>
      %mul3A_3273 = arith.constant 32 : i32
      %mul3A_3274 = vector.broadcast %mul3A_3273 : i32 to vector<16xi32>
      %mul3A_3275 = arith.muli %iota3A, %mul3A_3274 : vector<16xi32>
      %add3A_3276 = arith.constant 20 : i32
      %add3A_3277 = vector.broadcast %add3A_3276 : i32 to vector<16xi32>
      %add3A_3278 = arith.addi %mul3A_3275, %add3A_3277 : vector<16xi32>
      %gather3A_3279 = tpu.vector_load_idx %arg9[%add3A_3278, %and3A_18] : memref<512x128xf32, #tpu.memory_space<vmem>>[vector<16xi32>, vector<16xi32>], vector<16xf32>,
      %get3A_3280 = arith.constant 320 : index
      %get3A_3281 = tpu.vector_load %arg10[%get3A_3280] {strides = array<i32>} : memref<512xf32, #tpu.memory_space<vmem>>, vector<16xf32>,
      %mul3A_3282 = arith.mulf %get3A_3281, %gather3A_3279 : vector<16xf32>
      %add3A_3283 = arith.addf %add3A_3272, %mul3A_3282 : vector<16xf32>
      %mul3A_3284 = arith.constant 32 : i32
      %mul3A_3285 = vector.broadcast %mul3A_3284 : i32 to vector<16xi32>
      %mul3A_3286 = arith.muli %iota3A, %mul3A_3285 : vector<16xi32>
      %add3A_3287 = arith.constant 21 : i32
      %add3A_3288 = vector.broadcast %add3A_3287 : i32 to vector<16xi32>
      %add3A_3289 = arith.addi %mul3A_3286, %add3A_3288 : vector<16xi32>
      %gather3A_3290 = tpu.vector_load_idx %arg9[%add3A_3289, %and3A_18] : memref<512x128xf32, #tpu.memory_space<vmem>>[vector<16xi32>, vector<16xi32>], vector<16xf32>,
      %get3A_3291 = arith.constant 336 : index
      %get3A_3292 = tpu.vector_load %arg10[%get3A_3291] {strides = array<i32>} : memref<512xf32, #tpu.memory_space<vmem>>, vector<16xf32>,
      %mul3A_3293 = arith.mulf %get3A_3292, %gather3A_3290 : vector<16xf32>
      %add3A_3294 = arith.addf %add3A_3283, %mul3A_3293 : vector<16xf32>
      %mul3A_3295 = arith.constant 32 : i32
      %mul3A_3296 = vector.broadcast %mul3A_3295 : i32 to vector<16xi32>
      %mul3A_3297 = arith.muli %iota3A, %mul3A_3296 : vector<16xi32>
      %add3A_3298 = arith.constant 22 : i32
      %add3A_3299 = vector.broadcast %add3A_3298 : i32 to vector<16xi32>
      %add3A_3300 = arith.addi %mul3A_3297, %add3A_3299 : vector<16xi32>
      %gather3A_3301 = tpu.vector_load_idx %arg9[%add3A_3300, %and3A_18] : memref<512x128xf32, #tpu.memory_space<vmem>>[vector<16xi32>, vector<16xi32>], vector<16xf32>,
      %get3A_3302 = arith.constant 352 : index
      %get3A_3303 = tpu.vector_load %arg10[%get3A_3302] {strides = array<i32>} : memref<512xf32, #tpu.memory_space<vmem>>, vector<16xf32>,
      %mul3A_3304 = arith.mulf %get3A_3303, %gather3A_3301 : vector<16xf32>
      %add3A_3305 = arith.addf %add3A_3294, %mul3A_3304 : vector<16xf32>
      %mul3A_3306 = arith.constant 32 : i32
      %mul3A_3307 = vector.broadcast %mul3A_3306 : i32 to vector<16xi32>
      %mul3A_3308 = arith.muli %iota3A, %mul3A_3307 : vector<16xi32>
      %add3A_3309 = arith.constant 23 : i32
      %add3A_3310 = vector.broadcast %add3A_3309 : i32 to vector<16xi32>
      %add3A_3311 = arith.addi %mul3A_3308, %add3A_3310 : vector<16xi32>
      %gather3A_3312 = tpu.vector_load_idx %arg9[%add3A_3311, %and3A_18] : memref<512x128xf32, #tpu.memory_space<vmem>>[vector<16xi32>, vector<16xi32>], vector<16xf32>,
      %get3A_3313 = arith.constant 368 : index
      %get3A_3314 = tpu.vector_load %arg10[%get3A_3313] {strides = array<i32>} : memref<512xf32, #tpu.memory_space<vmem>>, vector<16xf32>,
      %mul3A_3315 = arith.mulf %get3A_3314, %gather3A_3312 : vector<16xf32>
      %add3A_3316 = arith.addf %add3A_3305, %mul3A_3315 : vector<16xf32>
      %mul3A_3317 = arith.constant 32 : i32
      %mul3A_3318 = vector.broadcast %mul3A_3317 : i32 to vector<16xi32>
      %mul3A_3319 = arith.muli %iota3A, %mul3A_3318 : vector<16xi32>
      %add3A_3320 = arith.constant 24 : i32
      %add3A_3321 = vector.broadcast %add3A_3320 : i32 to vector<16xi32>
      %add3A_3322 = arith.addi %mul3A_3319, %add3A_3321 : vector<16xi32>
      %gather3A_3323 = tpu.vector_load_idx %arg9[%add3A_3322, %and3A_18] : memref<512x128xf32, #tpu.memory_space<vmem>>[vector<16xi32>, vector<16xi32>], vector<16xf32>,
      %get3A_3324 = arith.constant 384 : index
      %get3A_3325 = tpu.vector_load %arg10[%get3A_3324] {strides = array<i32>} : memref<512xf32, #tpu.memory_space<vmem>>, vector<16xf32>,
      %mul3A_3326 = arith.mulf %get3A_3325, %gather3A_3323 : vector<16xf32>
      %add3A_3327 = arith.addf %add3A_3316, %mul3A_3326 : vector<16xf32>
      %mul3A_3328 = arith.constant 32 : i32
      %mul3A_3329 = vector.broadcast %mul3A_3328 : i32 to vector<16xi32>
      %mul3A_3330 = arith.muli %iota3A, %mul3A_3329 : vector<16xi32>
      %add3A_3331 = arith.constant 25 : i32
      %add3A_3332 = vector.broadcast %add3A_3331 : i32 to vector<16xi32>
      %add3A_3333 = arith.addi %mul3A_3330, %add3A_3332 : vector<16xi32>
      %gather3A_3334 = tpu.vector_load_idx %arg9[%add3A_3333, %and3A_18] : memref<512x128xf32, #tpu.memory_space<vmem>>[vector<16xi32>, vector<16xi32>], vector<16xf32>,
      %get3A_3335 = arith.constant 400 : index
      %get3A_3336 = tpu.vector_load %arg10[%get3A_3335] {strides = array<i32>} : memref<512xf32, #tpu.memory_space<vmem>>, vector<16xf32>,
      %mul3A_3337 = arith.mulf %get3A_3336, %gather3A_3334 : vector<16xf32>
      %add3A_3338 = arith.addf %add3A_3327, %mul3A_3337 : vector<16xf32>
      %mul3A_3339 = arith.constant 32 : i32
      %mul3A_3340 = vector.broadcast %mul3A_3339 : i32 to vector<16xi32>
      %mul3A_3341 = arith.muli %iota3A, %mul3A_3340 : vector<16xi32>
      %add3A_3342 = arith.constant 26 : i32
      %add3A_3343 = vector.broadcast %add3A_3342 : i32 to vector<16xi32>
      %add3A_3344 = arith.addi %mul3A_3341, %add3A_3343 : vector<16xi32>
      %gather3A_3345 = tpu.vector_load_idx %arg9[%add3A_3344, %and3A_18] : memref<512x128xf32, #tpu.memory_space<vmem>>[vector<16xi32>, vector<16xi32>], vector<16xf32>,
      %get3A_3346 = arith.constant 416 : index
      %get3A_3347 = tpu.vector_load %arg10[%get3A_3346] {strides = array<i32>} : memref<512xf32, #tpu.memory_space<vmem>>, vector<16xf32>,
      %mul3A_3348 = arith.mulf %get3A_3347, %gather3A_3345 : vector<16xf32>
      %add3A_3349 = arith.addf %add3A_3338, %mul3A_3348 : vector<16xf32>
      %mul3A_3350 = arith.constant 32 : i32
      %mul3A_3351 = vector.broadcast %mul3A_3350 : i32 to vector<16xi32>
      %mul3A_3352 = arith.muli %iota3A, %mul3A_3351 : vector<16xi32>
      %add3A_3353 = arith.constant 27 : i32
      %add3A_3354 = vector.broadcast %add3A_3353 : i32 to vector<16xi32>
      %add3A_3355 = arith.addi %mul3A_3352, %add3A_3354 : vector<16xi32>
      %gather3A_3356 = tpu.vector_load_idx %arg9[%add3A_3355, %and3A_18] : memref<512x128xf32, #tpu.memory_space<vmem>>[vector<16xi32>, vector<16xi32>], vector<16xf32>,
      %get3A_3357 = arith.constant 432 : index
      %get3A_3358 = tpu.vector_load %arg10[%get3A_3357] {strides = array<i32>} : memref<512xf32, #tpu.memory_space<vmem>>, vector<16xf32>,
      %mul3A_3359 = arith.mulf %get3A_3358, %gather3A_3356 : vector<16xf32>
      %add3A_3360 = arith.addf %add3A_3349, %mul3A_3359 : vector<16xf32>
      %mul3A_3361 = arith.constant 32 : i32
      %mul3A_3362 = vector.broadcast %mul3A_3361 : i32 to vector<16xi32>
      %mul3A_3363 = arith.muli %iota3A, %mul3A_3362 : vector<16xi32>
      %add3A_3364 = arith.constant 28 : i32
      %add3A_3365 = vector.broadcast %add3A_3364 : i32 to vector<16xi32>
      %add3A_3366 = arith.addi %mul3A_3363, %add3A_3365 : vector<16xi32>
      %gather3A_3367 = tpu.vector_load_idx %arg9[%add3A_3366, %and3A_18] : memref<512x128xf32, #tpu.memory_space<vmem>>[vector<16xi32>, vector<16xi32>], vector<16xf32>,
      %get3A_3368 = arith.constant 448 : index
      %get3A_3369 = tpu.vector_load %arg10[%get3A_3368] {strides = array<i32>} : memref<512xf32, #tpu.memory_space<vmem>>, vector<16xf32>,
      %mul3A_3370 = arith.mulf %get3A_3369, %gather3A_3367 : vector<16xf32>
      %add3A_3371 = arith.addf %add3A_3360, %mul3A_3370 : vector<16xf32>
      %mul3A_3372 = arith.constant 32 : i32
      %mul3A_3373 = vector.broadcast %mul3A_3372 : i32 to vector<16xi32>
      %mul3A_3374 = arith.muli %iota3A, %mul3A_3373 : vector<16xi32>
      %add3A_3375 = arith.constant 29 : i32
      %add3A_3376 = vector.broadcast %add3A_3375 : i32 to vector<16xi32>
      %add3A_3377 = arith.addi %mul3A_3374, %add3A_3376 : vector<16xi32>
      %gather3A_3378 = tpu.vector_load_idx %arg9[%add3A_3377, %and3A_18] : memref<512x128xf32, #tpu.memory_space<vmem>>[vector<16xi32>, vector<16xi32>], vector<16xf32>,
      %get3A_3379 = arith.constant 464 : index
      %get3A_3380 = tpu.vector_load %arg10[%get3A_3379] {strides = array<i32>} : memref<512xf32, #tpu.memory_space<vmem>>, vector<16xf32>,
      %mul3A_3381 = arith.mulf %get3A_3380, %gather3A_3378 : vector<16xf32>
      %add3A_3382 = arith.addf %add3A_3371, %mul3A_3381 : vector<16xf32>
      %mul3A_3383 = arith.constant 32 : i32
      %mul3A_3384 = vector.broadcast %mul3A_3383 : i32 to vector<16xi32>
      %mul3A_3385 = arith.muli %iota3A, %mul3A_3384 : vector<16xi32>
      %add3A_3386 = arith.constant 30 : i32
      %add3A_3387 = vector.broadcast %add3A_3386 : i32 to vector<16xi32>
      %add3A_3388 = arith.addi %mul3A_3385, %add3A_3387 : vector<16xi32>
      %gather3A_3389 = tpu.vector_load_idx %arg9[%add3A_3388, %and3A_18] : memref<512x128xf32, #tpu.memory_space<vmem>>[vector<16xi32>, vector<16xi32>], vector<16xf32>,
      %get3A_3390 = arith.constant 480 : index
      %get3A_3391 = tpu.vector_load %arg10[%get3A_3390] {strides = array<i32>} : memref<512xf32, #tpu.memory_space<vmem>>, vector<16xf32>,
      %mul3A_3392 = arith.mulf %get3A_3391, %gather3A_3389 : vector<16xf32>
      %add3A_3393 = arith.addf %add3A_3382, %mul3A_3392 : vector<16xf32>
      %mul3A_3394 = arith.constant 32 : i32
      %mul3A_3395 = vector.broadcast %mul3A_3394 : i32 to vector<16xi32>
      %mul3A_3396 = arith.muli %iota3A, %mul3A_3395 : vector<16xi32>
      %add3A_3397 = arith.constant 31 : i32
      %add3A_3398 = vector.broadcast %add3A_3397 : i32 to vector<16xi32>
      %add3A_3399 = arith.addi %mul3A_3396, %add3A_3398 : vector<16xi32>
      %gather3A_3400 = tpu.vector_load_idx %arg9[%add3A_3399, %and3A_18] : memref<512x128xf32, #tpu.memory_space<vmem>>[vector<16xi32>, vector<16xi32>], vector<16xf32>,
      %get3A_3401 = arith.constant 496 : index
      %get3A_3402 = tpu.vector_load %arg10[%get3A_3401] {strides = array<i32>} : memref<512xf32, #tpu.memory_space<vmem>>, vector<16xf32>,
      %mul3A_3403 = arith.mulf %get3A_3402, %gather3A_3400 : vector<16xf32>
      %add3A_3404 = arith.addf %add3A_3393, %mul3A_3403 : vector<16xf32>
      %swap3A_3405 = arith.index_cast %mul3A_10 : i32 to index
      %swap3A_3406 = tpu.vector_load %arg11[%swap3A_3405] {strides = array<i32>} : memref<512xf32, #tpu.memory_space<vmem>>, vector<16xf32>,
      tpu.vector_store %arg11[%swap3A_3405], %add3A_3404 {strides = array<i32>} : memref<512xf32, #tpu.memory_space<vmem>>, vector<16xf32>,
    }
    %scan3A_7 = arith.constant 32 : i32
    "tpu.region"() ({
      %run_scoped3A = tpu.sem_alloc : memref<!tpu.dma_semaphore, #tpu.memory_space<semaphore_mem>>
      %dma_start3A = tpu.memref_slice %arg6[%mul3A_2] : memref<16384xf32, #tpu.memory_space<hbm>> -> memref<512xf32, #tpu.memory_space<hbm>>
      %dma_start3A_8 = tpu.memref_slice %arg6[%mul3A_2] : memref<16384xf32, #tpu.memory_space<hbm>> -> memref<512xf32, #tpu.memory_space<hbm>>
      tpu.enqueue_dma source(%arg11 : memref<512xf32, #tpu.memory_space<vmem>>) target(%dma_start3A_8 : memref<512xf32, #tpu.memory_space<hbm>>) target_semaphore(%run_scoped3A : memref<!tpu.dma_semaphore, #tpu.memory_space<semaphore_mem>>)
      %dma_wait3A = tpu.memref_slice %arg6[%mul3A_2] : memref<16384xf32, #tpu.memory_space<hbm>> -> memref<512xf32, #tpu.memory_space<hbm>>
      %dma_wait3A_9 = tpu.memref_slice %arg6[%mul3A_2] : memref<16384xf32, #tpu.memory_space<hbm>> -> memref<512xf32, #tpu.memory_space<hbm>>
      tpu.wait_dma2 semaphore(%run_scoped3A : memref<!tpu.dma_semaphore, #tpu.memory_space<semaphore_mem>>) src(%arg11 : memref<512xf32, #tpu.memory_space<vmem>>) dst(%dma_wait3A_9 : memref<512xf32, #tpu.memory_space<hbm>>)
      tpu.yield
    }) : () -> ()
    return
  }
}

</mosaic_0001>

<sc_bundles>
// kernel: _run.3.cloned.1.call-start
scs
__scs_entry_jumppad:
0x0: {  	(pc) =	sbr.rel $0x88, $3  }
0x1: {  	(tag) =	ssettag $0x0;
	lr =	simm.s32 $0x1  }
0x2: {  	[smem:$0x3F9D] =	sst lr;
	_ =	strace $0xD0000000  }
0x3: {  	_ = 	snop  }
0x4: {  	_ = 	snop  }
0x5: {  	_ = 	snop  }
0x6: {  	_ = 	snop  }
0x7: {  	_ = 	snop  }
__scs_overlays_trampoline_lowered:
0x8: {  	[smem:$0x3FAC] =	sst s0  }
0x9: {  	[smem:$0x3FAD] =	sst s1  }
0xa: {  	[smem:$0x3FAE] =	sst s2  }
0xb: {  	[smem:$0x3FAF] =	sst s3  }
0xc: {  	[smem:$0x3FB0] =	sst s4  }
0xd: {  	[smem:$0x3FB1] =	sst s5  }
0xe: {  	[smem:$0x3FB2] =	sst s6  }
0xf: {  	[smem:$0x3FB3] =	sst s7  }
0x10: {  	[smem:$0x3FB4] =	sst s8  }
0x11: {  	[smem:$0x3FB5] =	sst s9;
	s0 =	simm.s32 @!p0 $0x0  }
0x12: {  	s1 =	sld [smem:$0x3F9B];
	s0 =	simm.s32 @p0 $0x1  }
0x13: {  	[smem:$0x3FB6] =	sst s0;
	s0 =	simm.s32 @!p1 $0x0  }
0x14: {  	s2 =	sld [smem:$0x3F9A];
	s0 =	simm.s32 @p1 $0x1  }
0x15: {  	[smem:$0x3FB7] =	sst s0;
	s0 =	simm.s32 @!p2 $0x0  }
0x16: {  	s3 =	sld [smem:$0x3FDB];
	s0 =	simm.s32 @p2 $0x1  }
0x17: {  	s4 =	simm.s32 $0x1BF5;
	[smem:$0x3FB9] =	sst s0  }
0x18: {  	s0 =	sld [smem:$0x3F9C];
	_ =	swait.ge [sflag:s4], $0x0  }
0x19: {  	s7 =	sld [smem:$0x3F9D]  }
0x1a: {  	s8 =	sadd.s32 $0xFFFFE003, lr  }
0x1b: {  	s9 =	sadd.s32 $0xFFFFFEF7, lr;
	s5 =	simm.s32 $0xFFFFFFFF;
	p2 =	slt.u32 s8, $0xFFFFF086  }
0x1c: {  	p1 =	slt.u32 s9, $0xF7A;
	s5 =	simm.s32 @!p2 $0x0  }
0x1d: {  	s5 =	simm.s32 @p1 $0x1;
	p0 =	seq.s32 s7, s2  }
0x1e: {  	s7 =	smul.u32 @!p0 $0xF7A, s2;
	p2 =	seq.s32 @!p0 s5, $0x0  }
0x1f: {  	s9 =	smul.u32 $0xF7A, s1;
	s8 =	simm.s32 @!p0 $0x1BF5;
	p2 =	por !p2, p0  }
0x20: {  	[sflag:s8] =	ssyncset.s32 @!p0 $0xFFFFF086;
	s6 =	sadd.s32 @!p0 s3, s7;
	s7 =	simm.s32 @!p0 $0x108  }
0x21: {  	s3 =	sadd.s32 s3, s9;
	s6 =	sadd.s32 @!p0 $0x88, s6;
	s7 =	simm.s32 @p2 $0x1082  }
0x22: {  	[simem:s7], [sflag:s8] =	dma.local @!p0 [hbm:s6], $0xF7A  }
0x23: {  	s9 =	sor.u32 $0xD0000000, s2;
	s6 =	simm.s32 $0x108;
	_ =	swait.ge @!p0 [sflag:s8], $0x0  }
0x24: {  	s3 =	sadd.s32 $0x88, s3;
	s6 =	simm.s32 @!p1 $0x1082;
	[sflag:s4] =	ssyncset.s32 $0xFFFFF086  }
0x25: {  	[simem:s6], [sflag:s4] =	dma.local [hbm:s3], $0xF7A  }
0x26: {  	[smem:$0x3F9D] =	sst s1;
	(tag) =	ssettag s2;
	_ =	strace s9  }
0x27: {  	s1 =	sld [smem:$0x3FAD]  }
0x28: {  	s2 =	sld [smem:$0x3FAE]  }
0x29: {  	s4 =	sld [smem:$0x3FB0]  }
0x2a: {  	p0 =	seq.s32 s5, $0x0;
	s5 =	sld [smem:$0x3FB1]  }
0x2b: {  	s6 =	sld [smem:$0x3FB2]  }
0x2c: {  	s7 =	sld [smem:$0x3FB3]  }
0x2d: {  	s3 =	simm.s32 $0x108;
	s8 =	sld [smem:$0x3FB4]  }
0x2e: {  	s3 =	simm.s32 @!p0 $0x1082;
	s9 =	sld [smem:$0x3FB5]  }
0x2f: {  	lr =	sadd.s32 s0, s3;
	s0 =	sld [smem:$0x3FAC]  }
0x30: {  	s3 =	sld [smem:$0x3FAF]  }
0x31: {  	[smem:$0x3FB8] =	sst s10  }
0x32: {  	s10 =	sld [smem:$0x3FB6];
	_ =	sdelay $0x3  }
0x33: {  	p0 =	seq.s32 s10, $0x1;
	s10 =	sld [smem:$0x3FB8];
	_ =	sdelay $0x3  }
0x34: {  	[smem:$0x3FB8] =	sst s10  }
0x35: {  	s10 =	sld [smem:$0x3FB7];
	_ =	sdelay $0x3  }
0x36: {  	p1 =	seq.s32 s10, $0x1;
	s10 =	sld [smem:$0x3FB8];
	_ =	sdelay $0x3  }
0x37: {  	[smem:$0x3FB8] =	sst s10  }
0x38: {  	s10 =	sld [smem:$0x3FB9]  }
0x39: {  	_ = 	snop;
	(pc) =	sbr.ind lr, $3  }
0x3a: {  	_ = 	snop  }
0x3b: {  	_ = 	snop  }
0x3c: {  	p2 =	seq.s32 s10, $0x1;
	s10 =	sld [smem:$0x3FB8]  }
0x3d: {  	_ =	shalt  }
0x3e: {  	_ =	shalt  }
0x3f: {  	_ =	shalt  }
0x40: {  	_ =	shalt  }
0x41: {  	_ =	shalt  }
0x42: {  	_ =	shalt  }
0x43: {  	_ =	shalt  }
0x44: {  	_ =	shalt  }
0x45: {  	_ =	shalt  }
0x46: {  	_ =	shalt  }
0x47: {  	_ =	shalt  }
0x48: {  	_ =	shalt  }
0x49: {  	_ =	shalt  }
0x4a: {  	_ =	shalt  }
0x4b: {  	_ =	shalt  }
0x4c: {  	_ =	shalt  }
0x4d: {  	_ =	shalt  }
0x4e: {  	_ =	shalt  }
0x4f: {  	_ =	shalt  }
0x50: {  	_ =	shalt  }
0x51: {  	_ =	shalt  }
0x52: {  	_ =	shalt  }
0x53: {  	_ =	shalt  }
0x54: {  	_ =	shalt  }
0x55: {  	_ =	shalt  }
0x56: {  	_ =	shalt  }
0x57: {  	_ =	shalt  }
0x58: {  	_ =	shalt  }
0x59: {  	_ =	shalt  }
0x5a: {  	_ =	shalt  }
0x5b: {  	_ =	shalt  }
0x5c: {  	_ =	shalt  }
0x5d: {  	_ =	shalt  }
0x5e: {  	_ =	shalt  }
0x5f: {  	_ =	shalt  }
0x60: {  	_ =	shalt  }
0x61: {  	_ =	shalt  }
0x62: {  	_ =	shalt  }
0x63: {  	_ =	shalt  }
0x64: {  	_ =	shalt  }
0x65: {  	_ =	shalt  }
0x66: {  	_ =	shalt  }
0x67: {  	_ =	shalt  }
0x68: {  	_ =	shalt  }
0x69: {  	_ =	shalt  }
0x6a: {  	_ =	shalt  }
0x6b: {  	_ =	shalt  }
0x6c: {  	_ =	shalt  }
0x6d: {  	_ =	shalt  }
0x6e: {  	_ =	shalt  }
0x6f: {  	_ =	shalt  }
0x70: {  	_ =	shalt  }
0x71: {  	_ =	shalt  }
0x72: {  	_ =	shalt  }
0x73: {  	_ =	shalt  }
0x74: {  	_ =	shalt  }
0x75: {  	_ =	shalt  }
0x76: {  	_ =	shalt  }
0x77: {  	_ =	shalt  }
0x78: {  	_ =	shalt  }
0x79: {  	_ =	shalt  }
0x7a: {  	_ =	shalt  }
0x7b: {  	_ =	shalt  }
0x7c: {  	_ =	shalt  }
0x7d: {  	_ =	shalt  }
0x7e: {  	_ =	shalt  }
0x7f: {  	_ =	shalt  }
0x80: {  	_ =	shalt  }
0x81: {  	_ =	shalt  }
0x82: {  	_ =	shalt  }
0x83: {  	_ =	shalt  }
0x84: {  	_ =	shalt  }
0x85: {  	_ =	shalt  }
0x86: {  	_ =	shalt  }
0x87: {  	_ =	shalt  }
.Lfunc_end0:
.L_simem_size_0:
called_computation_lowered:
.L_overlay_start_0:
0x88: {  	s2 =	sld [smem:$0x3FD9]  }
0x89: {  	s3 =	sld [smem:$0x3FFE];
	_ =	sdelay $0x1  }
0x8a: {  	s1 =	srdreg.scid  }
0x8b: {  	s0 =	sand.u32 $0x1, s1  }
0x8c: {  	s18 =	sshll.u32 s0, $0xA;
	s2 =	sadd.s32 s3, s2  }
0x8d: {  	s2 =	sadd.s32 s2, s18  }
0x8e: {  	[smem:$0x3FC4] =	sst s2  }
0x8f: {  	_ = 	snop  }
0x90: {  	s2 =	sld [smem:$0x3FC9]  }
0x91: {  	s19 =	sld [smem:$0x3FC8]  }
0x92: {  	s4 =	sld [smem:$0x3FC7]  }
0x93: {  	s5 =	sld [smem:$0x3FC6]  }
0x94: {  	s6 =	sld [smem:$0x3FD0];
	(tm) =	ssettm $0x1  }
0x95: {  	s7 =	sld [smem:$0x3FFB];
	_ =	sdelay $0x3  }
0x96: {  	_ =	strace s7  }
0x97: {  	s7 =	sld [smem:$0x3FFC];
	_ =	sdelay $0x3  }
0x98: {  	_ =	strace s7  }
0x99: {  	s7 =	sld [smem:$0x3FFD];
	_ =	sdelay $0x3  }
0x9a: {  	_ =	strace s7  }
0x9b: {  	_ =	strace $0x8FFFFFFF  }
0x9c: {  	s20 =	sld [smem:$0x3FDB];
	_ =	sdelay $0x1  }
0x9d: {  	s8 =	simm.s32 $_scs_section_size  }
0x9e: {  	s9 =	simm.s32 $_size__tile_overlayer_lowered;
	s10 =	simm.s32 $_tile_overlayer_lowered  }
0x9f: {  	s23 =	simm.s32 $0x1BFF;
	s22 =	sshll.u32 s10, $0x1;
	s7 =	sadd.s32 s8, s20  }
0xa0: {  	s11 =	simm.s32 $0x0;
	s21 =	sshll.u32 s9, $0x1;
	s9 =	sadd.s32 s22, s7  }
0xa1: {  	[timem:s11], [sflag:s23] =	dma.local [hbm:s9], s21  }
0xa2: {  	_ =	swait.ge [sflag:s23], s21  }
0xa3: {  	s8 =	ssub.s32 $0x0, s21;
	[sflag:s23] =	ssyncset.done $0x0  }
0xa4: {  	[sflag:s23] =	ssyncadd.s32 s8;
	_ =	sdelay $0x1  }
0xa5: {  	s24 =	simm.s32 $0x1B8B  }
0xa6: {  	_ =	swait.ge [sflag:s24], $0x1  }
0xa7: {  	[sflag:s24] =	ssyncset.done $0x0  }
0xa8: {  	s25 =	simm.s32 $0x1B8E;
	[sflag:s24] =	ssyncadd.s32 $0xFFFFFFFF  }
0xa9: {  	s26 =	simm.s32 $execute0_lowered;
	[smem:$0x3FD2] =	sst s25  }
0xaa: {  	s8 =	sshll.u32 s26, $0x1;
	_ =	strace $0x80000046;
	[dreg:$0x1] =	wrdreg $0xFFFFFFFF  }
0xab: {  	s28 =	simm.s32 $_size_execute0_lowered;
	s7 =	sadd.s32 s7, s8;
	[dreg:$0x0] =	wrdreg $0x0  }
0xac: {  	s8 =	sshll.u32 s28, $0x1;
	[dreg:$0x2] =	wrdreg s7  }
0xad: {  	[dreg:$0x3] =	wrdreg s8  }
0xae: {  	[dreg:$0x4] =	wrdreg $0xC0  }
0xaf: {  	_ =	task [dreg:s11], $0x5FFFF  }
0xb0: {  	[dreg:$0x1] =	wrdreg $0xFFFFFFFF  }
0xb1: {  	[dreg:$0x0] =	wrdreg $0x60  }
0xb2: {  	[dreg:$0x2] =	wrdreg s2  }
0xb3: {  	[dreg:$0x3] =	wrdreg s19  }
0xb4: {  	[dreg:$0x4] =	wrdreg s4  }
0xb5: {  	[dreg:$0x5] =	wrdreg s5  }
0xb6: {  	[dreg:$0x6] =	wrdreg s6  }
0xb7: {  	[dreg:$0x7] =	wrdreg $0x9  }
0xb8: {  	_ =	task.clear_ibuf [dreg:s11], $0x8FFFF;
	_ =	strace $0x90000046  }
0xb9: {  	s29 =	simm.s32 $0x9;
	_ =	strace $0x80000048  }
0xba: {  	_ =	swait.ge [sflag:s29], $0x1  }
0xbb: {  	[sflag:s29] =	ssyncadd.s32 $0xFFFFFFFF  }
0xbc: {  	_ =	strace $0x90000048  }
0xbd: {  	_ =	sfence  }
0xbe: {  	s30 =	sld [smem:$0x0];
	_ =	sdelay $0x2  }
0xbf: {  	s31 =	sshll.u32 s1, $0xD;
	s1 =	sshrl.u32 s1, $0x2  }
0xc0: {  	s3 =	sand.u32 $0x4000, s31;
	s1 =	sadd.s32 s1, s30  }
0xc1: {  	s0 =	sor.u32 s3, s0;
	s1 =	sshll.u32 s1, $0x11  }
0xc2: {  	s0 =	sor.u32 s1, s0  }
0xc3: {  	s0 =	sadd.s32 $0x8F2B, s0  }
0xc4: {  	[sflag:s0] =	ssyncadd.remote.s32 $0x1  }
0xc5: {  	_ =	sfence.sel $0xFFFF  }
0xc6: {  	[dreg:$0x0] =	wrdreg $0xFFFFFFFF;
	(pc) =	sbr.abs _section_cstart, $3  }
0xc7: {  	[dreg:$0x1] =	wrdreg $0xFFFFFFFF  }
0xc8: {  	_ =	task.clear_ibuf [dreg:s11], $0x2FFFF;
	_ =	strace $0x9FFFFFFF  }
0xc9: {  	(tm) =	ssettm $0x7FFFFFFF  }
tec
execute0_lowered:
.L_overlay_start_1:
0x0: {  	(tag) =	ssettag $0x1  }
0x1: {  	s0 =	rddreg [dreg:$0x0]  }
0x2: {  	s3 =	rddreg [dreg:$0x1]  }
0x3: {  	s1 =	rddreg [dreg:$0x2]  }
0x4: {  	s2 =	rddreg [dreg:$0x3]  }
0x5: {  	s5 =	rddreg [dreg:$0x4];
	s6 =	srdreg.scid  }
0x6: {  	s4 =	simm.s32 $0x0;
	s8 =	stileid.u32;
	s23 =	simm.s32 $0x2;
	v0 =	vlaneseq.u32  }
0x7: {  	s11 =	simm.s32 $0x400;
	s21 =	simm.s32 $0x1;
	s17 =	simm.s32 $0x10000;
	v0 =	vmul.u32 $0x1000, v0  }
0x8: {  	s18 =	simm.s32 $0x800;
	s19 =	simm.s32 $0xC00;
	s20 =	simm.s32 $0x1000  }
0x9: {  	s28 =	simm.s32 $0x1800;
	s29 =	simm.s32 $0x1C00;
	s30 =	simm.s32 $0x2000;
	v1 =	vor.u32 $0x80, v0  }
0xa: {  	s31 =	simm.s32 $0x2400;
	s10 =	simm.s32 $0x3000;
	s12 =	simm.s32 $0x4800;
	v2 =	vor.u32 $0x100, v0;
	v3 =	vor.u32 $0x180, v0;
	v4 =	vor.u32 $0x200, v0  }
0xb: {  	s13 =	simm.s32 $0x4C00;
	s14 =	simm.s32 $0x5000;
	s6 =	sand.u32 $0x1, s6;
	v5 =	vor.u32 $0x280, v0;
	v6 =	vor.u32 $0x300, v0;
	v7 =	vor.u32 $0x380, v0  }
0xc: {  	s15 =	simm.s32 $0x5400;
	s8 =	sshll.u32 s8, $0x7;
	s7 =	ssub.s32 $0x2, s6;
	v8 =	vor.u32 $0x400, v0;
	v9 =	vor.u32 $0x480, v0;
	v10 =	vor.u32 $0x500, v0  }
0xd: {  	[smem:$0x7FF] =	sst s4;
	s6 =	sshll.u32 s6, $0x6;
	s9 =	sshrl.u32 s7, $0x1;
	v11 =	vor.u32 $0x580, v0;
	v12 =	vor.u32 $0x600, v0;
	v13 =	vor.u32 $0x680, v0  }
0xe: {  	_ =	strace $0x80000047;
	s6 =	sor.u32 s6, s8;
	v14 =	vor.u32 $0x700, v0;
	v15 =	vor.u32 $0x780, v0;
	v16 =	vor.u32 $0x800, v0;
	s7 =	ssub.s32 s7, s9  }
0xf: {  	v17 =	vor.u32 $0x880, v0;
	v18 =	vor.u32 $0x900, v0;
	v19 =	vor.u32 $0x980, v0;
	s0 =	sadd.s32 s0, s6;
	s24 =	sadd.s32 s3, s6;
	s25 =	sadd.s32 s5, s6  }
0x10: {  	v20 =	vor.u32 $0xA00, v0;
	v21 =	vor.u32 $0xA80, v0;
	v22 =	vor.u32 $0xB00, v0;
	s3 =	simm.s32 $0x2C00;
	s5 =	simm.s32 $0x3400;
	[dreg:$0x6] =	wrdreg s0  }
0x11: {  	v23 =	vor.u32 $0xB80, v0;
	v24 =	vor.u32 $0xC00, v0;
	v25 =	vor.u32 $0xC80, v0;
	s6 =	simm.s32 $0x3800;
	s9 =	simm.s32 $0x4400;
	[dreg:$0x7] =	wrdreg s24  }
0x12: {  	v26 =	vor.u32 $0xD00, v0;
	v27 =	vor.u32 $0xD80, v0;
	v28 =	vor.u32 $0xE00, v0;
	[dreg:$0x8] =	wrdreg s25;
	s26 =	smax.u32 s7, $0x1;
	s0 =	simm.s32 $0x0  }
0x13: {  	v29 =	vor.u32 $0xE80, v0;
	v30 =	vor.u32 $0xF00, v0;
	v31 =	vor.u32 $0xF80, v0;
	s7 =	simm.s32 $0x3C00;
	[dreg:$0x9] =	wrdreg s26;
	s26 =	simm.s32 $0x1400  }
.LBB2_1:
0x14: {  	[dreg:$0xa] =	wrdreg s0  }
0x15: {  	s22 =	rddreg [dreg:$0x6]  }
0x16: {  	[tilespmem:s4], [sflag:$0x2] =	stream.linear.gather [hbm4b:s22+s4], $0x200, $0x38;
	[tilespmem:$0x10800] =	vst v63  }
0x17: {  	_ =	swait.ge [sflag:s23], $0x200  }
0x18: {  	[sflag:s23] =	ssyncset.done $0x0  }
0x19: {  	s24 =	simm.s32 $0x200;
	s25 =	rddreg [dreg:$0x7];
	[sflag:s23] =	ssyncadd.s32 $0xFFFFFE00  }
0x1a: {  	[tilespmem:s24], [sflag:$0x2] =	stream.linear.gather [hbm4b:s25+s4], $0x200, $0x38;
	[tilespmem:$0x10800] =	vst v63  }
0x1b: {  	_ =	swait.ge [sflag:s23], $0x200  }
0x1c: {  	[sflag:s23] =	ssyncset.done $0x0  }
0x1d: {  	s22 =	simm.s32 $0x0;
	[sflag:s23] =	ssyncadd.s32 $0xFFFFFE00  }
.LBB2_2:
0x1e: {  	s23 =	sshra.s32 s22, $0x2  }
0x1f: {  	v33 =	vld [tilespmem:s23+$0x0];
	_ =	sdelay $0x4  }
0x20: {  	(v2sf) =	vpush v33, $0x0;
	_ =	sdelay $0x7  }
0x21: {  	(v2sf) =	vpush v33, $0x1;
	_ =	sdelay $0x6  }
0x22: {  	s24 =	spop (v2sf)  }
0x23: {  	s24 =	sand.u32 $0xFFFFF80, s24  }
0x24: {  	(v2sf) =	vpush v33, $0x2;
	s24 =	sadd.s32 s1, s24  }
0x25: {  	v32 =	vld [tilespmem:s23+$0x200];
	[tilespmem:s11], [sflag:$0x1] =	stream.linear.gather [hbm4b:s24+s4], $0x400, $0x38  }
0x26: {  	s25 =	sadd.s32 $0xF4280, s24  }
0x27: {  	[tilespmem:s18], [sflag:$0x1] =	stream.linear.gather [hbm4b:s25+s4], $0x400, $0x38;
	[tilespmem:$0x10800] =	vst v63  }
0x28: {  	s16 =	sadd.s32 $0x1E8500, s24  }
0x29: {  	[tilespmem:s19], [sflag:$0x1] =	stream.linear.gather [hbm4b:s16+s4], $0x400, $0x38;
	[tilespmem:$0x10800] =	vst v63  }
0x2a: {  	s0 =	spop (v2sf);
	s24 =	sadd.s32 $0x2DC780, s24  }
0x2b: {  	[tilespmem:s20], [sflag:$0x1] =	stream.linear.gather [hbm4b:s24+s4], $0x400, $0x38;
	[tilespmem:$0x10800] =	vst v63  }
0x2c: {  	s24 =	sand.u32 $0xFFFFF80, s0  }
0x2d: {  	(v2sf) =	vpush v33, $0x3;
	s24 =	sadd.s32 s1, s24  }
0x2e: {  	[tilespmem:s26], [sflag:$0x1] =	stream.linear.gather [hbm4b:s24+s4], $0x400, $0x38;
	[tilespmem:$0x10800] =	vst v63  }
0x2f: {  	s8 =	sadd.s32 $0xF4280, s24  }
0x30: {  	[tilespmem:s28], [sflag:$0x1] =	stream.linear.gather [hbm4b:s8+s4], $0x400, $0x38;
	[tilespmem:$0x10800] =	vst v63  }
0x31: {  	s16 =	sadd.s32 $0x1E8500, s24  }
0x32: {  	[tilespmem:s29], [sflag:$0x1] =	stream.linear.gather [hbm4b:s16+s4], $0x400, $0x38;
	[tilespmem:$0x10800] =	vst v63  }
0x33: {  	s24 =	sadd.s32 $0x2DC780, s24;
	s0 =	spop (v2sf)  }
0x34: {  	[tilespmem:s30], [sflag:$0x1] =	stream.linear.gather [hbm4b:s24+s4], $0x400, $0x38;
	[tilespmem:$0x10800] =	vst v63  }
0x35: {  	s24 =	sand.u32 $0xFFFFF80, s0  }
0x36: {  	(v2sf) =	vpush v33, $0x4;
	s24 =	sadd.s32 s1, s24  }
0x37: {  	[tilespmem:s31], [sflag:$0x1] =	stream.linear.gather [hbm4b:s24+s4], $0x400, $0x38;
	[tilespmem:$0x10800] =	vst v63  }
0x38: {  	s0 =	simm.s32 $0x2800;
	s8 =	sadd.s32 $0xF4280, s24  }
0x39: {  	[tilespmem:s0], [sflag:$0x1] =	stream.linear.gather [hbm4b:s8+s4], $0x400, $0x38;
	[tilespmem:$0x10800] =	vst v63  }
0x3a: {  	s16 =	sadd.s32 $0x1E8500, s24  }
0x3b: {  	[tilespmem:s3], [sflag:$0x1] =	stream.linear.gather [hbm4b:s16+s4], $0x400, $0x38;
	[tilespmem:$0x10800] =	vst v63  }
0x3c: {  	s25 =	spop (v2sf);
	s24 =	sadd.s32 $0x2DC780, s24  }
0x3d: {  	[tilespmem:s10], [sflag:$0x1] =	stream.linear.gather [hbm4b:s24+s4], $0x400, $0x38;
	[tilespmem:$0x10800] =	vst v63  }
0x3e: {  	s24 =	sand.u32 $0xFFFFF80, s25  }
0x3f: {  	(v2sf) =	vpush v33, $0x5;
	s24 =	sadd.s32 s1, s24  }
0x40: {  	[tilespmem:s5], [sflag:$0x1] =	stream.linear.gather [hbm4b:s24+s4], $0x400, $0x38;
	[tilespmem:$0x10800] =	vst v63  }
0x41: {  	s8 =	sadd.s32 $0xF4280, s24  }
0x42: {  	[tilespmem:s6], [sflag:$0x1] =	stream.linear.gather [hbm4b:s8+s4], $0x400, $0x38;
	[tilespmem:$0x10800] =	vst v63  }
0x43: {  	s16 =	sadd.s32 $0x1E8500, s24  }
0x44: {  	[tilespmem:s7], [sflag:$0x1] =	stream.linear.gather [hbm4b:s16+s4], $0x400, $0x38;
	[tilespmem:$0x10800] =	vst v63  }
0x45: {  	s24 =	sadd.s32 $0x2DC780, s24;
	s8 =	simm.s32 $0x4000;
	s25 =	spop (v2sf)  }
0x46: {  	[tilespmem:s8], [sflag:$0x1] =	stream.linear.gather [hbm4b:s24+s4], $0x400, $0x38;
	[tilespmem:$0x10800] =	vst v63  }
0x47: {  	s24 =	sand.u32 $0xFFFFF80, s25  }
0x48: {  	(v2sf) =	vpush v33, $0x6;
	s24 =	sadd.s32 s1, s24  }
0x49: {  	[tilespmem:s9], [sflag:$0x1] =	stream.linear.gather [hbm4b:s24+s4], $0x400, $0x38;
	[tilespmem:$0x10800] =	vst v63  }
0x4a: {  	s8 =	sadd.s32 $0xF4280, s24  }
0x4b: {  	[tilespmem:s12], [sflag:$0x1] =	stream.linear.gather [hbm4b:s8+s4], $0x400, $0x38;
	[tilespmem:$0x10800] =	vst v63  }
0x4c: {  	s16 =	sadd.s32 $0x1E8500, s24  }
0x4d: {  	[tilespmem:s13], [sflag:$0x1] =	stream.linear.gather [hbm4b:s16+s4], $0x400, $0x38;
	[tilespmem:$0x10800] =	vst v63  }
0x4e: {  	s25 =	spop (v2sf);
	s24 =	sadd.s32 $0x2DC780, s24  }
0x4f: {  	[tilespmem:s14], [sflag:$0x1] =	stream.linear.gather [hbm4b:s24+s4], $0x400, $0x38;
	[tilespmem:$0x10800] =	vst v63  }
0x50: {  	s24 =	sand.u32 $0xFFFFF80, s25  }
0x51: {  	(v2sf) =	vpush v33, $0x7;
	s24 =	sadd.s32 s1, s24  }
0x52: {  	[tilespmem:s15], [sflag:$0x1] =	stream.linear.gather [hbm4b:s24+s4], $0x400, $0x38;
	[tilespmem:$0x10800] =	vst v63  }
0x53: {  	s16 =	simm.s32 $0x5800;
	s8 =	sadd.s32 $0xF4280, s24  }
0x54: {  	[tilespmem:s16], [sflag:$0x1] =	stream.linear.gather [hbm4b:s8+s4], $0x400, $0x38;
	[tilespmem:$0x10800] =	vst v63  }
0x55: {  	s25 =	sadd.s32 $0x1E8500, s24;
	s8 =	simm.s32 $0x5C00  }
0x56: {  	[tilespmem:s8], [sflag:$0x1] =	stream.linear.gather [hbm4b:s25+s4], $0x400, $0x38;
	[tilespmem:$0x10800] =	vst v63  }
0x57: {  	s24 =	sadd.s32 $0x2DC780, s24;
	s25 =	simm.s32 $0x6000;
	s8 =	spop (v2sf)  }
0x58: {  	[tilespmem:s25], [sflag:$0x1] =	stream.linear.gather [hbm4b:s24+s4], $0x400, $0x38;
	[tilespmem:$0x10800] =	vst v63  }
0x59: {  	s24 =	sand.u32 $0xFFFFF80, s8  }
0x5a: {  	(v2sf) =	vpush v33, $0x8;
	s25 =	simm.s32 $0x6400;
	s24 =	sadd.s32 s1, s24  }
0x5b: {  	[tilespmem:s25], [sflag:$0x1] =	stream.linear.gather [hbm4b:s24+s4], $0x400, $0x38;
	[tilespmem:$0x10800] =	vst v63  }
0x5c: {  	s8 =	simm.s32 $0x6800;
	s25 =	sadd.s32 $0xF4280, s24  }
0x5d: {  	[tilespmem:s8], [sflag:$0x1] =	stream.linear.gather [hbm4b:s25+s4], $0x400, $0x38;
	[tilespmem:$0x10800] =	vst v63  }
0x5e: {  	s25 =	sadd.s32 $0x1E8500, s24;
	s8 =	simm.s32 $0x6C00  }
0x5f: {  	[tilespmem:s8], [sflag:$0x1] =	stream.linear.gather [hbm4b:s25+s4], $0x400, $0x38;
	[tilespmem:$0x10800] =	vst v63  }
0x60: {  	s24 =	sadd.s32 $0x2DC780, s24;
	s25 =	simm.s32 $0x7000;
	s8 =	spop (v2sf)  }
0x61: {  	[tilespmem:s25], [sflag:$0x1] =	stream.linear.gather [hbm4b:s24+s4], $0x400, $0x38;
	[tilespmem:$0x10800] =	vst v63  }
0x62: {  	s24 =	sand.u32 $0xFFFFF80, s8  }
0x63: {  	(v2sf) =	vpush v33, $0x9;
	s25 =	simm.s32 $0x7400;
	s24 =	sadd.s32 s1, s24  }
0x64: {  	[tilespmem:s25], [sflag:$0x1] =	stream.linear.gather [hbm4b:s24+s4], $0x400, $0x38;
	[tilespmem:$0x10800] =	vst v63  }
0x65: {  	s8 =	simm.s32 $0x7800;
	s25 =	sadd.s32 $0xF4280, s24  }
0x66: {  	[tilespmem:s8], [sflag:$0x1] =	stream.linear.gather [hbm4b:s25+s4], $0x400, $0x38;
	[tilespmem:$0x10800] =	vst v63  }
0x67: {  	s25 =	sadd.s32 $0x1E8500, s24;
	s8 =	simm.s32 $0x7C00  }
0x68: {  	[tilespmem:s8], [sflag:$0x1] =	stream.linear.gather [hbm4b:s25+s4], $0x400, $0x38;
	[tilespmem:$0x10800] =	vst v63  }
0x69: {  	s24 =	sadd.s32 $0x2DC780, s24;
	s25 =	simm.s32 $0x8000;
	s8 =	spop (v2sf)  }
0x6a: {  	[tilespmem:s25], [sflag:$0x1] =	stream.linear.gather [hbm4b:s24+s4], $0x400, $0x38;
	[tilespmem:$0x10800] =	vst v63  }
0x6b: {  	s24 =	sand.u32 $0xFFFFF80, s8  }
0x6c: {  	(v2sf) =	vpush v33, $0xA;
	s25 =	simm.s32 $0x8400;
	s24 =	sadd.s32 s1, s24  }
0x6d: {  	[tilespmem:s25], [sflag:$0x1] =	stream.linear.gather [hbm4b:s24+s4], $0x400, $0x38;
	[tilespmem:$0x10800] =	vst v63  }
0x6e: {  	s8 =	simm.s32 $0x8800;
	s25 =	sadd.s32 $0xF4280, s24  }
0x6f: {  	[tilespmem:s8], [sflag:$0x1] =	stream.linear.gather [hbm4b:s25+s4], $0x400, $0x38;
	[tilespmem:$0x10800] =	vst v63  }
0x70: {  	s25 =	sadd.s32 $0x1E8500, s24;
	s8 =	simm.s32 $0x8C00  }
0x71: {  	[tilespmem:s8], [sflag:$0x1] =	stream.linear.gather [hbm4b:s25+s4], $0x400, $0x38;
	[tilespmem:$0x10800] =	vst v63  }
0x72: {  	s24 =	sadd.s32 $0x2DC780, s24;
	s25 =	simm.s32 $0x9000;
	s8 =	spop (v2sf)  }
0x73: {  	[tilespmem:s25], [sflag:$0x1] =	stream.linear.gather [hbm4b:s24+s4], $0x400, $0x38;
	[tilespmem:$0x10800] =	vst v63  }
0x74: {  	s24 =	sand.u32 $0xFFFFF80, s8  }
0x75: {  	(v2sf) =	vpush v33, $0xB;
	s25 =	simm.s32 $0x9400;
	s24 =	sadd.s32 s1, s24  }
0x76: {  	[tilespmem:s25], [sflag:$0x1] =	stream.linear.gather [hbm4b:s24+s4], $0x400, $0x38;
	[tilespmem:$0x10800] =	vst v63  }
0x77: {  	s8 =	simm.s32 $0x9800;
	s25 =	sadd.s32 $0xF4280, s24  }
0x78: {  	[tilespmem:s8], [sflag:$0x1] =	stream.linear.gather [hbm4b:s25+s4], $0x400, $0x38;
	[tilespmem:$0x10800] =	vst v63  }
0x79: {  	s25 =	sadd.s32 $0x1E8500, s24;
	s8 =	simm.s32 $0x9C00  }
0x7a: {  	[tilespmem:s8], [sflag:$0x1] =	stream.linear.gather [hbm4b:s25+s4], $0x400, $0x38;
	[tilespmem:$0x10800] =	vst v63  }
0x7b: {  	s24 =	sadd.s32 $0x2DC780, s24;
	s25 =	simm.s32 $0xA000;
	s8 =	spop (v2sf)  }
0x7c: {  	[tilespmem:s25], [sflag:$0x1] =	stream.linear.gather [hbm4b:s24+s4], $0x400, $0x38;
	[tilespmem:$0x10800] =	vst v63  }
0x7d: {  	s24 =	sand.u32 $0xFFFFF80, s8  }
0x7e: {  	(v2sf) =	vpush v33, $0xC;
	s25 =	simm.s32 $0xA400;
	s24 =	sadd.s32 s1, s24  }
0x7f: {  	[tilespmem:s25], [sflag:$0x1] =	stream.linear.gather [hbm4b:s24+s4], $0x400, $0x38;
	[tilespmem:$0x10800] =	vst v63  }
0x80: {  	s8 =	simm.s32 $0xA800;
	s25 =	sadd.s32 $0xF4280, s24  }
0x81: {  	[tilespmem:s8], [sflag:$0x1] =	stream.linear.gather [hbm4b:s25+s4], $0x400, $0x38;
	[tilespmem:$0x10800] =	vst v63  }
0x82: {  	s25 =	sadd.s32 $0x1E8500, s24;
	s8 =	simm.s32 $0xAC00  }
0x83: {  	[tilespmem:s8], [sflag:$0x1] =	stream.linear.gather [hbm4b:s25+s4], $0x400, $0x38;
	[tilespmem:$0x10800] =	vst v63  }
0x84: {  	s24 =	sadd.s32 $0x2DC780, s24;
	s25 =	simm.s32 $0xB000;
	s8 =	spop (v2sf)  }
0x85: {  	[tilespmem:s25], [sflag:$0x1] =	stream.linear.gather [hbm4b:s24+s4], $0x400, $0x38;
	[tilespmem:$0x10800] =	vst v63  }
0x86: {  	s24 =	sand.u32 $0xFFFFF80, s8  }
0x87: {  	s25 =	simm.s32 $0xB400;
	s24 =	sadd.s32 s1, s24  }
0x88: {  	[tilespmem:s25], [sflag:$0x1] =	stream.linear.gather [hbm4b:s24+s4], $0x400, $0x38;
	[tilespmem:$0x10800] =	vst v63  }
0x89: {  	s8 =	simm.s32 $0xB800;
	s25 =	sadd.s32 $0xF4280, s24  }
0x8a: {  	[tilespmem:s8], [sflag:$0x1] =	stream.linear.gather [hbm4b:s25+s4], $0x400, $0x38;
	[tilespmem:$0x10800] =	vst v63  }
0x8b: {  	s25 =	sadd.s32 $0x1E8500, s24;
	s8 =	simm.s32 $0xBC00  }
0x8c: {  	[tilespmem:s8], [sflag:$0x1] =	stream.linear.gather [hbm4b:s25+s4], $0x400, $0x38;
	[tilespmem:$0x10800] =	vst v63  }
0x8d: {  	s24 =	sadd.s32 $0x2DC780, s24;
	s25 =	simm.s32 $0xC000;
	s8 =	spop (v2sf)  }
0x8e: {  	[tilespmem:s25], [sflag:$0x1] =	stream.linear.gather [hbm4b:s24+s4], $0x400, $0x38;
	[tilespmem:$0x10800] =	vst v63  }
0x8f: {  	s24 =	sand.u32 $0xFFFFF80, s8  }
0x90: {  	s25 =	simm.s32 $0xC400;
	s24 =	sadd.s32 s1, s24  }
0x91: {  	[tilespmem:s25], [sflag:$0x1] =	stream.linear.gather [hbm4b:s24+s4], $0x400, $0x38;
	[tilespmem:$0x10800] =	vst v63  }
0x92: {  	s8 =	simm.s32 $0xC800;
	s25 =	sadd.s32 $0xF4280, s24  }
0x93: {  	[tilespmem:s8], [sflag:$0x1] =	stream.linear.gather [hbm4b:s25+s4], $0x400, $0x38;
	[tilespmem:$0x10800] =	vst v63  }
0x94: {  	s25 =	sadd.s32 $0x1E8500, s24;
	s8 =	simm.s32 $0xCC00  }
0x95: {  	[tilespmem:s8], [sflag:$0x1] =	stream.linear.gather [hbm4b:s25+s4], $0x400, $0x38;
	[tilespmem:$0x10800] =	vst v63  }
0x96: {  	s24 =	sadd.s32 $0x2DC780, s24;
	s25 =	simm.s32 $0xD000  }
0x97: {  	[tilespmem:s25], [sflag:$0x1] =	stream.linear.gather [hbm4b:s24+s4], $0x400, $0x38;
	[tilespmem:$0x10800] =	vst v63  }
0x98: {  	(v2sf) =	vpush v33, $0xD;
	_ =	sdelay $0x7  }
0x99: {  	(v2sf) =	vpush v33, $0xE;
	_ =	sdelay $0x6  }
0x9a: {  	s24 =	spop (v2sf)  }
0x9b: {  	s24 =	sand.u32 $0xFFFFF80, s24  }
0x9c: {  	s25 =	simm.s32 $0xD400;
	(v2sf) =	vpush v33, $0xF;
	s24 =	sadd.s32 s1, s24  }
0x9d: {  	[tilespmem:s25], [sflag:$0x1] =	stream.linear.gather [hbm4b:s24+s4], $0x400, $0x38;
	[tilespmem:$0x10800] =	vst v63  }
0x9e: {  	s8 =	simm.s32 $0xD800;
	s25 =	sadd.s32 $0xF4280, s24  }
0x9f: {  	[tilespmem:s8], [sflag:$0x1] =	stream.linear.gather [hbm4b:s25+s4], $0x400, $0x38;
	[tilespmem:$0x10800] =	vst v63  }
0xa0: {  	s25 =	sadd.s32 $0x1E8500, s24;
	s8 =	simm.s32 $0xDC00  }
0xa1: {  	[tilespmem:s8], [sflag:$0x1] =	stream.linear.gather [hbm4b:s25+s4], $0x400, $0x38;
	[tilespmem:$0x10800] =	vst v63  }
0xa2: {  	s24 =	sadd.s32 $0x2DC780, s24;
	s25 =	simm.s32 $0xE000;
	s8 =	spop (v2sf)  }
0xa3: {  	[tilespmem:s25], [sflag:$0x1] =	stream.linear.gather [hbm4b:s24+s4], $0x400, $0x38;
	[tilespmem:$0x10800] =	vst v63  }
0xa4: {  	s24 =	sand.u32 $0xFFFFF80, s8  }
0xa5: {  	s25 =	simm.s32 $0xE400;
	s24 =	sadd.s32 s1, s24  }
0xa6: {  	[tilespmem:s25], [sflag:$0x1] =	stream.linear.gather [hbm4b:s24+s4], $0x400, $0x38;
	[tilespmem:$0x10800] =	vst v63  }
0xa7: {  	s8 =	simm.s32 $0xE800;
	s25 =	sadd.s32 $0xF4280, s24  }
0xa8: {  	[tilespmem:s8], [sflag:$0x1] =	stream.linear.gather [hbm4b:s25+s4], $0x400, $0x38;
	[tilespmem:$0x10800] =	vst v63  }
0xa9: {  	s25 =	sadd.s32 $0x1E8500, s24;
	s8 =	simm.s32 $0xEC00  }
0xaa: {  	[tilespmem:s8], [sflag:$0x1] =	stream.linear.gather [hbm4b:s25+s4], $0x400, $0x38;
	[tilespmem:$0x10800] =	vst v63  }
0xab: {  	s24 =	sadd.s32 $0x2DC780, s24;
	s25 =	simm.s32 $0xF000;
	s8 =	spop (v2sf)  }
0xac: {  	[tilespmem:s25], [sflag:$0x1] =	stream.linear.gather [hbm4b:s24+s4], $0x400, $0x38;
	[tilespmem:$0x10800] =	vst v63  }
0xad: {  	s24 =	sand.u32 $0xFFFFF80, s8  }
0xae: {  	s25 =	simm.s32 $0xF400;
	s24 =	sadd.s32 s1, s24  }
0xaf: {  	[tilespmem:s25], [sflag:$0x1] =	stream.linear.gather [hbm4b:s24+s4], $0x400, $0x38;
	[tilespmem:$0x10800] =	vst v63  }
0xb0: {  	s8 =	simm.s32 $0xF800;
	s25 =	sadd.s32 $0xF4280, s24  }
0xb1: {  	[tilespmem:s8], [sflag:$0x1] =	stream.linear.gather [hbm4b:s25+s4], $0x400, $0x38;
	[tilespmem:$0x10800] =	vst v63  }
0xb2: {  	s25 =	sadd.s32 $0x1E8500, s24;
	s8 =	simm.s32 $0xFC00  }
0xb3: {  	[tilespmem:s8], [sflag:$0x1] =	stream.linear.gather [hbm4b:s25+s4], $0x400, $0x38;
	[tilespmem:$0x10800] =	vst v63  }
0xb4: {  	s24 =	sadd.s32 $0x2DC780, s24  }
0xb5: {  	[tilespmem:s17], [sflag:$0x1] =	stream.linear.gather [hbm4b:s24+s4], $0x400, $0x38;
	[tilespmem:$0x10800] =	vst v63  }
0xb6: {  	_ =	swait.ge [sflag:s21], $0x400  }
0xb7: {  	[sflag:s21] =	ssyncset.done $0x0  }
0xb8: {  	[sflag:s21] =	ssyncadd.s32 $0xFFFFFC00  }
0xb9: {  	_ =	swait.ge [sflag:s21], $0x400  }
0xba: {  	[sflag:s21] =	ssyncset.done $0x0  }
0xbb: {  	[sflag:s21] =	ssyncadd.s32 $0xFFFFFC00  }
0xbc: {  	_ =	swait.ge [sflag:s21], $0x400  }
0xbd: {  	[sflag:s21] =	ssyncset.done $0x0  }
0xbe: {  	[sflag:s21] =	ssyncadd.s32 $0xFFFFFC00  }
0xbf: {  	_ =	swait.ge [sflag:s21], $0x400  }
0xc0: {  	[sflag:s21] =	ssyncset.done $0x0  }
0xc1: {  	[sflag:s21] =	ssyncadd.s32 $0xFFFFFC00  }
0xc2: {  	_ =	swait.ge [sflag:s21], $0x400  }
0xc3: {  	[sflag:s21] =	ssyncset.done $0x0  }
0xc4: {  	[sflag:s21] =	ssyncadd.s32 $0xFFFFFC00  }
0xc5: {  	_ =	swait.ge [sflag:s21], $0x400  }
0xc6: {  	[sflag:s21] =	ssyncset.done $0x0  }
0xc7: {  	[sflag:s21] =	ssyncadd.s32 $0xFFFFFC00  }
0xc8: {  	_ =	swait.ge [sflag:s21], $0x400  }
0xc9: {  	[sflag:s21] =	ssyncset.done $0x0  }
0xca: {  	[sflag:s21] =	ssyncadd.s32 $0xFFFFFC00  }
0xcb: {  	_ =	swait.ge [sflag:s21], $0x400  }
0xcc: {  	[sflag:s21] =	ssyncset.done $0x0  }
0xcd: {  	[sflag:s21] =	ssyncadd.s32 $0xFFFFFC00  }
0xce: {  	_ =	swait.ge [sflag:s21], $0x400  }
0xcf: {  	[sflag:s21] =	ssyncset.done $0x0  }
0xd0: {  	[sflag:s21] =	ssyncadd.s32 $0xFFFFFC00  }
0xd1: {  	_ =	swait.ge [sflag:s21], $0x400  }
0xd2: {  	[sflag:s21] =	ssyncset.done $0x0  }
0xd3: {  	[sflag:s21] =	ssyncadd.s32 $0xFFFFFC00  }
0xd4: {  	_ =	swait.ge [sflag:s21], $0x400  }
0xd5: {  	[sflag:s21] =	ssyncset.done $0x0  }
0xd6: {  	[sflag:s21] =	ssyncadd.s32 $0xFFFFFC00  }
0xd7: {  	_ =	swait.ge [sflag:s21], $0x400  }
0xd8: {  	[sflag:s21] =	ssyncset.done $0x0  }
0xd9: {  	[sflag:s21] =	ssyncadd.s32 $0xFFFFFC00  }
0xda: {  	_ =	swait.ge [sflag:s21], $0x400  }
0xdb: {  	[sflag:s21] =	ssyncset.done $0x0  }
0xdc: {  	[sflag:s21] =	ssyncadd.s32 $0xFFFFFC00  }
0xdd: {  	_ =	swait.ge [sflag:s21], $0x400  }
0xde: {  	[sflag:s21] =	ssyncset.done $0x0  }
0xdf: {  	[sflag:s21] =	ssyncadd.s32 $0xFFFFFC00  }
0xe0: {  	_ =	swait.ge [sflag:s21], $0x400  }
0xe1: {  	[sflag:s21] =	ssyncset.done $0x0  }
0xe2: {  	[sflag:s21] =	ssyncadd.s32 $0xFFFFFC00  }
0xe3: {  	_ =	swait.ge [sflag:s21], $0x400  }
0xe4: {  	[sflag:s21] =	ssyncset.done $0x0  }
0xe5: {  	[sflag:s21] =	ssyncadd.s32 $0xFFFFFC00  }
0xe6: {  	_ =	swait.ge [sflag:s21], $0x400  }
0xe7: {  	[sflag:s21] =	ssyncset.done $0x0  }
0xe8: {  	[sflag:s21] =	ssyncadd.s32 $0xFFFFFC00  }
0xe9: {  	_ =	swait.ge [sflag:s21], $0x400  }
0xea: {  	[sflag:s21] =	ssyncset.done $0x0  }
0xeb: {  	[sflag:s21] =	ssyncadd.s32 $0xFFFFFC00  }
0xec: {  	_ =	swait.ge [sflag:s21], $0x400  }
0xed: {  	[sflag:s21] =	ssyncset.done $0x0  }
0xee: {  	[sflag:s21] =	ssyncadd.s32 $0xFFFFFC00  }
0xef: {  	_ =	swait.ge [sflag:s21], $0x400  }
0xf0: {  	[sflag:s21] =	ssyncset.done $0x0  }
0xf1: {  	[sflag:s21] =	ssyncadd.s32 $0xFFFFFC00  }
0xf2: {  	_ =	swait.ge [sflag:s21], $0x400  }
0xf3: {  	[sflag:s21] =	ssyncset.done $0x0  }
0xf4: {  	[sflag:s21] =	ssyncadd.s32 $0xFFFFFC00  }
0xf5: {  	_ =	swait.ge [sflag:s21], $0x400  }
0xf6: {  	[sflag:s21] =	ssyncset.done $0x0  }
0xf7: {  	[sflag:s21] =	ssyncadd.s32 $0xFFFFFC00  }
0xf8: {  	_ =	swait.ge [sflag:s21], $0x400  }
0xf9: {  	[sflag:s21] =	ssyncset.done $0x0  }
0xfa: {  	[sflag:s21] =	ssyncadd.s32 $0xFFFFFC00  }
0xfb: {  	_ =	swait.ge [sflag:s21], $0x400  }
0xfc: {  	[sflag:s21] =	ssyncset.done $0x0  }
0xfd: {  	[sflag:s21] =	ssyncadd.s32 $0xFFFFFC00  }
0xfe: {  	_ =	swait.ge [sflag:s21], $0x400  }
0xff: {  	[sflag:s21] =	ssyncset.done $0x0  }
0x100: {  	[sflag:s21] =	ssyncadd.s32 $0xFFFFFC00  }
0x101: {  	_ =	swait.ge [sflag:s21], $0x400  }
0x102: {  	[sflag:s21] =	ssyncset.done $0x0  }
0x103: {  	[sflag:s21] =	ssyncadd.s32 $0xFFFFFC00  }
0x104: {  	_ =	swait.ge [sflag:s21], $0x400  }
0x105: {  	[sflag:s21] =	ssyncset.done $0x0  }
0x106: {  	[sflag:s21] =	ssyncadd.s32 $0xFFFFFC00  }
0x107: {  	_ =	swait.ge [sflag:s21], $0x400  }
0x108: {  	[sflag:s21] =	ssyncset.done $0x0  }
0x109: {  	[sflag:s21] =	ssyncadd.s32 $0xFFFFFC00  }
0x10a: {  	_ =	swait.ge [sflag:s21], $0x400  }
0x10b: {  	[sflag:s21] =	ssyncset.done $0x0  }
0x10c: {  	[sflag:s21] =	ssyncadd.s32 $0xFFFFFC00  }
0x10d: {  	_ =	swait.ge [sflag:s21], $0x400  }
0x10e: {  	[sflag:s21] =	ssyncset.done $0x0  }
0x10f: {  	[sflag:s21] =	ssyncadd.s32 $0xFFFFFC00  }
0x110: {  	_ =	swait.ge [sflag:s21], $0x400  }
0x111: {  	[sflag:s21] =	ssyncset.done $0x0  }
0x112: {  	[sflag:s21] =	ssyncadd.s32 $0xFFFFFC00  }
0x113: {  	_ =	swait.ge [sflag:s21], $0x400  }
0x114: {  	[sflag:s21] =	ssyncset.done $0x0  }
0x115: {  	[sflag:s21] =	ssyncadd.s32 $0xFFFFFC00  }
0x116: {  	_ =	swait.ge [sflag:s21], $0x400  }
0x117: {  	[sflag:s21] =	ssyncset.done $0x0  }
0x118: {  	[sflag:s21] =	ssyncadd.s32 $0xFFFFFC00  }
0x119: {  	_ =	swait.ge [sflag:s21], $0x400  }
0x11a: {  	[sflag:s21] =	ssyncset.done $0x0  }
0x11b: {  	[sflag:s21] =	ssyncadd.s32 $0xFFFFFC00  }
0x11c: {  	_ =	swait.ge [sflag:s21], $0x400  }
0x11d: {  	[sflag:s21] =	ssyncset.done $0x0  }
0x11e: {  	[sflag:s21] =	ssyncadd.s32 $0xFFFFFC00  }
0x11f: {  	_ =	swait.ge [sflag:s21], $0x400  }
0x120: {  	[sflag:s21] =	ssyncset.done $0x0  }
0x121: {  	[sflag:s21] =	ssyncadd.s32 $0xFFFFFC00  }
0x122: {  	_ =	swait.ge [sflag:s21], $0x400  }
0x123: {  	[sflag:s21] =	ssyncset.done $0x0  }
0x124: {  	[sflag:s21] =	ssyncadd.s32 $0xFFFFFC00  }
0x125: {  	_ =	swait.ge [sflag:s21], $0x400  }
0x126: {  	[sflag:s21] =	ssyncset.done $0x0  }
0x127: {  	[sflag:s21] =	ssyncadd.s32 $0xFFFFFC00  }
0x128: {  	_ =	swait.ge [sflag:s21], $0x400  }
0x129: {  	[sflag:s21] =	ssyncset.done $0x0  }
0x12a: {  	[sflag:s21] =	ssyncadd.s32 $0xFFFFFC00  }
0x12b: {  	_ =	swait.ge [sflag:s21], $0x400  }
0x12c: {  	[sflag:s21] =	ssyncset.done $0x0  }
0x12d: {  	[sflag:s21] =	ssyncadd.s32 $0xFFFFFC00  }
0x12e: {  	_ =	swait.ge [sflag:s21], $0x400  }
0x12f: {  	[sflag:s21] =	ssyncset.done $0x0  }
0x130: {  	[sflag:s21] =	ssyncadd.s32 $0xFFFFFC00  }
0x131: {  	_ =	swait.ge [sflag:s21], $0x400  }
0x132: {  	[sflag:s21] =	ssyncset.done $0x0  }
0x133: {  	[sflag:s21] =	ssyncadd.s32 $0xFFFFFC00  }
0x134: {  	_ =	swait.ge [sflag:s21], $0x400  }
0x135: {  	[sflag:s21] =	ssyncset.done $0x0  }
0x136: {  	[sflag:s21] =	ssyncadd.s32 $0xFFFFFC00  }
0x137: {  	_ =	swait.ge [sflag:s21], $0x400  }
0x138: {  	[sflag:s21] =	ssyncset.done $0x0  }
0x139: {  	[sflag:s21] =	ssyncadd.s32 $0xFFFFFC00  }
0x13a: {  	_ =	swait.ge [sflag:s21], $0x400  }
0x13b: {  	[sflag:s21] =	ssyncset.done $0x0  }
0x13c: {  	[sflag:s21] =	ssyncadd.s32 $0xFFFFFC00  }
0x13d: {  	_ =	swait.ge [sflag:s21], $0x400  }
0x13e: {  	[sflag:s21] =	ssyncset.done $0x0  }
0x13f: {  	[sflag:s21] =	ssyncadd.s32 $0xFFFFFC00  }
0x140: {  	_ =	swait.ge [sflag:s21], $0x400  }
0x141: {  	[sflag:s21] =	ssyncset.done $0x0  }
0x142: {  	[sflag:s21] =	ssyncadd.s32 $0xFFFFFC00  }
0x143: {  	_ =	swait.ge [sflag:s21], $0x400  }
0x144: {  	[sflag:s21] =	ssyncset.done $0x0  }
0x145: {  	[sflag:s21] =	ssyncadd.s32 $0xFFFFFC00  }
0x146: {  	_ =	swait.ge [sflag:s21], $0x400  }
0x147: {  	[sflag:s21] =	ssyncset.done $0x0  }
0x148: {  	[sflag:s21] =	ssyncadd.s32 $0xFFFFFC00  }
0x149: {  	_ =	swait.ge [sflag:s21], $0x400  }
0x14a: {  	[sflag:s21] =	ssyncset.done $0x0  }
0x14b: {  	[sflag:s21] =	ssyncadd.s32 $0xFFFFFC00  }
0x14c: {  	_ =	swait.ge [sflag:s21], $0x400  }
0x14d: {  	[sflag:s21] =	ssyncset.done $0x0  }
0x14e: {  	[sflag:s21] =	ssyncadd.s32 $0xFFFFFC00  }
0x14f: {  	_ =	swait.ge [sflag:s21], $0x400  }
0x150: {  	[sflag:s21] =	ssyncset.done $0x0  }
0x151: {  	[sflag:s21] =	ssyncadd.s32 $0xFFFFFC00  }
0x152: {  	_ =	swait.ge [sflag:s21], $0x400  }
0x153: {  	[sflag:s21] =	ssyncset.done $0x0  }
0x154: {  	[sflag:s21] =	ssyncadd.s32 $0xFFFFFC00  }
0x155: {  	_ =	swait.ge [sflag:s21], $0x400  }
0x156: {  	[sflag:s21] =	ssyncset.done $0x0  }
0x157: {  	[sflag:s21] =	ssyncadd.s32 $0xFFFFFC00  }
0x158: {  	_ =	swait.ge [sflag:s21], $0x400  }
0x159: {  	[sflag:s21] =	ssyncset.done $0x0  }
0x15a: {  	[sflag:s21] =	ssyncadd.s32 $0xFFFFFC00  }
0x15b: {  	_ =	swait.ge [sflag:s21], $0x400  }
0x15c: {  	[sflag:s21] =	ssyncset.done $0x0  }
0x15d: {  	[sflag:s21] =	ssyncadd.s32 $0xFFFFFC00  }
0x15e: {  	_ =	swait.ge [sflag:s21], $0x400  }
0x15f: {  	[sflag:s21] =	ssyncset.done $0x0  }
0x160: {  	[sflag:s21] =	ssyncadd.s32 $0xFFFFFC00  }
0x161: {  	_ =	swait.ge [sflag:s21], $0x400  }
0x162: {  	[sflag:s21] =	ssyncset.done $0x0  }
0x163: {  	[sflag:s21] =	ssyncadd.s32 $0xFFFFFC00  }
0x164: {  	_ =	swait.ge [sflag:s21], $0x400  }
0x165: {  	[sflag:s21] =	ssyncset.done $0x0  }
0x166: {  	[sflag:s21] =	ssyncadd.s32 $0xFFFFFC00  }
0x167: {  	_ =	swait.ge [sflag:s21], $0x400  }
0x168: {  	[sflag:s21] =	ssyncset.done $0x0  }
0x169: {  	[sflag:s21] =	ssyncadd.s32 $0xFFFFFC00  }
0x16a: {  	_ =	swait.ge [sflag:s21], $0x400  }
0x16b: {  	[sflag:s21] =	ssyncset.done $0x0  }
0x16c: {  	[sflag:s21] =	ssyncadd.s32 $0xFFFFFC00  }
0x16d: {  	_ =	swait.ge [sflag:s21], $0x400  }
0x16e: {  	[sflag:s21] =	ssyncset.done $0x0  }
0x16f: {  	[sflag:s21] =	ssyncadd.s32 $0xFFFFFC00  }
0x170: {  	v33 =	vand.u32 $0x7F, v33;
	_ =	swait.ge [sflag:s21], $0x400  }
0x171: {  	v34 =	vor.u32 v0, v33;
	[sflag:s21] =	ssyncset.done $0x0  }
0x172: {  	[sflag:s21] =	ssyncadd.s32 $0xFFFFFC00  }
0x173: {  	_ =	swait.ge [sflag:s21], $0x400  }
0x174: {  	[sflag:s21] =	ssyncset.done $0x0  }
0x175: {  	[sflag:s21] =	ssyncadd.s32 $0xFFFFFC00  }
0x176: {  	v34 =	vld.idx.msk [tilespmem:v34+s11+$0x0], $0xffff  }
0x177: {  	v35 =	vor.u32 v1, v33;
	_ =	sdelay $0x3  }
0x178: {  	[tilespmem:$0x10400] =	vst v34  }
0x179: {  	v34 =	vld.idx.msk [tilespmem:v35+s11+$0x0], $0xffff  }
0x17a: {  	v46 =	vor.u32 v2, v33;
	_ =	sdelay $0x3  }
0x17b: {  	[tilespmem:$0x10410] =	vst v34  }
0x17c: {  	v34 =	vld.idx.msk [tilespmem:v46+s11+$0x0], $0xffff  }
0x17d: {  	v47 =	vor.u32 v3, v33;
	_ =	sdelay $0x3  }
0x17e: {  	[tilespmem:$0x10420] =	vst v34  }
0x17f: {  	v34 =	vld.idx.msk [tilespmem:v47+s11+$0x0], $0xffff  }
0x180: {  	v48 =	vor.u32 v4, v33;
	_ =	sdelay $0x3  }
0x181: {  	[tilespmem:$0x10430] =	vst v34  }
0x182: {  	v34 =	vld.idx.msk [tilespmem:v48+s11+$0x0], $0xffff  }
0x183: {  	v49 =	vor.u32 v5, v33;
	_ =	sdelay $0x3  }
0x184: {  	[tilespmem:$0x10440] =	vst v34  }
0x185: {  	v34 =	vld.idx.msk [tilespmem:v49+s11+$0x0], $0xffff  }
0x186: {  	v50 =	vor.u32 v6, v33;
	_ =	sdelay $0x3  }
0x187: {  	[tilespmem:$0x10450] =	vst v34  }
0x188: {  	v34 =	vld.idx.msk [tilespmem:v50+s11+$0x0], $0xffff  }
0x189: {  	v51 =	vor.u32 v7, v33;
	_ =	sdelay $0x3  }
0x18a: {  	[tilespmem:$0x10460] =	vst v34  }
0x18b: {  	v34 =	vld.idx.msk [tilespmem:v51+s11+$0x0], $0xffff  }
0x18c: {  	v52 =	vor.u32 v8, v33;
	_ =	sdelay $0x3  }
0x18d: {  	[tilespmem:$0x10470] =	vst v34  }
0x18e: {  	v34 =	vld.idx.msk [tilespmem:v52+s11+$0x0], $0xffff  }
0x18f: {  	v53 =	vor.u32 v9, v33;
	_ =	sdelay $0x3  }
0x190: {  	[tilespmem:$0x10480] =	vst v34  }
0x191: {  	v34 =	vld.idx.msk [tilespmem:v53+s11+$0x0], $0xffff  }
0x192: {  	v54 =	vor.u32 v10, v33;
	_ =	sdelay $0x3  }
0x193: {  	[tilespmem:$0x10490] =	vst v34  }
0x194: {  	v34 =	vld.idx.msk [tilespmem:v54+s11+$0x0], $0xffff  }
0x195: {  	v55 =	vor.u32 v11, v33;
	_ =	sdelay $0x3  }
0x196: {  	[tilespmem:$0x104A0] =	vst v34  }
0x197: {  	v34 =	vld.idx.msk [tilespmem:v55+s11+$0x0], $0xffff  }
0x198: {  	v56 =	vor.u32 v12, v33;
	_ =	sdelay $0x3  }
0x199: {  	[tilespmem:$0x104B0] =	vst v34  }
0x19a: {  	v34 =	vld.idx.msk [tilespmem:v56+s11+$0x0], $0xffff  }
0x19b: {  	v57 =	vor.u32 v13, v33;
	_ =	sdelay $0x3  }
0x19c: {  	[tilespmem:$0x104C0] =	vst v34  }
0x19d: {  	v34 =	vld.idx.msk [tilespmem:v57+s11+$0x0], $0xffff  }
0x19e: {  	v58 =	vor.u32 v14, v33;
	_ =	sdelay $0x3  }
0x19f: {  	[tilespmem:$0x104D0] =	vst v34  }
0x1a0: {  	v34 =	vld.idx.msk [tilespmem:v58+s11+$0x0], $0xffff  }
0x1a1: {  	v59 =	vor.u32 v15, v33;
	_ =	sdelay $0x3  }
0x1a2: {  	[tilespmem:$0x104E0] =	vst v34  }
0x1a3: {  	v34 =	vld.idx.msk [tilespmem:v59+s11+$0x0], $0xffff  }
0x1a4: {  	v60 =	vor.u32 v16, v33;
	_ =	sdelay $0x3  }
0x1a5: {  	[tilespmem:$0x104F0] =	vst v34  }
0x1a6: {  	v34 =	vld.idx.msk [tilespmem:v60+s11+$0x0], $0xffff  }
0x1a7: {  	v61 =	vor.u32 v17, v33;
	_ =	sdelay $0x3  }
0x1a8: {  	[tilespmem:$0x10500] =	vst v34  }
0x1a9: {  	v34 =	vld.idx.msk [tilespmem:v61+s11+$0x0], $0xffff  }
0x1aa: {  	v62 =	vor.u32 v18, v33;
	_ =	sdelay $0x3  }
0x1ab: {  	[tilespmem:$0x10510] =	vst v34  }
0x1ac: {  	v34 =	vld.idx.msk [tilespmem:v62+s11+$0x0], $0xffff  }
0x1ad: {  	v63 =	vor.u32 v19, v33;
	_ =	sdelay $0x3  }
0x1ae: {  	[tilespmem:$0x10520] =	vst v34  }
0x1af: {  	v34 =	vld.idx.msk [tilespmem:v63+s11+$0x0], $0xffff  }
0x1b0: {  	v36 =	vor.u32 v20, v33;
	_ =	sdelay $0x3  }
0x1b1: {  	[tilespmem:$0x10530] =	vst v34  }
0x1b2: {  	v34 =	vld.idx.msk [tilespmem:v36+s11+$0x0], $0xffff  }
0x1b3: {  	v37 =	vor.u32 v21, v33;
	_ =	sdelay $0x3  }
0x1b4: {  	[tilespmem:$0x10540] =	vst v34  }
0x1b5: {  	v34 =	vld.idx.msk [tilespmem:v37+s11+$0x0], $0xffff  }
0x1b6: {  	v38 =	vor.u32 v22, v33;
	_ =	sdelay $0x3  }
0x1b7: {  	[tilespmem:$0x10550] =	vst v34  }
0x1b8: {  	v34 =	vld.idx.msk [tilespmem:v38+s11+$0x0], $0xffff  }
0x1b9: {  	v39 =	vor.u32 v23, v33;
	_ =	sdelay $0x3  }
0x1ba: {  	[tilespmem:$0x10560] =	vst v34  }
0x1bb: {  	v34 =	vld.idx.msk [tilespmem:v39+s11+$0x0], $0xffff  }
0x1bc: {  	v40 =	vor.u32 v24, v33;
	_ =	sdelay $0x3  }
0x1bd: {  	[tilespmem:$0x10570] =	vst v34  }
0x1be: {  	v34 =	vld.idx.msk [tilespmem:v40+s11+$0x0], $0xffff  }
0x1bf: {  	v41 =	vor.u32 v25, v33;
	_ =	sdelay $0x3  }
0x1c0: {  	[tilespmem:$0x10580] =	vst v34  }
0x1c1: {  	v34 =	vld.idx.msk [tilespmem:v41+s11+$0x0], $0xffff  }
0x1c2: {  	v42 =	vor.u32 v26, v33;
	_ =	sdelay $0x3  }
0x1c3: {  	[tilespmem:$0x10590] =	vst v34  }
0x1c4: {  	v34 =	vld.idx.msk [tilespmem:v42+s11+$0x0], $0xffff  }
0x1c5: {  	v43 =	vor.u32 v27, v33;
	_ =	sdelay $0x3  }
0x1c6: {  	[tilespmem:$0x105A0] =	vst v34  }
0x1c7: {  	v34 =	vld.idx.msk [tilespmem:v43+s11+$0x0], $0xffff  }
0x1c8: {  	v44 =	vor.u32 v28, v33;
	_ =	sdelay $0x3  }
0x1c9: {  	[tilespmem:$0x105B0] =	vst v34  }
0x1ca: {  	v34 =	vld.idx.msk [tilespmem:v44+s11+$0x0], $0xffff  }
0x1cb: {  	v45 =	vor.u32 v29, v33;
	_ =	sdelay $0x3  }
0x1cc: {  	[tilespmem:$0x105C0] =	vst v34  }
0x1cd: {  	(v2sf) =	vpush v32, $0x0;
	v34 =	vld.idx.msk [tilespmem:v45+s11+$0x0], $0xffff  }
0x1ce: {  	v46 =	vor.u32 v30, v33;
	_ =	sdelay $0x3  }
0x1cf: {  	[tilespmem:$0x105D0] =	vst v34  }
0x1d0: {  	v34 =	vld.idx.msk [tilespmem:v46+s11+$0x0], $0xffff  }
0x1d1: {  	v33 =	vor.u32 v31, v33  }
0x1d2: {  	(v2sf) =	vpush v32, $0x1;
	_ =	sdelay $0x2  }
0x1d3: {  	[tilespmem:$0x105E0] =	vst v34  }
0x1d4: {  	v33 =	vld.idx.msk [tilespmem:v33+s11+$0x0], $0xffff;
	_ =	sdelay $0x2  }
0x1d5: {  	s25 =	spop (v2sf)  }
0x1d6: {  	s24 =	sand.u32 $0xFFFFF80, s25  }
0x1d7: {  	(v2sf) =	vpush v32, $0x2;
	s24 =	sadd.s32 s2, s24;
	[tilespmem:$0x105F0] =	vst v33  }
0x1d8: {  	[tilespmem:s11], [sflag:$0x1] =	stream.linear.gather [hbm4b:s24+s4], $0x400, $0x38;
	[tilespmem:$0x10800] =	vst v63  }
0x1d9: {  	s8 =	sadd.s32 $0xF4280, s24  }
0x1da: {  	[tilespmem:s18], [sflag:$0x1] =	stream.linear.gather [hbm4b:s8+s4], $0x400, $0x38;
	[tilespmem:$0x10800] =	vst v63  }
0x1db: {  	s8 =	sadd.s32 $0x1E8500, s24  }
0x1dc: {  	[tilespmem:s19], [sflag:$0x1] =	stream.linear.gather [hbm4b:s8+s4], $0x400, $0x38;
	[tilespmem:$0x10800] =	vst v63  }
0x1dd: {  	s25 =	spop (v2sf);
	s24 =	sadd.s32 $0x2DC780, s24  }
0x1de: {  	[tilespmem:s20], [sflag:$0x1] =	stream.linear.gather [hbm4b:s24+s4], $0x400, $0x38;
	[tilespmem:$0x10800] =	vst v63  }
0x1df: {  	s24 =	sand.u32 $0xFFFFF80, s25  }
0x1e0: {  	(v2sf) =	vpush v32, $0x3;
	s24 =	sadd.s32 s2, s24  }
0x1e1: {  	[tilespmem:s26], [sflag:$0x1] =	stream.linear.gather [hbm4b:s24+s4], $0x400, $0x38;
	[tilespmem:$0x10800] =	vst v63  }
0x1e2: {  	s8 =	sadd.s32 $0xF4280, s24  }
0x1e3: {  	[tilespmem:s28], [sflag:$0x1] =	stream.linear.gather [hbm4b:s8+s4], $0x400, $0x38;
	[tilespmem:$0x10800] =	vst v63  }
0x1e4: {  	s8 =	sadd.s32 $0x1E8500, s24  }
0x1e5: {  	[tilespmem:s29], [sflag:$0x1] =	stream.linear.gather [hbm4b:s8+s4], $0x400, $0x38;
	[tilespmem:$0x10800] =	vst v63  }
0x1e6: {  	s25 =	spop (v2sf);
	s24 =	sadd.s32 $0x2DC780, s24  }
0x1e7: {  	[tilespmem:s30], [sflag:$0x1] =	stream.linear.gather [hbm4b:s24+s4], $0x400, $0x38;
	[tilespmem:$0x10800] =	vst v63  }
0x1e8: {  	s24 =	sand.u32 $0xFFFFF80, s25  }
0x1e9: {  	(v2sf) =	vpush v32, $0x4;
	s24 =	sadd.s32 s2, s24  }
0x1ea: {  	[tilespmem:s31], [sflag:$0x1] =	stream.linear.gather [hbm4b:s24+s4], $0x400, $0x38;
	[tilespmem:$0x10800] =	vst v63  }
0x1eb: {  	s8 =	sadd.s32 $0xF4280, s24  }
0x1ec: {  	[tilespmem:s0], [sflag:$0x1] =	stream.linear.gather [hbm4b:s8+s4], $0x400, $0x38;
	[tilespmem:$0x10800] =	vst v63  }
0x1ed: {  	s8 =	sadd.s32 $0x1E8500, s24  }
0x1ee: {  	[tilespmem:s3], [sflag:$0x1] =	stream.linear.gather [hbm4b:s8+s4], $0x400, $0x38;
	[tilespmem:$0x10800] =	vst v63  }
0x1ef: {  	s24 =	sadd.s32 $0x2DC780, s24;
	s0 =	spop (v2sf)  }
0x1f0: {  	[tilespmem:s10], [sflag:$0x1] =	stream.linear.gather [hbm4b:s24+s4], $0x400, $0x38;
	[tilespmem:$0x10800] =	vst v63  }
0x1f1: {  	s24 =	sand.u32 $0xFFFFF80, s0  }
0x1f2: {  	(v2sf) =	vpush v32, $0x5;
	s24 =	sadd.s32 s2, s24  }
0x1f3: {  	[tilespmem:s5], [sflag:$0x1] =	stream.linear.gather [hbm4b:s24+s4], $0x400, $0x38;
	[tilespmem:$0x10800] =	vst v63  }
0x1f4: {  	s8 =	sadd.s32 $0xF4280, s24  }
0x1f5: {  	[tilespmem:s6], [sflag:$0x1] =	stream.linear.gather [hbm4b:s8+s4], $0x400, $0x38;
	[tilespmem:$0x10800] =	vst v63  }
0x1f6: {  	s0 =	sadd.s32 $0x1E8500, s24  }
0x1f7: {  	[tilespmem:s7], [sflag:$0x1] =	stream.linear.gather [hbm4b:s0+s4], $0x400, $0x38;
	[tilespmem:$0x10800] =	vst v63  }
0x1f8: {  	s25 =	spop (v2sf);
	s24 =	sadd.s32 $0x2DC780, s24;
	s8 =	simm.s32 $0x4000  }
0x1f9: {  	[tilespmem:s8], [sflag:$0x1] =	stream.linear.gather [hbm4b:s24+s4], $0x400, $0x38;
	[tilespmem:$0x10800] =	vst v63  }
0x1fa: {  	s24 =	sand.u32 $0xFFFFF80, s25  }
0x1fb: {  	(v2sf) =	vpush v32, $0x6;
	s24 =	sadd.s32 s2, s24  }
0x1fc: {  	[tilespmem:s9], [sflag:$0x1] =	stream.linear.gather [hbm4b:s24+s4], $0x400, $0x38;
	[tilespmem:$0x10800] =	vst v63  }
0x1fd: {  	s0 =	sadd.s32 $0xF4280, s24  }
0x1fe: {  	[tilespmem:s12], [sflag:$0x1] =	stream.linear.gather [hbm4b:s0+s4], $0x400, $0x38;
	[tilespmem:$0x10800] =	vst v63  }
0x1ff: {  	s8 =	sadd.s32 $0x1E8500, s24  }
0x200: {  	[tilespmem:s13], [sflag:$0x1] =	stream.linear.gather [hbm4b:s8+s4], $0x400, $0x38;
	[tilespmem:$0x10800] =	vst v63  }
0x201: {  	s24 =	sadd.s32 $0x2DC780, s24;
	s25 =	spop (v2sf)  }
0x202: {  	[tilespmem:s14], [sflag:$0x1] =	stream.linear.gather [hbm4b:s24+s4], $0x400, $0x38;
	[tilespmem:$0x10800] =	vst v63  }
0x203: {  	s24 =	sand.u32 $0xFFFFF80, s25  }
0x204: {  	(v2sf) =	vpush v32, $0x7;
	s24 =	sadd.s32 s2, s24  }
0x205: {  	[tilespmem:s15], [sflag:$0x1] =	stream.linear.gather [hbm4b:s24+s4], $0x400, $0x38;
	[tilespmem:$0x10800] =	vst v63  }
0x206: {  	s0 =	sadd.s32 $0xF4280, s24  }
0x207: {  	[tilespmem:s16], [sflag:$0x1] =	stream.linear.gather [hbm4b:s0+s4], $0x400, $0x38;
	[tilespmem:$0x10800] =	vst v63  }
0x208: {  	s8 =	sadd.s32 $0x1E8500, s24;
	s16 =	simm.s32 $0x5C00  }
0x209: {  	[tilespmem:s16], [sflag:$0x1] =	stream.linear.gather [hbm4b:s8+s4], $0x400, $0x38;
	[tilespmem:$0x10800] =	vst v63  }
0x20a: {  	s24 =	sadd.s32 $0x2DC780, s24;
	s8 =	simm.s32 $0x6000;
	s16 =	spop (v2sf)  }
0x20b: {  	[tilespmem:s8], [sflag:$0x1] =	stream.linear.gather [hbm4b:s24+s4], $0x400, $0x38;
	[tilespmem:$0x10800] =	vst v63  }
0x20c: {  	s24 =	sand.u32 $0xFFFFF80, s16  }
0x20d: {  	s25 =	simm.s32 $0x6400;
	(v2sf) =	vpush v32, $0x8;
	s24 =	sadd.s32 s2, s24  }
0x20e: {  	[tilespmem:s25], [sflag:$0x1] =	stream.linear.gather [hbm4b:s24+s4], $0x400, $0x38;
	[tilespmem:$0x10800] =	vst v63  }
0x20f: {  	s16 =	simm.s32 $0x6800;
	s8 =	sadd.s32 $0xF4280, s24  }
0x210: {  	[tilespmem:s16], [sflag:$0x1] =	stream.linear.gather [hbm4b:s8+s4], $0x400, $0x38;
	[tilespmem:$0x10800] =	vst v63  }
0x211: {  	s8 =	sadd.s32 $0x1E8500, s24;
	s16 =	simm.s32 $0x6C00  }
0x212: {  	[tilespmem:s16], [sflag:$0x1] =	stream.linear.gather [hbm4b:s8+s4], $0x400, $0x38;
	[tilespmem:$0x10800] =	vst v63  }
0x213: {  	s24 =	sadd.s32 $0x2DC780, s24;
	s8 =	simm.s32 $0x7000;
	s16 =	spop (v2sf)  }
0x214: {  	[tilespmem:s8], [sflag:$0x1] =	stream.linear.gather [hbm4b:s24+s4], $0x400, $0x38;
	[tilespmem:$0x10800] =	vst v63  }
0x215: {  	s24 =	sand.u32 $0xFFFFF80, s16  }
0x216: {  	s25 =	simm.s32 $0x7400;
	(v2sf) =	vpush v32, $0x9;
	s24 =	sadd.s32 s2, s24  }
0x217: {  	[tilespmem:s25], [sflag:$0x1] =	stream.linear.gather [hbm4b:s24+s4], $0x400, $0x38;
	[tilespmem:$0x10800] =	vst v63  }
0x218: {  	s16 =	simm.s32 $0x7800;
	s8 =	sadd.s32 $0xF4280, s24  }
0x219: {  	[tilespmem:s16], [sflag:$0x1] =	stream.linear.gather [hbm4b:s8+s4], $0x400, $0x38;
	[tilespmem:$0x10800] =	vst v63  }
0x21a: {  	s8 =	sadd.s32 $0x1E8500, s24;
	s16 =	simm.s32 $0x7C00  }
0x21b: {  	[tilespmem:s16], [sflag:$0x1] =	stream.linear.gather [hbm4b:s8+s4], $0x400, $0x38;
	[tilespmem:$0x10800] =	vst v63  }
0x21c: {  	s24 =	sadd.s32 $0x2DC780, s24;
	s8 =	simm.s32 $0x8000;
	s16 =	spop (v2sf)  }
0x21d: {  	[tilespmem:s8], [sflag:$0x1] =	stream.linear.gather [hbm4b:s24+s4], $0x400, $0x38;
	[tilespmem:$0x10800] =	vst v63  }
0x21e: {  	s24 =	sand.u32 $0xFFFFF80, s16  }
0x21f: {  	s25 =	simm.s32 $0x8400;
	(v2sf) =	vpush v32, $0xA;
	s24 =	sadd.s32 s2, s24  }
0x220: {  	[tilespmem:s25], [sflag:$0x1] =	stream.linear.gather [hbm4b:s24+s4], $0x400, $0x38;
	[tilespmem:$0x10800] =	vst v63  }
0x221: {  	s16 =	simm.s32 $0x8800;
	s8 =	sadd.s32 $0xF4280, s24  }
0x222: {  	[tilespmem:s16], [sflag:$0x1] =	stream.linear.gather [hbm4b:s8+s4], $0x400, $0x38;
	[tilespmem:$0x10800] =	vst v63  }
0x223: {  	s8 =	sadd.s32 $0x1E8500, s24;
	s16 =	simm.s32 $0x8C00  }
0x224: {  	[tilespmem:s16], [sflag:$0x1] =	stream.linear.gather [hbm4b:s8+s4], $0x400, $0x38;
	[tilespmem:$0x10800] =	vst v63  }
0x225: {  	s24 =	sadd.s32 $0x2DC780, s24;
	s8 =	simm.s32 $0x9000;
	s16 =	spop (v2sf)  }
0x226: {  	[tilespmem:s8], [sflag:$0x1] =	stream.linear.gather [hbm4b:s24+s4], $0x400, $0x38;
	[tilespmem:$0x10800] =	vst v63  }
0x227: {  	s24 =	sand.u32 $0xFFFFF80, s16  }
0x228: {  	s25 =	simm.s32 $0x9400;
	(v2sf) =	vpush v32, $0xB;
	s24 =	sadd.s32 s2, s24  }
0x229: {  	[tilespmem:s25], [sflag:$0x1] =	stream.linear.gather [hbm4b:s24+s4], $0x400, $0x38;
	[tilespmem:$0x10800] =	vst v63  }
0x22a: {  	s16 =	simm.s32 $0x9800;
	s8 =	sadd.s32 $0xF4280, s24  }
0x22b: {  	[tilespmem:s16], [sflag:$0x1] =	stream.linear.gather [hbm4b:s8+s4], $0x400, $0x38;
	[tilespmem:$0x10800] =	vst v63  }
0x22c: {  	s8 =	sadd.s32 $0x1E8500, s24;
	s16 =	simm.s32 $0x9C00  }
0x22d: {  	[tilespmem:s16], [sflag:$0x1] =	stream.linear.gather [hbm4b:s8+s4], $0x400, $0x38;
	[tilespmem:$0x10800] =	vst v63  }
0x22e: {  	s24 =	sadd.s32 $0x2DC780, s24;
	s8 =	simm.s32 $0xA000;
	s16 =	spop (v2sf)  }
0x22f: {  	[tilespmem:s8], [sflag:$0x1] =	stream.linear.gather [hbm4b:s24+s4], $0x400, $0x38;
	[tilespmem:$0x10800] =	vst v63  }
0x230: {  	s24 =	sand.u32 $0xFFFFF80, s16  }
0x231: {  	s25 =	simm.s32 $0xA400;
	(v2sf) =	vpush v32, $0xC;
	s24 =	sadd.s32 s2, s24  }
0x232: {  	[tilespmem:s25], [sflag:$0x1] =	stream.linear.gather [hbm4b:s24+s4], $0x400, $0x38;
	[tilespmem:$0x10800] =	vst v63  }
0x233: {  	s16 =	simm.s32 $0xA800;
	s8 =	sadd.s32 $0xF4280, s24  }
0x234: {  	[tilespmem:s16], [sflag:$0x1] =	stream.linear.gather [hbm4b:s8+s4], $0x400, $0x38;
	[tilespmem:$0x10800] =	vst v63  }
0x235: {  	s8 =	sadd.s32 $0x1E8500, s24;
	s16 =	simm.s32 $0xAC00  }
0x236: {  	[tilespmem:s16], [sflag:$0x1] =	stream.linear.gather [hbm4b:s8+s4], $0x400, $0x38;
	[tilespmem:$0x10800] =	vst v63  }
0x237: {  	s24 =	sadd.s32 $0x2DC780, s24;
	s8 =	simm.s32 $0xB000;
	s16 =	spop (v2sf)  }
0x238: {  	[tilespmem:s8], [sflag:$0x1] =	stream.linear.gather [hbm4b:s24+s4], $0x400, $0x38;
	[tilespmem:$0x10800] =	vst v63  }
0x239: {  	s24 =	sand.u32 $0xFFFFF80, s16  }
0x23a: {  	s25 =	simm.s32 $0xB400;
	(v2sf) =	vpush v32, $0xD;
	s24 =	sadd.s32 s2, s24  }
0x23b: {  	[tilespmem:s25], [sflag:$0x1] =	stream.linear.gather [hbm4b:s24+s4], $0x400, $0x38;
	[tilespmem:$0x10800] =	vst v63  }
0x23c: {  	s16 =	simm.s32 $0xB800;
	s8 =	sadd.s32 $0xF4280, s24  }
0x23d: {  	[tilespmem:s16], [sflag:$0x1] =	stream.linear.gather [hbm4b:s8+s4], $0x400, $0x38;
	[tilespmem:$0x10800] =	vst v63  }
0x23e: {  	s8 =	sadd.s32 $0x1E8500, s24;
	s16 =	simm.s32 $0xBC00  }
0x23f: {  	[tilespmem:s16], [sflag:$0x1] =	stream.linear.gather [hbm4b:s8+s4], $0x400, $0x38;
	[tilespmem:$0x10800] =	vst v63  }
0x240: {  	s24 =	sadd.s32 $0x2DC780, s24;
	s8 =	simm.s32 $0xC000;
	s16 =	spop (v2sf)  }
0x241: {  	(v2sf) =	vpush v32, $0xE;
	[tilespmem:s8], [sflag:$0x1] =	stream.linear.gather [hbm4b:s24+s4], $0x400, $0x38;
	[tilespmem:$0x10800] =	vst v63  }
0x242: {  	s24 =	sand.u32 $0xFFFFF80, s16  }
0x243: {  	s25 =	simm.s32 $0xC400;
	s24 =	sadd.s32 s2, s24  }
0x244: {  	[tilespmem:s25], [sflag:$0x1] =	stream.linear.gather [hbm4b:s24+s4], $0x400, $0x38;
	[tilespmem:$0x10800] =	vst v63  }
0x245: {  	s16 =	simm.s32 $0xC800;
	s8 =	sadd.s32 $0xF4280, s24  }
0x246: {  	[tilespmem:s16], [sflag:$0x1] =	stream.linear.gather [hbm4b:s8+s4], $0x400, $0x38;
	[tilespmem:$0x10800] =	vst v63  }
0x247: {  	s8 =	sadd.s32 $0x1E8500, s24;
	s16 =	simm.s32 $0xCC00  }
0x248: {  	[tilespmem:s16], [sflag:$0x1] =	stream.linear.gather [hbm4b:s8+s4], $0x400, $0x38;
	[tilespmem:$0x10800] =	vst v63  }
0x249: {  	s24 =	sadd.s32 $0x2DC780, s24;
	s8 =	simm.s32 $0xD000;
	s16 =	spop (v2sf)  }
0x24a: {  	[tilespmem:s8], [sflag:$0x1] =	stream.linear.gather [hbm4b:s24+s4], $0x400, $0x38;
	[tilespmem:$0x10800] =	vst v63  }
0x24b: {  	(v2sf) =	vpush v32, $0xF;
	s24 =	sand.u32 $0xFFFFF80, s16  }
0x24c: {  	s25 =	simm.s32 $0xD400;
	s24 =	sadd.s32 s2, s24  }
0x24d: {  	[tilespmem:s25], [sflag:$0x1] =	stream.linear.gather [hbm4b:s24+s4], $0x400, $0x38;
	[tilespmem:$0x10800] =	vst v63  }
0x24e: {  	s16 =	simm.s32 $0xD800;
	s8 =	sadd.s32 $0xF4280, s24;
	s0 =	sadd.s32 $0x1E8500, s24  }
0x24f: {  	[tilespmem:s16], [sflag:$0x1] =	stream.linear.gather [hbm4b:s8+s4], $0x400, $0x38;
	[tilespmem:$0x10800] =	vst v63  }
0x250: {  	s24 =	sadd.s32 $0x2DC780, s24;
	s8 =	simm.s32 $0xDC00;
	s16 =	spop (v2sf)  }
0x251: {  	[tilespmem:s8], [sflag:$0x1] =	stream.linear.gather [hbm4b:s0+s4], $0x400, $0x38;
	[tilespmem:$0x10800] =	vst v63  }
0x252: {  	s8 =	simm.s32 $0xE000;
	s16 =	sand.u32 $0xFFFFF80, s16  }
0x253: {  	[tilespmem:s8], [sflag:$0x1] =	stream.linear.gather [hbm4b:s24+s4], $0x400, $0x38;
	[tilespmem:$0x10800] =	vst v63  }
0x254: {  	s25 =	simm.s32 $0xE400;
	s24 =	sadd.s32 s2, s16  }
0x255: {  	[tilespmem:s25], [sflag:$0x1] =	stream.linear.gather [hbm4b:s24+s4], $0x400, $0x38;
	[tilespmem:$0x10800] =	vst v63  }
0x256: {  	s16 =	simm.s32 $0xE800;
	s8 =	sadd.s32 $0xF4280, s24  }
0x257: {  	[tilespmem:s16], [sflag:$0x1] =	stream.linear.gather [hbm4b:s8+s4], $0x400, $0x38;
	[tilespmem:$0x10800] =	vst v63  }
0x258: {  	s8 =	sadd.s32 $0x1E8500, s24;
	s16 =	simm.s32 $0xEC00  }
0x259: {  	[tilespmem:s16], [sflag:$0x1] =	stream.linear.gather [hbm4b:s8+s4], $0x400, $0x38;
	[tilespmem:$0x10800] =	vst v63  }
0x25a: {  	s24 =	sadd.s32 $0x2DC780, s24;
	s8 =	simm.s32 $0xF000;
	s16 =	spop (v2sf)  }
0x25b: {  	[tilespmem:s8], [sflag:$0x1] =	stream.linear.gather [hbm4b:s24+s4], $0x400, $0x38;
	[tilespmem:$0x10800] =	vst v63  }
0x25c: {  	s24 =	sand.u32 $0xFFFFF80, s16  }
0x25d: {  	s25 =	simm.s32 $0xF400;
	s24 =	sadd.s32 s2, s24  }
0x25e: {  	[tilespmem:s25], [sflag:$0x1] =	stream.linear.gather [hbm4b:s24+s4], $0x400, $0x38;
	[tilespmem:$0x10800] =	vst v63  }
0x25f: {  	s16 =	simm.s32 $0xF800;
	s8 =	sadd.s32 $0xF4280, s24  }
0x260: {  	[tilespmem:s16], [sflag:$0x1] =	stream.linear.gather [hbm4b:s8+s4], $0x400, $0x38;
	[tilespmem:$0x10800] =	vst v63  }
0x261: {  	s8 =	sadd.s32 $0x1E8500, s24;
	s16 =	simm.s32 $0xFC00  }
0x262: {  	[tilespmem:s16], [sflag:$0x1] =	stream.linear.gather [hbm4b:s8+s4], $0x400, $0x38;
	[tilespmem:$0x10800] =	vst v63  }
0x263: {  	s25 =	simm.s32 $0x10000;
	s24 =	sadd.s32 $0x2DC780, s24  }
0x264: {  	[tilespmem:s25], [sflag:$0x1] =	stream.linear.gather [hbm4b:s24+s4], $0x400, $0x38;
	[tilespmem:$0x10800] =	vst v63  }
0x265: {  	_ =	swait.ge [sflag:s21], $0x400  }
0x266: {  	[sflag:s21] =	ssyncset.done $0x0  }
0x267: {  	[sflag:s21] =	ssyncadd.s32 $0xFFFFFC00  }
0x268: {  	_ =	swait.ge [sflag:s21], $0x400  }
0x269: {  	[sflag:s21] =	ssyncset.done $0x0  }
0x26a: {  	[sflag:s21] =	ssyncadd.s32 $0xFFFFFC00  }
0x26b: {  	_ =	swait.ge [sflag:s21], $0x400  }
0x26c: {  	[sflag:s21] =	ssyncset.done $0x0  }
0x26d: {  	[sflag:s21] =	ssyncadd.s32 $0xFFFFFC00  }
0x26e: {  	_ =	swait.ge [sflag:s21], $0x400  }
0x26f: {  	[sflag:s21] =	ssyncset.done $0x0  }
0x270: {  	[sflag:s21] =	ssyncadd.s32 $0xFFFFFC00  }
0x271: {  	_ =	swait.ge [sflag:s21], $0x400  }
0x272: {  	[sflag:s21] =	ssyncset.done $0x0  }
0x273: {  	[sflag:s21] =	ssyncadd.s32 $0xFFFFFC00  }
0x274: {  	_ =	swait.ge [sflag:s21], $0x400  }
0x275: {  	[sflag:s21] =	ssyncset.done $0x0  }
0x276: {  	[sflag:s21] =	ssyncadd.s32 $0xFFFFFC00  }
0x277: {  	_ =	swait.ge [sflag:s21], $0x400  }
0x278: {  	[sflag:s21] =	ssyncset.done $0x0  }
0x279: {  	[sflag:s21] =	ssyncadd.s32 $0xFFFFFC00  }
0x27a: {  	_ =	swait.ge [sflag:s21], $0x400  }
0x27b: {  	[sflag:s21] =	ssyncset.done $0x0  }
0x27c: {  	[sflag:s21] =	ssyncadd.s32 $0xFFFFFC00  }
0x27d: {  	_ =	swait.ge [sflag:s21], $0x400  }
0x27e: {  	[sflag:s21] =	ssyncset.done $0x0  }
0x27f: {  	[sflag:s21] =	ssyncadd.s32 $0xFFFFFC00  }
0x280: {  	_ =	swait.ge [sflag:s21], $0x400  }
0x281: {  	[sflag:s21] =	ssyncset.done $0x0  }
0x282: {  	[sflag:s21] =	ssyncadd.s32 $0xFFFFFC00  }
0x283: {  	_ =	swait.ge [sflag:s21], $0x400  }
0x284: {  	[sflag:s21] =	ssyncset.done $0x0  }
0x285: {  	[sflag:s21] =	ssyncadd.s32 $0xFFFFFC00  }
0x286: {  	_ =	swait.ge [sflag:s21], $0x400  }
0x287: {  	[sflag:s21] =	ssyncset.done $0x0  }
0x288: {  	[sflag:s21] =	ssyncadd.s32 $0xFFFFFC00  }
0x289: {  	_ =	swait.ge [sflag:s21], $0x400  }
0x28a: {  	[sflag:s21] =	ssyncset.done $0x0  }
0x28b: {  	[sflag:s21] =	ssyncadd.s32 $0xFFFFFC00  }
0x28c: {  	_ =	swait.ge [sflag:s21], $0x400  }
0x28d: {  	[sflag:s21] =	ssyncset.done $0x0  }
0x28e: {  	[sflag:s21] =	ssyncadd.s32 $0xFFFFFC00  }
0x28f: {  	_ =	swait.ge [sflag:s21], $0x400  }
0x290: {  	[sflag:s21] =	ssyncset.done $0x0  }
0x291: {  	[sflag:s21] =	ssyncadd.s32 $0xFFFFFC00  }
0x292: {  	_ =	swait.ge [sflag:s21], $0x400  }
0x293: {  	[sflag:s21] =	ssyncset.done $0x0  }
0x294: {  	[sflag:s21] =	ssyncadd.s32 $0xFFFFFC00  }
0x295: {  	_ =	swait.ge [sflag:s21], $0x400  }
0x296: {  	[sflag:s21] =	ssyncset.done $0x0  }
0x297: {  	[sflag:s21] =	ssyncadd.s32 $0xFFFFFC00  }
0x298: {  	_ =	swait.ge [sflag:s21], $0x400  }
0x299: {  	[sflag:s21] =	ssyncset.done $0x0  }
0x29a: {  	[sflag:s21] =	ssyncadd.s32 $0xFFFFFC00  }
0x29b: {  	_ =	swait.ge [sflag:s21], $0x400  }
0x29c: {  	[sflag:s21] =	ssyncset.done $0x0  }
0x29d: {  	[sflag:s21] =	ssyncadd.s32 $0xFFFFFC00  }
0x29e: {  	_ =	swait.ge [sflag:s21], $0x400  }
0x29f: {  	[sflag:s21] =	ssyncset.done $0x0  }
0x2a0: {  	[sflag:s21] =	ssyncadd.s32 $0xFFFFFC00  }
0x2a1: {  	_ =	swait.ge [sflag:s21], $0x400  }
0x2a2: {  	[sflag:s21] =	ssyncset.done $0x0  }
0x2a3: {  	[sflag:s21] =	ssyncadd.s32 $0xFFFFFC00  }
0x2a4: {  	_ =	swait.ge [sflag:s21], $0x400  }
0x2a5: {  	[sflag:s21] =	ssyncset.done $0x0  }
0x2a6: {  	[sflag:s21] =	ssyncadd.s32 $0xFFFFFC00  }
0x2a7: {  	_ =	swait.ge [sflag:s21], $0x400  }
0x2a8: {  	[sflag:s21] =	ssyncset.done $0x0  }
0x2a9: {  	[sflag:s21] =	ssyncadd.s32 $0xFFFFFC00  }
0x2aa: {  	_ =	swait.ge [sflag:s21], $0x400  }
0x2ab: {  	[sflag:s21] =	ssyncset.done $0x0  }
0x2ac: {  	[sflag:s21] =	ssyncadd.s32 $0xFFFFFC00  }
0x2ad: {  	_ =	swait.ge [sflag:s21], $0x400  }
0x2ae: {  	[sflag:s21] =	ssyncset.done $0x0  }
0x2af: {  	[sflag:s21] =	ssyncadd.s32 $0xFFFFFC00  }
0x2b0: {  	_ =	swait.ge [sflag:s21], $0x400  }
0x2b1: {  	[sflag:s21] =	ssyncset.done $0x0  }
0x2b2: {  	[sflag:s21] =	ssyncadd.s32 $0xFFFFFC00  }
0x2b3: {  	_ =	swait.ge [sflag:s21], $0x400  }
0x2b4: {  	[sflag:s21] =	ssyncset.done $0x0  }
0x2b5: {  	[sflag:s21] =	ssyncadd.s32 $0xFFFFFC00  }
0x2b6: {  	_ =	swait.ge [sflag:s21], $0x400  }
0x2b7: {  	[sflag:s21] =	ssyncset.done $0x0  }
0x2b8: {  	[sflag:s21] =	ssyncadd.s32 $0xFFFFFC00  }
0x2b9: {  	_ =	swait.ge [sflag:s21], $0x400  }
0x2ba: {  	[sflag:s21] =	ssyncset.done $0x0  }
0x2bb: {  	[sflag:s21] =	ssyncadd.s32 $0xFFFFFC00  }
0x2bc: {  	_ =	swait.ge [sflag:s21], $0x400  }
0x2bd: {  	[sflag:s21] =	ssyncset.done $0x0  }
0x2be: {  	[sflag:s21] =	ssyncadd.s32 $0xFFFFFC00  }
0x2bf: {  	_ =	swait.ge [sflag:s21], $0x400  }
0x2c0: {  	[sflag:s21] =	ssyncset.done $0x0  }
0x2c1: {  	[sflag:s21] =	ssyncadd.s32 $0xFFFFFC00  }
0x2c2: {  	_ =	swait.ge [sflag:s21], $0x400  }
0x2c3: {  	[sflag:s21] =	ssyncset.done $0x0  }
0x2c4: {  	[sflag:s21] =	ssyncadd.s32 $0xFFFFFC00  }
0x2c5: {  	_ =	swait.ge [sflag:s21], $0x400  }
0x2c6: {  	[sflag:s21] =	ssyncset.done $0x0  }
0x2c7: {  	[sflag:s21] =	ssyncadd.s32 $0xFFFFFC00  }
0x2c8: {  	_ =	swait.ge [sflag:s21], $0x400  }
0x2c9: {  	[sflag:s21] =	ssyncset.done $0x0  }
0x2ca: {  	[sflag:s21] =	ssyncadd.s32 $0xFFFFFC00  }
0x2cb: {  	_ =	swait.ge [sflag:s21], $0x400  }
0x2cc: {  	[sflag:s21] =	ssyncset.done $0x0  }
0x2cd: {  	[sflag:s21] =	ssyncadd.s32 $0xFFFFFC00  }
0x2ce: {  	_ =	swait.ge [sflag:s21], $0x400  }
0x2cf: {  	[sflag:s21] =	ssyncset.done $0x0  }
0x2d0: {  	[sflag:s21] =	ssyncadd.s32 $0xFFFFFC00  }
0x2d1: {  	_ =	swait.ge [sflag:s21], $0x400  }
0x2d2: {  	[sflag:s21] =	ssyncset.done $0x0  }
0x2d3: {  	[sflag:s21] =	ssyncadd.s32 $0xFFFFFC00  }
0x2d4: {  	_ =	swait.ge [sflag:s21], $0x400  }
0x2d5: {  	[sflag:s21] =	ssyncset.done $0x0  }
0x2d6: {  	[sflag:s21] =	ssyncadd.s32 $0xFFFFFC00  }
0x2d7: {  	_ =	swait.ge [sflag:s21], $0x400  }
0x2d8: {  	[sflag:s21] =	ssyncset.done $0x0  }
0x2d9: {  	[sflag:s21] =	ssyncadd.s32 $0xFFFFFC00  }
0x2da: {  	_ =	swait.ge [sflag:s21], $0x400  }
0x2db: {  	[sflag:s21] =	ssyncset.done $0x0  }
0x2dc: {  	[sflag:s21] =	ssyncadd.s32 $0xFFFFFC00  }
0x2dd: {  	_ =	swait.ge [sflag:s21], $0x400  }
0x2de: {  	[sflag:s21] =	ssyncset.done $0x0  }
0x2df: {  	[sflag:s21] =	ssyncadd.s32 $0xFFFFFC00  }
0x2e0: {  	_ =	swait.ge [sflag:s21], $0x400  }
0x2e1: {  	[sflag:s21] =	ssyncset.done $0x0  }
0x2e2: {  	[sflag:s21] =	ssyncadd.s32 $0xFFFFFC00  }
0x2e3: {  	_ =	swait.ge [sflag:s21], $0x400  }
0x2e4: {  	[sflag:s21] =	ssyncset.done $0x0  }
0x2e5: {  	[sflag:s21] =	ssyncadd.s32 $0xFFFFFC00  }
0x2e6: {  	_ =	swait.ge [sflag:s21], $0x400  }
0x2e7: {  	[sflag:s21] =	ssyncset.done $0x0  }
0x2e8: {  	[sflag:s21] =	ssyncadd.s32 $0xFFFFFC00  }
0x2e9: {  	_ =	swait.ge [sflag:s21], $0x400  }
0x2ea: {  	[sflag:s21] =	ssyncset.done $0x0  }
0x2eb: {  	[sflag:s21] =	ssyncadd.s32 $0xFFFFFC00  }
0x2ec: {  	_ =	swait.ge [sflag:s21], $0x400  }
0x2ed: {  	[sflag:s21] =	ssyncset.done $0x0  }
0x2ee: {  	[sflag:s21] =	ssyncadd.s32 $0xFFFFFC00  }
0x2ef: {  	_ =	swait.ge [sflag:s21], $0x400  }
0x2f0: {  	[sflag:s21] =	ssyncset.done $0x0  }
0x2f1: {  	[sflag:s21] =	ssyncadd.s32 $0xFFFFFC00  }
0x2f2: {  	_ =	swait.ge [sflag:s21], $0x400  }
0x2f3: {  	[sflag:s21] =	ssyncset.done $0x0  }
0x2f4: {  	[sflag:s21] =	ssyncadd.s32 $0xFFFFFC00  }
0x2f5: {  	_ =	swait.ge [sflag:s21], $0x400  }
0x2f6: {  	[sflag:s21] =	ssyncset.done $0x0  }
0x2f7: {  	[sflag:s21] =	ssyncadd.s32 $0xFFFFFC00  }
0x2f8: {  	_ =	swait.ge [sflag:s21], $0x400  }
0x2f9: {  	[sflag:s21] =	ssyncset.done $0x0  }
0x2fa: {  	[sflag:s21] =	ssyncadd.s32 $0xFFFFFC00  }
0x2fb: {  	_ =	swait.ge [sflag:s21], $0x400  }
0x2fc: {  	[sflag:s21] =	ssyncset.done $0x0  }
0x2fd: {  	[sflag:s21] =	ssyncadd.s32 $0xFFFFFC00  }
0x2fe: {  	_ =	swait.ge [sflag:s21], $0x400  }
0x2ff: {  	[sflag:s21] =	ssyncset.done $0x0  }
0x300: {  	[sflag:s21] =	ssyncadd.s32 $0xFFFFFC00  }
0x301: {  	_ =	swait.ge [sflag:s21], $0x400  }
0x302: {  	[sflag:s21] =	ssyncset.done $0x0  }
0x303: {  	[sflag:s21] =	ssyncadd.s32 $0xFFFFFC00  }
0x304: {  	_ =	swait.ge [sflag:s21], $0x400  }
0x305: {  	[sflag:s21] =	ssyncset.done $0x0  }
0x306: {  	[sflag:s21] =	ssyncadd.s32 $0xFFFFFC00  }
0x307: {  	_ =	swait.ge [sflag:s21], $0x400  }
0x308: {  	[sflag:s21] =	ssyncset.done $0x0  }
0x309: {  	[sflag:s21] =	ssyncadd.s32 $0xFFFFFC00  }
0x30a: {  	_ =	swait.ge [sflag:s21], $0x400  }
0x30b: {  	[sflag:s21] =	ssyncset.done $0x0  }
0x30c: {  	[sflag:s21] =	ssyncadd.s32 $0xFFFFFC00  }
0x30d: {  	_ =	swait.ge [sflag:s21], $0x400  }
0x30e: {  	[sflag:s21] =	ssyncset.done $0x0  }
0x30f: {  	[sflag:s21] =	ssyncadd.s32 $0xFFFFFC00  }
0x310: {  	_ =	swait.ge [sflag:s21], $0x400  }
0x311: {  	[sflag:s21] =	ssyncset.done $0x0  }
0x312: {  	[sflag:s21] =	ssyncadd.s32 $0xFFFFFC00  }
0x313: {  	_ =	swait.ge [sflag:s21], $0x400  }
0x314: {  	[sflag:s21] =	ssyncset.done $0x0  }
0x315: {  	[sflag:s21] =	ssyncadd.s32 $0xFFFFFC00  }
0x316: {  	_ =	swait.ge [sflag:s21], $0x400  }
0x317: {  	[sflag:s21] =	ssyncset.done $0x0  }
0x318: {  	[sflag:s21] =	ssyncadd.s32 $0xFFFFFC00  }
0x319: {  	_ =	swait.ge [sflag:s21], $0x400  }
0x31a: {  	[sflag:s21] =	ssyncset.done $0x0  }
0x31b: {  	[sflag:s21] =	ssyncadd.s32 $0xFFFFFC00  }
0x31c: {  	_ =	swait.ge [sflag:s21], $0x400  }
0x31d: {  	[sflag:s21] =	ssyncset.done $0x0  }
0x31e: {  	[sflag:s21] =	ssyncadd.s32 $0xFFFFFC00  }
0x31f: {  	v32 =	vand.u32 $0x7F, v32;
	_ =	swait.ge [sflag:s21], $0x400  }
0x320: {  	v47 =	vor.u32 v0, v32;
	[sflag:s21] =	ssyncset.done $0x0  }
0x321: {  	[sflag:s21] =	ssyncadd.s32 $0xFFFFFC00  }
0x322: {  	v48 =	vor.u32 v1, v32;
	_ =	swait.ge [sflag:s21], $0x400  }
0x323: {  	[sflag:s21] =	ssyncset.done $0x0  }
0x324: {  	v49 =	vor.u32 v2, v32;
	[sflag:s21] =	ssyncadd.s32 $0xFFFFFC00  }
0x325: {  	v33 =	vld.idx.msk [tilespmem:v47+s11+$0x0], $0xffff  }
0x326: {  	v37 =	vor.u32 v3, v32;
	v36 =	vld [tilespmem:$0x10400]  }
0x327: {  	v34 =	vld.idx.msk [tilespmem:v48+s11+$0x0], $0xffff  }
0x328: {  	v39 =	vor.u32 v4, v32;
	v38 =	vld [tilespmem:$0x10410]  }
0x329: {  	v35 =	vld.idx.msk [tilespmem:v49+s11+$0x0], $0xffff  }
0x32a: {  	v41 =	vor.u32 v5, v32;
	v40 =	vld [tilespmem:$0x10420]  }
0x32b: {  	v50 =	vld.idx.msk [tilespmem:v37+s11+$0x0], $0xffff;
	v33 =	vmul.f32 v36, v33  }
0x32c: {  	v42 =	vor.u32 v6, v32;
	v51 =	vld [tilespmem:$0x10430]  }
0x32d: {  	v52 =	vld.idx.msk [tilespmem:v39+s11+$0x0], $0xffff;
	v34 =	vmul.f32 v38, v34;
	v33 =	vadd.f32 $0.0e+00, v33  }
0x32e: {  	v43 =	vor.u32 v7, v32;
	v53 =	vld [tilespmem:$0x10440]  }
0x32f: {  	v55 =	vld.idx.msk [tilespmem:v41+s11+$0x0], $0xffff;
	v54 =	vmul.f32 v40, v35;
	v33 =	vadd.f32 v34, v33  }
0x330: {  	v57 =	vor.u32 v8, v32;
	v56 =	vld [tilespmem:$0x10450]  }
0x331: {  	v59 =	vld.idx.msk [tilespmem:v42+s11+$0x0], $0xffff;
	v58 =	vmul.f32 v51, v50;
	v33 =	vadd.f32 v54, v33  }
0x332: {  	v61 =	vor.u32 v9, v32;
	v60 =	vld [tilespmem:$0x10460]  }
0x333: {  	v63 =	vld.idx.msk [tilespmem:v43+s11+$0x0], $0xffff;
	v62 =	vmul.f32 v53, v52;
	v33 =	vadd.f32 v58, v33  }
0x334: {  	v45 =	vld [tilespmem:$0x10470]  }
0x335: {  	v46 =	vor.u32 v10, v32;
	v48 =	vld.idx.msk [tilespmem:v57+s11+$0x0], $0xffff;
	v47 =	vmul.f32 v56, v55;
	v33 =	vadd.f32 v62, v33  }
0x336: {  	v49 =	vld [tilespmem:$0x10480]  }
0x337: {  	v50 =	vor.u32 v11, v32;
	v51 =	vmul.f32 v60, v59;
	v52 =	vld.idx.msk [tilespmem:v61+s11+$0x0], $0xffff;
	v33 =	vadd.f32 v47, v33  }
0x338: {  	v53 =	vld [tilespmem:$0x10490]  }
0x339: {  	v57 =	vld [tilespmem:$0x104A0];
	v55 =	vmul.f32 v45, v63;
	v54 =	vor.u32 v12, v32;
	v33 =	vadd.f32 v51, v33  }
0x33a: {  	v56 =	vld.idx.msk [tilespmem:v46+s11+$0x0], $0xffff  }
0x33b: {  	v59 =	vmul.f32 v49, v48;
	v61 =	vld [tilespmem:$0x104B0];
	v58 =	vor.u32 v13, v32;
	v33 =	vadd.f32 v55, v33  }
0x33c: {  	v60 =	vld.idx.msk [tilespmem:v50+s11+$0x0], $0xffff  }
0x33d: {  	v46 =	vld [tilespmem:$0x104C0];
	v63 =	vmul.f32 v53, v52;
	v62 =	vor.u32 v14, v32;
	v33 =	vadd.f32 v59, v33  }
0x33e: {  	v45 =	vld.idx.msk [tilespmem:v54+s11+$0x0], $0xffff  }
0x33f: {  	v48 =	vmul.f32 v57, v56;
	v50 =	vld [tilespmem:$0x104D0];
	v47 =	vor.u32 v15, v32;
	v33 =	vadd.f32 v63, v33  }
0x340: {  	v49 =	vld.idx.msk [tilespmem:v58+s11+$0x0], $0xffff  }
0x341: {  	v52 =	vmul.f32 v61, v60;
	v54 =	vld [tilespmem:$0x104E0];
	v51 =	vor.u32 v16, v32;
	v33 =	vadd.f32 v48, v33  }
0x342: {  	v53 =	vld.idx.msk [tilespmem:v62+s11+$0x0], $0xffff  }
0x343: {  	v58 =	vld [tilespmem:$0x104F0];
	v55 =	vor.u32 v17, v32;
	v56 =	vmul.f32 v46, v45;
	v33 =	vadd.f32 v52, v33  }
0x344: {  	v57 =	vld.idx.msk [tilespmem:v47+s11+$0x0], $0xffff  }
0x345: {  	v62 =	vld [tilespmem:$0x10500];
	v59 =	vor.u32 v18, v32;
	v60 =	vmul.f32 v50, v49;
	v33 =	vadd.f32 v56, v33  }
0x346: {  	v61 =	vld.idx.msk [tilespmem:v51+s11+$0x0], $0xffff  }
0x347: {  	v47 =	vld [tilespmem:$0x10510];
	v63 =	vor.u32 v19, v32;
	v45 =	vmul.f32 v54, v53;
	v33 =	vadd.f32 v60, v33  }
0x348: {  	v46 =	vld.idx.msk [tilespmem:v55+s11+$0x0], $0xffff  }
0x349: {  	v51 =	vld [tilespmem:$0x10520];
	v48 =	vor.u32 v20, v32;
	v49 =	vmul.f32 v58, v57;
	v33 =	vadd.f32 v45, v33  }
0x34a: {  	v50 =	vld.idx.msk [tilespmem:v59+s11+$0x0], $0xffff  }
0x34b: {  	v55 =	vld [tilespmem:$0x10530];
	v52 =	vor.u32 v21, v32;
	v53 =	vmul.f32 v62, v61;
	v33 =	vadd.f32 v49, v33  }
0x34c: {  	v54 =	vld.idx.msk [tilespmem:v63+s11+$0x0], $0xffff  }
0x34d: {  	v59 =	vld [tilespmem:$0x10540];
	v56 =	vor.u32 v22, v32;
	v57 =	vmul.f32 v47, v46;
	v33 =	vadd.f32 v53, v33  }
0x34e: {  	v58 =	vld.idx.msk [tilespmem:v48+s11+$0x0], $0xffff  }
0x34f: {  	v63 =	vld [tilespmem:$0x10550];
	v60 =	vor.u32 v23, v32;
	v61 =	vmul.f32 v51, v50;
	v33 =	vadd.f32 v57, v33  }
0x350: {  	v62 =	vld.idx.msk [tilespmem:v52+s11+$0x0], $0xffff  }
0x351: {  	v48 =	vld [tilespmem:$0x10560];
	v45 =	vor.u32 v24, v32;
	v46 =	vmul.f32 v55, v54;
	v33 =	vadd.f32 v61, v33  }
0x352: {  	v47 =	vld.idx.msk [tilespmem:v56+s11+$0x0], $0xffff  }
0x353: {  	v52 =	vld [tilespmem:$0x10570];
	v49 =	vor.u32 v25, v32;
	v50 =	vmul.f32 v59, v58;
	v33 =	vadd.f32 v46, v33  }
0x354: {  	v51 =	vld.idx.msk [tilespmem:v60+s11+$0x0], $0xffff  }
0x355: {  	v56 =	vld [tilespmem:$0x10580];
	v53 =	vor.u32 v26, v32;
	v54 =	vmul.f32 v63, v62;
	v33 =	vadd.f32 v50, v33  }
0x356: {  	v55 =	vld.idx.msk [tilespmem:v45+s11+$0x0], $0xffff  }
0x357: {  	v60 =	vld [tilespmem:$0x10590];
	v57 =	vor.u32 v27, v32;
	v58 =	vmul.f32 v48, v47;
	v33 =	vadd.f32 v54, v33  }
0x358: {  	v59 =	vld.idx.msk [tilespmem:v49+s11+$0x0], $0xffff  }
0x359: {  	v45 =	vld [tilespmem:$0x105A0];
	v61 =	vor.u32 v28, v32;
	v62 =	vmul.f32 v52, v51;
	v33 =	vadd.f32 v58, v33  }
0x35a: {  	v63 =	vld.idx.msk [tilespmem:v53+s11+$0x0], $0xffff  }
0x35b: {  	v49 =	vld [tilespmem:$0x105B0];
	v46 =	vor.u32 v29, v32;
	v47 =	vmul.f32 v56, v55;
	v33 =	vadd.f32 v62, v33  }
0x35c: {  	v48 =	vld.idx.msk [tilespmem:v57+s11+$0x0], $0xffff  }
0x35d: {  	v53 =	vld [tilespmem:$0x105C0];
	v50 =	vor.u32 v30, v32;
	v51 =	vmul.f32 v60, v59;
	v33 =	vadd.f32 v47, v33  }
0x35e: {  	v52 =	vld.idx.msk [tilespmem:v61+s11+$0x0], $0xffff  }
0x35f: {  	v56 =	vld [tilespmem:$0x105D0];
	v32 =	vor.u32 v31, v32;
	v54 =	vmul.f32 v45, v63;
	v33 =	vadd.f32 v51, v33  }
0x360: {  	v55 =	vld.idx.msk [tilespmem:v46+s11+$0x0], $0xffff  }
0x361: {  	v59 =	vld [tilespmem:$0x105E0];
	v57 =	vmul.f32 v49, v48;
	v33 =	vadd.f32 v54, v33  }
0x362: {  	v58 =	vld.idx.msk [tilespmem:v50+s11+$0x0], $0xffff  }
0x363: {  	v61 =	vld [tilespmem:$0x105F0];
	v60 =	vmul.f32 v53, v52;
	v33 =	vadd.f32 v57, v33  }
0x364: {  	v32 =	vld.idx.msk [tilespmem:v32+s11+$0x0], $0xffff  }
0x365: {  	v62 =	vmul.f32 v56, v55;
	v33 =	vadd.f32 v60, v33;
	_ =	sdelay $0x1  }
0x366: {  	v63 =	vmul.f32 v59, v58;
	v33 =	vadd.f32 v62, v33  }
0x367: {  	p0 =	sne.s32 s22, $0x7C0  }
.Ltmp0:
0x368: {  	v32 =	vmul.f32 v61, v32;
	v33 =	vadd.f32 v63, v33;
	(pc) =	sbr.rel @p0 .LBB2_2-.Ltmp0, $3  }
0x369: {  	_ = 	snop  }
0x36a: {  	v32 =	vadd.f32 v32, v33;
	_ =	sdelay $0x1  }
0x36b: {  	s22 =	sadd.s32 $0x40, s22;
	[tilespmem:s23+$0x10600] =	vst v32  }
0x36c: {  	s22 =	rddreg [dreg:$0x8];
	s0 =	simm.s32 $0x10600;
	s23 =	simm.s32 $0x2  }
0x36d: {  	[hbm4b:s22+s4] =	stream.linear.scatter [tilespmem:s0], [sflag:$0x2], $0x200, $0x38;
	[tilespmem:$0x10800] =	vst v63  }
0x36e: {  	_ =	swait.ge [sflag:s23], $0x200  }
0x36f: {  	s24 =	rddreg [dreg:$0xa]  }
0x370: {  	s25 =	rddreg [dreg:$0x9];
	s0 =	sadd.s32 $0x1, s24  }
0x371: {  	p0 =	sne.s32 s0, s25  }
.Ltmp1:
0x372: {  	_ = 	snop;
	(pc) =	sbr.rel @p0 .LBB2_1-.Ltmp1, $3  }
0x373: {  	_ =	sdelay $0x1  }
0x374: {  	[sflag:s23] =	ssyncset.done $0x0  }
0x375: {  	[sflag:s23] =	ssyncadd.s32 $0xFFFFFE00  }
0x376: {  	_ =	sfence.sel $0x180000  }
0x377: {  	[bflag:$0x0] =	sbarrier.arrive $0xFFFF  }
0x378: {  	_ =	strace $0x90000047  }
0x379: {  	s0 =	stileid.u32;
	[bflag:$0x2] =	sbarrier.arrive $0xFFFF  }
0x37a: {  	p0 =	sne.s32 s0, $0x0;
	s0 =	rddreg [dreg:$0x5]  }
0x37b: {  	s0 =	sadd.s32 @!p0 $0x100000, s0  }
0x37c: {  	[sflag:s0] =	ssyncadd.tile.s32 @!p0 $0x1;
	_ =	shalt  }
.Lfunc_end2:
_tile_overlayer_lowered:
.L_overlay_start_2:
0x37d: {  	(tag) =	ssettag $0x2  }
0x37e: {  	s0 =	rddreg [dreg:$0x0];
	s2 =	stileid.u32  }
0x37f: {  	s1 =	rddreg [dreg:$0x1];
	p0 =	sne.s32 s2, $0x0  }
0x380: {  	s3 =	rddreg [dreg:$0x2];
	[bflag:$0x3] =	sbarrier.arrive $0xFFFF;
	s2 =	simm.s32 @!p0 $0x1C02  }
0x381: {  	[timem:s3], [sflag:s2] =	dma.local @!p0 [hbm:s0], s1  }
0x382: {  	s0 =	simm.s32 @!p0 $0x2  }
0x383: {  	_ =	swait.ge @!p0 [sflag:s0], s1  }
0x384: {  	s1 =	ssub.s32 @!p0 $0x0, s1;
	[sflag:s0] =	ssyncset.done @!p0 $0x0  }
0x385: {  	[sflag:s0] =	ssyncadd.s32 @!p0 s1  }
0x386: {  	[bflag:$0x3] =	sbarrier.arrive $0xFFFF  }
0x387: {  	_ =	shalt  }

</sc_bundles>
